<compile_context>
chip_gen: v7x
topology: tpu7x:2x2x1
jax: 0.10.2.dev20260603
libtpu: 0.0.44.dev20260713+nightly
codegen_flags: <defaults>
</compile_context>

<pallas_src>
import functools

import jax
import jax.numpy as jnp
from jax import lax
from jax.experimental import pallas as pl
from jax.experimental.pallas import tpu as pltpu
from jax.experimental.pallas import tpu_sc as plsc

N_NODES = 10000
D_FEAT = 128
E_EDGES = 160000
P_STEPS = 12
Q_STEPS = 12

NC = 2
NS = 16
N_PAD = 10240
TILE_ROWS = N_PAD // NS
EDGES_PER_TILE = E_EDGES // NS
GROUP = 128
N_GROUPS = -(-EDGES_PER_TILE // GROUP)
EPT_PAD = N_GROUPS * GROUP

ROW_BLK = 2000

Z_PIECE = min(TILE_ROWS, GROUP)
Z_NUM = TILE_ROWS // Z_PIECE



def _make_spmm():
    mesh = plsc.VectorSubcoreMesh(
        core_axis_name="c", subcore_axis_name="s", num_cores=NC, num_subcores=NS
    )

    @functools.partial(
        pl.kernel,
        out_type=jax.ShapeDtypeStruct((2, N_PAD, D_FEAT), jnp.float32),
        mesh=mesh,
        scratch_types=[
            pltpu.VMEM((N_GROUPS, GROUP), jnp.int32),
            pltpu.VMEM((N_GROUPS, GROUP), jnp.int32),
            pltpu.VMEM((N_GROUPS, GROUP), jnp.float32),
            pltpu.VMEM((GROUP, D_FEAT), jnp.float32),
            pltpu.VMEM_SHARED((N_PAD, D_FEAT), jnp.float32),
            pltpu.SemaphoreType.DMA,
        ],
        compiler_params=pltpu.CompilerParams(needs_layout_passes=False),
    )
    def spmm(x_hbm, gi_hbm, si_hbm, w_hbm, out_hbm, gi_v, si_v, w_v, rows_v,
             acc, sem):
        c = lax.axis_index("c")
        s = lax.axis_index("s")
        pltpu.sync_copy(gi_hbm.at[c, s], gi_v)
        pltpu.sync_copy(si_hbm.at[c, s], si_v)
        pltpu.sync_copy(w_hbm.at[c, s], w_v)

        zero16 = jnp.zeros((16,), jnp.float32)

        def zrow(e, carry):
            for f in range(D_FEAT // 16):
                rows_v[e, pl.ds(f * 16, 16)] = zero16
            return carry

        lax.fori_loop(0, GROUP, zrow, 0)

        base = s * TILE_ROWS
        for k5 in range(Z_NUM):
            pltpu.sync_copy(rows_v.at[pl.ds(0, Z_PIECE)],
                            acc.at[pl.ds(base + k5 * Z_PIECE, Z_PIECE)])
        plsc.subcore_barrier()

        def chunk(j, carry):
            pltpu.async_copy(x_hbm.at[gi_v.at[j]], rows_v, sem).wait()

            def scale(e, c2):
                idx_j = jnp.full((16,), j, jnp.int32)
                idx_e = jnp.full((16,), e, jnp.int32)
                wsp = plsc.load_gather(w_v, [idx_j, idx_e])
                for f in range(D_FEAT // 16):
                    sl = pl.ds(f * 16, 16)
                    rows_v[e, sl] = rows_v[e, sl] * wsp
                return c2

            lax.fori_loop(0, GROUP, scale, 0)
            pltpu.sync_copy(rows_v, acc.at[si_v.at[j]], add=True)
            return carry

        lax.fori_loop(0, N_GROUPS, chunk, 0)
        plsc.subcore_barrier()

        for k5 in range(Z_NUM):
            pltpu.sync_copy(acc.at[pl.ds(base + k5 * Z_PIECE, Z_PIECE)],
                            out_hbm.at[c, pl.ds(base + k5 * Z_PIECE, Z_PIECE)])

    return spmm



def _embx_tc(x2, W1, b1, W2, b2):
    M = x2.shape[0]

    def body(x_ref, w1_ref, b1_ref, w2_ref, b2_ref, o_ref):
        xb = jnp.broadcast_to(x_ref[...], (ROW_BLK, D_FEAT))
        wb = jnp.broadcast_to(w1_ref[...], (ROW_BLK, D_FEAT))
        t = jnp.maximum(xb * wb + b1_ref[...], 0.0)
        o_ref[...] = jnp.dot(t, w2_ref[...],
                             preferred_element_type=jnp.float32) + b2_ref[...]

    return pl.pallas_call(
        body,
        grid=(M // ROW_BLK,),
        in_specs=[
            pl.BlockSpec((ROW_BLK, 1), lambda i: (i, 0)),
            pl.BlockSpec((1, D_FEAT), lambda i: (0, 0)),
            pl.BlockSpec((1, D_FEAT), lambda i: (0, 0)),
            pl.BlockSpec((D_FEAT, D_FEAT), lambda i: (0, 0)),
            pl.BlockSpec((1, D_FEAT), lambda i: (0, 0)),
        ],
        out_specs=pl.BlockSpec((ROW_BLK, D_FEAT), lambda i: (i, 0)),
        out_shape=jax.ShapeDtypeStruct((M, D_FEAT), jnp.float32),
    )(x2, W1.reshape(1, D_FEAT), b1.reshape(1, D_FEAT), W2,
      b2.reshape(1, D_FEAT))


def _te_mlp_tc(onehot, W1, b1, W2, b2, mean, var):
    M, K = onehot.shape

    def body(oh_ref, w1_ref, b1_ref, w2_ref, b2_ref, m_ref, v_ref, o_ref):
        t = jnp.maximum(
            jnp.dot(oh_ref[...], w1_ref[...],
                    preferred_element_type=jnp.float32) + b1_ref[...], 0.0)
        t = jnp.dot(t, w2_ref[...],
                    preferred_element_type=jnp.float32) + b2_ref[...]
        o_ref[...] = (t - m_ref[...]) / jnp.sqrt(v_ref[...])

    return pl.pallas_call(
        body,
        out_shape=jax.ShapeDtypeStruct((M, D_FEAT), jnp.float32),
    )(onehot, W1, b1.reshape(1, D_FEAT), W2, b2.reshape(1, D_FEAT),
      mean.reshape(1, D_FEAT), var.reshape(1, D_FEAT))


def _precompute_P_tc(xt, sfx, sbx, Wx, bias):
    M = xt.shape[0]
    OW = Wx.shape[1]

    def body(x_ref, sf_ref, sb_ref, w_ref, b_ref, o_ref):
        cat = jnp.concatenate([x_ref[...], sf_ref[...], sb_ref[...]], axis=1)
        o_ref[...] = jnp.dot(cat, w_ref[...],
                             preferred_element_type=jnp.float32) + b_ref[...]

    return pl.pallas_call(
        body,
        grid=(M // ROW_BLK,),
        in_specs=[
            pl.BlockSpec((ROW_BLK, D_FEAT), lambda i: (i, 0)),
            pl.BlockSpec((ROW_BLK, D_FEAT), lambda i: (i, 0)),
            pl.BlockSpec((ROW_BLK, D_FEAT), lambda i: (i, 0)),
            pl.BlockSpec((3 * D_FEAT, OW), lambda i: (0, 0)),
            pl.BlockSpec((1, OW), lambda i: (0, 0)),
        ],
        out_specs=pl.BlockSpec((ROW_BLK, OW), lambda i: (i, 0)),
        out_shape=jax.ShapeDtypeStruct((M, OW), jnp.float32),
    )(xt, sfx, sbx, Wx, bias)


def _gates_tc(h, sfh, sbh, Pru, Wh_ru):

    def body(h_ref, sf_ref, sb_ref, p_ref, w_ref, rh_ref, u_ref):
        cat = jnp.concatenate([h_ref[...], sf_ref[...], sb_ref[...]], axis=1)
        g = p_ref[...] + jnp.dot(cat, w_ref[...],
                                 preferred_element_type=jnp.float32)
        ru = jax.nn.sigmoid(g)
        rh_ref[...] = ru[:, :D_FEAT] * h_ref[...]
        u_ref[...] = ru[:, D_FEAT:]

    return pl.pallas_call(
        body,
        grid=(N_NODES // ROW_BLK,),
        in_specs=[
            pl.BlockSpec((ROW_BLK, D_FEAT), lambda i: (i, 0)),
            pl.BlockSpec((ROW_BLK, D_FEAT), lambda i: (i, 0)),
            pl.BlockSpec((ROW_BLK, D_FEAT), lambda i: (i, 0)),
            pl.BlockSpec((ROW_BLK, 2 * D_FEAT), lambda i: (i, 0)),
            pl.BlockSpec((3 * D_FEAT, 2 * D_FEAT), lambda i: (0, 0)),
        ],
        out_specs=[
            pl.BlockSpec((ROW_BLK, D_FEAT), lambda i: (i, 0)),
            pl.BlockSpec((ROW_BLK, D_FEAT), lambda i: (i, 0)),
        ],
        out_shape=[
            jax.ShapeDtypeStruct((N_NODES, D_FEAT), jnp.float32),
            jax.ShapeDtypeStruct((N_NODES, D_FEAT), jnp.float32),
        ],
    )(h, sfh, sbh, Pru, Wh_ru)


def _update_tc(rh, sfr, sbr, Pc, u, h, Wh_c):

    def body(rh_ref, sf_ref, sb_ref, p_ref, u_ref, h_ref, w_ref, o_ref):
        cat = jnp.concatenate([rh_ref[...], sf_ref[...], sb_ref[...]], axis=1)
        cval = jnp.tanh(p_ref[...] + jnp.dot(
            cat, w_ref[...], preferred_element_type=jnp.float32))
        uv = u_ref[...]
        o_ref[...] = uv * h_ref[...] + (1.0 - uv) * cval

    return pl.pallas_call(
        body,
        grid=(N_NODES // ROW_BLK,),
        in_specs=[
            pl.BlockSpec((ROW_BLK, D_FEAT), lambda i: (i, 0)),
            pl.BlockSpec((ROW_BLK, D_FEAT), lambda i: (i, 0)),
            pl.BlockSpec((ROW_BLK, D_FEAT), lambda i: (i, 0)),
            pl.BlockSpec((ROW_BLK, D_FEAT), lambda i: (i, 0)),
            pl.BlockSpec((ROW_BLK, D_FEAT), lambda i: (i, 0)),
            pl.BlockSpec((ROW_BLK, D_FEAT), lambda i: (i, 0)),
            pl.BlockSpec((3 * D_FEAT, D_FEAT), lambda i: (0, 0)),
        ],
        out_specs=pl.BlockSpec((ROW_BLK, D_FEAT), lambda i: (i, 0)),
        out_shape=jax.ShapeDtypeStruct((N_NODES, D_FEAT), jnp.float32),
    )(rh, sfr, sbr, Pc, u, h, Wh_c)


def _head_tc(hmat, W1, b1, w2row, b2):
    M = hmat.shape[0]

    def body(h_ref, w1_ref, b1_ref, w2_ref, b2_ref, o_ref):
        t = jnp.maximum(
            jnp.dot(h_ref[...], w1_ref[...],
                    preferred_element_type=jnp.float32) + b1_ref[...], 0.0)
        o_ref[...] = jnp.sum(t * w2_ref[...], axis=1,
                             keepdims=True) + b2_ref[...]

    return pl.pallas_call(
        body,
        grid=(M // ROW_BLK,),
        in_specs=[
            pl.BlockSpec((ROW_BLK, D_FEAT), lambda i: (i, 0)),
            pl.BlockSpec((D_FEAT, D_FEAT), lambda i: (0, 0)),
            pl.BlockSpec((1, D_FEAT), lambda i: (0, 0)),
            pl.BlockSpec((1, D_FEAT), lambda i: (0, 0)),
            pl.BlockSpec((1, 1), lambda i: (0, 0)),
        ],
        out_specs=pl.BlockSpec((ROW_BLK, 1), lambda i: (i, 0)),
        out_shape=jax.ShapeDtypeStruct((M, 1), jnp.float32),
    )(hmat, W1, b1.reshape(1, D_FEAT), w2row, b2.reshape(1, 1))



def _split_w(W):
    D = D_FEAT
    Wx = jnp.concatenate([W[0:D], W[2 * D:3 * D], W[4 * D:5 * D]], axis=0)
    Wh = jnp.concatenate([W[D:2 * D], W[3 * D:4 * D], W[5 * D:6 * D]], axis=0)
    return Wx, Wh


def kernel(X, TE, edge_index, edge_w, te_W1, te_b1, te_W2, te_b2, te_mean,
           te_var, se_table, in_W1, in_b1, in_W2, in_b2, enc_Wru, enc_bru,
           enc_Wc, enc_bc, dec_Wru, dec_bru, dec_Wc, dec_bc, out_W1, out_b1,
           out_W2, out_b2):
    N, D = N_NODES, D_FEAT
    f32 = jnp.float32

    x2 = X.reshape(P_STEPS * N, 1)
    embX = _embx_tc(x2, in_W1, in_b1, in_W2, in_b2).reshape(P_STEPS, N, D)

    wd = jax.nn.one_hot(TE[0, :, 0], 7, dtype=f32)
    td = jax.nn.one_hot(TE[0, :, 1], 288, dtype=f32)
    onehot = jnp.concatenate([wd, td], axis=1)
    te = _te_mlp_tc(onehot, te_W1, te_b1, te_W2, te_b2, te_mean, te_var)

    se = se_table
    te_p = te[:P_STEPS]
    te_q = te[P_STEPS:]
    y_enc = embX + se[None]
    x_enc = y_enc + te_p[:, None, :]
    x_dec = jnp.broadcast_to(se[None] + te_q[:, None, :], (Q_STEPS, N, D))

    src_n = edge_index[0].astype(jnp.int32)
    dst_n = edge_index[1].astype(jnp.int32)
    out_deg = jnp.zeros((N,), f32).at[src_n].add(edge_w)
    in_deg = jnp.zeros((N,), f32).at[dst_n].add(edge_w)
    w_fwd = edge_w / jnp.maximum(out_deg[src_n], 1e-8)
    w_bwd = edge_w / jnp.maximum(in_deg[dst_n], 1e-8)

    def prep(a, dtype):
        a = a.astype(dtype).reshape(2, NS, EDGES_PER_TILE)
        a = jnp.pad(a, ((0, 0), (0, 0), (0, EPT_PAD - EDGES_PER_TILE)))
        return a.reshape(2, NS, N_GROUPS, GROUP)

    gi = prep(jnp.stack([src_n, dst_n]), jnp.int32)
    si = prep(jnp.stack([dst_n, src_n]), jnp.int32)
    wv = prep(jnp.stack([w_fwd, w_bwd]), f32)

    spmm = _make_spmm()

    def spmm_pair(x):
        o = spmm(x, gi, si, wv)
        return o[0, :N], o[1, :N]

    def pre_step(carry, y_t):
        sf, sb = spmm_pair(y_t)
        return carry, (sf, sb)

    ys = jnp.concatenate(
        [y_enc, se[None], jnp.ones((1, N, D), f32)], axis=0)
    _, (sf_ys, sb_ys) = lax.scan(pre_step, 0, ys)
    sf_yenc, sb_yenc = sf_ys[:P_STEPS], sb_ys[:P_STEPS]
    sf_se, sb_se = sf_ys[P_STEPS], sb_ys[P_STEPS]
    rowsum_f = sf_ys[P_STEPS + 1][:, :1]
    rowsum_b = sb_ys[P_STEPS + 1][:, :1]

    sfx_enc = sf_yenc + rowsum_f[None] * te_p[:, None, :]
    sbx_enc = sb_yenc + rowsum_b[None] * te_p[:, None, :]
    sfx_dec = sf_se[None] + rowsum_f[None] * te_q[:, None, :]
    sbx_dec = sb_se[None] + rowsum_b[None] * te_q[:, None, :]

    Wx_ru_e, Wh_ru_e = _split_w(enc_Wru)
    Wx_c_e, Wh_c_e = _split_w(enc_Wc)
    Wx_ru_d, Wh_ru_d = _split_w(dec_Wru)
    Wx_c_d, Wh_c_d = _split_w(dec_Wc)

    WxB_enc = jnp.concatenate([Wx_ru_e, Wx_c_e], axis=1)
    WxB_dec = jnp.concatenate([Wx_ru_d, Wx_c_d], axis=1)
    bB_enc = jnp.concatenate([enc_bru, enc_bc]).reshape(1, 3 * D)
    bB_dec = jnp.concatenate([dec_bru, dec_bc]).reshape(1, 3 * D)

    M_enc = P_STEPS * N
    P_enc = _precompute_P_tc(
        x_enc.reshape(M_enc, D), sfx_enc.reshape(M_enc, D),
        sbx_enc.reshape(M_enc, D), WxB_enc,
        bB_enc).reshape(P_STEPS, N, 3 * D)
    M_dec = Q_STEPS * N
    P_dec = _precompute_P_tc(
        x_dec.reshape(M_dec, D), sfx_dec.reshape(M_dec, D),
        sbx_dec.reshape(M_dec, D), WxB_dec,
        bB_dec).reshape(Q_STEPS, N, 3 * D)

    def make_step(Wh_ru, Wh_c):
        def step(h, Pt):
            sfh, sbh = spmm_pair(h)
            rh, u = _gates_tc(h, sfh, sbh, Pt[:, :2 * D], Wh_ru)
            sfr, sbr = spmm_pair(rh)
            h2 = _update_tc(rh, sfr, sbr, Pt[:, 2 * D:], u, h, Wh_c)
            return h2, h2
        return step

    h0 = jnp.zeros((N, D), f32)
    hT, _ = lax.scan(make_step(Wh_ru_e, Wh_c_e), h0, P_enc)
    _, dec_hs = lax.scan(make_step(Wh_ru_d, Wh_c_d), hT, P_dec)

    y = _head_tc(dec_hs.reshape(Q_STEPS * N, D), out_W1, out_b1,
                 out_W2.reshape(1, D), out_b2)
    return y.reshape(1, Q_STEPS, N, 1)

# --- scband reference (transcript-rebuilt; emitter-appended) ---
"""Pipeline reference for scband-my-uagcrn-78400333021796 (READ-ONLY COPY).

The authoritative reference and input builder live on the scoring server;
editing this copy changes nothing except your own understanding.
"""

import jax, jax.numpy as jnp
import numpy as np

B, P, Q, D, N, E = 1, 12, 12, 128, 10000, 160000

def setup_inputs(seed: int = 0):
    key = jax.random.key(seed)
    ks = jax.random.split(key, 30)
    def gn(i, shape, s=0.05):
        return jax.random.normal(ks[i], shape, dtype=jnp.float32) * s
    inp = {}
    inp['X'] = jax.random.normal(ks[0], (B, P, N, 1), dtype=jnp.float32)
    inp['TE'] = jax.random.randint(ks[1], (B, P + Q, 2), 0, 7)
    inp['edge_index'] = jax.random.randint(ks[2], (2, E), 0, N)
    inp['edge_w'] = jax.random.uniform(ks[3], (E,), dtype=jnp.float32)
    inp['te_W1'] = gn(4, (295, D)); inp['te_b1'] = jnp.zeros((D,), jnp.float32)
    inp['te_W2'] = gn(5, (D, D)); inp['te_b2'] = jnp.zeros((D,), jnp.float32)
    inp['te_mean'] = jnp.zeros((D,), jnp.float32); inp['te_var'] = jnp.ones((D,), jnp.float32)
    inp['se_table'] = gn(6, (N, D))
    inp['in_W1'] = gn(7, (1, D)); inp['in_b1'] = jnp.zeros((D,), jnp.float32)
    inp['in_W2'] = gn(8, (D, D)); inp['in_b2'] = jnp.zeros((D,), jnp.float32)
    inp['enc_Wru'] = gn(9, (3 * 2 * D, 2 * D)); inp['enc_bru'] = jnp.ones((2 * D,), jnp.float32)
    inp['enc_Wc'] = gn(10, (3 * 2 * D, D)); inp['enc_bc'] = jnp.zeros((D,), jnp.float32)
    inp['dec_Wru'] = gn(11, (3 * 2 * D, 2 * D)); inp['dec_bru'] = jnp.ones((2 * D,), jnp.float32)
    inp['dec_Wc'] = gn(12, (3 * 2 * D, D)); inp['dec_bc'] = jnp.zeros((D,), jnp.float32)
    inp['out_W1'] = gn(13, (D, D)); inp['out_b1'] = jnp.zeros((D,), jnp.float32)
    inp['out_W2'] = gn(14, (D, 1)); inp['out_b2'] = jnp.zeros((1,), jnp.float32)
    return inp

def _forward(X, TE, edge_index, edge_w, te_W1, te_b1, te_W2, te_b2, te_mean, te_var, se_table, in_W1, in_b1, in_W2, in_b2, enc_Wru, enc_bru, enc_Wc, enc_bc, dec_Wru, dec_bru, dec_Wc, dec_bc, out_W1, out_b1, out_W2, out_b2):
    src, dst = edge_index[0], edge_index[1]
    # dual random-walk supports: (D^-1 A)^T and (D^-1 A^T)^T, applied via gather/scatter-add
    out_deg = jnp.zeros((N,), jnp.float32).at[src].add(edge_w)
    in_deg = jnp.zeros((N,), jnp.float32).at[dst].add(edge_w)
    w_fwd = edge_w / jnp.maximum(out_deg[src], 1e-8)
    w_bwd = edge_w / jnp.maximum(in_deg[dst], 1e-8)
    def support_fwd(x):
        msg = x[:, src, :] * w_fwd[None, :, None]
        return jnp.zeros_like(x).at[:, dst, :].add(msg)
    def support_bwd(x):
        msg = x[:, dst, :] * w_bwd[None, :, None]
        return jnp.zeros_like(x).at[:, src, :].add(msg)
    def gconv(x, W, b):
        xcat = jnp.concatenate([x, support_fwd(x), support_bwd(x)], axis=-1)
        return xcat @ W + b
    def cell(x_t, h, Wru, bru, Wc, bc):
        cat = jnp.concatenate([x_t, h], axis=-1)
        ru = jax.nn.sigmoid(gconv(cat, Wru, bru))
        r, u = ru[..., :D], ru[..., D:]
        c = jnp.tanh(gconv(jnp.concatenate([x_t, r * h], axis=-1), Wc, bc))
        return u * h + (1.0 - u) * c
    # timestamp embedding: one_hot(weekday,7) ++ one_hot(timeofday,288) -> Dense relu -> Dense -> Normalization
    wd = jax.nn.one_hot(TE[..., 0], 7, dtype=jnp.float32)
    td = jax.nn.one_hot(TE[..., 1], 288, dtype=jnp.float32)
    te = jnp.concatenate([wd, td], axis=-1)
    te = jax.nn.relu(te @ te_W1 + te_b1) @ te_W2 + te_b2
    te = (te - te_mean) / jnp.sqrt(te_var)
    # sensor embedding lookup (identity arange gather over full table)
    se = jnp.take(se_table, jnp.arange(N), axis=0)
    STE = te[:, :, None, :] + se[None, None, :, :]
    STE_P, STE_Q = STE[:, :P], STE[:, P:]
    embX = jax.nn.relu(X @ in_W1 + in_b1) @ in_W2 + in_b2
    enc_seq = jnp.moveaxis(embX + STE_P, 1, 0)
    h0 = jnp.zeros((B, N, D), jnp.float32)
    def enc_step(h, x_t):
        h2 = cell(x_t, h, enc_Wru, enc_bru, enc_Wc, enc_bc)
        return h2, h2
    last_state, _ = jax.lax.scan(enc_step, h0, enc_seq)
    def dec_step(h, x_t):
        h2 = cell(x_t, h, dec_Wru, dec_bru, dec_Wc, dec_bc)
        return h2, h2
    _, dec_out = jax.lax.scan(dec_step, last_state, jnp.moveaxis(STE_Q, 1, 0))
    dec_out = jnp.moveaxis(dec_out, 0, 1).reshape(-1, Q, N, D)
    return jax.nn.relu(dec_out @ out_W1 + out_b1) @ out_W2 + out_b2

def reference(X, TE, edge_index, edge_w, te_W1, te_b1, te_W2, te_b2, te_mean, te_var, se_table, in_W1, in_b1, in_W2, in_b2, enc_Wru, enc_bru, enc_Wc, enc_bc, dec_Wru, dec_bru, dec_Wc, dec_bc, out_W1, out_b1, out_W2, out_b2):
    return _forward(X, TE, edge_index, edge_w, te_W1, te_b1, te_W2, te_b2, te_mean, te_var, se_table, in_W1, in_b1, in_W2, in_b2, enc_Wru, enc_bru, enc_Wc, enc_bc, dec_Wru, dec_bru, dec_Wc, dec_bc, out_W1, out_b1, out_W2, out_b2)

if __name__ == "__main__":
    import jax
    _d = setup_inputs()
    print(jax.jit(kernel)(*tuple(_d.values())))

</pallas_src>

<mosaic_0001>
#map = affine_map<(d0, d1) -> (0, 0)>
#map1 = affine_map<(d0, d1) -> (0, 0, 0, 0)>
#map2 = affine_map<(d0, d1) -> (0, 0, 0)>
module attributes {stable_mosaic.version = 14 : i64} {
  func.func @spmm(%arg0: i32, %arg1: i32, %arg2: memref<10000x128xf32, #tpu.memory_space<hbm>>, %arg3: memref<2x16x79x128xi32, #tpu.memory_space<hbm>>, %arg4: memref<2x16x79x128xi32, #tpu.memory_space<hbm>>, %arg5: memref<2x16x79x128xf32, #tpu.memory_space<hbm>>, %arg6: memref<2x10240x128xf32, #tpu.memory_space<hbm>>, %arg7: memref<79x128xi32, #tpu.memory_space<vmem>>, %arg8: memref<79x128xi32, #tpu.memory_space<vmem>>, %arg9: memref<79x128xf32, #tpu.memory_space<vmem>>, %arg10: memref<128x128xf32, #tpu.memory_space<vmem>>, %arg11: memref<10240x128xf32, #tpu.memory_space<vmem_shared>>, %arg12: memref<!tpu.dma_semaphore, #tpu.memory_space<semaphore_mem>>) attributes {dimension_semantics = [#tpu.dimension_semantics<core_parallel>, #tpu.dimension_semantics<subcore_parallel>], iteration_bounds = array<i64: 2, 16>, scalar_prefetch = 0 : i64, scratch_operands = 6 : i64, tpu.core_type = #tpu.core_type<sc_vector_subcore>, window_params = [{transform_indices = #map}, {transform_indices = #map1}, {transform_indices = #map1}, {transform_indices = #map1}, {transform_indices = #map2}]} {
    "tpu.region"() ({
      %run_scoped3A = tpu.sem_alloc : memref<!tpu.dma_semaphore, #tpu.memory_space<semaphore_mem>>
      %dma_start3A = arith.constant 0 : i32
      %dma_start3A_43 = arith.constant 0 : i32
      %dma_start3A_44 = tpu.memref_slice %arg3[%arg0, %arg1, %dma_start3A, %dma_start3A_43] : memref<2x16x79x128xi32, #tpu.memory_space<hbm>> -> memref<1x1x79x128xi32, #tpu.memory_space<hbm>>
      %dma_start3A_45 = tpu.memref_squeeze %dma_start3A_44 : memref<1x1x79x128xi32, #tpu.memory_space<hbm>> -> memref<79x128xi32, #tpu.memory_space<hbm>>
      %dma_start3A_46 = arith.constant 0 : i32
      %dma_start3A_47 = arith.constant 0 : i32
      %dma_start3A_48 = tpu.memref_slice %arg3[%arg0, %arg1, %dma_start3A_46, %dma_start3A_47] : memref<2x16x79x128xi32, #tpu.memory_space<hbm>> -> memref<1x1x79x128xi32, #tpu.memory_space<hbm>>
      %dma_start3A_49 = tpu.memref_squeeze %dma_start3A_48 : memref<1x1x79x128xi32, #tpu.memory_space<hbm>> -> memref<79x128xi32, #tpu.memory_space<hbm>>
      tpu.enqueue_dma source(%dma_start3A_49 : memref<79x128xi32, #tpu.memory_space<hbm>>) target(%arg7 : memref<79x128xi32, #tpu.memory_space<vmem>>) target_semaphore(%run_scoped3A : memref<!tpu.dma_semaphore, #tpu.memory_space<semaphore_mem>>)
      %dma_wait3A = arith.constant 0 : i32
      %dma_wait3A_50 = arith.constant 0 : i32
      %dma_wait3A_51 = tpu.memref_slice %arg3[%arg0, %arg1, %dma_wait3A, %dma_wait3A_50] : memref<2x16x79x128xi32, #tpu.memory_space<hbm>> -> memref<1x1x79x128xi32, #tpu.memory_space<hbm>>
      %dma_wait3A_52 = tpu.memref_squeeze %dma_wait3A_51 : memref<1x1x79x128xi32, #tpu.memory_space<hbm>> -> memref<79x128xi32, #tpu.memory_space<hbm>>
      %dma_wait3A_53 = arith.constant 0 : i32
      %dma_wait3A_54 = arith.constant 0 : i32
      %dma_wait3A_55 = tpu.memref_slice %arg3[%arg0, %arg1, %dma_wait3A_53, %dma_wait3A_54] : memref<2x16x79x128xi32, #tpu.memory_space<hbm>> -> memref<1x1x79x128xi32, #tpu.memory_space<hbm>>
      %dma_wait3A_56 = tpu.memref_squeeze %dma_wait3A_55 : memref<1x1x79x128xi32, #tpu.memory_space<hbm>> -> memref<79x128xi32, #tpu.memory_space<hbm>>
      tpu.wait_dma2 semaphore(%run_scoped3A : memref<!tpu.dma_semaphore, #tpu.memory_space<semaphore_mem>>) src(%dma_wait3A_56 : memref<79x128xi32, #tpu.memory_space<hbm>>) dst(%arg7 : memref<79x128xi32, #tpu.memory_space<vmem>>)
      tpu.yield
    }) : () -> ()
    "tpu.region"() ({
      %run_scoped3A = tpu.sem_alloc : memref<!tpu.dma_semaphore, #tpu.memory_space<semaphore_mem>>
      %dma_start3A = arith.constant 0 : i32
      %dma_start3A_43 = arith.constant 0 : i32
      %dma_start3A_44 = tpu.memref_slice %arg4[%arg0, %arg1, %dma_start3A, %dma_start3A_43] : memref<2x16x79x128xi32, #tpu.memory_space<hbm>> -> memref<1x1x79x128xi32, #tpu.memory_space<hbm>>
      %dma_start3A_45 = tpu.memref_squeeze %dma_start3A_44 : memref<1x1x79x128xi32, #tpu.memory_space<hbm>> -> memref<79x128xi32, #tpu.memory_space<hbm>>
      %dma_start3A_46 = arith.constant 0 : i32
      %dma_start3A_47 = arith.constant 0 : i32
      %dma_start3A_48 = tpu.memref_slice %arg4[%arg0, %arg1, %dma_start3A_46, %dma_start3A_47] : memref<2x16x79x128xi32, #tpu.memory_space<hbm>> -> memref<1x1x79x128xi32, #tpu.memory_space<hbm>>
      %dma_start3A_49 = tpu.memref_squeeze %dma_start3A_48 : memref<1x1x79x128xi32, #tpu.memory_space<hbm>> -> memref<79x128xi32, #tpu.memory_space<hbm>>
      tpu.enqueue_dma source(%dma_start3A_49 : memref<79x128xi32, #tpu.memory_space<hbm>>) target(%arg8 : memref<79x128xi32, #tpu.memory_space<vmem>>) target_semaphore(%run_scoped3A : memref<!tpu.dma_semaphore, #tpu.memory_space<semaphore_mem>>)
      %dma_wait3A = arith.constant 0 : i32
      %dma_wait3A_50 = arith.constant 0 : i32
      %dma_wait3A_51 = tpu.memref_slice %arg4[%arg0, %arg1, %dma_wait3A, %dma_wait3A_50] : memref<2x16x79x128xi32, #tpu.memory_space<hbm>> -> memref<1x1x79x128xi32, #tpu.memory_space<hbm>>
      %dma_wait3A_52 = tpu.memref_squeeze %dma_wait3A_51 : memref<1x1x79x128xi32, #tpu.memory_space<hbm>> -> memref<79x128xi32, #tpu.memory_space<hbm>>
      %dma_wait3A_53 = arith.constant 0 : i32
      %dma_wait3A_54 = arith.constant 0 : i32
      %dma_wait3A_55 = tpu.memref_slice %arg4[%arg0, %arg1, %dma_wait3A_53, %dma_wait3A_54] : memref<2x16x79x128xi32, #tpu.memory_space<hbm>> -> memref<1x1x79x128xi32, #tpu.memory_space<hbm>>
      %dma_wait3A_56 = tpu.memref_squeeze %dma_wait3A_55 : memref<1x1x79x128xi32, #tpu.memory_space<hbm>> -> memref<79x128xi32, #tpu.memory_space<hbm>>
      tpu.wait_dma2 semaphore(%run_scoped3A : memref<!tpu.dma_semaphore, #tpu.memory_space<semaphore_mem>>) src(%dma_wait3A_56 : memref<79x128xi32, #tpu.memory_space<hbm>>) dst(%arg8 : memref<79x128xi32, #tpu.memory_space<vmem>>)
      tpu.yield
    }) : () -> ()
    "tpu.region"() ({
      %run_scoped3A = tpu.sem_alloc : memref<!tpu.dma_semaphore, #tpu.memory_space<semaphore_mem>>
      %dma_start3A = arith.constant 0 : i32
      %dma_start3A_43 = arith.constant 0 : i32
      %dma_start3A_44 = tpu.memref_slice %arg5[%arg0, %arg1, %dma_start3A, %dma_start3A_43] : memref<2x16x79x128xf32, #tpu.memory_space<hbm>> -> memref<1x1x79x128xf32, #tpu.memory_space<hbm>>
      %dma_start3A_45 = tpu.memref_squeeze %dma_start3A_44 : memref<1x1x79x128xf32, #tpu.memory_space<hbm>> -> memref<79x128xf32, #tpu.memory_space<hbm>>
      %dma_start3A_46 = arith.constant 0 : i32
      %dma_start3A_47 = arith.constant 0 : i32
      %dma_start3A_48 = tpu.memref_slice %arg5[%arg0, %arg1, %dma_start3A_46, %dma_start3A_47] : memref<2x16x79x128xf32, #tpu.memory_space<hbm>> -> memref<1x1x79x128xf32, #tpu.memory_space<hbm>>
      %dma_start3A_49 = tpu.memref_squeeze %dma_start3A_48 : memref<1x1x79x128xf32, #tpu.memory_space<hbm>> -> memref<79x128xf32, #tpu.memory_space<hbm>>
      tpu.enqueue_dma source(%dma_start3A_49 : memref<79x128xf32, #tpu.memory_space<hbm>>) target(%arg9 : memref<79x128xf32, #tpu.memory_space<vmem>>) target_semaphore(%run_scoped3A : memref<!tpu.dma_semaphore, #tpu.memory_space<semaphore_mem>>)
      %dma_wait3A = arith.constant 0 : i32
      %dma_wait3A_50 = arith.constant 0 : i32
      %dma_wait3A_51 = tpu.memref_slice %arg5[%arg0, %arg1, %dma_wait3A, %dma_wait3A_50] : memref<2x16x79x128xf32, #tpu.memory_space<hbm>> -> memref<1x1x79x128xf32, #tpu.memory_space<hbm>>
      %dma_wait3A_52 = tpu.memref_squeeze %dma_wait3A_51 : memref<1x1x79x128xf32, #tpu.memory_space<hbm>> -> memref<79x128xf32, #tpu.memory_space<hbm>>
      %dma_wait3A_53 = arith.constant 0 : i32
      %dma_wait3A_54 = arith.constant 0 : i32
      %dma_wait3A_55 = tpu.memref_slice %arg5[%arg0, %arg1, %dma_wait3A_53, %dma_wait3A_54] : memref<2x16x79x128xf32, #tpu.memory_space<hbm>> -> memref<1x1x79x128xf32, #tpu.memory_space<hbm>>
      %dma_wait3A_56 = tpu.memref_squeeze %dma_wait3A_55 : memref<1x1x79x128xf32, #tpu.memory_space<hbm>> -> memref<79x128xf32, #tpu.memory_space<hbm>>
      tpu.wait_dma2 semaphore(%run_scoped3A : memref<!tpu.dma_semaphore, #tpu.memory_space<semaphore_mem>>) src(%dma_wait3A_56 : memref<79x128xf32, #tpu.memory_space<hbm>>) dst(%arg9 : memref<79x128xf32, #tpu.memory_space<vmem>>)
      tpu.yield
    }) : () -> ()
    %broadcast_in_dim3A = arith.constant 0.000000e+00 : f32
    %broadcast_in_dim3A_0 = vector.broadcast %broadcast_in_dim3A : f32 to vector<16xf32>
    %scan3A = arith.constant 0 : i32
    %scan3A_1 = arith.constant 0 : i32
    %scan3A_2 = arith.constant 128 : i32
    %scan3A_3 = arith.addi %scan3A_1, %scan3A_2 : i32
    %scan3A_4 = arith.constant 1 : i32
    scf.for %scan3A_43 = %scan3A_1 to %scan3A_3 step %scan3A_4  : i32 {
      %swap3A = arith.index_cast %scan3A_43 : i32 to index
      %swap3A_44 = arith.constant 0 : index
      %swap3A_45 = tpu.vector_load %arg10[%swap3A, %swap3A_44] {strides = array<i32>} : memref<128x128xf32, #tpu.memory_space<vmem>>, vector<16xf32>,
      tpu.vector_store %arg10[%swap3A, %swap3A_44], %broadcast_in_dim3A_0 {strides = array<i32>} : memref<128x128xf32, #tpu.memory_space<vmem>>, vector<16xf32>,
      %swap3A_46 = arith.index_cast %scan3A_43 : i32 to index
      %swap3A_47 = arith.constant 16 : index
      %swap3A_48 = tpu.vector_load %arg10[%swap3A_46, %swap3A_47] {strides = array<i32>} : memref<128x128xf32, #tpu.memory_space<vmem>>, vector<16xf32>,
      tpu.vector_store %arg10[%swap3A_46, %swap3A_47], %broadcast_in_dim3A_0 {strides = array<i32>} : memref<128x128xf32, #tpu.memory_space<vmem>>, vector<16xf32>,
      %swap3A_49 = arith.index_cast %scan3A_43 : i32 to index
      %swap3A_50 = arith.constant 32 : index
      %swap3A_51 = tpu.vector_load %arg10[%swap3A_49, %swap3A_50] {strides = array<i32>} : memref<128x128xf32, #tpu.memory_space<vmem>>, vector<16xf32>,
      tpu.vector_store %arg10[%swap3A_49, %swap3A_50], %broadcast_in_dim3A_0 {strides = array<i32>} : memref<128x128xf32, #tpu.memory_space<vmem>>, vector<16xf32>,
      %swap3A_52 = arith.index_cast %scan3A_43 : i32 to index
      %swap3A_53 = arith.constant 48 : index
      %swap3A_54 = tpu.vector_load %arg10[%swap3A_52, %swap3A_53] {strides = array<i32>} : memref<128x128xf32, #tpu.memory_space<vmem>>, vector<16xf32>,
      tpu.vector_store %arg10[%swap3A_52, %swap3A_53], %broadcast_in_dim3A_0 {strides = array<i32>} : memref<128x128xf32, #tpu.memory_space<vmem>>, vector<16xf32>,
      %swap3A_55 = arith.index_cast %scan3A_43 : i32 to index
      %swap3A_56 = arith.constant 64 : index
      %swap3A_57 = tpu.vector_load %arg10[%swap3A_55, %swap3A_56] {strides = array<i32>} : memref<128x128xf32, #tpu.memory_space<vmem>>, vector<16xf32>,
      tpu.vector_store %arg10[%swap3A_55, %swap3A_56], %broadcast_in_dim3A_0 {strides = array<i32>} : memref<128x128xf32, #tpu.memory_space<vmem>>, vector<16xf32>,
      %swap3A_58 = arith.index_cast %scan3A_43 : i32 to index
      %swap3A_59 = arith.constant 80 : index
      %swap3A_60 = tpu.vector_load %arg10[%swap3A_58, %swap3A_59] {strides = array<i32>} : memref<128x128xf32, #tpu.memory_space<vmem>>, vector<16xf32>,
      tpu.vector_store %arg10[%swap3A_58, %swap3A_59], %broadcast_in_dim3A_0 {strides = array<i32>} : memref<128x128xf32, #tpu.memory_space<vmem>>, vector<16xf32>,
      %swap3A_61 = arith.index_cast %scan3A_43 : i32 to index
      %swap3A_62 = arith.constant 96 : index
      %swap3A_63 = tpu.vector_load %arg10[%swap3A_61, %swap3A_62] {strides = array<i32>} : memref<128x128xf32, #tpu.memory_space<vmem>>, vector<16xf32>,
      tpu.vector_store %arg10[%swap3A_61, %swap3A_62], %broadcast_in_dim3A_0 {strides = array<i32>} : memref<128x128xf32, #tpu.memory_space<vmem>>, vector<16xf32>,
      %swap3A_64 = arith.index_cast %scan3A_43 : i32 to index
      %swap3A_65 = arith.constant 112 : index
      %swap3A_66 = tpu.vector_load %arg10[%swap3A_64, %swap3A_65] {strides = array<i32>} : memref<128x128xf32, #tpu.memory_space<vmem>>, vector<16xf32>,
      tpu.vector_store %arg10[%swap3A_64, %swap3A_65], %broadcast_in_dim3A_0 {strides = array<i32>} : memref<128x128xf32, #tpu.memory_space<vmem>>, vector<16xf32>,
    }
    %scan3A_5 = arith.constant 128 : i32
    %mul3A = arith.constant 640 : i32
    %mul3A_6 = arith.muli %arg1, %mul3A : i32
    %add3A = arith.constant 0 : i32
    %add3A_7 = arith.addi %mul3A_6, %add3A : i32
    "tpu.region"() ({
      %run_scoped3A = tpu.sem_alloc : memref<!tpu.dma_semaphore, #tpu.memory_space<semaphore_mem>>
      %dma_start3A = arith.constant 0 : i32
      %dma_start3A_43 = arith.constant 0 : i32
      %dma_start3A_44 = tpu.memref_slice %arg10[%dma_start3A, %dma_start3A_43] : memref<128x128xf32, #tpu.memory_space<vmem>> -> memref<128x128xf32, #tpu.memory_space<vmem>>
      %dma_start3A_45 = arith.constant 0 : i32
      %dma_start3A_46 = tpu.memref_slice %arg11[%add3A_7, %dma_start3A_45] : memref<10240x128xf32, #tpu.memory_space<vmem_shared>> -> memref<128x128xf32, #tpu.memory_space<vmem_shared>>
      %dma_start3A_47 = arith.constant 0 : i32
      %dma_start3A_48 = tpu.memref_slice %arg11[%add3A_7, %dma_start3A_47] : memref<10240x128xf32, #tpu.memory_space<vmem_shared>> -> memref<128x128xf32, #tpu.memory_space<vmem_shared>>
      %dma_start3A_49 = arith.constant 0 : i32
      %dma_start3A_50 = arith.constant 0 : i32
      %dma_start3A_51 = tpu.memref_slice %arg10[%dma_start3A_49, %dma_start3A_50] : memref<128x128xf32, #tpu.memory_space<vmem>> -> memref<128x128xf32, #tpu.memory_space<vmem>>
      tpu.enqueue_dma source(%dma_start3A_51 : memref<128x128xf32, #tpu.memory_space<vmem>>) target(%dma_start3A_48 : memref<128x128xf32, #tpu.memory_space<vmem_shared>>) target_semaphore(%run_scoped3A : memref<!tpu.dma_semaphore, #tpu.memory_space<semaphore_mem>>)
      %dma_wait3A = arith.constant 0 : i32
      %dma_wait3A_52 = arith.constant 0 : i32
      %dma_wait3A_53 = tpu.memref_slice %arg10[%dma_wait3A, %dma_wait3A_52] : memref<128x128xf32, #tpu.memory_space<vmem>> -> memref<128x128xf32, #tpu.memory_space<vmem>>
      %dma_wait3A_54 = arith.constant 0 : i32
      %dma_wait3A_55 = tpu.memref_slice %arg11[%add3A_7, %dma_wait3A_54] : memref<10240x128xf32, #tpu.memory_space<vmem_shared>> -> memref<128x128xf32, #tpu.memory_space<vmem_shared>>
      %dma_wait3A_56 = arith.constant 0 : i32
      %dma_wait3A_57 = tpu.memref_slice %arg11[%add3A_7, %dma_wait3A_56] : memref<10240x128xf32, #tpu.memory_space<vmem_shared>> -> memref<128x128xf32, #tpu.memory_space<vmem_shared>>
      %dma_wait3A_58 = arith.constant 0 : i32
      %dma_wait3A_59 = arith.constant 0 : i32
      %dma_wait3A_60 = tpu.memref_slice %arg10[%dma_wait3A_58, %dma_wait3A_59] : memref<128x128xf32, #tpu.memory_space<vmem>> -> memref<128x128xf32, #tpu.memory_space<vmem>>
      tpu.wait_dma2 semaphore(%run_scoped3A : memref<!tpu.dma_semaphore, #tpu.memory_space<semaphore_mem>>) src(%dma_wait3A_60 : memref<128x128xf32, #tpu.memory_space<vmem>>) dst(%dma_wait3A_57 : memref<128x128xf32, #tpu.memory_space<vmem_shared>>)
      tpu.yield
    }) : () -> ()
    %add3A_8 = arith.constant 128 : i32
    %add3A_9 = arith.addi %mul3A_6, %add3A_8 : i32
    "tpu.region"() ({
      %run_scoped3A = tpu.sem_alloc : memref<!tpu.dma_semaphore, #tpu.memory_space<semaphore_mem>>
      %dma_start3A = arith.constant 0 : i32
      %dma_start3A_43 = arith.constant 0 : i32
      %dma_start3A_44 = tpu.memref_slice %arg10[%dma_start3A, %dma_start3A_43] : memref<128x128xf32, #tpu.memory_space<vmem>> -> memref<128x128xf32, #tpu.memory_space<vmem>>
      %dma_start3A_45 = arith.constant 0 : i32
      %dma_start3A_46 = tpu.memref_slice %arg11[%add3A_9, %dma_start3A_45] : memref<10240x128xf32, #tpu.memory_space<vmem_shared>> -> memref<128x128xf32, #tpu.memory_space<vmem_shared>>
      %dma_start3A_47 = arith.constant 0 : i32
      %dma_start3A_48 = tpu.memref_slice %arg11[%add3A_9, %dma_start3A_47] : memref<10240x128xf32, #tpu.memory_space<vmem_shared>> -> memref<128x128xf32, #tpu.memory_space<vmem_shared>>
      %dma_start3A_49 = arith.constant 0 : i32
      %dma_start3A_50 = arith.constant 0 : i32
      %dma_start3A_51 = tpu.memref_slice %arg10[%dma_start3A_49, %dma_start3A_50] : memref<128x128xf32, #tpu.memory_space<vmem>> -> memref<128x128xf32, #tpu.memory_space<vmem>>
      tpu.enqueue_dma source(%dma_start3A_51 : memref<128x128xf32, #tpu.memory_space<vmem>>) target(%dma_start3A_48 : memref<128x128xf32, #tpu.memory_space<vmem_shared>>) target_semaphore(%run_scoped3A : memref<!tpu.dma_semaphore, #tpu.memory_space<semaphore_mem>>)
      %dma_wait3A = arith.constant 0 : i32
      %dma_wait3A_52 = arith.constant 0 : i32
      %dma_wait3A_53 = tpu.memref_slice %arg10[%dma_wait3A, %dma_wait3A_52] : memref<128x128xf32, #tpu.memory_space<vmem>> -> memref<128x128xf32, #tpu.memory_space<vmem>>
      %dma_wait3A_54 = arith.constant 0 : i32
      %dma_wait3A_55 = tpu.memref_slice %arg11[%add3A_9, %dma_wait3A_54] : memref<10240x128xf32, #tpu.memory_space<vmem_shared>> -> memref<128x128xf32, #tpu.memory_space<vmem_shared>>
      %dma_wait3A_56 = arith.constant 0 : i32
      %dma_wait3A_57 = tpu.memref_slice %arg11[%add3A_9, %dma_wait3A_56] : memref<10240x128xf32, #tpu.memory_space<vmem_shared>> -> memref<128x128xf32, #tpu.memory_space<vmem_shared>>
      %dma_wait3A_58 = arith.constant 0 : i32
      %dma_wait3A_59 = arith.constant 0 : i32
      %dma_wait3A_60 = tpu.memref_slice %arg10[%dma_wait3A_58, %dma_wait3A_59] : memref<128x128xf32, #tpu.memory_space<vmem>> -> memref<128x128xf32, #tpu.memory_space<vmem>>
      tpu.wait_dma2 semaphore(%run_scoped3A : memref<!tpu.dma_semaphore, #tpu.memory_space<semaphore_mem>>) src(%dma_wait3A_60 : memref<128x128xf32, #tpu.memory_space<vmem>>) dst(%dma_wait3A_57 : memref<128x128xf32, #tpu.memory_space<vmem_shared>>)
      tpu.yield
    }) : () -> ()
    %add3A_10 = arith.constant 256 : i32
    %add3A_11 = arith.addi %mul3A_6, %add3A_10 : i32
    "tpu.region"() ({
      %run_scoped3A = tpu.sem_alloc : memref<!tpu.dma_semaphore, #tpu.memory_space<semaphore_mem>>
      %dma_start3A = arith.constant 0 : i32
      %dma_start3A_43 = arith.constant 0 : i32
      %dma_start3A_44 = tpu.memref_slice %arg10[%dma_start3A, %dma_start3A_43] : memref<128x128xf32, #tpu.memory_space<vmem>> -> memref<128x128xf32, #tpu.memory_space<vmem>>
      %dma_start3A_45 = arith.constant 0 : i32
      %dma_start3A_46 = tpu.memref_slice %arg11[%add3A_11, %dma_start3A_45] : memref<10240x128xf32, #tpu.memory_space<vmem_shared>> -> memref<128x128xf32, #tpu.memory_space<vmem_shared>>
      %dma_start3A_47 = arith.constant 0 : i32
      %dma_start3A_48 = tpu.memref_slice %arg11[%add3A_11, %dma_start3A_47] : memref<10240x128xf32, #tpu.memory_space<vmem_shared>> -> memref<128x128xf32, #tpu.memory_space<vmem_shared>>
      %dma_start3A_49 = arith.constant 0 : i32
      %dma_start3A_50 = arith.constant 0 : i32
      %dma_start3A_51 = tpu.memref_slice %arg10[%dma_start3A_49, %dma_start3A_50] : memref<128x128xf32, #tpu.memory_space<vmem>> -> memref<128x128xf32, #tpu.memory_space<vmem>>
      tpu.enqueue_dma source(%dma_start3A_51 : memref<128x128xf32, #tpu.memory_space<vmem>>) target(%dma_start3A_48 : memref<128x128xf32, #tpu.memory_space<vmem_shared>>) target_semaphore(%run_scoped3A : memref<!tpu.dma_semaphore, #tpu.memory_space<semaphore_mem>>)
      %dma_wait3A = arith.constant 0 : i32
      %dma_wait3A_52 = arith.constant 0 : i32
      %dma_wait3A_53 = tpu.memref_slice %arg10[%dma_wait3A, %dma_wait3A_52] : memref<128x128xf32, #tpu.memory_space<vmem>> -> memref<128x128xf32, #tpu.memory_space<vmem>>
      %dma_wait3A_54 = arith.constant 0 : i32
      %dma_wait3A_55 = tpu.memref_slice %arg11[%add3A_11, %dma_wait3A_54] : memref<10240x128xf32, #tpu.memory_space<vmem_shared>> -> memref<128x128xf32, #tpu.memory_space<vmem_shared>>
      %dma_wait3A_56 = arith.constant 0 : i32
      %dma_wait3A_57 = tpu.memref_slice %arg11[%add3A_11, %dma_wait3A_56] : memref<10240x128xf32, #tpu.memory_space<vmem_shared>> -> memref<128x128xf32, #tpu.memory_space<vmem_shared>>
      %dma_wait3A_58 = arith.constant 0 : i32
      %dma_wait3A_59 = arith.constant 0 : i32
      %dma_wait3A_60 = tpu.memref_slice %arg10[%dma_wait3A_58, %dma_wait3A_59] : memref<128x128xf32, #tpu.memory_space<vmem>> -> memref<128x128xf32, #tpu.memory_space<vmem>>
      tpu.wait_dma2 semaphore(%run_scoped3A : memref<!tpu.dma_semaphore, #tpu.memory_space<semaphore_mem>>) src(%dma_wait3A_60 : memref<128x128xf32, #tpu.memory_space<vmem>>) dst(%dma_wait3A_57 : memref<128x128xf32, #tpu.memory_space<vmem_shared>>)
      tpu.yield
    }) : () -> ()
    %add3A_12 = arith.constant 384 : i32
    %add3A_13 = arith.addi %mul3A_6, %add3A_12 : i32
    "tpu.region"() ({
      %run_scoped3A = tpu.sem_alloc : memref<!tpu.dma_semaphore, #tpu.memory_space<semaphore_mem>>
      %dma_start3A = arith.constant 0 : i32
      %dma_start3A_43 = arith.constant 0 : i32
      %dma_start3A_44 = tpu.memref_slice %arg10[%dma_start3A, %dma_start3A_43] : memref<128x128xf32, #tpu.memory_space<vmem>> -> memref<128x128xf32, #tpu.memory_space<vmem>>
      %dma_start3A_45 = arith.constant 0 : i32
      %dma_start3A_46 = tpu.memref_slice %arg11[%add3A_13, %dma_start3A_45] : memref<10240x128xf32, #tpu.memory_space<vmem_shared>> -> memref<128x128xf32, #tpu.memory_space<vmem_shared>>
      %dma_start3A_47 = arith.constant 0 : i32
      %dma_start3A_48 = tpu.memref_slice %arg11[%add3A_13, %dma_start3A_47] : memref<10240x128xf32, #tpu.memory_space<vmem_shared>> -> memref<128x128xf32, #tpu.memory_space<vmem_shared>>
      %dma_start3A_49 = arith.constant 0 : i32
      %dma_start3A_50 = arith.constant 0 : i32
      %dma_start3A_51 = tpu.memref_slice %arg10[%dma_start3A_49, %dma_start3A_50] : memref<128x128xf32, #tpu.memory_space<vmem>> -> memref<128x128xf32, #tpu.memory_space<vmem>>
      tpu.enqueue_dma source(%dma_start3A_51 : memref<128x128xf32, #tpu.memory_space<vmem>>) target(%dma_start3A_48 : memref<128x128xf32, #tpu.memory_space<vmem_shared>>) target_semaphore(%run_scoped3A : memref<!tpu.dma_semaphore, #tpu.memory_space<semaphore_mem>>)
      %dma_wait3A = arith.constant 0 : i32
      %dma_wait3A_52 = arith.constant 0 : i32
      %dma_wait3A_53 = tpu.memref_slice %arg10[%dma_wait3A, %dma_wait3A_52] : memref<128x128xf32, #tpu.memory_space<vmem>> -> memref<128x128xf32, #tpu.memory_space<vmem>>
      %dma_wait3A_54 = arith.constant 0 : i32
      %dma_wait3A_55 = tpu.memref_slice %arg11[%add3A_13, %dma_wait3A_54] : memref<10240x128xf32, #tpu.memory_space<vmem_shared>> -> memref<128x128xf32, #tpu.memory_space<vmem_shared>>
      %dma_wait3A_56 = arith.constant 0 : i32
      %dma_wait3A_57 = tpu.memref_slice %arg11[%add3A_13, %dma_wait3A_56] : memref<10240x128xf32, #tpu.memory_space<vmem_shared>> -> memref<128x128xf32, #tpu.memory_space<vmem_shared>>
      %dma_wait3A_58 = arith.constant 0 : i32
      %dma_wait3A_59 = arith.constant 0 : i32
      %dma_wait3A_60 = tpu.memref_slice %arg10[%dma_wait3A_58, %dma_wait3A_59] : memref<128x128xf32, #tpu.memory_space<vmem>> -> memref<128x128xf32, #tpu.memory_space<vmem>>
      tpu.wait_dma2 semaphore(%run_scoped3A : memref<!tpu.dma_semaphore, #tpu.memory_space<semaphore_mem>>) src(%dma_wait3A_60 : memref<128x128xf32, #tpu.memory_space<vmem>>) dst(%dma_wait3A_57 : memref<128x128xf32, #tpu.memory_space<vmem_shared>>)
      tpu.yield
    }) : () -> ()
    %add3A_14 = arith.constant 512 : i32
    %add3A_15 = arith.addi %mul3A_6, %add3A_14 : i32
    "tpu.region"() ({
      %run_scoped3A = tpu.sem_alloc : memref<!tpu.dma_semaphore, #tpu.memory_space<semaphore_mem>>
      %dma_start3A = arith.constant 0 : i32
      %dma_start3A_43 = arith.constant 0 : i32
      %dma_start3A_44 = tpu.memref_slice %arg10[%dma_start3A, %dma_start3A_43] : memref<128x128xf32, #tpu.memory_space<vmem>> -> memref<128x128xf32, #tpu.memory_space<vmem>>
      %dma_start3A_45 = arith.constant 0 : i32
      %dma_start3A_46 = tpu.memref_slice %arg11[%add3A_15, %dma_start3A_45] : memref<10240x128xf32, #tpu.memory_space<vmem_shared>> -> memref<128x128xf32, #tpu.memory_space<vmem_shared>>
      %dma_start3A_47 = arith.constant 0 : i32
      %dma_start3A_48 = tpu.memref_slice %arg11[%add3A_15, %dma_start3A_47] : memref<10240x128xf32, #tpu.memory_space<vmem_shared>> -> memref<128x128xf32, #tpu.memory_space<vmem_shared>>
      %dma_start3A_49 = arith.constant 0 : i32
      %dma_start3A_50 = arith.constant 0 : i32
      %dma_start3A_51 = tpu.memref_slice %arg10[%dma_start3A_49, %dma_start3A_50] : memref<128x128xf32, #tpu.memory_space<vmem>> -> memref<128x128xf32, #tpu.memory_space<vmem>>
      tpu.enqueue_dma source(%dma_start3A_51 : memref<128x128xf32, #tpu.memory_space<vmem>>) target(%dma_start3A_48 : memref<128x128xf32, #tpu.memory_space<vmem_shared>>) target_semaphore(%run_scoped3A : memref<!tpu.dma_semaphore, #tpu.memory_space<semaphore_mem>>)
      %dma_wait3A = arith.constant 0 : i32
      %dma_wait3A_52 = arith.constant 0 : i32
      %dma_wait3A_53 = tpu.memref_slice %arg10[%dma_wait3A, %dma_wait3A_52] : memref<128x128xf32, #tpu.memory_space<vmem>> -> memref<128x128xf32, #tpu.memory_space<vmem>>
      %dma_wait3A_54 = arith.constant 0 : i32
      %dma_wait3A_55 = tpu.memref_slice %arg11[%add3A_15, %dma_wait3A_54] : memref<10240x128xf32, #tpu.memory_space<vmem_shared>> -> memref<128x128xf32, #tpu.memory_space<vmem_shared>>
      %dma_wait3A_56 = arith.constant 0 : i32
      %dma_wait3A_57 = tpu.memref_slice %arg11[%add3A_15, %dma_wait3A_56] : memref<10240x128xf32, #tpu.memory_space<vmem_shared>> -> memref<128x128xf32, #tpu.memory_space<vmem_shared>>
      %dma_wait3A_58 = arith.constant 0 : i32
      %dma_wait3A_59 = arith.constant 0 : i32
      %dma_wait3A_60 = tpu.memref_slice %arg10[%dma_wait3A_58, %dma_wait3A_59] : memref<128x128xf32, #tpu.memory_space<vmem>> -> memref<128x128xf32, #tpu.memory_space<vmem>>
      tpu.wait_dma2 semaphore(%run_scoped3A : memref<!tpu.dma_semaphore, #tpu.memory_space<semaphore_mem>>) src(%dma_wait3A_60 : memref<128x128xf32, #tpu.memory_space<vmem>>) dst(%dma_wait3A_57 : memref<128x128xf32, #tpu.memory_space<vmem_shared>>)
      tpu.yield
    }) : () -> ()
    %barrier3A = arith.constant 0 : index
    tpu.barrier barrier_id(%barrier3A)
    %scan3A_16 = arith.constant 0 : i32
    %scan3A_17 = arith.constant 0 : i32
    %scan3A_18 = arith.constant 79 : i32
    %scan3A_19 = arith.addi %scan3A_17, %scan3A_18 : i32
    %scan3A_20 = arith.constant 1 : i32
    scf.for %scan3A_43 = %scan3A_17 to %scan3A_19 step %scan3A_20  : i32 {
      %dma_start3A = arith.constant 0 : i32
      %dma_start3A_44 = tpu.memref_slice %arg7[%scan3A_43, %dma_start3A] : memref<79x128xi32, #tpu.memory_space<vmem>> -> memref<1x128xi32, #tpu.memory_space<vmem>>
      %dma_start3A_45 = tpu.memref_squeeze %dma_start3A_44 : memref<1x128xi32, #tpu.memory_space<vmem>> -> memref<128xi32, #tpu.memory_space<vmem>>
      %dma_start3A_46 = arith.constant 0 : i32
      %dma_start3A_47 = arith.constant 0 : i32
      %dma_start3A_48 = tpu.memref_slice %arg2[%dma_start3A_46, %dma_start3A_47] : memref<10000x128xf32, #tpu.memory_space<hbm>> -> memref<10000x128xf32, #tpu.memory_space<hbm>>
      tpu.enqueue_indirect_dma source(%dma_start3A_48 : memref<10000x128xf32, #tpu.memory_space<hbm>>) target(%arg10 : memref<128x128xf32, #tpu.memory_space<vmem>>) offsets(%dma_start3A_45 : memref<128xi32, #tpu.memory_space<vmem>>) semaphore(%arg12 : memref<!tpu.dma_semaphore, #tpu.memory_space<semaphore_mem>>)
      %dma_wait3A = arith.constant 0 : i32
      %dma_wait3A_49 = tpu.memref_slice %arg7[%scan3A_43, %dma_wait3A] : memref<79x128xi32, #tpu.memory_space<vmem>> -> memref<1x128xi32, #tpu.memory_space<vmem>>
      %dma_wait3A_50 = tpu.memref_squeeze %dma_wait3A_49 : memref<1x128xi32, #tpu.memory_space<vmem>> -> memref<128xi32, #tpu.memory_space<vmem>>
      %dma_wait3A_51 = arith.constant 0 : i32
      %dma_wait3A_52 = arith.constant 0 : i32
      %dma_wait3A_53 = tpu.memref_slice %arg2[%dma_wait3A_51, %dma_wait3A_52] : memref<10000x128xf32, #tpu.memory_space<hbm>> -> memref<10000x128xf32, #tpu.memory_space<hbm>>
      tpu.wait_indirect_dma semaphore(%arg12 : memref<!tpu.dma_semaphore, #tpu.memory_space<semaphore_mem>>) src(%dma_wait3A_53 : memref<10000x128xf32, #tpu.memory_space<hbm>>) dst(%arg10 : memref<128x128xf32, #tpu.memory_space<vmem>>)
      %scan3A_54 = arith.constant 0 : i32
      %scan3A_55 = arith.constant 0 : i32
      %scan3A_56 = arith.constant 128 : i32
      %scan3A_57 = arith.addi %scan3A_55, %scan3A_56 : i32
      %scan3A_58 = arith.constant 1 : i32
      scf.for %scan3A_60 = %scan3A_55 to %scan3A_57 step %scan3A_58  : i32 {
        %broadcast_in_dim3A_61 = vector.broadcast %scan3A_43 : i32 to vector<16xi32>
        %broadcast_in_dim3A_62 = vector.broadcast %scan3A_60 : i32 to vector<16xi32>
        %gather3A = tpu.vector_load_idx %arg9[%broadcast_in_dim3A_61, %broadcast_in_dim3A_62] : memref<79x128xf32, #tpu.memory_space<vmem>>[vector<16xi32>, vector<16xi32>], vector<16xf32>,
        %get3A = arith.index_cast %scan3A_60 : i32 to index
        %get3A_63 = arith.constant 0 : index
        %get3A_64 = tpu.vector_load %arg10[%get3A, %get3A_63] {strides = array<i32>} : memref<128x128xf32, #tpu.memory_space<vmem>>, vector<16xf32>,
        %mul3A_65 = arith.mulf %get3A_64, %gather3A : vector<16xf32>
        %swap3A = arith.index_cast %scan3A_60 : i32 to index
        %swap3A_66 = arith.constant 0 : index
        %swap3A_67 = tpu.vector_load %arg10[%swap3A, %swap3A_66] {strides = array<i32>} : memref<128x128xf32, #tpu.memory_space<vmem>>, vector<16xf32>,
        tpu.vector_store %arg10[%swap3A, %swap3A_66], %mul3A_65 {strides = array<i32>} : memref<128x128xf32, #tpu.memory_space<vmem>>, vector<16xf32>,
        %get3A_68 = arith.index_cast %scan3A_60 : i32 to index
        %get3A_69 = arith.constant 16 : index
        %get3A_70 = tpu.vector_load %arg10[%get3A_68, %get3A_69] {strides = array<i32>} : memref<128x128xf32, #tpu.memory_space<vmem>>, vector<16xf32>,
        %mul3A_71 = arith.mulf %get3A_70, %gather3A : vector<16xf32>
        %swap3A_72 = arith.index_cast %scan3A_60 : i32 to index
        %swap3A_73 = arith.constant 16 : index
        %swap3A_74 = tpu.vector_load %arg10[%swap3A_72, %swap3A_73] {strides = array<i32>} : memref<128x128xf32, #tpu.memory_space<vmem>>, vector<16xf32>,
        tpu.vector_store %arg10[%swap3A_72, %swap3A_73], %mul3A_71 {strides = array<i32>} : memref<128x128xf32, #tpu.memory_space<vmem>>, vector<16xf32>,
        %get3A_75 = arith.index_cast %scan3A_60 : i32 to index
        %get3A_76 = arith.constant 32 : index
        %get3A_77 = tpu.vector_load %arg10[%get3A_75, %get3A_76] {strides = array<i32>} : memref<128x128xf32, #tpu.memory_space<vmem>>, vector<16xf32>,
        %mul3A_78 = arith.mulf %get3A_77, %gather3A : vector<16xf32>
        %swap3A_79 = arith.index_cast %scan3A_60 : i32 to index
        %swap3A_80 = arith.constant 32 : index
        %swap3A_81 = tpu.vector_load %arg10[%swap3A_79, %swap3A_80] {strides = array<i32>} : memref<128x128xf32, #tpu.memory_space<vmem>>, vector<16xf32>,
        tpu.vector_store %arg10[%swap3A_79, %swap3A_80], %mul3A_78 {strides = array<i32>} : memref<128x128xf32, #tpu.memory_space<vmem>>, vector<16xf32>,
        %get3A_82 = arith.index_cast %scan3A_60 : i32 to index
        %get3A_83 = arith.constant 48 : index
        %get3A_84 = tpu.vector_load %arg10[%get3A_82, %get3A_83] {strides = array<i32>} : memref<128x128xf32, #tpu.memory_space<vmem>>, vector<16xf32>,
        %mul3A_85 = arith.mulf %get3A_84, %gather3A : vector<16xf32>
        %swap3A_86 = arith.index_cast %scan3A_60 : i32 to index
        %swap3A_87 = arith.constant 48 : index
        %swap3A_88 = tpu.vector_load %arg10[%swap3A_86, %swap3A_87] {strides = array<i32>} : memref<128x128xf32, #tpu.memory_space<vmem>>, vector<16xf32>,
        tpu.vector_store %arg10[%swap3A_86, %swap3A_87], %mul3A_85 {strides = array<i32>} : memref<128x128xf32, #tpu.memory_space<vmem>>, vector<16xf32>,
        %get3A_89 = arith.index_cast %scan3A_60 : i32 to index
        %get3A_90 = arith.constant 64 : index
        %get3A_91 = tpu.vector_load %arg10[%get3A_89, %get3A_90] {strides = array<i32>} : memref<128x128xf32, #tpu.memory_space<vmem>>, vector<16xf32>,
        %mul3A_92 = arith.mulf %get3A_91, %gather3A : vector<16xf32>
        %swap3A_93 = arith.index_cast %scan3A_60 : i32 to index
        %swap3A_94 = arith.constant 64 : index
        %swap3A_95 = tpu.vector_load %arg10[%swap3A_93, %swap3A_94] {strides = array<i32>} : memref<128x128xf32, #tpu.memory_space<vmem>>, vector<16xf32>,
        tpu.vector_store %arg10[%swap3A_93, %swap3A_94], %mul3A_92 {strides = array<i32>} : memref<128x128xf32, #tpu.memory_space<vmem>>, vector<16xf32>,
        %get3A_96 = arith.index_cast %scan3A_60 : i32 to index
        %get3A_97 = arith.constant 80 : index
        %get3A_98 = tpu.vector_load %arg10[%get3A_96, %get3A_97] {strides = array<i32>} : memref<128x128xf32, #tpu.memory_space<vmem>>, vector<16xf32>,
        %mul3A_99 = arith.mulf %get3A_98, %gather3A : vector<16xf32>
        %swap3A_100 = arith.index_cast %scan3A_60 : i32 to index
        %swap3A_101 = arith.constant 80 : index
        %swap3A_102 = tpu.vector_load %arg10[%swap3A_100, %swap3A_101] {strides = array<i32>} : memref<128x128xf32, #tpu.memory_space<vmem>>, vector<16xf32>,
        tpu.vector_store %arg10[%swap3A_100, %swap3A_101], %mul3A_99 {strides = array<i32>} : memref<128x128xf32, #tpu.memory_space<vmem>>, vector<16xf32>,
        %get3A_103 = arith.index_cast %scan3A_60 : i32 to index
        %get3A_104 = arith.constant 96 : index
        %get3A_105 = tpu.vector_load %arg10[%get3A_103, %get3A_104] {strides = array<i32>} : memref<128x128xf32, #tpu.memory_space<vmem>>, vector<16xf32>,
        %mul3A_106 = arith.mulf %get3A_105, %gather3A : vector<16xf32>
        %swap3A_107 = arith.index_cast %scan3A_60 : i32 to index
        %swap3A_108 = arith.constant 96 : index
        %swap3A_109 = tpu.vector_load %arg10[%swap3A_107, %swap3A_108] {strides = array<i32>} : memref<128x128xf32, #tpu.memory_space<vmem>>, vector<16xf32>,
        tpu.vector_store %arg10[%swap3A_107, %swap3A_108], %mul3A_106 {strides = array<i32>} : memref<128x128xf32, #tpu.memory_space<vmem>>, vector<16xf32>,
        %get3A_110 = arith.index_cast %scan3A_60 : i32 to index
        %get3A_111 = arith.constant 112 : index
        %get3A_112 = tpu.vector_load %arg10[%get3A_110, %get3A_111] {strides = array<i32>} : memref<128x128xf32, #tpu.memory_space<vmem>>, vector<16xf32>,
        %mul3A_113 = arith.mulf %get3A_112, %gather3A : vector<16xf32>
        %swap3A_114 = arith.index_cast %scan3A_60 : i32 to index
        %swap3A_115 = arith.constant 112 : index
        %swap3A_116 = tpu.vector_load %arg10[%swap3A_114, %swap3A_115] {strides = array<i32>} : memref<128x128xf32, #tpu.memory_space<vmem>>, vector<16xf32>,
        tpu.vector_store %arg10[%swap3A_114, %swap3A_115], %mul3A_113 {strides = array<i32>} : memref<128x128xf32, #tpu.memory_space<vmem>>, vector<16xf32>,
      }
      %scan3A_59 = arith.constant 128 : i32
      "tpu.region"() ({
        %run_scoped3A = tpu.sem_alloc : memref<!tpu.dma_semaphore, #tpu.memory_space<semaphore_mem>>
        %dma_start3A_60 = arith.constant 0 : i32
        %dma_start3A_61 = tpu.memref_slice %arg8[%scan3A_43, %dma_start3A_60] : memref<79x128xi32, #tpu.memory_space<vmem>> -> memref<1x128xi32, #tpu.memory_space<vmem>>
        %dma_start3A_62 = tpu.memref_squeeze %dma_start3A_61 : memref<1x128xi32, #tpu.memory_space<vmem>> -> memref<128xi32, #tpu.memory_space<vmem>>
        %dma_start3A_63 = arith.constant 0 : i32
        %dma_start3A_64 = arith.constant 0 : i32
        %dma_start3A_65 = tpu.memref_slice %arg11[%dma_start3A_63, %dma_start3A_64] : memref<10240x128xf32, #tpu.memory_space<vmem_shared>> -> memref<10240x128xf32, #tpu.memory_space<vmem_shared>>
        tpu.enqueue_indirect_dma source(%arg10 : memref<128x128xf32, #tpu.memory_space<vmem>>) target(%dma_start3A_65 : memref<10240x128xf32, #tpu.memory_space<vmem_shared>>) offsets(%dma_start3A_62 : memref<128xi32, #tpu.memory_space<vmem>>) semaphore(%run_scoped3A : memref<!tpu.dma_semaphore, #tpu.memory_space<semaphore_mem>>) {add = true}
        %dma_wait3A_66 = arith.constant 0 : i32
        %dma_wait3A_67 = tpu.memref_slice %arg8[%scan3A_43, %dma_wait3A_66] : memref<79x128xi32, #tpu.memory_space<vmem>> -> memref<1x128xi32, #tpu.memory_space<vmem>>
        %dma_wait3A_68 = tpu.memref_squeeze %dma_wait3A_67 : memref<1x128xi32, #tpu.memory_space<vmem>> -> memref<128xi32, #tpu.memory_space<vmem>>
        %dma_wait3A_69 = arith.constant 0 : i32
        %dma_wait3A_70 = arith.constant 0 : i32
        %dma_wait3A_71 = tpu.memref_slice %arg11[%dma_wait3A_69, %dma_wait3A_70] : memref<10240x128xf32, #tpu.memory_space<vmem_shared>> -> memref<10240x128xf32, #tpu.memory_space<vmem_shared>>
        tpu.wait_indirect_dma semaphore(%run_scoped3A : memref<!tpu.dma_semaphore, #tpu.memory_space<semaphore_mem>>) src(%arg10 : memref<128x128xf32, #tpu.memory_space<vmem>>) dst(%dma_wait3A_71 : memref<10240x128xf32, #tpu.memory_space<vmem_shared>>)
        tpu.yield
      }) : () -> ()
    }
    %scan3A_21 = arith.constant 79 : i32
    %barrier3A_22 = arith.constant 0 : index
    tpu.barrier barrier_id(%barrier3A_22)
    %add3A_23 = arith.constant 0 : i32
    %add3A_24 = arith.addi %mul3A_6, %add3A_23 : i32
    %add3A_25 = arith.constant 0 : i32
    %add3A_26 = arith.addi %mul3A_6, %add3A_25 : i32
    "tpu.region"() ({
      %run_scoped3A = tpu.sem_alloc : memref<!tpu.dma_semaphore, #tpu.memory_space<semaphore_mem>>
      %dma_start3A = arith.constant 0 : i32
      %dma_start3A_43 = tpu.memref_slice %arg6[%arg0, %add3A_26, %dma_start3A] : memref<2x10240x128xf32, #tpu.memory_space<hbm>> -> memref<1x128x128xf32, #tpu.memory_space<hbm>>
      %dma_start3A_44 = tpu.memref_squeeze %dma_start3A_43 : memref<1x128x128xf32, #tpu.memory_space<hbm>> -> memref<128x128xf32, #tpu.memory_space<hbm>>
      %dma_start3A_45 = arith.constant 0 : i32
      %dma_start3A_46 = tpu.memref_slice %arg11[%add3A_24, %dma_start3A_45] : memref<10240x128xf32, #tpu.memory_space<vmem_shared>> -> memref<128x128xf32, #tpu.memory_space<vmem_shared>>
      tpu.enqueue_dma source(%dma_start3A_46 : memref<128x128xf32, #tpu.memory_space<vmem_shared>>) target(%dma_start3A_44 : memref<128x128xf32, #tpu.memory_space<hbm>>) target_semaphore(%run_scoped3A : memref<!tpu.dma_semaphore, #tpu.memory_space<semaphore_mem>>)
      %dma_wait3A = arith.constant 0 : i32
      %dma_wait3A_47 = tpu.memref_slice %arg6[%arg0, %add3A_26, %dma_wait3A] : memref<2x10240x128xf32, #tpu.memory_space<hbm>> -> memref<1x128x128xf32, #tpu.memory_space<hbm>>
      %dma_wait3A_48 = tpu.memref_squeeze %dma_wait3A_47 : memref<1x128x128xf32, #tpu.memory_space<hbm>> -> memref<128x128xf32, #tpu.memory_space<hbm>>
      %dma_wait3A_49 = arith.constant 0 : i32
      %dma_wait3A_50 = tpu.memref_slice %arg11[%add3A_24, %dma_wait3A_49] : memref<10240x128xf32, #tpu.memory_space<vmem_shared>> -> memref<128x128xf32, #tpu.memory_space<vmem_shared>>
      tpu.wait_dma2 semaphore(%run_scoped3A : memref<!tpu.dma_semaphore, #tpu.memory_space<semaphore_mem>>) src(%dma_wait3A_50 : memref<128x128xf32, #tpu.memory_space<vmem_shared>>) dst(%dma_wait3A_48 : memref<128x128xf32, #tpu.memory_space<hbm>>)
      tpu.yield
    }) : () -> ()
    %add3A_27 = arith.constant 128 : i32
    %add3A_28 = arith.addi %mul3A_6, %add3A_27 : i32
    %add3A_29 = arith.constant 128 : i32
    %add3A_30 = arith.addi %mul3A_6, %add3A_29 : i32
    "tpu.region"() ({
      %run_scoped3A = tpu.sem_alloc : memref<!tpu.dma_semaphore, #tpu.memory_space<semaphore_mem>>
      %dma_start3A = arith.constant 0 : i32
      %dma_start3A_43 = tpu.memref_slice %arg6[%arg0, %add3A_30, %dma_start3A] : memref<2x10240x128xf32, #tpu.memory_space<hbm>> -> memref<1x128x128xf32, #tpu.memory_space<hbm>>
      %dma_start3A_44 = tpu.memref_squeeze %dma_start3A_43 : memref<1x128x128xf32, #tpu.memory_space<hbm>> -> memref<128x128xf32, #tpu.memory_space<hbm>>
      %dma_start3A_45 = arith.constant 0 : i32
      %dma_start3A_46 = tpu.memref_slice %arg11[%add3A_28, %dma_start3A_45] : memref<10240x128xf32, #tpu.memory_space<vmem_shared>> -> memref<128x128xf32, #tpu.memory_space<vmem_shared>>
      tpu.enqueue_dma source(%dma_start3A_46 : memref<128x128xf32, #tpu.memory_space<vmem_shared>>) target(%dma_start3A_44 : memref<128x128xf32, #tpu.memory_space<hbm>>) target_semaphore(%run_scoped3A : memref<!tpu.dma_semaphore, #tpu.memory_space<semaphore_mem>>)
      %dma_wait3A = arith.constant 0 : i32
      %dma_wait3A_47 = tpu.memref_slice %arg6[%arg0, %add3A_30, %dma_wait3A] : memref<2x10240x128xf32, #tpu.memory_space<hbm>> -> memref<1x128x128xf32, #tpu.memory_space<hbm>>
      %dma_wait3A_48 = tpu.memref_squeeze %dma_wait3A_47 : memref<1x128x128xf32, #tpu.memory_space<hbm>> -> memref<128x128xf32, #tpu.memory_space<hbm>>
      %dma_wait3A_49 = arith.constant 0 : i32
      %dma_wait3A_50 = tpu.memref_slice %arg11[%add3A_28, %dma_wait3A_49] : memref<10240x128xf32, #tpu.memory_space<vmem_shared>> -> memref<128x128xf32, #tpu.memory_space<vmem_shared>>
      tpu.wait_dma2 semaphore(%run_scoped3A : memref<!tpu.dma_semaphore, #tpu.memory_space<semaphore_mem>>) src(%dma_wait3A_50 : memref<128x128xf32, #tpu.memory_space<vmem_shared>>) dst(%dma_wait3A_48 : memref<128x128xf32, #tpu.memory_space<hbm>>)
      tpu.yield
    }) : () -> ()
    %add3A_31 = arith.constant 256 : i32
    %add3A_32 = arith.addi %mul3A_6, %add3A_31 : i32
    %add3A_33 = arith.constant 256 : i32
    %add3A_34 = arith.addi %mul3A_6, %add3A_33 : i32
    "tpu.region"() ({
      %run_scoped3A = tpu.sem_alloc : memref<!tpu.dma_semaphore, #tpu.memory_space<semaphore_mem>>
      %dma_start3A = arith.constant 0 : i32
      %dma_start3A_43 = tpu.memref_slice %arg6[%arg0, %add3A_34, %dma_start3A] : memref<2x10240x128xf32, #tpu.memory_space<hbm>> -> memref<1x128x128xf32, #tpu.memory_space<hbm>>
      %dma_start3A_44 = tpu.memref_squeeze %dma_start3A_43 : memref<1x128x128xf32, #tpu.memory_space<hbm>> -> memref<128x128xf32, #tpu.memory_space<hbm>>
      %dma_start3A_45 = arith.constant 0 : i32
      %dma_start3A_46 = tpu.memref_slice %arg11[%add3A_32, %dma_start3A_45] : memref<10240x128xf32, #tpu.memory_space<vmem_shared>> -> memref<128x128xf32, #tpu.memory_space<vmem_shared>>
      tpu.enqueue_dma source(%dma_start3A_46 : memref<128x128xf32, #tpu.memory_space<vmem_shared>>) target(%dma_start3A_44 : memref<128x128xf32, #tpu.memory_space<hbm>>) target_semaphore(%run_scoped3A : memref<!tpu.dma_semaphore, #tpu.memory_space<semaphore_mem>>)
      %dma_wait3A = arith.constant 0 : i32
      %dma_wait3A_47 = tpu.memref_slice %arg6[%arg0, %add3A_34, %dma_wait3A] : memref<2x10240x128xf32, #tpu.memory_space<hbm>> -> memref<1x128x128xf32, #tpu.memory_space<hbm>>
      %dma_wait3A_48 = tpu.memref_squeeze %dma_wait3A_47 : memref<1x128x128xf32, #tpu.memory_space<hbm>> -> memref<128x128xf32, #tpu.memory_space<hbm>>
      %dma_wait3A_49 = arith.constant 0 : i32
      %dma_wait3A_50 = tpu.memref_slice %arg11[%add3A_32, %dma_wait3A_49] : memref<10240x128xf32, #tpu.memory_space<vmem_shared>> -> memref<128x128xf32, #tpu.memory_space<vmem_shared>>
      tpu.wait_dma2 semaphore(%run_scoped3A : memref<!tpu.dma_semaphore, #tpu.memory_space<semaphore_mem>>) src(%dma_wait3A_50 : memref<128x128xf32, #tpu.memory_space<vmem_shared>>) dst(%dma_wait3A_48 : memref<128x128xf32, #tpu.memory_space<hbm>>)
      tpu.yield
    }) : () -> ()
    %add3A_35 = arith.constant 384 : i32
    %add3A_36 = arith.addi %mul3A_6, %add3A_35 : i32
    %add3A_37 = arith.constant 384 : i32
    %add3A_38 = arith.addi %mul3A_6, %add3A_37 : i32
    "tpu.region"() ({
      %run_scoped3A = tpu.sem_alloc : memref<!tpu.dma_semaphore, #tpu.memory_space<semaphore_mem>>
      %dma_start3A = arith.constant 0 : i32
      %dma_start3A_43 = tpu.memref_slice %arg6[%arg0, %add3A_38, %dma_start3A] : memref<2x10240x128xf32, #tpu.memory_space<hbm>> -> memref<1x128x128xf32, #tpu.memory_space<hbm>>
      %dma_start3A_44 = tpu.memref_squeeze %dma_start3A_43 : memref<1x128x128xf32, #tpu.memory_space<hbm>> -> memref<128x128xf32, #tpu.memory_space<hbm>>
      %dma_start3A_45 = arith.constant 0 : i32
      %dma_start3A_46 = tpu.memref_slice %arg11[%add3A_36, %dma_start3A_45] : memref<10240x128xf32, #tpu.memory_space<vmem_shared>> -> memref<128x128xf32, #tpu.memory_space<vmem_shared>>
      tpu.enqueue_dma source(%dma_start3A_46 : memref<128x128xf32, #tpu.memory_space<vmem_shared>>) target(%dma_start3A_44 : memref<128x128xf32, #tpu.memory_space<hbm>>) target_semaphore(%run_scoped3A : memref<!tpu.dma_semaphore, #tpu.memory_space<semaphore_mem>>)
      %dma_wait3A = arith.constant 0 : i32
      %dma_wait3A_47 = tpu.memref_slice %arg6[%arg0, %add3A_38, %dma_wait3A] : memref<2x10240x128xf32, #tpu.memory_space<hbm>> -> memref<1x128x128xf32, #tpu.memory_space<hbm>>
      %dma_wait3A_48 = tpu.memref_squeeze %dma_wait3A_47 : memref<1x128x128xf32, #tpu.memory_space<hbm>> -> memref<128x128xf32, #tpu.memory_space<hbm>>
      %dma_wait3A_49 = arith.constant 0 : i32
      %dma_wait3A_50 = tpu.memref_slice %arg11[%add3A_36, %dma_wait3A_49] : memref<10240x128xf32, #tpu.memory_space<vmem_shared>> -> memref<128x128xf32, #tpu.memory_space<vmem_shared>>
      tpu.wait_dma2 semaphore(%run_scoped3A : memref<!tpu.dma_semaphore, #tpu.memory_space<semaphore_mem>>) src(%dma_wait3A_50 : memref<128x128xf32, #tpu.memory_space<vmem_shared>>) dst(%dma_wait3A_48 : memref<128x128xf32, #tpu.memory_space<hbm>>)
      tpu.yield
    }) : () -> ()
    %add3A_39 = arith.constant 512 : i32
    %add3A_40 = arith.addi %mul3A_6, %add3A_39 : i32
    %add3A_41 = arith.constant 512 : i32
    %add3A_42 = arith.addi %mul3A_6, %add3A_41 : i32
    "tpu.region"() ({
      %run_scoped3A = tpu.sem_alloc : memref<!tpu.dma_semaphore, #tpu.memory_space<semaphore_mem>>
      %dma_start3A = arith.constant 0 : i32
      %dma_start3A_43 = tpu.memref_slice %arg6[%arg0, %add3A_42, %dma_start3A] : memref<2x10240x128xf32, #tpu.memory_space<hbm>> -> memref<1x128x128xf32, #tpu.memory_space<hbm>>
      %dma_start3A_44 = tpu.memref_squeeze %dma_start3A_43 : memref<1x128x128xf32, #tpu.memory_space<hbm>> -> memref<128x128xf32, #tpu.memory_space<hbm>>
      %dma_start3A_45 = arith.constant 0 : i32
      %dma_start3A_46 = tpu.memref_slice %arg11[%add3A_40, %dma_start3A_45] : memref<10240x128xf32, #tpu.memory_space<vmem_shared>> -> memref<128x128xf32, #tpu.memory_space<vmem_shared>>
      tpu.enqueue_dma source(%dma_start3A_46 : memref<128x128xf32, #tpu.memory_space<vmem_shared>>) target(%dma_start3A_44 : memref<128x128xf32, #tpu.memory_space<hbm>>) target_semaphore(%run_scoped3A : memref<!tpu.dma_semaphore, #tpu.memory_space<semaphore_mem>>)
      %dma_wait3A = arith.constant 0 : i32
      %dma_wait3A_47 = tpu.memref_slice %arg6[%arg0, %add3A_42, %dma_wait3A] : memref<2x10240x128xf32, #tpu.memory_space<hbm>> -> memref<1x128x128xf32, #tpu.memory_space<hbm>>
      %dma_wait3A_48 = tpu.memref_squeeze %dma_wait3A_47 : memref<1x128x128xf32, #tpu.memory_space<hbm>> -> memref<128x128xf32, #tpu.memory_space<hbm>>
      %dma_wait3A_49 = arith.constant 0 : i32
      %dma_wait3A_50 = tpu.memref_slice %arg11[%add3A_40, %dma_wait3A_49] : memref<10240x128xf32, #tpu.memory_space<vmem_shared>> -> memref<128x128xf32, #tpu.memory_space<vmem_shared>>
      tpu.wait_dma2 semaphore(%run_scoped3A : memref<!tpu.dma_semaphore, #tpu.memory_space<semaphore_mem>>) src(%dma_wait3A_50 : memref<128x128xf32, #tpu.memory_space<vmem_shared>>) dst(%dma_wait3A_48 : memref<128x128xf32, #tpu.memory_space<hbm>>)
      tpu.yield
    }) : () -> ()
    return
  }
}

#map = affine_map<(d0, d1) -> (0, 0)>
#map1 = affine_map<(d0, d1) -> (0, 0, 0, 0)>
#map2 = affine_map<(d0, d1) -> (0, 0, 0)>
module attributes {stable_mosaic.version = 14 : i64} {
  func.func @spmm(%arg0: i32, %arg1: i32, %arg2: memref<10000x128xf32, #tpu.memory_space<hbm>>, %arg3: memref<2x16x79x128xi32, #tpu.memory_space<hbm>>, %arg4: memref<2x16x79x128xi32, #tpu.memory_space<hbm>>, %arg5: memref<2x16x79x128xf32, #tpu.memory_space<hbm>>, %arg6: memref<2x10240x128xf32, #tpu.memory_space<hbm>>, %arg7: memref<79x128xi32, #tpu.memory_space<vmem>>, %arg8: memref<79x128xi32, #tpu.memory_space<vmem>>, %arg9: memref<79x128xf32, #tpu.memory_space<vmem>>, %arg10: memref<128x128xf32, #tpu.memory_space<vmem>>, %arg11: memref<10240x128xf32, #tpu.memory_space<vmem_shared>>, %arg12: memref<!tpu.dma_semaphore, #tpu.memory_space<semaphore_mem>>) attributes {dimension_semantics = [#tpu.dimension_semantics<core_parallel>, #tpu.dimension_semantics<subcore_parallel>], iteration_bounds = array<i64: 2, 16>, scalar_prefetch = 0 : i64, scratch_operands = 6 : i64, tpu.core_type = #tpu.core_type<sc_vector_subcore>, window_params = [{transform_indices = #map}, {transform_indices = #map1}, {transform_indices = #map1}, {transform_indices = #map1}, {transform_indices = #map2}]} {
    "tpu.region"() ({
      %run_scoped3A = tpu.sem_alloc : memref<!tpu.dma_semaphore, #tpu.memory_space<semaphore_mem>>
      %dma_start3A = arith.constant 0 : i32
      %dma_start3A_43 = arith.constant 0 : i32
      %dma_start3A_44 = tpu.memref_slice %arg3[%arg0, %arg1, %dma_start3A, %dma_start3A_43] : memref<2x16x79x128xi32, #tpu.memory_space<hbm>> -> memref<1x1x79x128xi32, #tpu.memory_space<hbm>>
      %dma_start3A_45 = tpu.memref_squeeze %dma_start3A_44 : memref<1x1x79x128xi32, #tpu.memory_space<hbm>> -> memref<79x128xi32, #tpu.memory_space<hbm>>
      %dma_start3A_46 = arith.constant 0 : i32
      %dma_start3A_47 = arith.constant 0 : i32
      %dma_start3A_48 = tpu.memref_slice %arg3[%arg0, %arg1, %dma_start3A_46, %dma_start3A_47] : memref<2x16x79x128xi32, #tpu.memory_space<hbm>> -> memref<1x1x79x128xi32, #tpu.memory_space<hbm>>
      %dma_start3A_49 = tpu.memref_squeeze %dma_start3A_48 : memref<1x1x79x128xi32, #tpu.memory_space<hbm>> -> memref<79x128xi32, #tpu.memory_space<hbm>>
      tpu.enqueue_dma source(%dma_start3A_49 : memref<79x128xi32, #tpu.memory_space<hbm>>) target(%arg7 : memref<79x128xi32, #tpu.memory_space<vmem>>) target_semaphore(%run_scoped3A : memref<!tpu.dma_semaphore, #tpu.memory_space<semaphore_mem>>)
      %dma_wait3A = arith.constant 0 : i32
      %dma_wait3A_50 = arith.constant 0 : i32
      %dma_wait3A_51 = tpu.memref_slice %arg3[%arg0, %arg1, %dma_wait3A, %dma_wait3A_50] : memref<2x16x79x128xi32, #tpu.memory_space<hbm>> -> memref<1x1x79x128xi32, #tpu.memory_space<hbm>>
      %dma_wait3A_52 = tpu.memref_squeeze %dma_wait3A_51 : memref<1x1x79x128xi32, #tpu.memory_space<hbm>> -> memref<79x128xi32, #tpu.memory_space<hbm>>
      %dma_wait3A_53 = arith.constant 0 : i32
      %dma_wait3A_54 = arith.constant 0 : i32
      %dma_wait3A_55 = tpu.memref_slice %arg3[%arg0, %arg1, %dma_wait3A_53, %dma_wait3A_54] : memref<2x16x79x128xi32, #tpu.memory_space<hbm>> -> memref<1x1x79x128xi32, #tpu.memory_space<hbm>>
      %dma_wait3A_56 = tpu.memref_squeeze %dma_wait3A_55 : memref<1x1x79x128xi32, #tpu.memory_space<hbm>> -> memref<79x128xi32, #tpu.memory_space<hbm>>
      tpu.wait_dma2 semaphore(%run_scoped3A : memref<!tpu.dma_semaphore, #tpu.memory_space<semaphore_mem>>) src(%dma_wait3A_56 : memref<79x128xi32, #tpu.memory_space<hbm>>) dst(%arg7 : memref<79x128xi32, #tpu.memory_space<vmem>>)
      tpu.yield
    }) : () -> ()
    "tpu.region"() ({
      %run_scoped3A = tpu.sem_alloc : memref<!tpu.dma_semaphore, #tpu.memory_space<semaphore_mem>>
      %dma_start3A = arith.constant 0 : i32
      %dma_start3A_43 = arith.constant 0 : i32
      %dma_start3A_44 = tpu.memref_slice %arg4[%arg0, %arg1, %dma_start3A, %dma_start3A_43] : memref<2x16x79x128xi32, #tpu.memory_space<hbm>> -> memref<1x1x79x128xi32, #tpu.memory_space<hbm>>
      %dma_start3A_45 = tpu.memref_squeeze %dma_start3A_44 : memref<1x1x79x128xi32, #tpu.memory_space<hbm>> -> memref<79x128xi32, #tpu.memory_space<hbm>>
      %dma_start3A_46 = arith.constant 0 : i32
      %dma_start3A_47 = arith.constant 0 : i32
      %dma_start3A_48 = tpu.memref_slice %arg4[%arg0, %arg1, %dma_start3A_46, %dma_start3A_47] : memref<2x16x79x128xi32, #tpu.memory_space<hbm>> -> memref<1x1x79x128xi32, #tpu.memory_space<hbm>>
      %dma_start3A_49 = tpu.memref_squeeze %dma_start3A_48 : memref<1x1x79x128xi32, #tpu.memory_space<hbm>> -> memref<79x128xi32, #tpu.memory_space<hbm>>
      tpu.enqueue_dma source(%dma_start3A_49 : memref<79x128xi32, #tpu.memory_space<hbm>>) target(%arg8 : memref<79x128xi32, #tpu.memory_space<vmem>>) target_semaphore(%run_scoped3A : memref<!tpu.dma_semaphore, #tpu.memory_space<semaphore_mem>>)
      %dma_wait3A = arith.constant 0 : i32
      %dma_wait3A_50 = arith.constant 0 : i32
      %dma_wait3A_51 = tpu.memref_slice %arg4[%arg0, %arg1, %dma_wait3A, %dma_wait3A_50] : memref<2x16x79x128xi32, #tpu.memory_space<hbm>> -> memref<1x1x79x128xi32, #tpu.memory_space<hbm>>
      %dma_wait3A_52 = tpu.memref_squeeze %dma_wait3A_51 : memref<1x1x79x128xi32, #tpu.memory_space<hbm>> -> memref<79x128xi32, #tpu.memory_space<hbm>>
      %dma_wait3A_53 = arith.constant 0 : i32
      %dma_wait3A_54 = arith.constant 0 : i32
      %dma_wait3A_55 = tpu.memref_slice %arg4[%arg0, %arg1, %dma_wait3A_53, %dma_wait3A_54] : memref<2x16x79x128xi32, #tpu.memory_space<hbm>> -> memref<1x1x79x128xi32, #tpu.memory_space<hbm>>
      %dma_wait3A_56 = tpu.memref_squeeze %dma_wait3A_55 : memref<1x1x79x128xi32, #tpu.memory_space<hbm>> -> memref<79x128xi32, #tpu.memory_space<hbm>>
      tpu.wait_dma2 semaphore(%run_scoped3A : memref<!tpu.dma_semaphore, #tpu.memory_space<semaphore_mem>>) src(%dma_wait3A_56 : memref<79x128xi32, #tpu.memory_space<hbm>>) dst(%arg8 : memref<79x128xi32, #tpu.memory_space<vmem>>)
      tpu.yield
    }) : () -> ()
    "tpu.region"() ({
      %run_scoped3A = tpu.sem_alloc : memref<!tpu.dma_semaphore, #tpu.memory_space<semaphore_mem>>
      %dma_start3A = arith.constant 0 : i32
      %dma_start3A_43 = arith.constant 0 : i32
      %dma_start3A_44 = tpu.memref_slice %arg5[%arg0, %arg1, %dma_start3A, %dma_start3A_43] : memref<2x16x79x128xf32, #tpu.memory_space<hbm>> -> memref<1x1x79x128xf32, #tpu.memory_space<hbm>>
      %dma_start3A_45 = tpu.memref_squeeze %dma_start3A_44 : memref<1x1x79x128xf32, #tpu.memory_space<hbm>> -> memref<79x128xf32, #tpu.memory_space<hbm>>
      %dma_start3A_46 = arith.constant 0 : i32
      %dma_start3A_47 = arith.constant 0 : i32
      %dma_start3A_48 = tpu.memref_slice %arg5[%arg0, %arg1, %dma_start3A_46, %dma_start3A_47] : memref<2x16x79x128xf32, #tpu.memory_space<hbm>> -> memref<1x1x79x128xf32, #tpu.memory_space<hbm>>
      %dma_start3A_49 = tpu.memref_squeeze %dma_start3A_48 : memref<1x1x79x128xf32, #tpu.memory_space<hbm>> -> memref<79x128xf32, #tpu.memory_space<hbm>>
      tpu.enqueue_dma source(%dma_start3A_49 : memref<79x128xf32, #tpu.memory_space<hbm>>) target(%arg9 : memref<79x128xf32, #tpu.memory_space<vmem>>) target_semaphore(%run_scoped3A : memref<!tpu.dma_semaphore, #tpu.memory_space<semaphore_mem>>)
      %dma_wait3A = arith.constant 0 : i32
      %dma_wait3A_50 = arith.constant 0 : i32
      %dma_wait3A_51 = tpu.memref_slice %arg5[%arg0, %arg1, %dma_wait3A, %dma_wait3A_50] : memref<2x16x79x128xf32, #tpu.memory_space<hbm>> -> memref<1x1x79x128xf32, #tpu.memory_space<hbm>>
      %dma_wait3A_52 = tpu.memref_squeeze %dma_wait3A_51 : memref<1x1x79x128xf32, #tpu.memory_space<hbm>> -> memref<79x128xf32, #tpu.memory_space<hbm>>
      %dma_wait3A_53 = arith.constant 0 : i32
      %dma_wait3A_54 = arith.constant 0 : i32
      %dma_wait3A_55 = tpu.memref_slice %arg5[%arg0, %arg1, %dma_wait3A_53, %dma_wait3A_54] : memref<2x16x79x128xf32, #tpu.memory_space<hbm>> -> memref<1x1x79x128xf32, #tpu.memory_space<hbm>>
      %dma_wait3A_56 = tpu.memref_squeeze %dma_wait3A_55 : memref<1x1x79x128xf32, #tpu.memory_space<hbm>> -> memref<79x128xf32, #tpu.memory_space<hbm>>
      tpu.wait_dma2 semaphore(%run_scoped3A : memref<!tpu.dma_semaphore, #tpu.memory_space<semaphore_mem>>) src(%dma_wait3A_56 : memref<79x128xf32, #tpu.memory_space<hbm>>) dst(%arg9 : memref<79x128xf32, #tpu.memory_space<vmem>>)
      tpu.yield
    }) : () -> ()
    %broadcast_in_dim3A = arith.constant 0.000000e+00 : f32
    %broadcast_in_dim3A_0 = vector.broadcast %broadcast_in_dim3A : f32 to vector<16xf32>
    %scan3A = arith.constant 0 : i32
    %scan3A_1 = arith.constant 0 : i32
    %scan3A_2 = arith.constant 128 : i32
    %scan3A_3 = arith.addi %scan3A_1, %scan3A_2 : i32
    %scan3A_4 = arith.constant 1 : i32
    scf.for %scan3A_43 = %scan3A_1 to %scan3A_3 step %scan3A_4  : i32 {
      %swap3A = arith.index_cast %scan3A_43 : i32 to index
      %swap3A_44 = arith.constant 0 : index
      %swap3A_45 = tpu.vector_load %arg10[%swap3A, %swap3A_44] {strides = array<i32>} : memref<128x128xf32, #tpu.memory_space<vmem>>, vector<16xf32>,
      tpu.vector_store %arg10[%swap3A, %swap3A_44], %broadcast_in_dim3A_0 {strides = array<i32>} : memref<128x128xf32, #tpu.memory_space<vmem>>, vector<16xf32>,
      %swap3A_46 = arith.index_cast %scan3A_43 : i32 to index
      %swap3A_47 = arith.constant 16 : index
      %swap3A_48 = tpu.vector_load %arg10[%swap3A_46, %swap3A_47] {strides = array<i32>} : memref<128x128xf32, #tpu.memory_space<vmem>>, vector<16xf32>,
      tpu.vector_store %arg10[%swap3A_46, %swap3A_47], %broadcast_in_dim3A_0 {strides = array<i32>} : memref<128x128xf32, #tpu.memory_space<vmem>>, vector<16xf32>,
      %swap3A_49 = arith.index_cast %scan3A_43 : i32 to index
      %swap3A_50 = arith.constant 32 : index
      %swap3A_51 = tpu.vector_load %arg10[%swap3A_49, %swap3A_50] {strides = array<i32>} : memref<128x128xf32, #tpu.memory_space<vmem>>, vector<16xf32>,
      tpu.vector_store %arg10[%swap3A_49, %swap3A_50], %broadcast_in_dim3A_0 {strides = array<i32>} : memref<128x128xf32, #tpu.memory_space<vmem>>, vector<16xf32>,
      %swap3A_52 = arith.index_cast %scan3A_43 : i32 to index
      %swap3A_53 = arith.constant 48 : index
      %swap3A_54 = tpu.vector_load %arg10[%swap3A_52, %swap3A_53] {strides = array<i32>} : memref<128x128xf32, #tpu.memory_space<vmem>>, vector<16xf32>,
      tpu.vector_store %arg10[%swap3A_52, %swap3A_53], %broadcast_in_dim3A_0 {strides = array<i32>} : memref<128x128xf32, #tpu.memory_space<vmem>>, vector<16xf32>,
      %swap3A_55 = arith.index_cast %scan3A_43 : i32 to index
      %swap3A_56 = arith.constant 64 : index
      %swap3A_57 = tpu.vector_load %arg10[%swap3A_55, %swap3A_56] {strides = array<i32>} : memref<128x128xf32, #tpu.memory_space<vmem>>, vector<16xf32>,
      tpu.vector_store %arg10[%swap3A_55, %swap3A_56], %broadcast_in_dim3A_0 {strides = array<i32>} : memref<128x128xf32, #tpu.memory_space<vmem>>, vector<16xf32>,
      %swap3A_58 = arith.index_cast %scan3A_43 : i32 to index
      %swap3A_59 = arith.constant 80 : index
      %swap3A_60 = tpu.vector_load %arg10[%swap3A_58, %swap3A_59] {strides = array<i32>} : memref<128x128xf32, #tpu.memory_space<vmem>>, vector<16xf32>,
      tpu.vector_store %arg10[%swap3A_58, %swap3A_59], %broadcast_in_dim3A_0 {strides = array<i32>} : memref<128x128xf32, #tpu.memory_space<vmem>>, vector<16xf32>,
      %swap3A_61 = arith.index_cast %scan3A_43 : i32 to index
      %swap3A_62 = arith.constant 96 : index
      %swap3A_63 = tpu.vector_load %arg10[%swap3A_61, %swap3A_62] {strides = array<i32>} : memref<128x128xf32, #tpu.memory_space<vmem>>, vector<16xf32>,
      tpu.vector_store %arg10[%swap3A_61, %swap3A_62], %broadcast_in_dim3A_0 {strides = array<i32>} : memref<128x128xf32, #tpu.memory_space<vmem>>, vector<16xf32>,
      %swap3A_64 = arith.index_cast %scan3A_43 : i32 to index
      %swap3A_65 = arith.constant 112 : index
      %swap3A_66 = tpu.vector_load %arg10[%swap3A_64, %swap3A_65] {strides = array<i32>} : memref<128x128xf32, #tpu.memory_space<vmem>>, vector<16xf32>,
      tpu.vector_store %arg10[%swap3A_64, %swap3A_65], %broadcast_in_dim3A_0 {strides = array<i32>} : memref<128x128xf32, #tpu.memory_space<vmem>>, vector<16xf32>,
    }
    %scan3A_5 = arith.constant 128 : i32
    %mul3A = arith.constant 640 : i32
    %mul3A_6 = arith.muli %arg1, %mul3A : i32
    %add3A = arith.constant 0 : i32
    %add3A_7 = arith.addi %mul3A_6, %add3A : i32
    "tpu.region"() ({
      %run_scoped3A = tpu.sem_alloc : memref<!tpu.dma_semaphore, #tpu.memory_space<semaphore_mem>>
      %dma_start3A = arith.constant 0 : i32
      %dma_start3A_43 = arith.constant 0 : i32
      %dma_start3A_44 = tpu.memref_slice %arg10[%dma_start3A, %dma_start3A_43] : memref<128x128xf32, #tpu.memory_space<vmem>> -> memref<128x128xf32, #tpu.memory_space<vmem>>
      %dma_start3A_45 = arith.constant 0 : i32
      %dma_start3A_46 = tpu.memref_slice %arg11[%add3A_7, %dma_start3A_45] : memref<10240x128xf32, #tpu.memory_space<vmem_shared>> -> memref<128x128xf32, #tpu.memory_space<vmem_shared>>
      %dma_start3A_47 = arith.constant 0 : i32
      %dma_start3A_48 = tpu.memref_slice %arg11[%add3A_7, %dma_start3A_47] : memref<10240x128xf32, #tpu.memory_space<vmem_shared>> -> memref<128x128xf32, #tpu.memory_space<vmem_shared>>
      %dma_start3A_49 = arith.constant 0 : i32
      %dma_start3A_50 = arith.constant 0 : i32
      %dma_start3A_51 = tpu.memref_slice %arg10[%dma_start3A_49, %dma_start3A_50] : memref<128x128xf32, #tpu.memory_space<vmem>> -> memref<128x128xf32, #tpu.memory_space<vmem>>
      tpu.enqueue_dma source(%dma_start3A_51 : memref<128x128xf32, #tpu.memory_space<vmem>>) target(%dma_start3A_48 : memref<128x128xf32, #tpu.memory_space<vmem_shared>>) target_semaphore(%run_scoped3A : memref<!tpu.dma_semaphore, #tpu.memory_space<semaphore_mem>>)
      %dma_wait3A = arith.constant 0 : i32
      %dma_wait3A_52 = arith.constant 0 : i32
      %dma_wait3A_53 = tpu.memref_slice %arg10[%dma_wait3A, %dma_wait3A_52] : memref<128x128xf32, #tpu.memory_space<vmem>> -> memref<128x128xf32, #tpu.memory_space<vmem>>
      %dma_wait3A_54 = arith.constant 0 : i32
      %dma_wait3A_55 = tpu.memref_slice %arg11[%add3A_7, %dma_wait3A_54] : memref<10240x128xf32, #tpu.memory_space<vmem_shared>> -> memref<128x128xf32, #tpu.memory_space<vmem_shared>>
      %dma_wait3A_56 = arith.constant 0 : i32
      %dma_wait3A_57 = tpu.memref_slice %arg11[%add3A_7, %dma_wait3A_56] : memref<10240x128xf32, #tpu.memory_space<vmem_shared>> -> memref<128x128xf32, #tpu.memory_space<vmem_shared>>
      %dma_wait3A_58 = arith.constant 0 : i32
      %dma_wait3A_59 = arith.constant 0 : i32
      %dma_wait3A_60 = tpu.memref_slice %arg10[%dma_wait3A_58, %dma_wait3A_59] : memref<128x128xf32, #tpu.memory_space<vmem>> -> memref<128x128xf32, #tpu.memory_space<vmem>>
      tpu.wait_dma2 semaphore(%run_scoped3A : memref<!tpu.dma_semaphore, #tpu.memory_space<semaphore_mem>>) src(%dma_wait3A_60 : memref<128x128xf32, #tpu.memory_space<vmem>>) dst(%dma_wait3A_57 : memref<128x128xf32, #tpu.memory_space<vmem_shared>>)
      tpu.yield
    }) : () -> ()
    %add3A_8 = arith.constant 128 : i32
    %add3A_9 = arith.addi %mul3A_6, %add3A_8 : i32
    "tpu.region"() ({
      %run_scoped3A = tpu.sem_alloc : memref<!tpu.dma_semaphore, #tpu.memory_space<semaphore_mem>>
      %dma_start3A = arith.constant 0 : i32
      %dma_start3A_43 = arith.constant 0 : i32
      %dma_start3A_44 = tpu.memref_slice %arg10[%dma_start3A, %dma_start3A_43] : memref<128x128xf32, #tpu.memory_space<vmem>> -> memref<128x128xf32, #tpu.memory_space<vmem>>
      %dma_start3A_45 = arith.constant 0 : i32
      %dma_start3A_46 = tpu.memref_slice %arg11[%add3A_9, %dma_start3A_45] : memref<10240x128xf32, #tpu.memory_space<vmem_shared>> -> memref<128x128xf32, #tpu.memory_space<vmem_shared>>
      %dma_start3A_47 = arith.constant 0 : i32
      %dma_start3A_48 = tpu.memref_slice %arg11[%add3A_9, %dma_start3A_47] : memref<10240x128xf32, #tpu.memory_space<vmem_shared>> -> memref<128x128xf32, #tpu.memory_space<vmem_shared>>
      %dma_start3A_49 = arith.constant 0 : i32
      %dma_start3A_50 = arith.constant 0 : i32
      %dma_start3A_51 = tpu.memref_slice %arg10[%dma_start3A_49, %dma_start3A_50] : memref<128x128xf32, #tpu.memory_space<vmem>> -> memref<128x128xf32, #tpu.memory_space<vmem>>
      tpu.enqueue_dma source(%dma_start3A_51 : memref<128x128xf32, #tpu.memory_space<vmem>>) target(%dma_start3A_48 : memref<128x128xf32, #tpu.memory_space<vmem_shared>>) target_semaphore(%run_scoped3A : memref<!tpu.dma_semaphore, #tpu.memory_space<semaphore_mem>>)
      %dma_wait3A = arith.constant 0 : i32
      %dma_wait3A_52 = arith.constant 0 : i32
      %dma_wait3A_53 = tpu.memref_slice %arg10[%dma_wait3A, %dma_wait3A_52] : memref<128x128xf32, #tpu.memory_space<vmem>> -> memref<128x128xf32, #tpu.memory_space<vmem>>
      %dma_wait3A_54 = arith.constant 0 : i32
      %dma_wait3A_55 = tpu.memref_slice %arg11[%add3A_9, %dma_wait3A_54] : memref<10240x128xf32, #tpu.memory_space<vmem_shared>> -> memref<128x128xf32, #tpu.memory_space<vmem_shared>>
      %dma_wait3A_56 = arith.constant 0 : i32
      %dma_wait3A_57 = tpu.memref_slice %arg11[%add3A_9, %dma_wait3A_56] : memref<10240x128xf32, #tpu.memory_space<vmem_shared>> -> memref<128x128xf32, #tpu.memory_space<vmem_shared>>
      %dma_wait3A_58 = arith.constant 0 : i32
      %dma_wait3A_59 = arith.constant 0 : i32
      %dma_wait3A_60 = tpu.memref_slice %arg10[%dma_wait3A_58, %dma_wait3A_59] : memref<128x128xf32, #tpu.memory_space<vmem>> -> memref<128x128xf32, #tpu.memory_space<vmem>>
      tpu.wait_dma2 semaphore(%run_scoped3A : memref<!tpu.dma_semaphore, #tpu.memory_space<semaphore_mem>>) src(%dma_wait3A_60 : memref<128x128xf32, #tpu.memory_space<vmem>>) dst(%dma_wait3A_57 : memref<128x128xf32, #tpu.memory_space<vmem_shared>>)
      tpu.yield
    }) : () -> ()
    %add3A_10 = arith.constant 256 : i32
    %add3A_11 = arith.addi %mul3A_6, %add3A_10 : i32
    "tpu.region"() ({
      %run_scoped3A = tpu.sem_alloc : memref<!tpu.dma_semaphore, #tpu.memory_space<semaphore_mem>>
      %dma_start3A = arith.constant 0 : i32
      %dma_start3A_43 = arith.constant 0 : i32
      %dma_start3A_44 = tpu.memref_slice %arg10[%dma_start3A, %dma_start3A_43] : memref<128x128xf32, #tpu.memory_space<vmem>> -> memref<128x128xf32, #tpu.memory_space<vmem>>
      %dma_start3A_45 = arith.constant 0 : i32
      %dma_start3A_46 = tpu.memref_slice %arg11[%add3A_11, %dma_start3A_45] : memref<10240x128xf32, #tpu.memory_space<vmem_shared>> -> memref<128x128xf32, #tpu.memory_space<vmem_shared>>
      %dma_start3A_47 = arith.constant 0 : i32
      %dma_start3A_48 = tpu.memref_slice %arg11[%add3A_11, %dma_start3A_47] : memref<10240x128xf32, #tpu.memory_space<vmem_shared>> -> memref<128x128xf32, #tpu.memory_space<vmem_shared>>
      %dma_start3A_49 = arith.constant 0 : i32
      %dma_start3A_50 = arith.constant 0 : i32
      %dma_start3A_51 = tpu.memref_slice %arg10[%dma_start3A_49, %dma_start3A_50] : memref<128x128xf32, #tpu.memory_space<vmem>> -> memref<128x128xf32, #tpu.memory_space<vmem>>
      tpu.enqueue_dma source(%dma_start3A_51 : memref<128x128xf32, #tpu.memory_space<vmem>>) target(%dma_start3A_48 : memref<128x128xf32, #tpu.memory_space<vmem_shared>>) target_semaphore(%run_scoped3A : memref<!tpu.dma_semaphore, #tpu.memory_space<semaphore_mem>>)
      %dma_wait3A = arith.constant 0 : i32
      %dma_wait3A_52 = arith.constant 0 : i32
      %dma_wait3A_53 = tpu.memref_slice %arg10[%dma_wait3A, %dma_wait3A_52] : memref<128x128xf32, #tpu.memory_space<vmem>> -> memref<128x128xf32, #tpu.memory_space<vmem>>
      %dma_wait3A_54 = arith.constant 0 : i32
      %dma_wait3A_55 = tpu.memref_slice %arg11[%add3A_11, %dma_wait3A_54] : memref<10240x128xf32, #tpu.memory_space<vmem_shared>> -> memref<128x128xf32, #tpu.memory_space<vmem_shared>>
      %dma_wait3A_56 = arith.constant 0 : i32
      %dma_wait3A_57 = tpu.memref_slice %arg11[%add3A_11, %dma_wait3A_56] : memref<10240x128xf32, #tpu.memory_space<vmem_shared>> -> memref<128x128xf32, #tpu.memory_space<vmem_shared>>
      %dma_wait3A_58 = arith.constant 0 : i32
      %dma_wait3A_59 = arith.constant 0 : i32
      %dma_wait3A_60 = tpu.memref_slice %arg10[%dma_wait3A_58, %dma_wait3A_59] : memref<128x128xf32, #tpu.memory_space<vmem>> -> memref<128x128xf32, #tpu.memory_space<vmem>>
      tpu.wait_dma2 semaphore(%run_scoped3A : memref<!tpu.dma_semaphore, #tpu.memory_space<semaphore_mem>>) src(%dma_wait3A_60 : memref<128x128xf32, #tpu.memory_space<vmem>>) dst(%dma_wait3A_57 : memref<128x128xf32, #tpu.memory_space<vmem_shared>>)
      tpu.yield
    }) : () -> ()
    %add3A_12 = arith.constant 384 : i32
    %add3A_13 = arith.addi %mul3A_6, %add3A_12 : i32
    "tpu.region"() ({
      %run_scoped3A = tpu.sem_alloc : memref<!tpu.dma_semaphore, #tpu.memory_space<semaphore_mem>>
      %dma_start3A = arith.constant 0 : i32
      %dma_start3A_43 = arith.constant 0 : i32
      %dma_start3A_44 = tpu.memref_slice %arg10[%dma_start3A, %dma_start3A_43] : memref<128x128xf32, #tpu.memory_space<vmem>> -> memref<128x128xf32, #tpu.memory_space<vmem>>
      %dma_start3A_45 = arith.constant 0 : i32
      %dma_start3A_46 = tpu.memref_slice %arg11[%add3A_13, %dma_start3A_45] : memref<10240x128xf32, #tpu.memory_space<vmem_shared>> -> memref<128x128xf32, #tpu.memory_space<vmem_shared>>
      %dma_start3A_47 = arith.constant 0 : i32
      %dma_start3A_48 = tpu.memref_slice %arg11[%add3A_13, %dma_start3A_47] : memref<10240x128xf32, #tpu.memory_space<vmem_shared>> -> memref<128x128xf32, #tpu.memory_space<vmem_shared>>
      %dma_start3A_49 = arith.constant 0 : i32
      %dma_start3A_50 = arith.constant 0 : i32
      %dma_start3A_51 = tpu.memref_slice %arg10[%dma_start3A_49, %dma_start3A_50] : memref<128x128xf32, #tpu.memory_space<vmem>> -> memref<128x128xf32, #tpu.memory_space<vmem>>
      tpu.enqueue_dma source(%dma_start3A_51 : memref<128x128xf32, #tpu.memory_space<vmem>>) target(%dma_start3A_48 : memref<128x128xf32, #tpu.memory_space<vmem_shared>>) target_semaphore(%run_scoped3A : memref<!tpu.dma_semaphore, #tpu.memory_space<semaphore_mem>>)
      %dma_wait3A = arith.constant 0 : i32
      %dma_wait3A_52 = arith.constant 0 : i32
      %dma_wait3A_53 = tpu.memref_slice %arg10[%dma_wait3A, %dma_wait3A_52] : memref<128x128xf32, #tpu.memory_space<vmem>> -> memref<128x128xf32, #tpu.memory_space<vmem>>
      %dma_wait3A_54 = arith.constant 0 : i32
      %dma_wait3A_55 = tpu.memref_slice %arg11[%add3A_13, %dma_wait3A_54] : memref<10240x128xf32, #tpu.memory_space<vmem_shared>> -> memref<128x128xf32, #tpu.memory_space<vmem_shared>>
      %dma_wait3A_56 = arith.constant 0 : i32
      %dma_wait3A_57 = tpu.memref_slice %arg11[%add3A_13, %dma_wait3A_56] : memref<10240x128xf32, #tpu.memory_space<vmem_shared>> -> memref<128x128xf32, #tpu.memory_space<vmem_shared>>
      %dma_wait3A_58 = arith.constant 0 : i32
      %dma_wait3A_59 = arith.constant 0 : i32
      %dma_wait3A_60 = tpu.memref_slice %arg10[%dma_wait3A_58, %dma_wait3A_59] : memref<128x128xf32, #tpu.memory_space<vmem>> -> memref<128x128xf32, #tpu.memory_space<vmem>>
      tpu.wait_dma2 semaphore(%run_scoped3A : memref<!tpu.dma_semaphore, #tpu.memory_space<semaphore_mem>>) src(%dma_wait3A_60 : memref<128x128xf32, #tpu.memory_space<vmem>>) dst(%dma_wait3A_57 : memref<128x128xf32, #tpu.memory_space<vmem_shared>>)
      tpu.yield
    }) : () -> ()
    %add3A_14 = arith.constant 512 : i32
    %add3A_15 = arith.addi %mul3A_6, %add3A_14 : i32
    "tpu.region"() ({
      %run_scoped3A = tpu.sem_alloc : memref<!tpu.dma_semaphore, #tpu.memory_space<semaphore_mem>>
      %dma_start3A = arith.constant 0 : i32
      %dma_start3A_43 = arith.constant 0 : i32
      %dma_start3A_44 = tpu.memref_slice %arg10[%dma_start3A, %dma_start3A_43] : memref<128x128xf32, #tpu.memory_space<vmem>> -> memref<128x128xf32, #tpu.memory_space<vmem>>
      %dma_start3A_45 = arith.constant 0 : i32
      %dma_start3A_46 = tpu.memref_slice %arg11[%add3A_15, %dma_start3A_45] : memref<10240x128xf32, #tpu.memory_space<vmem_shared>> -> memref<128x128xf32, #tpu.memory_space<vmem_shared>>
      %dma_start3A_47 = arith.constant 0 : i32
      %dma_start3A_48 = tpu.memref_slice %arg11[%add3A_15, %dma_start3A_47] : memref<10240x128xf32, #tpu.memory_space<vmem_shared>> -> memref<128x128xf32, #tpu.memory_space<vmem_shared>>
      %dma_start3A_49 = arith.constant 0 : i32
      %dma_start3A_50 = arith.constant 0 : i32
      %dma_start3A_51 = tpu.memref_slice %arg10[%dma_start3A_49, %dma_start3A_50] : memref<128x128xf32, #tpu.memory_space<vmem>> -> memref<128x128xf32, #tpu.memory_space<vmem>>
      tpu.enqueue_dma source(%dma_start3A_51 : memref<128x128xf32, #tpu.memory_space<vmem>>) target(%dma_start3A_48 : memref<128x128xf32, #tpu.memory_space<vmem_shared>>) target_semaphore(%run_scoped3A : memref<!tpu.dma_semaphore, #tpu.memory_space<semaphore_mem>>)
      %dma_wait3A = arith.constant 0 : i32
      %dma_wait3A_52 = arith.constant 0 : i32
      %dma_wait3A_53 = tpu.memref_slice %arg10[%dma_wait3A, %dma_wait3A_52] : memref<128x128xf32, #tpu.memory_space<vmem>> -> memref<128x128xf32, #tpu.memory_space<vmem>>
      %dma_wait3A_54 = arith.constant 0 : i32
      %dma_wait3A_55 = tpu.memref_slice %arg11[%add3A_15, %dma_wait3A_54] : memref<10240x128xf32, #tpu.memory_space<vmem_shared>> -> memref<128x128xf32, #tpu.memory_space<vmem_shared>>
      %dma_wait3A_56 = arith.constant 0 : i32
      %dma_wait3A_57 = tpu.memref_slice %arg11[%add3A_15, %dma_wait3A_56] : memref<10240x128xf32, #tpu.memory_space<vmem_shared>> -> memref<128x128xf32, #tpu.memory_space<vmem_shared>>
      %dma_wait3A_58 = arith.constant 0 : i32
      %dma_wait3A_59 = arith.constant 0 : i32
      %dma_wait3A_60 = tpu.memref_slice %arg10[%dma_wait3A_58, %dma_wait3A_59] : memref<128x128xf32, #tpu.memory_space<vmem>> -> memref<128x128xf32, #tpu.memory_space<vmem>>
      tpu.wait_dma2 semaphore(%run_scoped3A : memref<!tpu.dma_semaphore, #tpu.memory_space<semaphore_mem>>) src(%dma_wait3A_60 : memref<128x128xf32, #tpu.memory_space<vmem>>) dst(%dma_wait3A_57 : memref<128x128xf32, #tpu.memory_space<vmem_shared>>)
      tpu.yield
    }) : () -> ()
    %barrier3A = arith.constant 0 : index
    tpu.barrier barrier_id(%barrier3A)
    %scan3A_16 = arith.constant 0 : i32
    %scan3A_17 = arith.constant 0 : i32
    %scan3A_18 = arith.constant 79 : i32
    %scan3A_19 = arith.addi %scan3A_17, %scan3A_18 : i32
    %scan3A_20 = arith.constant 1 : i32
    scf.for %scan3A_43 = %scan3A_17 to %scan3A_19 step %scan3A_20  : i32 {
      %dma_start3A = arith.constant 0 : i32
      %dma_start3A_44 = tpu.memref_slice %arg7[%scan3A_43, %dma_start3A] : memref<79x128xi32, #tpu.memory_space<vmem>> -> memref<1x128xi32, #tpu.memory_space<vmem>>
      %dma_start3A_45 = tpu.memref_squeeze %dma_start3A_44 : memref<1x128xi32, #tpu.memory_space<vmem>> -> memref<128xi32, #tpu.memory_space<vmem>>
      %dma_start3A_46 = arith.constant 0 : i32
      %dma_start3A_47 = arith.constant 0 : i32
      %dma_start3A_48 = tpu.memref_slice %arg2[%dma_start3A_46, %dma_start3A_47] : memref<10000x128xf32, #tpu.memory_space<hbm>> -> memref<10000x128xf32, #tpu.memory_space<hbm>>
      tpu.enqueue_indirect_dma source(%dma_start3A_48 : memref<10000x128xf32, #tpu.memory_space<hbm>>) target(%arg10 : memref<128x128xf32, #tpu.memory_space<vmem>>) offsets(%dma_start3A_45 : memref<128xi32, #tpu.memory_space<vmem>>) semaphore(%arg12 : memref<!tpu.dma_semaphore, #tpu.memory_space<semaphore_mem>>)
      %dma_wait3A = arith.constant 0 : i32
      %dma_wait3A_49 = tpu.memref_slice %arg7[%scan3A_43, %dma_wait3A] : memref<79x128xi32, #tpu.memory_space<vmem>> -> memref<1x128xi32, #tpu.memory_space<vmem>>
      %dma_wait3A_50 = tpu.memref_squeeze %dma_wait3A_49 : memref<1x128xi32, #tpu.memory_space<vmem>> -> memref<128xi32, #tpu.memory_space<vmem>>
      %dma_wait3A_51 = arith.constant 0 : i32
      %dma_wait3A_52 = arith.constant 0 : i32
      %dma_wait3A_53 = tpu.memref_slice %arg2[%dma_wait3A_51, %dma_wait3A_52] : memref<10000x128xf32, #tpu.memory_space<hbm>> -> memref<10000x128xf32, #tpu.memory_space<hbm>>
      tpu.wait_indirect_dma semaphore(%arg12 : memref<!tpu.dma_semaphore, #tpu.memory_space<semaphore_mem>>) src(%dma_wait3A_53 : memref<10000x128xf32, #tpu.memory_space<hbm>>) dst(%arg10 : memref<128x128xf32, #tpu.memory_space<vmem>>)
      %scan3A_54 = arith.constant 0 : i32
      %scan3A_55 = arith.constant 0 : i32
      %scan3A_56 = arith.constant 128 : i32
      %scan3A_57 = arith.addi %scan3A_55, %scan3A_56 : i32
      %scan3A_58 = arith.constant 1 : i32
      scf.for %scan3A_60 = %scan3A_55 to %scan3A_57 step %scan3A_58  : i32 {
        %broadcast_in_dim3A_61 = vector.broadcast %scan3A_43 : i32 to vector<16xi32>
        %broadcast_in_dim3A_62 = vector.broadcast %scan3A_60 : i32 to vector<16xi32>
        %gather3A = tpu.vector_load_idx %arg9[%broadcast_in_dim3A_61, %broadcast_in_dim3A_62] : memref<79x128xf32, #tpu.memory_space<vmem>>[vector<16xi32>, vector<16xi32>], vector<16xf32>,
        %get3A = arith.index_cast %scan3A_60 : i32 to index
        %get3A_63 = arith.constant 0 : index
        %get3A_64 = tpu.vector_load %arg10[%get3A, %get3A_63] {strides = array<i32>} : memref<128x128xf32, #tpu.memory_space<vmem>>, vector<16xf32>,
        %mul3A_65 = arith.mulf %get3A_64, %gather3A : vector<16xf32>
        %swap3A = arith.index_cast %scan3A_60 : i32 to index
        %swap3A_66 = arith.constant 0 : index
        %swap3A_67 = tpu.vector_load %arg10[%swap3A, %swap3A_66] {strides = array<i32>} : memref<128x128xf32, #tpu.memory_space<vmem>>, vector<16xf32>,
        tpu.vector_store %arg10[%swap3A, %swap3A_66], %mul3A_65 {strides = array<i32>} : memref<128x128xf32, #tpu.memory_space<vmem>>, vector<16xf32>,
        %get3A_68 = arith.index_cast %scan3A_60 : i32 to index
        %get3A_69 = arith.constant 16 : index
        %get3A_70 = tpu.vector_load %arg10[%get3A_68, %get3A_69] {strides = array<i32>} : memref<128x128xf32, #tpu.memory_space<vmem>>, vector<16xf32>,
        %mul3A_71 = arith.mulf %get3A_70, %gather3A : vector<16xf32>
        %swap3A_72 = arith.index_cast %scan3A_60 : i32 to index
        %swap3A_73 = arith.constant 16 : index
        %swap3A_74 = tpu.vector_load %arg10[%swap3A_72, %swap3A_73] {strides = array<i32>} : memref<128x128xf32, #tpu.memory_space<vmem>>, vector<16xf32>,
        tpu.vector_store %arg10[%swap3A_72, %swap3A_73], %mul3A_71 {strides = array<i32>} : memref<128x128xf32, #tpu.memory_space<vmem>>, vector<16xf32>,
        %get3A_75 = arith.index_cast %scan3A_60 : i32 to index
        %get3A_76 = arith.constant 32 : index
        %get3A_77 = tpu.vector_load %arg10[%get3A_75, %get3A_76] {strides = array<i32>} : memref<128x128xf32, #tpu.memory_space<vmem>>, vector<16xf32>,
        %mul3A_78 = arith.mulf %get3A_77, %gather3A : vector<16xf32>
        %swap3A_79 = arith.index_cast %scan3A_60 : i32 to index
        %swap3A_80 = arith.constant 32 : index
        %swap3A_81 = tpu.vector_load %arg10[%swap3A_79, %swap3A_80] {strides = array<i32>} : memref<128x128xf32, #tpu.memory_space<vmem>>, vector<16xf32>,
        tpu.vector_store %arg10[%swap3A_79, %swap3A_80], %mul3A_78 {strides = array<i32>} : memref<128x128xf32, #tpu.memory_space<vmem>>, vector<16xf32>,
        %get3A_82 = arith.index_cast %scan3A_60 : i32 to index
        %get3A_83 = arith.constant 48 : index
        %get3A_84 = tpu.vector_load %arg10[%get3A_82, %get3A_83] {strides = array<i32>} : memref<128x128xf32, #tpu.memory_space<vmem>>, vector<16xf32>,
        %mul3A_85 = arith.mulf %get3A_84, %gather3A : vector<16xf32>
        %swap3A_86 = arith.index_cast %scan3A_60 : i32 to index
        %swap3A_87 = arith.constant 48 : index
        %swap3A_88 = tpu.vector_load %arg10[%swap3A_86, %swap3A_87] {strides = array<i32>} : memref<128x128xf32, #tpu.memory_space<vmem>>, vector<16xf32>,
        tpu.vector_store %arg10[%swap3A_86, %swap3A_87], %mul3A_85 {strides = array<i32>} : memref<128x128xf32, #tpu.memory_space<vmem>>, vector<16xf32>,
        %get3A_89 = arith.index_cast %scan3A_60 : i32 to index
        %get3A_90 = arith.constant 64 : index
        %get3A_91 = tpu.vector_load %arg10[%get3A_89, %get3A_90] {strides = array<i32>} : memref<128x128xf32, #tpu.memory_space<vmem>>, vector<16xf32>,
        %mul3A_92 = arith.mulf %get3A_91, %gather3A : vector<16xf32>
        %swap3A_93 = arith.index_cast %scan3A_60 : i32 to index
        %swap3A_94 = arith.constant 64 : index
        %swap3A_95 = tpu.vector_load %arg10[%swap3A_93, %swap3A_94] {strides = array<i32>} : memref<128x128xf32, #tpu.memory_space<vmem>>, vector<16xf32>,
        tpu.vector_store %arg10[%swap3A_93, %swap3A_94], %mul3A_92 {strides = array<i32>} : memref<128x128xf32, #tpu.memory_space<vmem>>, vector<16xf32>,
        %get3A_96 = arith.index_cast %scan3A_60 : i32 to index
        %get3A_97 = arith.constant 80 : index
        %get3A_98 = tpu.vector_load %arg10[%get3A_96, %get3A_97] {strides = array<i32>} : memref<128x128xf32, #tpu.memory_space<vmem>>, vector<16xf32>,
        %mul3A_99 = arith.mulf %get3A_98, %gather3A : vector<16xf32>
        %swap3A_100 = arith.index_cast %scan3A_60 : i32 to index
        %swap3A_101 = arith.constant 80 : index
        %swap3A_102 = tpu.vector_load %arg10[%swap3A_100, %swap3A_101] {strides = array<i32>} : memref<128x128xf32, #tpu.memory_space<vmem>>, vector<16xf32>,
        tpu.vector_store %arg10[%swap3A_100, %swap3A_101], %mul3A_99 {strides = array<i32>} : memref<128x128xf32, #tpu.memory_space<vmem>>, vector<16xf32>,
        %get3A_103 = arith.index_cast %scan3A_60 : i32 to index
        %get3A_104 = arith.constant 96 : index
        %get3A_105 = tpu.vector_load %arg10[%get3A_103, %get3A_104] {strides = array<i32>} : memref<128x128xf32, #tpu.memory_space<vmem>>, vector<16xf32>,
        %mul3A_106 = arith.mulf %get3A_105, %gather3A : vector<16xf32>
        %swap3A_107 = arith.index_cast %scan3A_60 : i32 to index
        %swap3A_108 = arith.constant 96 : index
        %swap3A_109 = tpu.vector_load %arg10[%swap3A_107, %swap3A_108] {strides = array<i32>} : memref<128x128xf32, #tpu.memory_space<vmem>>, vector<16xf32>,
        tpu.vector_store %arg10[%swap3A_107, %swap3A_108], %mul3A_106 {strides = array<i32>} : memref<128x128xf32, #tpu.memory_space<vmem>>, vector<16xf32>,
        %get3A_110 = arith.index_cast %scan3A_60 : i32 to index
        %get3A_111 = arith.constant 112 : index
        %get3A_112 = tpu.vector_load %arg10[%get3A_110, %get3A_111] {strides = array<i32>} : memref<128x128xf32, #tpu.memory_space<vmem>>, vector<16xf32>,
        %mul3A_113 = arith.mulf %get3A_112, %gather3A : vector<16xf32>
        %swap3A_114 = arith.index_cast %scan3A_60 : i32 to index
        %swap3A_115 = arith.constant 112 : index
        %swap3A_116 = tpu.vector_load %arg10[%swap3A_114, %swap3A_115] {strides = array<i32>} : memref<128x128xf32, #tpu.memory_space<vmem>>, vector<16xf32>,
        tpu.vector_store %arg10[%swap3A_114, %swap3A_115], %mul3A_113 {strides = array<i32>} : memref<128x128xf32, #tpu.memory_space<vmem>>, vector<16xf32>,
      }
      %scan3A_59 = arith.constant 128 : i32
      "tpu.region"() ({
        %run_scoped3A = tpu.sem_alloc : memref<!tpu.dma_semaphore, #tpu.memory_space<semaphore_mem>>
        %dma_start3A_60 = arith.constant 0 : i32
        %dma_start3A_61 = tpu.memref_slice %arg8[%scan3A_43, %dma_start3A_60] : memref<79x128xi32, #tpu.memory_space<vmem>> -> memref<1x128xi32, #tpu.memory_space<vmem>>
        %dma_start3A_62 = tpu.memref_squeeze %dma_start3A_61 : memref<1x128xi32, #tpu.memory_space<vmem>> -> memref<128xi32, #tpu.memory_space<vmem>>
        %dma_start3A_63 = arith.constant 0 : i32
        %dma_start3A_64 = arith.constant 0 : i32
        %dma_start3A_65 = tpu.memref_slice %arg11[%dma_start3A_63, %dma_start3A_64] : memref<10240x128xf32, #tpu.memory_space<vmem_shared>> -> memref<10240x128xf32, #tpu.memory_space<vmem_shared>>
        tpu.enqueue_indirect_dma source(%arg10 : memref<128x128xf32, #tpu.memory_space<vmem>>) target(%dma_start3A_65 : memref<10240x128xf32, #tpu.memory_space<vmem_shared>>) offsets(%dma_start3A_62 : memref<128xi32, #tpu.memory_space<vmem>>) semaphore(%run_scoped3A : memref<!tpu.dma_semaphore, #tpu.memory_space<semaphore_mem>>) {add = true}
        %dma_wait3A_66 = arith.constant 0 : i32
        %dma_wait3A_67 = tpu.memref_slice %arg8[%scan3A_43, %dma_wait3A_66] : memref<79x128xi32, #tpu.memory_space<vmem>> -> memref<1x128xi32, #tpu.memory_space<vmem>>
        %dma_wait3A_68 = tpu.memref_squeeze %dma_wait3A_67 : memref<1x128xi32, #tpu.memory_space<vmem>> -> memref<128xi32, #tpu.memory_space<vmem>>
        %dma_wait3A_69 = arith.constant 0 : i32
        %dma_wait3A_70 = arith.constant 0 : i32
        %dma_wait3A_71 = tpu.memref_slice %arg11[%dma_wait3A_69, %dma_wait3A_70] : memref<10240x128xf32, #tpu.memory_space<vmem_shared>> -> memref<10240x128xf32, #tpu.memory_space<vmem_shared>>
        tpu.wait_indirect_dma semaphore(%run_scoped3A : memref<!tpu.dma_semaphore, #tpu.memory_space<semaphore_mem>>) src(%arg10 : memref<128x128xf32, #tpu.memory_space<vmem>>) dst(%dma_wait3A_71 : memref<10240x128xf32, #tpu.memory_space<vmem_shared>>)
        tpu.yield
      }) : () -> ()
    }
    %scan3A_21 = arith.constant 79 : i32
    %barrier3A_22 = arith.constant 0 : index
    tpu.barrier barrier_id(%barrier3A_22)
    %add3A_23 = arith.constant 0 : i32
    %add3A_24 = arith.addi %mul3A_6, %add3A_23 : i32
    %add3A_25 = arith.constant 0 : i32
    %add3A_26 = arith.addi %mul3A_6, %add3A_25 : i32
    "tpu.region"() ({
      %run_scoped3A = tpu.sem_alloc : memref<!tpu.dma_semaphore, #tpu.memory_space<semaphore_mem>>
      %dma_start3A = arith.constant 0 : i32
      %dma_start3A_43 = tpu.memref_slice %arg6[%arg0, %add3A_26, %dma_start3A] : memref<2x10240x128xf32, #tpu.memory_space<hbm>> -> memref<1x128x128xf32, #tpu.memory_space<hbm>>
      %dma_start3A_44 = tpu.memref_squeeze %dma_start3A_43 : memref<1x128x128xf32, #tpu.memory_space<hbm>> -> memref<128x128xf32, #tpu.memory_space<hbm>>
      %dma_start3A_45 = arith.constant 0 : i32
      %dma_start3A_46 = tpu.memref_slice %arg11[%add3A_24, %dma_start3A_45] : memref<10240x128xf32, #tpu.memory_space<vmem_shared>> -> memref<128x128xf32, #tpu.memory_space<vmem_shared>>
      tpu.enqueue_dma source(%dma_start3A_46 : memref<128x128xf32, #tpu.memory_space<vmem_shared>>) target(%dma_start3A_44 : memref<128x128xf32, #tpu.memory_space<hbm>>) target_semaphore(%run_scoped3A : memref<!tpu.dma_semaphore, #tpu.memory_space<semaphore_mem>>)
      %dma_wait3A = arith.constant 0 : i32
      %dma_wait3A_47 = tpu.memref_slice %arg6[%arg0, %add3A_26, %dma_wait3A] : memref<2x10240x128xf32, #tpu.memory_space<hbm>> -> memref<1x128x128xf32, #tpu.memory_space<hbm>>
      %dma_wait3A_48 = tpu.memref_squeeze %dma_wait3A_47 : memref<1x128x128xf32, #tpu.memory_space<hbm>> -> memref<128x128xf32, #tpu.memory_space<hbm>>
      %dma_wait3A_49 = arith.constant 0 : i32
      %dma_wait3A_50 = tpu.memref_slice %arg11[%add3A_24, %dma_wait3A_49] : memref<10240x128xf32, #tpu.memory_space<vmem_shared>> -> memref<128x128xf32, #tpu.memory_space<vmem_shared>>
      tpu.wait_dma2 semaphore(%run_scoped3A : memref<!tpu.dma_semaphore, #tpu.memory_space<semaphore_mem>>) src(%dma_wait3A_50 : memref<128x128xf32, #tpu.memory_space<vmem_shared>>) dst(%dma_wait3A_48 : memref<128x128xf32, #tpu.memory_space<hbm>>)
      tpu.yield
    }) : () -> ()
    %add3A_27 = arith.constant 128 : i32
    %add3A_28 = arith.addi %mul3A_6, %add3A_27 : i32
    %add3A_29 = arith.constant 128 : i32
    %add3A_30 = arith.addi %mul3A_6, %add3A_29 : i32
    "tpu.region"() ({
      %run_scoped3A = tpu.sem_alloc : memref<!tpu.dma_semaphore, #tpu.memory_space<semaphore_mem>>
      %dma_start3A = arith.constant 0 : i32
      %dma_start3A_43 = tpu.memref_slice %arg6[%arg0, %add3A_30, %dma_start3A] : memref<2x10240x128xf32, #tpu.memory_space<hbm>> -> memref<1x128x128xf32, #tpu.memory_space<hbm>>
      %dma_start3A_44 = tpu.memref_squeeze %dma_start3A_43 : memref<1x128x128xf32, #tpu.memory_space<hbm>> -> memref<128x128xf32, #tpu.memory_space<hbm>>
      %dma_start3A_45 = arith.constant 0 : i32
      %dma_start3A_46 = tpu.memref_slice %arg11[%add3A_28, %dma_start3A_45] : memref<10240x128xf32, #tpu.memory_space<vmem_shared>> -> memref<128x128xf32, #tpu.memory_space<vmem_shared>>
      tpu.enqueue_dma source(%dma_start3A_46 : memref<128x128xf32, #tpu.memory_space<vmem_shared>>) target(%dma_start3A_44 : memref<128x128xf32, #tpu.memory_space<hbm>>) target_semaphore(%run_scoped3A : memref<!tpu.dma_semaphore, #tpu.memory_space<semaphore_mem>>)
      %dma_wait3A = arith.constant 0 : i32
      %dma_wait3A_47 = tpu.memref_slice %arg6[%arg0, %add3A_30, %dma_wait3A] : memref<2x10240x128xf32, #tpu.memory_space<hbm>> -> memref<1x128x128xf32, #tpu.memory_space<hbm>>
      %dma_wait3A_48 = tpu.memref_squeeze %dma_wait3A_47 : memref<1x128x128xf32, #tpu.memory_space<hbm>> -> memref<128x128xf32, #tpu.memory_space<hbm>>
      %dma_wait3A_49 = arith.constant 0 : i32
      %dma_wait3A_50 = tpu.memref_slice %arg11[%add3A_28, %dma_wait3A_49] : memref<10240x128xf32, #tpu.memory_space<vmem_shared>> -> memref<128x128xf32, #tpu.memory_space<vmem_shared>>
      tpu.wait_dma2 semaphore(%run_scoped3A : memref<!tpu.dma_semaphore, #tpu.memory_space<semaphore_mem>>) src(%dma_wait3A_50 : memref<128x128xf32, #tpu.memory_space<vmem_shared>>) dst(%dma_wait3A_48 : memref<128x128xf32, #tpu.memory_space<hbm>>)
      tpu.yield
    }) : () -> ()
    %add3A_31 = arith.constant 256 : i32
    %add3A_32 = arith.addi %mul3A_6, %add3A_31 : i32
    %add3A_33 = arith.constant 256 : i32
    %add3A_34 = arith.addi %mul3A_6, %add3A_33 : i32
    "tpu.region"() ({
      %run_scoped3A = tpu.sem_alloc : memref<!tpu.dma_semaphore, #tpu.memory_space<semaphore_mem>>
      %dma_start3A = arith.constant 0 : i32
      %dma_start3A_43 = tpu.memref_slice %arg6[%arg0, %add3A_34, %dma_start3A] : memref<2x10240x128xf32, #tpu.memory_space<hbm>> -> memref<1x128x128xf32, #tpu.memory_space<hbm>>
      %dma_start3A_44 = tpu.memref_squeeze %dma_start3A_43 : memref<1x128x128xf32, #tpu.memory_space<hbm>> -> memref<128x128xf32, #tpu.memory_space<hbm>>
      %dma_start3A_45 = arith.constant 0 : i32
      %dma_start3A_46 = tpu.memref_slice %arg11[%add3A_32, %dma_start3A_45] : memref<10240x128xf32, #tpu.memory_space<vmem_shared>> -> memref<128x128xf32, #tpu.memory_space<vmem_shared>>
      tpu.enqueue_dma source(%dma_start3A_46 : memref<128x128xf32, #tpu.memory_space<vmem_shared>>) target(%dma_start3A_44 : memref<128x128xf32, #tpu.memory_space<hbm>>) target_semaphore(%run_scoped3A : memref<!tpu.dma_semaphore, #tpu.memory_space<semaphore_mem>>)
      %dma_wait3A = arith.constant 0 : i32
      %dma_wait3A_47 = tpu.memref_slice %arg6[%arg0, %add3A_34, %dma_wait3A] : memref<2x10240x128xf32, #tpu.memory_space<hbm>> -> memref<1x128x128xf32, #tpu.memory_space<hbm>>
      %dma_wait3A_48 = tpu.memref_squeeze %dma_wait3A_47 : memref<1x128x128xf32, #tpu.memory_space<hbm>> -> memref<128x128xf32, #tpu.memory_space<hbm>>
      %dma_wait3A_49 = arith.constant 0 : i32
      %dma_wait3A_50 = tpu.memref_slice %arg11[%add3A_32, %dma_wait3A_49] : memref<10240x128xf32, #tpu.memory_space<vmem_shared>> -> memref<128x128xf32, #tpu.memory_space<vmem_shared>>
      tpu.wait_dma2 semaphore(%run_scoped3A : memref<!tpu.dma_semaphore, #tpu.memory_space<semaphore_mem>>) src(%dma_wait3A_50 : memref<128x128xf32, #tpu.memory_space<vmem_shared>>) dst(%dma_wait3A_48 : memref<128x128xf32, #tpu.memory_space<hbm>>)
      tpu.yield
    }) : () -> ()
    %add3A_35 = arith.constant 384 : i32
    %add3A_36 = arith.addi %mul3A_6, %add3A_35 : i32
    %add3A_37 = arith.constant 384 : i32
    %add3A_38 = arith.addi %mul3A_6, %add3A_37 : i32
    "tpu.region"() ({
      %run_scoped3A = tpu.sem_alloc : memref<!tpu.dma_semaphore, #tpu.memory_space<semaphore_mem>>
      %dma_start3A = arith.constant 0 : i32
      %dma_start3A_43 = tpu.memref_slice %arg6[%arg0, %add3A_38, %dma_start3A] : memref<2x10240x128xf32, #tpu.memory_space<hbm>> -> memref<1x128x128xf32, #tpu.memory_space<hbm>>
      %dma_start3A_44 = tpu.memref_squeeze %dma_start3A_43 : memref<1x128x128xf32, #tpu.memory_space<hbm>> -> memref<128x128xf32, #tpu.memory_space<hbm>>
      %dma_start3A_45 = arith.constant 0 : i32
      %dma_start3A_46 = tpu.memref_slice %arg11[%add3A_36, %dma_start3A_45] : memref<10240x128xf32, #tpu.memory_space<vmem_shared>> -> memref<128x128xf32, #tpu.memory_space<vmem_shared>>
      tpu.enqueue_dma source(%dma_start3A_46 : memref<128x128xf32, #tpu.memory_space<vmem_shared>>) target(%dma_start3A_44 : memref<128x128xf32, #tpu.memory_space<hbm>>) target_semaphore(%run_scoped3A : memref<!tpu.dma_semaphore, #tpu.memory_space<semaphore_mem>>)
      %dma_wait3A = arith.constant 0 : i32
      %dma_wait3A_47 = tpu.memref_slice %arg6[%arg0, %add3A_38, %dma_wait3A] : memref<2x10240x128xf32, #tpu.memory_space<hbm>> -> memref<1x128x128xf32, #tpu.memory_space<hbm>>
      %dma_wait3A_48 = tpu.memref_squeeze %dma_wait3A_47 : memref<1x128x128xf32, #tpu.memory_space<hbm>> -> memref<128x128xf32, #tpu.memory_space<hbm>>
      %dma_wait3A_49 = arith.constant 0 : i32
      %dma_wait3A_50 = tpu.memref_slice %arg11[%add3A_36, %dma_wait3A_49] : memref<10240x128xf32, #tpu.memory_space<vmem_shared>> -> memref<128x128xf32, #tpu.memory_space<vmem_shared>>
      tpu.wait_dma2 semaphore(%run_scoped3A : memref<!tpu.dma_semaphore, #tpu.memory_space<semaphore_mem>>) src(%dma_wait3A_50 : memref<128x128xf32, #tpu.memory_space<vmem_shared>>) dst(%dma_wait3A_48 : memref<128x128xf32, #tpu.memory_space<hbm>>)
      tpu.yield
    }) : () -> ()
    %add3A_39 = arith.constant 512 : i32
    %add3A_40 = arith.addi %mul3A_6, %add3A_39 : i32
    %add3A_41 = arith.constant 512 : i32
    %add3A_42 = arith.addi %mul3A_6, %add3A_41 : i32
    "tpu.region"() ({
      %run_scoped3A = tpu.sem_alloc : memref<!tpu.dma_semaphore, #tpu.memory_space<semaphore_mem>>
      %dma_start3A = arith.constant 0 : i32
      %dma_start3A_43 = tpu.memref_slice %arg6[%arg0, %add3A_42, %dma_start3A] : memref<2x10240x128xf32, #tpu.memory_space<hbm>> -> memref<1x128x128xf32, #tpu.memory_space<hbm>>
      %dma_start3A_44 = tpu.memref_squeeze %dma_start3A_43 : memref<1x128x128xf32, #tpu.memory_space<hbm>> -> memref<128x128xf32, #tpu.memory_space<hbm>>
      %dma_start3A_45 = arith.constant 0 : i32
      %dma_start3A_46 = tpu.memref_slice %arg11[%add3A_40, %dma_start3A_45] : memref<10240x128xf32, #tpu.memory_space<vmem_shared>> -> memref<128x128xf32, #tpu.memory_space<vmem_shared>>
      tpu.enqueue_dma source(%dma_start3A_46 : memref<128x128xf32, #tpu.memory_space<vmem_shared>>) target(%dma_start3A_44 : memref<128x128xf32, #tpu.memory_space<hbm>>) target_semaphore(%run_scoped3A : memref<!tpu.dma_semaphore, #tpu.memory_space<semaphore_mem>>)
      %dma_wait3A = arith.constant 0 : i32
      %dma_wait3A_47 = tpu.memref_slice %arg6[%arg0, %add3A_42, %dma_wait3A] : memref<2x10240x128xf32, #tpu.memory_space<hbm>> -> memref<1x128x128xf32, #tpu.memory_space<hbm>>
      %dma_wait3A_48 = tpu.memref_squeeze %dma_wait3A_47 : memref<1x128x128xf32, #tpu.memory_space<hbm>> -> memref<128x128xf32, #tpu.memory_space<hbm>>
      %dma_wait3A_49 = arith.constant 0 : i32
      %dma_wait3A_50 = tpu.memref_slice %arg11[%add3A_40, %dma_wait3A_49] : memref<10240x128xf32, #tpu.memory_space<vmem_shared>> -> memref<128x128xf32, #tpu.memory_space<vmem_shared>>
      tpu.wait_dma2 semaphore(%run_scoped3A : memref<!tpu.dma_semaphore, #tpu.memory_space<semaphore_mem>>) src(%dma_wait3A_50 : memref<128x128xf32, #tpu.memory_space<vmem_shared>>) dst(%dma_wait3A_48 : memref<128x128xf32, #tpu.memory_space<hbm>>)
      tpu.yield
    }) : () -> ()
    return
  }
}

#map = affine_map<(d0, d1) -> (0, 0)>
#map1 = affine_map<(d0, d1) -> (0, 0, 0, 0)>
#map2 = affine_map<(d0, d1) -> (0, 0, 0)>
module attributes {stable_mosaic.version = 14 : i64} {
  func.func @spmm(%arg0: i32, %arg1: i32, %arg2: memref<10000x128xf32, #tpu.memory_space<hbm>>, %arg3: memref<2x16x79x128xi32, #tpu.memory_space<hbm>>, %arg4: memref<2x16x79x128xi32, #tpu.memory_space<hbm>>, %arg5: memref<2x16x79x128xf32, #tpu.memory_space<hbm>>, %arg6: memref<2x10240x128xf32, #tpu.memory_space<hbm>>, %arg7: memref<79x128xi32, #tpu.memory_space<vmem>>, %arg8: memref<79x128xi32, #tpu.memory_space<vmem>>, %arg9: memref<79x128xf32, #tpu.memory_space<vmem>>, %arg10: memref<128x128xf32, #tpu.memory_space<vmem>>, %arg11: memref<10240x128xf32, #tpu.memory_space<vmem_shared>>, %arg12: memref<!tpu.dma_semaphore, #tpu.memory_space<semaphore_mem>>) attributes {dimension_semantics = [#tpu.dimension_semantics<core_parallel>, #tpu.dimension_semantics<subcore_parallel>], iteration_bounds = array<i64: 2, 16>, scalar_prefetch = 0 : i64, scratch_operands = 6 : i64, tpu.core_type = #tpu.core_type<sc_vector_subcore>, window_params = [{transform_indices = #map}, {transform_indices = #map1}, {transform_indices = #map1}, {transform_indices = #map1}, {transform_indices = #map2}]} {
    "tpu.region"() ({
      %run_scoped3A = tpu.sem_alloc : memref<!tpu.dma_semaphore, #tpu.memory_space<semaphore_mem>>
      %dma_start3A = arith.constant 0 : i32
      %dma_start3A_43 = arith.constant 0 : i32
      %dma_start3A_44 = tpu.memref_slice %arg3[%arg0, %arg1, %dma_start3A, %dma_start3A_43] : memref<2x16x79x128xi32, #tpu.memory_space<hbm>> -> memref<1x1x79x128xi32, #tpu.memory_space<hbm>>
      %dma_start3A_45 = tpu.memref_squeeze %dma_start3A_44 : memref<1x1x79x128xi32, #tpu.memory_space<hbm>> -> memref<79x128xi32, #tpu.memory_space<hbm>>
      %dma_start3A_46 = arith.constant 0 : i32
      %dma_start3A_47 = arith.constant 0 : i32
      %dma_start3A_48 = tpu.memref_slice %arg3[%arg0, %arg1, %dma_start3A_46, %dma_start3A_47] : memref<2x16x79x128xi32, #tpu.memory_space<hbm>> -> memref<1x1x79x128xi32, #tpu.memory_space<hbm>>
      %dma_start3A_49 = tpu.memref_squeeze %dma_start3A_48 : memref<1x1x79x128xi32, #tpu.memory_space<hbm>> -> memref<79x128xi32, #tpu.memory_space<hbm>>
      tpu.enqueue_dma source(%dma_start3A_49 : memref<79x128xi32, #tpu.memory_space<hbm>>) target(%arg7 : memref<79x128xi32, #tpu.memory_space<vmem>>) target_semaphore(%run_scoped3A : memref<!tpu.dma_semaphore, #tpu.memory_space<semaphore_mem>>)
      %dma_wait3A = arith.constant 0 : i32
      %dma_wait3A_50 = arith.constant 0 : i32
      %dma_wait3A_51 = tpu.memref_slice %arg3[%arg0, %arg1, %dma_wait3A, %dma_wait3A_50] : memref<2x16x79x128xi32, #tpu.memory_space<hbm>> -> memref<1x1x79x128xi32, #tpu.memory_space<hbm>>
      %dma_wait3A_52 = tpu.memref_squeeze %dma_wait3A_51 : memref<1x1x79x128xi32, #tpu.memory_space<hbm>> -> memref<79x128xi32, #tpu.memory_space<hbm>>
      %dma_wait3A_53 = arith.constant 0 : i32
      %dma_wait3A_54 = arith.constant 0 : i32
      %dma_wait3A_55 = tpu.memref_slice %arg3[%arg0, %arg1, %dma_wait3A_53, %dma_wait3A_54] : memref<2x16x79x128xi32, #tpu.memory_space<hbm>> -> memref<1x1x79x128xi32, #tpu.memory_space<hbm>>
      %dma_wait3A_56 = tpu.memref_squeeze %dma_wait3A_55 : memref<1x1x79x128xi32, #tpu.memory_space<hbm>> -> memref<79x128xi32, #tpu.memory_space<hbm>>
      tpu.wait_dma2 semaphore(%run_scoped3A : memref<!tpu.dma_semaphore, #tpu.memory_space<semaphore_mem>>) src(%dma_wait3A_56 : memref<79x128xi32, #tpu.memory_space<hbm>>) dst(%arg7 : memref<79x128xi32, #tpu.memory_space<vmem>>)
      tpu.yield
    }) : () -> ()
    "tpu.region"() ({
      %run_scoped3A = tpu.sem_alloc : memref<!tpu.dma_semaphore, #tpu.memory_space<semaphore_mem>>
      %dma_start3A = arith.constant 0 : i32
      %dma_start3A_43 = arith.constant 0 : i32
      %dma_start3A_44 = tpu.memref_slice %arg4[%arg0, %arg1, %dma_start3A, %dma_start3A_43] : memref<2x16x79x128xi32, #tpu.memory_space<hbm>> -> memref<1x1x79x128xi32, #tpu.memory_space<hbm>>
      %dma_start3A_45 = tpu.memref_squeeze %dma_start3A_44 : memref<1x1x79x128xi32, #tpu.memory_space<hbm>> -> memref<79x128xi32, #tpu.memory_space<hbm>>
      %dma_start3A_46 = arith.constant 0 : i32
      %dma_start3A_47 = arith.constant 0 : i32
      %dma_start3A_48 = tpu.memref_slice %arg4[%arg0, %arg1, %dma_start3A_46, %dma_start3A_47] : memref<2x16x79x128xi32, #tpu.memory_space<hbm>> -> memref<1x1x79x128xi32, #tpu.memory_space<hbm>>
      %dma_start3A_49 = tpu.memref_squeeze %dma_start3A_48 : memref<1x1x79x128xi32, #tpu.memory_space<hbm>> -> memref<79x128xi32, #tpu.memory_space<hbm>>
      tpu.enqueue_dma source(%dma_start3A_49 : memref<79x128xi32, #tpu.memory_space<hbm>>) target(%arg8 : memref<79x128xi32, #tpu.memory_space<vmem>>) target_semaphore(%run_scoped3A : memref<!tpu.dma_semaphore, #tpu.memory_space<semaphore_mem>>)
      %dma_wait3A = arith.constant 0 : i32
      %dma_wait3A_50 = arith.constant 0 : i32
      %dma_wait3A_51 = tpu.memref_slice %arg4[%arg0, %arg1, %dma_wait3A, %dma_wait3A_50] : memref<2x16x79x128xi32, #tpu.memory_space<hbm>> -> memref<1x1x79x128xi32, #tpu.memory_space<hbm>>
      %dma_wait3A_52 = tpu.memref_squeeze %dma_wait3A_51 : memref<1x1x79x128xi32, #tpu.memory_space<hbm>> -> memref<79x128xi32, #tpu.memory_space<hbm>>
      %dma_wait3A_53 = arith.constant 0 : i32
      %dma_wait3A_54 = arith.constant 0 : i32
      %dma_wait3A_55 = tpu.memref_slice %arg4[%arg0, %arg1, %dma_wait3A_53, %dma_wait3A_54] : memref<2x16x79x128xi32, #tpu.memory_space<hbm>> -> memref<1x1x79x128xi32, #tpu.memory_space<hbm>>
      %dma_wait3A_56 = tpu.memref_squeeze %dma_wait3A_55 : memref<1x1x79x128xi32, #tpu.memory_space<hbm>> -> memref<79x128xi32, #tpu.memory_space<hbm>>
      tpu.wait_dma2 semaphore(%run_scoped3A : memref<!tpu.dma_semaphore, #tpu.memory_space<semaphore_mem>>) src(%dma_wait3A_56 : memref<79x128xi32, #tpu.memory_space<hbm>>) dst(%arg8 : memref<79x128xi32, #tpu.memory_space<vmem>>)
      tpu.yield
    }) : () -> ()
    "tpu.region"() ({
      %run_scoped3A = tpu.sem_alloc : memref<!tpu.dma_semaphore, #tpu.memory_space<semaphore_mem>>
      %dma_start3A = arith.constant 0 : i32
      %dma_start3A_43 = arith.constant 0 : i32
      %dma_start3A_44 = tpu.memref_slice %arg5[%arg0, %arg1, %dma_start3A, %dma_start3A_43] : memref<2x16x79x128xf32, #tpu.memory_space<hbm>> -> memref<1x1x79x128xf32, #tpu.memory_space<hbm>>
      %dma_start3A_45 = tpu.memref_squeeze %dma_start3A_44 : memref<1x1x79x128xf32, #tpu.memory_space<hbm>> -> memref<79x128xf32, #tpu.memory_space<hbm>>
      %dma_start3A_46 = arith.constant 0 : i32
      %dma_start3A_47 = arith.constant 0 : i32
      %dma_start3A_48 = tpu.memref_slice %arg5[%arg0, %arg1, %dma_start3A_46, %dma_start3A_47] : memref<2x16x79x128xf32, #tpu.memory_space<hbm>> -> memref<1x1x79x128xf32, #tpu.memory_space<hbm>>
      %dma_start3A_49 = tpu.memref_squeeze %dma_start3A_48 : memref<1x1x79x128xf32, #tpu.memory_space<hbm>> -> memref<79x128xf32, #tpu.memory_space<hbm>>
      tpu.enqueue_dma source(%dma_start3A_49 : memref<79x128xf32, #tpu.memory_space<hbm>>) target(%arg9 : memref<79x128xf32, #tpu.memory_space<vmem>>) target_semaphore(%run_scoped3A : memref<!tpu.dma_semaphore, #tpu.memory_space<semaphore_mem>>)
      %dma_wait3A = arith.constant 0 : i32
      %dma_wait3A_50 = arith.constant 0 : i32
      %dma_wait3A_51 = tpu.memref_slice %arg5[%arg0, %arg1, %dma_wait3A, %dma_wait3A_50] : memref<2x16x79x128xf32, #tpu.memory_space<hbm>> -> memref<1x1x79x128xf32, #tpu.memory_space<hbm>>
      %dma_wait3A_52 = tpu.memref_squeeze %dma_wait3A_51 : memref<1x1x79x128xf32, #tpu.memory_space<hbm>> -> memref<79x128xf32, #tpu.memory_space<hbm>>
      %dma_wait3A_53 = arith.constant 0 : i32
      %dma_wait3A_54 = arith.constant 0 : i32
      %dma_wait3A_55 = tpu.memref_slice %arg5[%arg0, %arg1, %dma_wait3A_53, %dma_wait3A_54] : memref<2x16x79x128xf32, #tpu.memory_space<hbm>> -> memref<1x1x79x128xf32, #tpu.memory_space<hbm>>
      %dma_wait3A_56 = tpu.memref_squeeze %dma_wait3A_55 : memref<1x1x79x128xf32, #tpu.memory_space<hbm>> -> memref<79x128xf32, #tpu.memory_space<hbm>>
      tpu.wait_dma2 semaphore(%run_scoped3A : memref<!tpu.dma_semaphore, #tpu.memory_space<semaphore_mem>>) src(%dma_wait3A_56 : memref<79x128xf32, #tpu.memory_space<hbm>>) dst(%arg9 : memref<79x128xf32, #tpu.memory_space<vmem>>)
      tpu.yield
    }) : () -> ()
    %broadcast_in_dim3A = arith.constant 0.000000e+00 : f32
    %broadcast_in_dim3A_0 = vector.broadcast %broadcast_in_dim3A : f32 to vector<16xf32>
    %scan3A = arith.constant 0 : i32
    %scan3A_1 = arith.constant 0 : i32
    %scan3A_2 = arith.constant 128 : i32
    %scan3A_3 = arith.addi %scan3A_1, %scan3A_2 : i32
    %scan3A_4 = arith.constant 1 : i32
    scf.for %scan3A_43 = %scan3A_1 to %scan3A_3 step %scan3A_4  : i32 {
      %swap3A = arith.index_cast %scan3A_43 : i32 to index
      %swap3A_44 = arith.constant 0 : index
      %swap3A_45 = tpu.vector_load %arg10[%swap3A, %swap3A_44] {strides = array<i32>} : memref<128x128xf32, #tpu.memory_space<vmem>>, vector<16xf32>,
      tpu.vector_store %arg10[%swap3A, %swap3A_44], %broadcast_in_dim3A_0 {strides = array<i32>} : memref<128x128xf32, #tpu.memory_space<vmem>>, vector<16xf32>,
      %swap3A_46 = arith.index_cast %scan3A_43 : i32 to index
      %swap3A_47 = arith.constant 16 : index
      %swap3A_48 = tpu.vector_load %arg10[%swap3A_46, %swap3A_47] {strides = array<i32>} : memref<128x128xf32, #tpu.memory_space<vmem>>, vector<16xf32>,
      tpu.vector_store %arg10[%swap3A_46, %swap3A_47], %broadcast_in_dim3A_0 {strides = array<i32>} : memref<128x128xf32, #tpu.memory_space<vmem>>, vector<16xf32>,
      %swap3A_49 = arith.index_cast %scan3A_43 : i32 to index
      %swap3A_50 = arith.constant 32 : index
      %swap3A_51 = tpu.vector_load %arg10[%swap3A_49, %swap3A_50] {strides = array<i32>} : memref<128x128xf32, #tpu.memory_space<vmem>>, vector<16xf32>,
      tpu.vector_store %arg10[%swap3A_49, %swap3A_50], %broadcast_in_dim3A_0 {strides = array<i32>} : memref<128x128xf32, #tpu.memory_space<vmem>>, vector<16xf32>,
      %swap3A_52 = arith.index_cast %scan3A_43 : i32 to index
      %swap3A_53 = arith.constant 48 : index
      %swap3A_54 = tpu.vector_load %arg10[%swap3A_52, %swap3A_53] {strides = array<i32>} : memref<128x128xf32, #tpu.memory_space<vmem>>, vector<16xf32>,
      tpu.vector_store %arg10[%swap3A_52, %swap3A_53], %broadcast_in_dim3A_0 {strides = array<i32>} : memref<128x128xf32, #tpu.memory_space<vmem>>, vector<16xf32>,
      %swap3A_55 = arith.index_cast %scan3A_43 : i32 to index
      %swap3A_56 = arith.constant 64 : index
      %swap3A_57 = tpu.vector_load %arg10[%swap3A_55, %swap3A_56] {strides = array<i32>} : memref<128x128xf32, #tpu.memory_space<vmem>>, vector<16xf32>,
      tpu.vector_store %arg10[%swap3A_55, %swap3A_56], %broadcast_in_dim3A_0 {strides = array<i32>} : memref<128x128xf32, #tpu.memory_space<vmem>>, vector<16xf32>,
      %swap3A_58 = arith.index_cast %scan3A_43 : i32 to index
      %swap3A_59 = arith.constant 80 : index
      %swap3A_60 = tpu.vector_load %arg10[%swap3A_58, %swap3A_59] {strides = array<i32>} : memref<128x128xf32, #tpu.memory_space<vmem>>, vector<16xf32>,
      tpu.vector_store %arg10[%swap3A_58, %swap3A_59], %broadcast_in_dim3A_0 {strides = array<i32>} : memref<128x128xf32, #tpu.memory_space<vmem>>, vector<16xf32>,
      %swap3A_61 = arith.index_cast %scan3A_43 : i32 to index
      %swap3A_62 = arith.constant 96 : index
      %swap3A_63 = tpu.vector_load %arg10[%swap3A_61, %swap3A_62] {strides = array<i32>} : memref<128x128xf32, #tpu.memory_space<vmem>>, vector<16xf32>,
      tpu.vector_store %arg10[%swap3A_61, %swap3A_62], %broadcast_in_dim3A_0 {strides = array<i32>} : memref<128x128xf32, #tpu.memory_space<vmem>>, vector<16xf32>,
      %swap3A_64 = arith.index_cast %scan3A_43 : i32 to index
      %swap3A_65 = arith.constant 112 : index
      %swap3A_66 = tpu.vector_load %arg10[%swap3A_64, %swap3A_65] {strides = array<i32>} : memref<128x128xf32, #tpu.memory_space<vmem>>, vector<16xf32>,
      tpu.vector_store %arg10[%swap3A_64, %swap3A_65], %broadcast_in_dim3A_0 {strides = array<i32>} : memref<128x128xf32, #tpu.memory_space<vmem>>, vector<16xf32>,
    }
    %scan3A_5 = arith.constant 128 : i32
    %mul3A = arith.constant 640 : i32
    %mul3A_6 = arith.muli %arg1, %mul3A : i32
    %add3A = arith.constant 0 : i32
    %add3A_7 = arith.addi %mul3A_6, %add3A : i32
    "tpu.region"() ({
      %run_scoped3A = tpu.sem_alloc : memref<!tpu.dma_semaphore, #tpu.memory_space<semaphore_mem>>
      %dma_start3A = arith.constant 0 : i32
      %dma_start3A_43 = arith.constant 0 : i32
      %dma_start3A_44 = tpu.memref_slice %arg10[%dma_start3A, %dma_start3A_43] : memref<128x128xf32, #tpu.memory_space<vmem>> -> memref<128x128xf32, #tpu.memory_space<vmem>>
      %dma_start3A_45 = arith.constant 0 : i32
      %dma_start3A_46 = tpu.memref_slice %arg11[%add3A_7, %dma_start3A_45] : memref<10240x128xf32, #tpu.memory_space<vmem_shared>> -> memref<128x128xf32, #tpu.memory_space<vmem_shared>>
      %dma_start3A_47 = arith.constant 0 : i32
      %dma_start3A_48 = tpu.memref_slice %arg11[%add3A_7, %dma_start3A_47] : memref<10240x128xf32, #tpu.memory_space<vmem_shared>> -> memref<128x128xf32, #tpu.memory_space<vmem_shared>>
      %dma_start3A_49 = arith.constant 0 : i32
      %dma_start3A_50 = arith.constant 0 : i32
      %dma_start3A_51 = tpu.memref_slice %arg10[%dma_start3A_49, %dma_start3A_50] : memref<128x128xf32, #tpu.memory_space<vmem>> -> memref<128x128xf32, #tpu.memory_space<vmem>>
      tpu.enqueue_dma source(%dma_start3A_51 : memref<128x128xf32, #tpu.memory_space<vmem>>) target(%dma_start3A_48 : memref<128x128xf32, #tpu.memory_space<vmem_shared>>) target_semaphore(%run_scoped3A : memref<!tpu.dma_semaphore, #tpu.memory_space<semaphore_mem>>)
      %dma_wait3A = arith.constant 0 : i32
      %dma_wait3A_52 = arith.constant 0 : i32
      %dma_wait3A_53 = tpu.memref_slice %arg10[%dma_wait3A, %dma_wait3A_52] : memref<128x128xf32, #tpu.memory_space<vmem>> -> memref<128x128xf32, #tpu.memory_space<vmem>>
      %dma_wait3A_54 = arith.constant 0 : i32
      %dma_wait3A_55 = tpu.memref_slice %arg11[%add3A_7, %dma_wait3A_54] : memref<10240x128xf32, #tpu.memory_space<vmem_shared>> -> memref<128x128xf32, #tpu.memory_space<vmem_shared>>
      %dma_wait3A_56 = arith.constant 0 : i32
      %dma_wait3A_57 = tpu.memref_slice %arg11[%add3A_7, %dma_wait3A_56] : memref<10240x128xf32, #tpu.memory_space<vmem_shared>> -> memref<128x128xf32, #tpu.memory_space<vmem_shared>>
      %dma_wait3A_58 = arith.constant 0 : i32
      %dma_wait3A_59 = arith.constant 0 : i32
      %dma_wait3A_60 = tpu.memref_slice %arg10[%dma_wait3A_58, %dma_wait3A_59] : memref<128x128xf32, #tpu.memory_space<vmem>> -> memref<128x128xf32, #tpu.memory_space<vmem>>
      tpu.wait_dma2 semaphore(%run_scoped3A : memref<!tpu.dma_semaphore, #tpu.memory_space<semaphore_mem>>) src(%dma_wait3A_60 : memref<128x128xf32, #tpu.memory_space<vmem>>) dst(%dma_wait3A_57 : memref<128x128xf32, #tpu.memory_space<vmem_shared>>)
      tpu.yield
    }) : () -> ()
    %add3A_8 = arith.constant 128 : i32
    %add3A_9 = arith.addi %mul3A_6, %add3A_8 : i32
    "tpu.region"() ({
      %run_scoped3A = tpu.sem_alloc : memref<!tpu.dma_semaphore, #tpu.memory_space<semaphore_mem>>
      %dma_start3A = arith.constant 0 : i32
      %dma_start3A_43 = arith.constant 0 : i32
      %dma_start3A_44 = tpu.memref_slice %arg10[%dma_start3A, %dma_start3A_43] : memref<128x128xf32, #tpu.memory_space<vmem>> -> memref<128x128xf32, #tpu.memory_space<vmem>>
      %dma_start3A_45 = arith.constant 0 : i32
      %dma_start3A_46 = tpu.memref_slice %arg11[%add3A_9, %dma_start3A_45] : memref<10240x128xf32, #tpu.memory_space<vmem_shared>> -> memref<128x128xf32, #tpu.memory_space<vmem_shared>>
      %dma_start3A_47 = arith.constant 0 : i32
      %dma_start3A_48 = tpu.memref_slice %arg11[%add3A_9, %dma_start3A_47] : memref<10240x128xf32, #tpu.memory_space<vmem_shared>> -> memref<128x128xf32, #tpu.memory_space<vmem_shared>>
      %dma_start3A_49 = arith.constant 0 : i32
      %dma_start3A_50 = arith.constant 0 : i32
      %dma_start3A_51 = tpu.memref_slice %arg10[%dma_start3A_49, %dma_start3A_50] : memref<128x128xf32, #tpu.memory_space<vmem>> -> memref<128x128xf32, #tpu.memory_space<vmem>>
      tpu.enqueue_dma source(%dma_start3A_51 : memref<128x128xf32, #tpu.memory_space<vmem>>) target(%dma_start3A_48 : memref<128x128xf32, #tpu.memory_space<vmem_shared>>) target_semaphore(%run_scoped3A : memref<!tpu.dma_semaphore, #tpu.memory_space<semaphore_mem>>)
      %dma_wait3A = arith.constant 0 : i32
      %dma_wait3A_52 = arith.constant 0 : i32
      %dma_wait3A_53 = tpu.memref_slice %arg10[%dma_wait3A, %dma_wait3A_52] : memref<128x128xf32, #tpu.memory_space<vmem>> -> memref<128x128xf32, #tpu.memory_space<vmem>>
      %dma_wait3A_54 = arith.constant 0 : i32
      %dma_wait3A_55 = tpu.memref_slice %arg11[%add3A_9, %dma_wait3A_54] : memref<10240x128xf32, #tpu.memory_space<vmem_shared>> -> memref<128x128xf32, #tpu.memory_space<vmem_shared>>
      %dma_wait3A_56 = arith.constant 0 : i32
      %dma_wait3A_57 = tpu.memref_slice %arg11[%add3A_9, %dma_wait3A_56] : memref<10240x128xf32, #tpu.memory_space<vmem_shared>> -> memref<128x128xf32, #tpu.memory_space<vmem_shared>>
      %dma_wait3A_58 = arith.constant 0 : i32
      %dma_wait3A_59 = arith.constant 0 : i32
      %dma_wait3A_60 = tpu.memref_slice %arg10[%dma_wait3A_58, %dma_wait3A_59] : memref<128x128xf32, #tpu.memory_space<vmem>> -> memref<128x128xf32, #tpu.memory_space<vmem>>
      tpu.wait_dma2 semaphore(%run_scoped3A : memref<!tpu.dma_semaphore, #tpu.memory_space<semaphore_mem>>) src(%dma_wait3A_60 : memref<128x128xf32, #tpu.memory_space<vmem>>) dst(%dma_wait3A_57 : memref<128x128xf32, #tpu.memory_space<vmem_shared>>)
      tpu.yield
    }) : () -> ()
    %add3A_10 = arith.constant 256 : i32
    %add3A_11 = arith.addi %mul3A_6, %add3A_10 : i32
    "tpu.region"() ({
      %run_scoped3A = tpu.sem_alloc : memref<!tpu.dma_semaphore, #tpu.memory_space<semaphore_mem>>
      %dma_start3A = arith.constant 0 : i32
      %dma_start3A_43 = arith.constant 0 : i32
      %dma_start3A_44 = tpu.memref_slice %arg10[%dma_start3A, %dma_start3A_43] : memref<128x128xf32, #tpu.memory_space<vmem>> -> memref<128x128xf32, #tpu.memory_space<vmem>>
      %dma_start3A_45 = arith.constant 0 : i32
      %dma_start3A_46 = tpu.memref_slice %arg11[%add3A_11, %dma_start3A_45] : memref<10240x128xf32, #tpu.memory_space<vmem_shared>> -> memref<128x128xf32, #tpu.memory_space<vmem_shared>>
      %dma_start3A_47 = arith.constant 0 : i32
      %dma_start3A_48 = tpu.memref_slice %arg11[%add3A_11, %dma_start3A_47] : memref<10240x128xf32, #tpu.memory_space<vmem_shared>> -> memref<128x128xf32, #tpu.memory_space<vmem_shared>>
      %dma_start3A_49 = arith.constant 0 : i32
      %dma_start3A_50 = arith.constant 0 : i32
      %dma_start3A_51 = tpu.memref_slice %arg10[%dma_start3A_49, %dma_start3A_50] : memref<128x128xf32, #tpu.memory_space<vmem>> -> memref<128x128xf32, #tpu.memory_space<vmem>>
      tpu.enqueue_dma source(%dma_start3A_51 : memref<128x128xf32, #tpu.memory_space<vmem>>) target(%dma_start3A_48 : memref<128x128xf32, #tpu.memory_space<vmem_shared>>) target_semaphore(%run_scoped3A : memref<!tpu.dma_semaphore, #tpu.memory_space<semaphore_mem>>)
      %dma_wait3A = arith.constant 0 : i32
      %dma_wait3A_52 = arith.constant 0 : i32
      %dma_wait3A_53 = tpu.memref_slice %arg10[%dma_wait3A, %dma_wait3A_52] : memref<128x128xf32, #tpu.memory_space<vmem>> -> memref<128x128xf32, #tpu.memory_space<vmem>>
      %dma_wait3A_54 = arith.constant 0 : i32
      %dma_wait3A_55 = tpu.memref_slice %arg11[%add3A_11, %dma_wait3A_54] : memref<10240x128xf32, #tpu.memory_space<vmem_shared>> -> memref<128x128xf32, #tpu.memory_space<vmem_shared>>
      %dma_wait3A_56 = arith.constant 0 : i32
      %dma_wait3A_57 = tpu.memref_slice %arg11[%add3A_11, %dma_wait3A_56] : memref<10240x128xf32, #tpu.memory_space<vmem_shared>> -> memref<128x128xf32, #tpu.memory_space<vmem_shared>>
      %dma_wait3A_58 = arith.constant 0 : i32
      %dma_wait3A_59 = arith.constant 0 : i32
      %dma_wait3A_60 = tpu.memref_slice %arg10[%dma_wait3A_58, %dma_wait3A_59] : memref<128x128xf32, #tpu.memory_space<vmem>> -> memref<128x128xf32, #tpu.memory_space<vmem>>
      tpu.wait_dma2 semaphore(%run_scoped3A : memref<!tpu.dma_semaphore, #tpu.memory_space<semaphore_mem>>) src(%dma_wait3A_60 : memref<128x128xf32, #tpu.memory_space<vmem>>) dst(%dma_wait3A_57 : memref<128x128xf32, #tpu.memory_space<vmem_shared>>)
      tpu.yield
    }) : () -> ()
    %add3A_12 = arith.constant 384 : i32
    %add3A_13 = arith.addi %mul3A_6, %add3A_12 : i32
    "tpu.region"() ({
      %run_scoped3A = tpu.sem_alloc : memref<!tpu.dma_semaphore, #tpu.memory_space<semaphore_mem>>
      %dma_start3A = arith.constant 0 : i32
      %dma_start3A_43 = arith.constant 0 : i32
      %dma_start3A_44 = tpu.memref_slice %arg10[%dma_start3A, %dma_start3A_43] : memref<128x128xf32, #tpu.memory_space<vmem>> -> memref<128x128xf32, #tpu.memory_space<vmem>>
      %dma_start3A_45 = arith.constant 0 : i32
      %dma_start3A_46 = tpu.memref_slice %arg11[%add3A_13, %dma_start3A_45] : memref<10240x128xf32, #tpu.memory_space<vmem_shared>> -> memref<128x128xf32, #tpu.memory_space<vmem_shared>>
      %dma_start3A_47 = arith.constant 0 : i32
      %dma_start3A_48 = tpu.memref_slice %arg11[%add3A_13, %dma_start3A_47] : memref<10240x128xf32, #tpu.memory_space<vmem_shared>> -> memref<128x128xf32, #tpu.memory_space<vmem_shared>>
      %dma_start3A_49 = arith.constant 0 : i32
      %dma_start3A_50 = arith.constant 0 : i32
      %dma_start3A_51 = tpu.memref_slice %arg10[%dma_start3A_49, %dma_start3A_50] : memref<128x128xf32, #tpu.memory_space<vmem>> -> memref<128x128xf32, #tpu.memory_space<vmem>>
      tpu.enqueue_dma source(%dma_start3A_51 : memref<128x128xf32, #tpu.memory_space<vmem>>) target(%dma_start3A_48 : memref<128x128xf32, #tpu.memory_space<vmem_shared>>) target_semaphore(%run_scoped3A : memref<!tpu.dma_semaphore, #tpu.memory_space<semaphore_mem>>)
      %dma_wait3A = arith.constant 0 : i32
      %dma_wait3A_52 = arith.constant 0 : i32
      %dma_wait3A_53 = tpu.memref_slice %arg10[%dma_wait3A, %dma_wait3A_52] : memref<128x128xf32, #tpu.memory_space<vmem>> -> memref<128x128xf32, #tpu.memory_space<vmem>>
      %dma_wait3A_54 = arith.constant 0 : i32
      %dma_wait3A_55 = tpu.memref_slice %arg11[%add3A_13, %dma_wait3A_54] : memref<10240x128xf32, #tpu.memory_space<vmem_shared>> -> memref<128x128xf32, #tpu.memory_space<vmem_shared>>
      %dma_wait3A_56 = arith.constant 0 : i32
      %dma_wait3A_57 = tpu.memref_slice %arg11[%add3A_13, %dma_wait3A_56] : memref<10240x128xf32, #tpu.memory_space<vmem_shared>> -> memref<128x128xf32, #tpu.memory_space<vmem_shared>>
      %dma_wait3A_58 = arith.constant 0 : i32
      %dma_wait3A_59 = arith.constant 0 : i32
      %dma_wait3A_60 = tpu.memref_slice %arg10[%dma_wait3A_58, %dma_wait3A_59] : memref<128x128xf32, #tpu.memory_space<vmem>> -> memref<128x128xf32, #tpu.memory_space<vmem>>
      tpu.wait_dma2 semaphore(%run_scoped3A : memref<!tpu.dma_semaphore, #tpu.memory_space<semaphore_mem>>) src(%dma_wait3A_60 : memref<128x128xf32, #tpu.memory_space<vmem>>) dst(%dma_wait3A_57 : memref<128x128xf32, #tpu.memory_space<vmem_shared>>)
      tpu.yield
    }) : () -> ()
    %add3A_14 = arith.constant 512 : i32
    %add3A_15 = arith.addi %mul3A_6, %add3A_14 : i32
    "tpu.region"() ({
      %run_scoped3A = tpu.sem_alloc : memref<!tpu.dma_semaphore, #tpu.memory_space<semaphore_mem>>
      %dma_start3A = arith.constant 0 : i32
      %dma_start3A_43 = arith.constant 0 : i32
      %dma_start3A_44 = tpu.memref_slice %arg10[%dma_start3A, %dma_start3A_43] : memref<128x128xf32, #tpu.memory_space<vmem>> -> memref<128x128xf32, #tpu.memory_space<vmem>>
      %dma_start3A_45 = arith.constant 0 : i32
      %dma_start3A_46 = tpu.memref_slice %arg11[%add3A_15, %dma_start3A_45] : memref<10240x128xf32, #tpu.memory_space<vmem_shared>> -> memref<128x128xf32, #tpu.memory_space<vmem_shared>>
      %dma_start3A_47 = arith.constant 0 : i32
      %dma_start3A_48 = tpu.memref_slice %arg11[%add3A_15, %dma_start3A_47] : memref<10240x128xf32, #tpu.memory_space<vmem_shared>> -> memref<128x128xf32, #tpu.memory_space<vmem_shared>>
      %dma_start3A_49 = arith.constant 0 : i32
      %dma_start3A_50 = arith.constant 0 : i32
      %dma_start3A_51 = tpu.memref_slice %arg10[%dma_start3A_49, %dma_start3A_50] : memref<128x128xf32, #tpu.memory_space<vmem>> -> memref<128x128xf32, #tpu.memory_space<vmem>>
      tpu.enqueue_dma source(%dma_start3A_51 : memref<128x128xf32, #tpu.memory_space<vmem>>) target(%dma_start3A_48 : memref<128x128xf32, #tpu.memory_space<vmem_shared>>) target_semaphore(%run_scoped3A : memref<!tpu.dma_semaphore, #tpu.memory_space<semaphore_mem>>)
      %dma_wait3A = arith.constant 0 : i32
      %dma_wait3A_52 = arith.constant 0 : i32
      %dma_wait3A_53 = tpu.memref_slice %arg10[%dma_wait3A, %dma_wait3A_52] : memref<128x128xf32, #tpu.memory_space<vmem>> -> memref<128x128xf32, #tpu.memory_space<vmem>>
      %dma_wait3A_54 = arith.constant 0 : i32
      %dma_wait3A_55 = tpu.memref_slice %arg11[%add3A_15, %dma_wait3A_54] : memref<10240x128xf32, #tpu.memory_space<vmem_shared>> -> memref<128x128xf32, #tpu.memory_space<vmem_shared>>
      %dma_wait3A_56 = arith.constant 0 : i32
      %dma_wait3A_57 = tpu.memref_slice %arg11[%add3A_15, %dma_wait3A_56] : memref<10240x128xf32, #tpu.memory_space<vmem_shared>> -> memref<128x128xf32, #tpu.memory_space<vmem_shared>>
      %dma_wait3A_58 = arith.constant 0 : i32
      %dma_wait3A_59 = arith.constant 0 : i32
      %dma_wait3A_60 = tpu.memref_slice %arg10[%dma_wait3A_58, %dma_wait3A_59] : memref<128x128xf32, #tpu.memory_space<vmem>> -> memref<128x128xf32, #tpu.memory_space<vmem>>
      tpu.wait_dma2 semaphore(%run_scoped3A : memref<!tpu.dma_semaphore, #tpu.memory_space<semaphore_mem>>) src(%dma_wait3A_60 : memref<128x128xf32, #tpu.memory_space<vmem>>) dst(%dma_wait3A_57 : memref<128x128xf32, #tpu.memory_space<vmem_shared>>)
      tpu.yield
    }) : () -> ()
    %barrier3A = arith.constant 0 : index
    tpu.barrier barrier_id(%barrier3A)
    %scan3A_16 = arith.constant 0 : i32
    %scan3A_17 = arith.constant 0 : i32
    %scan3A_18 = arith.constant 79 : i32
    %scan3A_19 = arith.addi %scan3A_17, %scan3A_18 : i32
    %scan3A_20 = arith.constant 1 : i32
    scf.for %scan3A_43 = %scan3A_17 to %scan3A_19 step %scan3A_20  : i32 {
      %dma_start3A = arith.constant 0 : i32
      %dma_start3A_44 = tpu.memref_slice %arg7[%scan3A_43, %dma_start3A] : memref<79x128xi32, #tpu.memory_space<vmem>> -> memref<1x128xi32, #tpu.memory_space<vmem>>
      %dma_start3A_45 = tpu.memref_squeeze %dma_start3A_44 : memref<1x128xi32, #tpu.memory_space<vmem>> -> memref<128xi32, #tpu.memory_space<vmem>>
      %dma_start3A_46 = arith.constant 0 : i32
      %dma_start3A_47 = arith.constant 0 : i32
      %dma_start3A_48 = tpu.memref_slice %arg2[%dma_start3A_46, %dma_start3A_47] : memref<10000x128xf32, #tpu.memory_space<hbm>> -> memref<10000x128xf32, #tpu.memory_space<hbm>>
      tpu.enqueue_indirect_dma source(%dma_start3A_48 : memref<10000x128xf32, #tpu.memory_space<hbm>>) target(%arg10 : memref<128x128xf32, #tpu.memory_space<vmem>>) offsets(%dma_start3A_45 : memref<128xi32, #tpu.memory_space<vmem>>) semaphore(%arg12 : memref<!tpu.dma_semaphore, #tpu.memory_space<semaphore_mem>>)
      %dma_wait3A = arith.constant 0 : i32
      %dma_wait3A_49 = tpu.memref_slice %arg7[%scan3A_43, %dma_wait3A] : memref<79x128xi32, #tpu.memory_space<vmem>> -> memref<1x128xi32, #tpu.memory_space<vmem>>
      %dma_wait3A_50 = tpu.memref_squeeze %dma_wait3A_49 : memref<1x128xi32, #tpu.memory_space<vmem>> -> memref<128xi32, #tpu.memory_space<vmem>>
      %dma_wait3A_51 = arith.constant 0 : i32
      %dma_wait3A_52 = arith.constant 0 : i32
      %dma_wait3A_53 = tpu.memref_slice %arg2[%dma_wait3A_51, %dma_wait3A_52] : memref<10000x128xf32, #tpu.memory_space<hbm>> -> memref<10000x128xf32, #tpu.memory_space<hbm>>
      tpu.wait_indirect_dma semaphore(%arg12 : memref<!tpu.dma_semaphore, #tpu.memory_space<semaphore_mem>>) src(%dma_wait3A_53 : memref<10000x128xf32, #tpu.memory_space<hbm>>) dst(%arg10 : memref<128x128xf32, #tpu.memory_space<vmem>>)
      %scan3A_54 = arith.constant 0 : i32
      %scan3A_55 = arith.constant 0 : i32
      %scan3A_56 = arith.constant 128 : i32
      %scan3A_57 = arith.addi %scan3A_55, %scan3A_56 : i32
      %scan3A_58 = arith.constant 1 : i32
      scf.for %scan3A_60 = %scan3A_55 to %scan3A_57 step %scan3A_58  : i32 {
        %broadcast_in_dim3A_61 = vector.broadcast %scan3A_43 : i32 to vector<16xi32>
        %broadcast_in_dim3A_62 = vector.broadcast %scan3A_60 : i32 to vector<16xi32>
        %gather3A = tpu.vector_load_idx %arg9[%broadcast_in_dim3A_61, %broadcast_in_dim3A_62] : memref<79x128xf32, #tpu.memory_space<vmem>>[vector<16xi32>, vector<16xi32>], vector<16xf32>,
        %get3A = arith.index_cast %scan3A_60 : i32 to index
        %get3A_63 = arith.constant 0 : index
        %get3A_64 = tpu.vector_load %arg10[%get3A, %get3A_63] {strides = array<i32>} : memref<128x128xf32, #tpu.memory_space<vmem>>, vector<16xf32>,
        %mul3A_65 = arith.mulf %get3A_64, %gather3A : vector<16xf32>
        %swap3A = arith.index_cast %scan3A_60 : i32 to index
        %swap3A_66 = arith.constant 0 : index
        %swap3A_67 = tpu.vector_load %arg10[%swap3A, %swap3A_66] {strides = array<i32>} : memref<128x128xf32, #tpu.memory_space<vmem>>, vector<16xf32>,
        tpu.vector_store %arg10[%swap3A, %swap3A_66], %mul3A_65 {strides = array<i32>} : memref<128x128xf32, #tpu.memory_space<vmem>>, vector<16xf32>,
        %get3A_68 = arith.index_cast %scan3A_60 : i32 to index
        %get3A_69 = arith.constant 16 : index
        %get3A_70 = tpu.vector_load %arg10[%get3A_68, %get3A_69] {strides = array<i32>} : memref<128x128xf32, #tpu.memory_space<vmem>>, vector<16xf32>,
        %mul3A_71 = arith.mulf %get3A_70, %gather3A : vector<16xf32>
        %swap3A_72 = arith.index_cast %scan3A_60 : i32 to index
        %swap3A_73 = arith.constant 16 : index
        %swap3A_74 = tpu.vector_load %arg10[%swap3A_72, %swap3A_73] {strides = array<i32>} : memref<128x128xf32, #tpu.memory_space<vmem>>, vector<16xf32>,
        tpu.vector_store %arg10[%swap3A_72, %swap3A_73], %mul3A_71 {strides = array<i32>} : memref<128x128xf32, #tpu.memory_space<vmem>>, vector<16xf32>,
        %get3A_75 = arith.index_cast %scan3A_60 : i32 to index
        %get3A_76 = arith.constant 32 : index
        %get3A_77 = tpu.vector_load %arg10[%get3A_75, %get3A_76] {strides = array<i32>} : memref<128x128xf32, #tpu.memory_space<vmem>>, vector<16xf32>,
        %mul3A_78 = arith.mulf %get3A_77, %gather3A : vector<16xf32>
        %swap3A_79 = arith.index_cast %scan3A_60 : i32 to index
        %swap3A_80 = arith.constant 32 : index
        %swap3A_81 = tpu.vector_load %arg10[%swap3A_79, %swap3A_80] {strides = array<i32>} : memref<128x128xf32, #tpu.memory_space<vmem>>, vector<16xf32>,
        tpu.vector_store %arg10[%swap3A_79, %swap3A_80], %mul3A_78 {strides = array<i32>} : memref<128x128xf32, #tpu.memory_space<vmem>>, vector<16xf32>,
        %get3A_82 = arith.index_cast %scan3A_60 : i32 to index
        %get3A_83 = arith.constant 48 : index
        %get3A_84 = tpu.vector_load %arg10[%get3A_82, %get3A_83] {strides = array<i32>} : memref<128x128xf32, #tpu.memory_space<vmem>>, vector<16xf32>,
        %mul3A_85 = arith.mulf %get3A_84, %gather3A : vector<16xf32>
        %swap3A_86 = arith.index_cast %scan3A_60 : i32 to index
        %swap3A_87 = arith.constant 48 : index
        %swap3A_88 = tpu.vector_load %arg10[%swap3A_86, %swap3A_87] {strides = array<i32>} : memref<128x128xf32, #tpu.memory_space<vmem>>, vector<16xf32>,
        tpu.vector_store %arg10[%swap3A_86, %swap3A_87], %mul3A_85 {strides = array<i32>} : memref<128x128xf32, #tpu.memory_space<vmem>>, vector<16xf32>,
        %get3A_89 = arith.index_cast %scan3A_60 : i32 to index
        %get3A_90 = arith.constant 64 : index
        %get3A_91 = tpu.vector_load %arg10[%get3A_89, %get3A_90] {strides = array<i32>} : memref<128x128xf32, #tpu.memory_space<vmem>>, vector<16xf32>,
        %mul3A_92 = arith.mulf %get3A_91, %gather3A : vector<16xf32>
        %swap3A_93 = arith.index_cast %scan3A_60 : i32 to index
        %swap3A_94 = arith.constant 64 : index
        %swap3A_95 = tpu.vector_load %arg10[%swap3A_93, %swap3A_94] {strides = array<i32>} : memref<128x128xf32, #tpu.memory_space<vmem>>, vector<16xf32>,
        tpu.vector_store %arg10[%swap3A_93, %swap3A_94], %mul3A_92 {strides = array<i32>} : memref<128x128xf32, #tpu.memory_space<vmem>>, vector<16xf32>,
        %get3A_96 = arith.index_cast %scan3A_60 : i32 to index
        %get3A_97 = arith.constant 80 : index
        %get3A_98 = tpu.vector_load %arg10[%get3A_96, %get3A_97] {strides = array<i32>} : memref<128x128xf32, #tpu.memory_space<vmem>>, vector<16xf32>,
        %mul3A_99 = arith.mulf %get3A_98, %gather3A : vector<16xf32>
        %swap3A_100 = arith.index_cast %scan3A_60 : i32 to index
        %swap3A_101 = arith.constant 80 : index
        %swap3A_102 = tpu.vector_load %arg10[%swap3A_100, %swap3A_101] {strides = array<i32>} : memref<128x128xf32, #tpu.memory_space<vmem>>, vector<16xf32>,
        tpu.vector_store %arg10[%swap3A_100, %swap3A_101], %mul3A_99 {strides = array<i32>} : memref<128x128xf32, #tpu.memory_space<vmem>>, vector<16xf32>,
        %get3A_103 = arith.index_cast %scan3A_60 : i32 to index
        %get3A_104 = arith.constant 96 : index
        %get3A_105 = tpu.vector_load %arg10[%get3A_103, %get3A_104] {strides = array<i32>} : memref<128x128xf32, #tpu.memory_space<vmem>>, vector<16xf32>,
        %mul3A_106 = arith.mulf %get3A_105, %gather3A : vector<16xf32>
        %swap3A_107 = arith.index_cast %scan3A_60 : i32 to index
        %swap3A_108 = arith.constant 96 : index
        %swap3A_109 = tpu.vector_load %arg10[%swap3A_107, %swap3A_108] {strides = array<i32>} : memref<128x128xf32, #tpu.memory_space<vmem>>, vector<16xf32>,
        tpu.vector_store %arg10[%swap3A_107, %swap3A_108], %mul3A_106 {strides = array<i32>} : memref<128x128xf32, #tpu.memory_space<vmem>>, vector<16xf32>,
        %get3A_110 = arith.index_cast %scan3A_60 : i32 to index
        %get3A_111 = arith.constant 112 : index
        %get3A_112 = tpu.vector_load %arg10[%get3A_110, %get3A_111] {strides = array<i32>} : memref<128x128xf32, #tpu.memory_space<vmem>>, vector<16xf32>,
        %mul3A_113 = arith.mulf %get3A_112, %gather3A : vector<16xf32>
        %swap3A_114 = arith.index_cast %scan3A_60 : i32 to index
        %swap3A_115 = arith.constant 112 : index
        %swap3A_116 = tpu.vector_load %arg10[%swap3A_114, %swap3A_115] {strides = array<i32>} : memref<128x128xf32, #tpu.memory_space<vmem>>, vector<16xf32>,
        tpu.vector_store %arg10[%swap3A_114, %swap3A_115], %mul3A_113 {strides = array<i32>} : memref<128x128xf32, #tpu.memory_space<vmem>>, vector<16xf32>,
      }
      %scan3A_59 = arith.constant 128 : i32
      "tpu.region"() ({
        %run_scoped3A = tpu.sem_alloc : memref<!tpu.dma_semaphore, #tpu.memory_space<semaphore_mem>>
        %dma_start3A_60 = arith.constant 0 : i32
        %dma_start3A_61 = tpu.memref_slice %arg8[%scan3A_43, %dma_start3A_60] : memref<79x128xi32, #tpu.memory_space<vmem>> -> memref<1x128xi32, #tpu.memory_space<vmem>>
        %dma_start3A_62 = tpu.memref_squeeze %dma_start3A_61 : memref<1x128xi32, #tpu.memory_space<vmem>> -> memref<128xi32, #tpu.memory_space<vmem>>
        %dma_start3A_63 = arith.constant 0 : i32
        %dma_start3A_64 = arith.constant 0 : i32
        %dma_start3A_65 = tpu.memref_slice %arg11[%dma_start3A_63, %dma_start3A_64] : memref<10240x128xf32, #tpu.memory_space<vmem_shared>> -> memref<10240x128xf32, #tpu.memory_space<vmem_shared>>
        tpu.enqueue_indirect_dma source(%arg10 : memref<128x128xf32, #tpu.memory_space<vmem>>) target(%dma_start3A_65 : memref<10240x128xf32, #tpu.memory_space<vmem_shared>>) offsets(%dma_start3A_62 : memref<128xi32, #tpu.memory_space<vmem>>) semaphore(%run_scoped3A : memref<!tpu.dma_semaphore, #tpu.memory_space<semaphore_mem>>) {add = true}
        %dma_wait3A_66 = arith.constant 0 : i32
        %dma_wait3A_67 = tpu.memref_slice %arg8[%scan3A_43, %dma_wait3A_66] : memref<79x128xi32, #tpu.memory_space<vmem>> -> memref<1x128xi32, #tpu.memory_space<vmem>>
        %dma_wait3A_68 = tpu.memref_squeeze %dma_wait3A_67 : memref<1x128xi32, #tpu.memory_space<vmem>> -> memref<128xi32, #tpu.memory_space<vmem>>
        %dma_wait3A_69 = arith.constant 0 : i32
        %dma_wait3A_70 = arith.constant 0 : i32
        %dma_wait3A_71 = tpu.memref_slice %arg11[%dma_wait3A_69, %dma_wait3A_70] : memref<10240x128xf32, #tpu.memory_space<vmem_shared>> -> memref<10240x128xf32, #tpu.memory_space<vmem_shared>>
        tpu.wait_indirect_dma semaphore(%run_scoped3A : memref<!tpu.dma_semaphore, #tpu.memory_space<semaphore_mem>>) src(%arg10 : memref<128x128xf32, #tpu.memory_space<vmem>>) dst(%dma_wait3A_71 : memref<10240x128xf32, #tpu.memory_space<vmem_shared>>)
        tpu.yield
      }) : () -> ()
    }
    %scan3A_21 = arith.constant 79 : i32
    %barrier3A_22 = arith.constant 0 : index
    tpu.barrier barrier_id(%barrier3A_22)
    %add3A_23 = arith.constant 0 : i32
    %add3A_24 = arith.addi %mul3A_6, %add3A_23 : i32
    %add3A_25 = arith.constant 0 : i32
    %add3A_26 = arith.addi %mul3A_6, %add3A_25 : i32
    "tpu.region"() ({
      %run_scoped3A = tpu.sem_alloc : memref<!tpu.dma_semaphore, #tpu.memory_space<semaphore_mem>>
      %dma_start3A = arith.constant 0 : i32
      %dma_start3A_43 = tpu.memref_slice %arg6[%arg0, %add3A_26, %dma_start3A] : memref<2x10240x128xf32, #tpu.memory_space<hbm>> -> memref<1x128x128xf32, #tpu.memory_space<hbm>>
      %dma_start3A_44 = tpu.memref_squeeze %dma_start3A_43 : memref<1x128x128xf32, #tpu.memory_space<hbm>> -> memref<128x128xf32, #tpu.memory_space<hbm>>
      %dma_start3A_45 = arith.constant 0 : i32
      %dma_start3A_46 = tpu.memref_slice %arg11[%add3A_24, %dma_start3A_45] : memref<10240x128xf32, #tpu.memory_space<vmem_shared>> -> memref<128x128xf32, #tpu.memory_space<vmem_shared>>
      tpu.enqueue_dma source(%dma_start3A_46 : memref<128x128xf32, #tpu.memory_space<vmem_shared>>) target(%dma_start3A_44 : memref<128x128xf32, #tpu.memory_space<hbm>>) target_semaphore(%run_scoped3A : memref<!tpu.dma_semaphore, #tpu.memory_space<semaphore_mem>>)
      %dma_wait3A = arith.constant 0 : i32
      %dma_wait3A_47 = tpu.memref_slice %arg6[%arg0, %add3A_26, %dma_wait3A] : memref<2x10240x128xf32, #tpu.memory_space<hbm>> -> memref<1x128x128xf32, #tpu.memory_space<hbm>>
      %dma_wait3A_48 = tpu.memref_squeeze %dma_wait3A_47 : memref<1x128x128xf32, #tpu.memory_space<hbm>> -> memref<128x128xf32, #tpu.memory_space<hbm>>
      %dma_wait3A_49 = arith.constant 0 : i32
      %dma_wait3A_50 = tpu.memref_slice %arg11[%add3A_24, %dma_wait3A_49] : memref<10240x128xf32, #tpu.memory_space<vmem_shared>> -> memref<128x128xf32, #tpu.memory_space<vmem_shared>>
      tpu.wait_dma2 semaphore(%run_scoped3A : memref<!tpu.dma_semaphore, #tpu.memory_space<semaphore_mem>>) src(%dma_wait3A_50 : memref<128x128xf32, #tpu.memory_space<vmem_shared>>) dst(%dma_wait3A_48 : memref<128x128xf32, #tpu.memory_space<hbm>>)
      tpu.yield
    }) : () -> ()
    %add3A_27 = arith.constant 128 : i32
    %add3A_28 = arith.addi %mul3A_6, %add3A_27 : i32
    %add3A_29 = arith.constant 128 : i32
    %add3A_30 = arith.addi %mul3A_6, %add3A_29 : i32
    "tpu.region"() ({
      %run_scoped3A = tpu.sem_alloc : memref<!tpu.dma_semaphore, #tpu.memory_space<semaphore_mem>>
      %dma_start3A = arith.constant 0 : i32
      %dma_start3A_43 = tpu.memref_slice %arg6[%arg0, %add3A_30, %dma_start3A] : memref<2x10240x128xf32, #tpu.memory_space<hbm>> -> memref<1x128x128xf32, #tpu.memory_space<hbm>>
      %dma_start3A_44 = tpu.memref_squeeze %dma_start3A_43 : memref<1x128x128xf32, #tpu.memory_space<hbm>> -> memref<128x128xf32, #tpu.memory_space<hbm>>
      %dma_start3A_45 = arith.constant 0 : i32
      %dma_start3A_46 = tpu.memref_slice %arg11[%add3A_28, %dma_start3A_45] : memref<10240x128xf32, #tpu.memory_space<vmem_shared>> -> memref<128x128xf32, #tpu.memory_space<vmem_shared>>
      tpu.enqueue_dma source(%dma_start3A_46 : memref<128x128xf32, #tpu.memory_space<vmem_shared>>) target(%dma_start3A_44 : memref<128x128xf32, #tpu.memory_space<hbm>>) target_semaphore(%run_scoped3A : memref<!tpu.dma_semaphore, #tpu.memory_space<semaphore_mem>>)
      %dma_wait3A = arith.constant 0 : i32
      %dma_wait3A_47 = tpu.memref_slice %arg6[%arg0, %add3A_30, %dma_wait3A] : memref<2x10240x128xf32, #tpu.memory_space<hbm>> -> memref<1x128x128xf32, #tpu.memory_space<hbm>>
      %dma_wait3A_48 = tpu.memref_squeeze %dma_wait3A_47 : memref<1x128x128xf32, #tpu.memory_space<hbm>> -> memref<128x128xf32, #tpu.memory_space<hbm>>
      %dma_wait3A_49 = arith.constant 0 : i32
      %dma_wait3A_50 = tpu.memref_slice %arg11[%add3A_28, %dma_wait3A_49] : memref<10240x128xf32, #tpu.memory_space<vmem_shared>> -> memref<128x128xf32, #tpu.memory_space<vmem_shared>>
      tpu.wait_dma2 semaphore(%run_scoped3A : memref<!tpu.dma_semaphore, #tpu.memory_space<semaphore_mem>>) src(%dma_wait3A_50 : memref<128x128xf32, #tpu.memory_space<vmem_shared>>) dst(%dma_wait3A_48 : memref<128x128xf32, #tpu.memory_space<hbm>>)
      tpu.yield
    }) : () -> ()
    %add3A_31 = arith.constant 256 : i32
    %add3A_32 = arith.addi %mul3A_6, %add3A_31 : i32
    %add3A_33 = arith.constant 256 : i32
    %add3A_34 = arith.addi %mul3A_6, %add3A_33 : i32
    "tpu.region"() ({
      %run_scoped3A = tpu.sem_alloc : memref<!tpu.dma_semaphore, #tpu.memory_space<semaphore_mem>>
      %dma_start3A = arith.constant 0 : i32
      %dma_start3A_43 = tpu.memref_slice %arg6[%arg0, %add3A_34, %dma_start3A] : memref<2x10240x128xf32, #tpu.memory_space<hbm>> -> memref<1x128x128xf32, #tpu.memory_space<hbm>>
      %dma_start3A_44 = tpu.memref_squeeze %dma_start3A_43 : memref<1x128x128xf32, #tpu.memory_space<hbm>> -> memref<128x128xf32, #tpu.memory_space<hbm>>
      %dma_start3A_45 = arith.constant 0 : i32
      %dma_start3A_46 = tpu.memref_slice %arg11[%add3A_32, %dma_start3A_45] : memref<10240x128xf32, #tpu.memory_space<vmem_shared>> -> memref<128x128xf32, #tpu.memory_space<vmem_shared>>
      tpu.enqueue_dma source(%dma_start3A_46 : memref<128x128xf32, #tpu.memory_space<vmem_shared>>) target(%dma_start3A_44 : memref<128x128xf32, #tpu.memory_space<hbm>>) target_semaphore(%run_scoped3A : memref<!tpu.dma_semaphore, #tpu.memory_space<semaphore_mem>>)
      %dma_wait3A = arith.constant 0 : i32
      %dma_wait3A_47 = tpu.memref_slice %arg6[%arg0, %add3A_34, %dma_wait3A] : memref<2x10240x128xf32, #tpu.memory_space<hbm>> -> memref<1x128x128xf32, #tpu.memory_space<hbm>>
      %dma_wait3A_48 = tpu.memref_squeeze %dma_wait3A_47 : memref<1x128x128xf32, #tpu.memory_space<hbm>> -> memref<128x128xf32, #tpu.memory_space<hbm>>
      %dma_wait3A_49 = arith.constant 0 : i32
      %dma_wait3A_50 = tpu.memref_slice %arg11[%add3A_32, %dma_wait3A_49] : memref<10240x128xf32, #tpu.memory_space<vmem_shared>> -> memref<128x128xf32, #tpu.memory_space<vmem_shared>>
      tpu.wait_dma2 semaphore(%run_scoped3A : memref<!tpu.dma_semaphore, #tpu.memory_space<semaphore_mem>>) src(%dma_wait3A_50 : memref<128x128xf32, #tpu.memory_space<vmem_shared>>) dst(%dma_wait3A_48 : memref<128x128xf32, #tpu.memory_space<hbm>>)
      tpu.yield
    }) : () -> ()
    %add3A_35 = arith.constant 384 : i32
    %add3A_36 = arith.addi %mul3A_6, %add3A_35 : i32
    %add3A_37 = arith.constant 384 : i32
    %add3A_38 = arith.addi %mul3A_6, %add3A_37 : i32
    "tpu.region"() ({
      %run_scoped3A = tpu.sem_alloc : memref<!tpu.dma_semaphore, #tpu.memory_space<semaphore_mem>>
      %dma_start3A = arith.constant 0 : i32
      %dma_start3A_43 = tpu.memref_slice %arg6[%arg0, %add3A_38, %dma_start3A] : memref<2x10240x128xf32, #tpu.memory_space<hbm>> -> memref<1x128x128xf32, #tpu.memory_space<hbm>>
      %dma_start3A_44 = tpu.memref_squeeze %dma_start3A_43 : memref<1x128x128xf32, #tpu.memory_space<hbm>> -> memref<128x128xf32, #tpu.memory_space<hbm>>
      %dma_start3A_45 = arith.constant 0 : i32
      %dma_start3A_46 = tpu.memref_slice %arg11[%add3A_36, %dma_start3A_45] : memref<10240x128xf32, #tpu.memory_space<vmem_shared>> -> memref<128x128xf32, #tpu.memory_space<vmem_shared>>
      tpu.enqueue_dma source(%dma_start3A_46 : memref<128x128xf32, #tpu.memory_space<vmem_shared>>) target(%dma_start3A_44 : memref<128x128xf32, #tpu.memory_space<hbm>>) target_semaphore(%run_scoped3A : memref<!tpu.dma_semaphore, #tpu.memory_space<semaphore_mem>>)
      %dma_wait3A = arith.constant 0 : i32
      %dma_wait3A_47 = tpu.memref_slice %arg6[%arg0, %add3A_38, %dma_wait3A] : memref<2x10240x128xf32, #tpu.memory_space<hbm>> -> memref<1x128x128xf32, #tpu.memory_space<hbm>>
      %dma_wait3A_48 = tpu.memref_squeeze %dma_wait3A_47 : memref<1x128x128xf32, #tpu.memory_space<hbm>> -> memref<128x128xf32, #tpu.memory_space<hbm>>
      %dma_wait3A_49 = arith.constant 0 : i32
      %dma_wait3A_50 = tpu.memref_slice %arg11[%add3A_36, %dma_wait3A_49] : memref<10240x128xf32, #tpu.memory_space<vmem_shared>> -> memref<128x128xf32, #tpu.memory_space<vmem_shared>>
      tpu.wait_dma2 semaphore(%run_scoped3A : memref<!tpu.dma_semaphore, #tpu.memory_space<semaphore_mem>>) src(%dma_wait3A_50 : memref<128x128xf32, #tpu.memory_space<vmem_shared>>) dst(%dma_wait3A_48 : memref<128x128xf32, #tpu.memory_space<hbm>>)
      tpu.yield
    }) : () -> ()
    %add3A_39 = arith.constant 512 : i32
    %add3A_40 = arith.addi %mul3A_6, %add3A_39 : i32
    %add3A_41 = arith.constant 512 : i32
    %add3A_42 = arith.addi %mul3A_6, %add3A_41 : i32
    "tpu.region"() ({
      %run_scoped3A = tpu.sem_alloc : memref<!tpu.dma_semaphore, #tpu.memory_space<semaphore_mem>>
      %dma_start3A = arith.constant 0 : i32
      %dma_start3A_43 = tpu.memref_slice %arg6[%arg0, %add3A_42, %dma_start3A] : memref<2x10240x128xf32, #tpu.memory_space<hbm>> -> memref<1x128x128xf32, #tpu.memory_space<hbm>>
      %dma_start3A_44 = tpu.memref_squeeze %dma_start3A_43 : memref<1x128x128xf32, #tpu.memory_space<hbm>> -> memref<128x128xf32, #tpu.memory_space<hbm>>
      %dma_start3A_45 = arith.constant 0 : i32
      %dma_start3A_46 = tpu.memref_slice %arg11[%add3A_40, %dma_start3A_45] : memref<10240x128xf32, #tpu.memory_space<vmem_shared>> -> memref<128x128xf32, #tpu.memory_space<vmem_shared>>
      tpu.enqueue_dma source(%dma_start3A_46 : memref<128x128xf32, #tpu.memory_space<vmem_shared>>) target(%dma_start3A_44 : memref<128x128xf32, #tpu.memory_space<hbm>>) target_semaphore(%run_scoped3A : memref<!tpu.dma_semaphore, #tpu.memory_space<semaphore_mem>>)
      %dma_wait3A = arith.constant 0 : i32
      %dma_wait3A_47 = tpu.memref_slice %arg6[%arg0, %add3A_42, %dma_wait3A] : memref<2x10240x128xf32, #tpu.memory_space<hbm>> -> memref<1x128x128xf32, #tpu.memory_space<hbm>>
      %dma_wait3A_48 = tpu.memref_squeeze %dma_wait3A_47 : memref<1x128x128xf32, #tpu.memory_space<hbm>> -> memref<128x128xf32, #tpu.memory_space<hbm>>
      %dma_wait3A_49 = arith.constant 0 : i32
      %dma_wait3A_50 = tpu.memref_slice %arg11[%add3A_40, %dma_wait3A_49] : memref<10240x128xf32, #tpu.memory_space<vmem_shared>> -> memref<128x128xf32, #tpu.memory_space<vmem_shared>>
      tpu.wait_dma2 semaphore(%run_scoped3A : memref<!tpu.dma_semaphore, #tpu.memory_space<semaphore_mem>>) src(%dma_wait3A_50 : memref<128x128xf32, #tpu.memory_space<vmem_shared>>) dst(%dma_wait3A_48 : memref<128x128xf32, #tpu.memory_space<hbm>>)
      tpu.yield
    }) : () -> ()
    return
  }
}

#map = affine_map<(d0, d1) -> (0, 0)>
#map1 = affine_map<(d0, d1) -> (0, 0, 0, 0)>
#map2 = affine_map<(d0, d1) -> (0, 0, 0)>
module attributes {stable_mosaic.version = 14 : i64} {
  func.func @spmm(%arg0: i32, %arg1: i32, %arg2: memref<10000x128xf32, #tpu.memory_space<hbm>>, %arg3: memref<2x16x79x128xi32, #tpu.memory_space<hbm>>, %arg4: memref<2x16x79x128xi32, #tpu.memory_space<hbm>>, %arg5: memref<2x16x79x128xf32, #tpu.memory_space<hbm>>, %arg6: memref<2x10240x128xf32, #tpu.memory_space<hbm>>, %arg7: memref<79x128xi32, #tpu.memory_space<vmem>>, %arg8: memref<79x128xi32, #tpu.memory_space<vmem>>, %arg9: memref<79x128xf32, #tpu.memory_space<vmem>>, %arg10: memref<128x128xf32, #tpu.memory_space<vmem>>, %arg11: memref<10240x128xf32, #tpu.memory_space<vmem_shared>>, %arg12: memref<!tpu.dma_semaphore, #tpu.memory_space<semaphore_mem>>) attributes {dimension_semantics = [#tpu.dimension_semantics<core_parallel>, #tpu.dimension_semantics<subcore_parallel>], iteration_bounds = array<i64: 2, 16>, scalar_prefetch = 0 : i64, scratch_operands = 6 : i64, tpu.core_type = #tpu.core_type<sc_vector_subcore>, window_params = [{transform_indices = #map}, {transform_indices = #map1}, {transform_indices = #map1}, {transform_indices = #map1}, {transform_indices = #map2}]} {
    "tpu.region"() ({
      %run_scoped3A = tpu.sem_alloc : memref<!tpu.dma_semaphore, #tpu.memory_space<semaphore_mem>>
      %dma_start3A = arith.constant 0 : i32
      %dma_start3A_43 = arith.constant 0 : i32
      %dma_start3A_44 = tpu.memref_slice %arg3[%arg0, %arg1, %dma_start3A, %dma_start3A_43] : memref<2x16x79x128xi32, #tpu.memory_space<hbm>> -> memref<1x1x79x128xi32, #tpu.memory_space<hbm>>
      %dma_start3A_45 = tpu.memref_squeeze %dma_start3A_44 : memref<1x1x79x128xi32, #tpu.memory_space<hbm>> -> memref<79x128xi32, #tpu.memory_space<hbm>>
      %dma_start3A_46 = arith.constant 0 : i32
      %dma_start3A_47 = arith.constant 0 : i32
      %dma_start3A_48 = tpu.memref_slice %arg3[%arg0, %arg1, %dma_start3A_46, %dma_start3A_47] : memref<2x16x79x128xi32, #tpu.memory_space<hbm>> -> memref<1x1x79x128xi32, #tpu.memory_space<hbm>>
      %dma_start3A_49 = tpu.memref_squeeze %dma_start3A_48 : memref<1x1x79x128xi32, #tpu.memory_space<hbm>> -> memref<79x128xi32, #tpu.memory_space<hbm>>
      tpu.enqueue_dma source(%dma_start3A_49 : memref<79x128xi32, #tpu.memory_space<hbm>>) target(%arg7 : memref<79x128xi32, #tpu.memory_space<vmem>>) target_semaphore(%run_scoped3A : memref<!tpu.dma_semaphore, #tpu.memory_space<semaphore_mem>>)
      %dma_wait3A = arith.constant 0 : i32
      %dma_wait3A_50 = arith.constant 0 : i32
      %dma_wait3A_51 = tpu.memref_slice %arg3[%arg0, %arg1, %dma_wait3A, %dma_wait3A_50] : memref<2x16x79x128xi32, #tpu.memory_space<hbm>> -> memref<1x1x79x128xi32, #tpu.memory_space<hbm>>
      %dma_wait3A_52 = tpu.memref_squeeze %dma_wait3A_51 : memref<1x1x79x128xi32, #tpu.memory_space<hbm>> -> memref<79x128xi32, #tpu.memory_space<hbm>>
      %dma_wait3A_53 = arith.constant 0 : i32
      %dma_wait3A_54 = arith.constant 0 : i32
      %dma_wait3A_55 = tpu.memref_slice %arg3[%arg0, %arg1, %dma_wait3A_53, %dma_wait3A_54] : memref<2x16x79x128xi32, #tpu.memory_space<hbm>> -> memref<1x1x79x128xi32, #tpu.memory_space<hbm>>
      %dma_wait3A_56 = tpu.memref_squeeze %dma_wait3A_55 : memref<1x1x79x128xi32, #tpu.memory_space<hbm>> -> memref<79x128xi32, #tpu.memory_space<hbm>>
      tpu.wait_dma2 semaphore(%run_scoped3A : memref<!tpu.dma_semaphore, #tpu.memory_space<semaphore_mem>>) src(%dma_wait3A_56 : memref<79x128xi32, #tpu.memory_space<hbm>>) dst(%arg7 : memref<79x128xi32, #tpu.memory_space<vmem>>)
      tpu.yield
    }) : () -> ()
    "tpu.region"() ({
      %run_scoped3A = tpu.sem_alloc : memref<!tpu.dma_semaphore, #tpu.memory_space<semaphore_mem>>
      %dma_start3A = arith.constant 0 : i32
      %dma_start3A_43 = arith.constant 0 : i32
      %dma_start3A_44 = tpu.memref_slice %arg4[%arg0, %arg1, %dma_start3A, %dma_start3A_43] : memref<2x16x79x128xi32, #tpu.memory_space<hbm>> -> memref<1x1x79x128xi32, #tpu.memory_space<hbm>>
      %dma_start3A_45 = tpu.memref_squeeze %dma_start3A_44 : memref<1x1x79x128xi32, #tpu.memory_space<hbm>> -> memref<79x128xi32, #tpu.memory_space<hbm>>
      %dma_start3A_46 = arith.constant 0 : i32
      %dma_start3A_47 = arith.constant 0 : i32
      %dma_start3A_48 = tpu.memref_slice %arg4[%arg0, %arg1, %dma_start3A_46, %dma_start3A_47] : memref<2x16x79x128xi32, #tpu.memory_space<hbm>> -> memref<1x1x79x128xi32, #tpu.memory_space<hbm>>
      %dma_start3A_49 = tpu.memref_squeeze %dma_start3A_48 : memref<1x1x79x128xi32, #tpu.memory_space<hbm>> -> memref<79x128xi32, #tpu.memory_space<hbm>>
      tpu.enqueue_dma source(%dma_start3A_49 : memref<79x128xi32, #tpu.memory_space<hbm>>) target(%arg8 : memref<79x128xi32, #tpu.memory_space<vmem>>) target_semaphore(%run_scoped3A : memref<!tpu.dma_semaphore, #tpu.memory_space<semaphore_mem>>)
      %dma_wait3A = arith.constant 0 : i32
      %dma_wait3A_50 = arith.constant 0 : i32
      %dma_wait3A_51 = tpu.memref_slice %arg4[%arg0, %arg1, %dma_wait3A, %dma_wait3A_50] : memref<2x16x79x128xi32, #tpu.memory_space<hbm>> -> memref<1x1x79x128xi32, #tpu.memory_space<hbm>>
      %dma_wait3A_52 = tpu.memref_squeeze %dma_wait3A_51 : memref<1x1x79x128xi32, #tpu.memory_space<hbm>> -> memref<79x128xi32, #tpu.memory_space<hbm>>
      %dma_wait3A_53 = arith.constant 0 : i32
      %dma_wait3A_54 = arith.constant 0 : i32
      %dma_wait3A_55 = tpu.memref_slice %arg4[%arg0, %arg1, %dma_wait3A_53, %dma_wait3A_54] : memref<2x16x79x128xi32, #tpu.memory_space<hbm>> -> memref<1x1x79x128xi32, #tpu.memory_space<hbm>>
      %dma_wait3A_56 = tpu.memref_squeeze %dma_wait3A_55 : memref<1x1x79x128xi32, #tpu.memory_space<hbm>> -> memref<79x128xi32, #tpu.memory_space<hbm>>
      tpu.wait_dma2 semaphore(%run_scoped3A : memref<!tpu.dma_semaphore, #tpu.memory_space<semaphore_mem>>) src(%dma_wait3A_56 : memref<79x128xi32, #tpu.memory_space<hbm>>) dst(%arg8 : memref<79x128xi32, #tpu.memory_space<vmem>>)
      tpu.yield
    }) : () -> ()
    "tpu.region"() ({
      %run_scoped3A = tpu.sem_alloc : memref<!tpu.dma_semaphore, #tpu.memory_space<semaphore_mem>>
      %dma_start3A = arith.constant 0 : i32
      %dma_start3A_43 = arith.constant 0 : i32
      %dma_start3A_44 = tpu.memref_slice %arg5[%arg0, %arg1, %dma_start3A, %dma_start3A_43] : memref<2x16x79x128xf32, #tpu.memory_space<hbm>> -> memref<1x1x79x128xf32, #tpu.memory_space<hbm>>
      %dma_start3A_45 = tpu.memref_squeeze %dma_start3A_44 : memref<1x1x79x128xf32, #tpu.memory_space<hbm>> -> memref<79x128xf32, #tpu.memory_space<hbm>>
      %dma_start3A_46 = arith.constant 0 : i32
      %dma_start3A_47 = arith.constant 0 : i32
      %dma_start3A_48 = tpu.memref_slice %arg5[%arg0, %arg1, %dma_start3A_46, %dma_start3A_47] : memref<2x16x79x128xf32, #tpu.memory_space<hbm>> -> memref<1x1x79x128xf32, #tpu.memory_space<hbm>>
      %dma_start3A_49 = tpu.memref_squeeze %dma_start3A_48 : memref<1x1x79x128xf32, #tpu.memory_space<hbm>> -> memref<79x128xf32, #tpu.memory_space<hbm>>
      tpu.enqueue_dma source(%dma_start3A_49 : memref<79x128xf32, #tpu.memory_space<hbm>>) target(%arg9 : memref<79x128xf32, #tpu.memory_space<vmem>>) target_semaphore(%run_scoped3A : memref<!tpu.dma_semaphore, #tpu.memory_space<semaphore_mem>>)
      %dma_wait3A = arith.constant 0 : i32
      %dma_wait3A_50 = arith.constant 0 : i32
      %dma_wait3A_51 = tpu.memref_slice %arg5[%arg0, %arg1, %dma_wait3A, %dma_wait3A_50] : memref<2x16x79x128xf32, #tpu.memory_space<hbm>> -> memref<1x1x79x128xf32, #tpu.memory_space<hbm>>
      %dma_wait3A_52 = tpu.memref_squeeze %dma_wait3A_51 : memref<1x1x79x128xf32, #tpu.memory_space<hbm>> -> memref<79x128xf32, #tpu.memory_space<hbm>>
      %dma_wait3A_53 = arith.constant 0 : i32
      %dma_wait3A_54 = arith.constant 0 : i32
      %dma_wait3A_55 = tpu.memref_slice %arg5[%arg0, %arg1, %dma_wait3A_53, %dma_wait3A_54] : memref<2x16x79x128xf32, #tpu.memory_space<hbm>> -> memref<1x1x79x128xf32, #tpu.memory_space<hbm>>
      %dma_wait3A_56 = tpu.memref_squeeze %dma_wait3A_55 : memref<1x1x79x128xf32, #tpu.memory_space<hbm>> -> memref<79x128xf32, #tpu.memory_space<hbm>>
      tpu.wait_dma2 semaphore(%run_scoped3A : memref<!tpu.dma_semaphore, #tpu.memory_space<semaphore_mem>>) src(%dma_wait3A_56 : memref<79x128xf32, #tpu.memory_space<hbm>>) dst(%arg9 : memref<79x128xf32, #tpu.memory_space<vmem>>)
      tpu.yield
    }) : () -> ()
    %broadcast_in_dim3A = arith.constant 0.000000e+00 : f32
    %broadcast_in_dim3A_0 = vector.broadcast %broadcast_in_dim3A : f32 to vector<16xf32>
    %scan3A = arith.constant 0 : i32
    %scan3A_1 = arith.constant 0 : i32
    %scan3A_2 = arith.constant 128 : i32
    %scan3A_3 = arith.addi %scan3A_1, %scan3A_2 : i32
    %scan3A_4 = arith.constant 1 : i32
    scf.for %scan3A_43 = %scan3A_1 to %scan3A_3 step %scan3A_4  : i32 {
      %swap3A = arith.index_cast %scan3A_43 : i32 to index
      %swap3A_44 = arith.constant 0 : index
      %swap3A_45 = tpu.vector_load %arg10[%swap3A, %swap3A_44] {strides = array<i32>} : memref<128x128xf32, #tpu.memory_space<vmem>>, vector<16xf32>,
      tpu.vector_store %arg10[%swap3A, %swap3A_44], %broadcast_in_dim3A_0 {strides = array<i32>} : memref<128x128xf32, #tpu.memory_space<vmem>>, vector<16xf32>,
      %swap3A_46 = arith.index_cast %scan3A_43 : i32 to index
      %swap3A_47 = arith.constant 16 : index
      %swap3A_48 = tpu.vector_load %arg10[%swap3A_46, %swap3A_47] {strides = array<i32>} : memref<128x128xf32, #tpu.memory_space<vmem>>, vector<16xf32>,
      tpu.vector_store %arg10[%swap3A_46, %swap3A_47], %broadcast_in_dim3A_0 {strides = array<i32>} : memref<128x128xf32, #tpu.memory_space<vmem>>, vector<16xf32>,
      %swap3A_49 = arith.index_cast %scan3A_43 : i32 to index
      %swap3A_50 = arith.constant 32 : index
      %swap3A_51 = tpu.vector_load %arg10[%swap3A_49, %swap3A_50] {strides = array<i32>} : memref<128x128xf32, #tpu.memory_space<vmem>>, vector<16xf32>,
      tpu.vector_store %arg10[%swap3A_49, %swap3A_50], %broadcast_in_dim3A_0 {strides = array<i32>} : memref<128x128xf32, #tpu.memory_space<vmem>>, vector<16xf32>,
      %swap3A_52 = arith.index_cast %scan3A_43 : i32 to index
      %swap3A_53 = arith.constant 48 : index
      %swap3A_54 = tpu.vector_load %arg10[%swap3A_52, %swap3A_53] {strides = array<i32>} : memref<128x128xf32, #tpu.memory_space<vmem>>, vector<16xf32>,
      tpu.vector_store %arg10[%swap3A_52, %swap3A_53], %broadcast_in_dim3A_0 {strides = array<i32>} : memref<128x128xf32, #tpu.memory_space<vmem>>, vector<16xf32>,
      %swap3A_55 = arith.index_cast %scan3A_43 : i32 to index
      %swap3A_56 = arith.constant 64 : index
      %swap3A_57 = tpu.vector_load %arg10[%swap3A_55, %swap3A_56] {strides = array<i32>} : memref<128x128xf32, #tpu.memory_space<vmem>>, vector<16xf32>,
      tpu.vector_store %arg10[%swap3A_55, %swap3A_56], %broadcast_in_dim3A_0 {strides = array<i32>} : memref<128x128xf32, #tpu.memory_space<vmem>>, vector<16xf32>,
      %swap3A_58 = arith.index_cast %scan3A_43 : i32 to index
      %swap3A_59 = arith.constant 80 : index
      %swap3A_60 = tpu.vector_load %arg10[%swap3A_58, %swap3A_59] {strides = array<i32>} : memref<128x128xf32, #tpu.memory_space<vmem>>, vector<16xf32>,
      tpu.vector_store %arg10[%swap3A_58, %swap3A_59], %broadcast_in_dim3A_0 {strides = array<i32>} : memref<128x128xf32, #tpu.memory_space<vmem>>, vector<16xf32>,
      %swap3A_61 = arith.index_cast %scan3A_43 : i32 to index
      %swap3A_62 = arith.constant 96 : index
      %swap3A_63 = tpu.vector_load %arg10[%swap3A_61, %swap3A_62] {strides = array<i32>} : memref<128x128xf32, #tpu.memory_space<vmem>>, vector<16xf32>,
      tpu.vector_store %arg10[%swap3A_61, %swap3A_62], %broadcast_in_dim3A_0 {strides = array<i32>} : memref<128x128xf32, #tpu.memory_space<vmem>>, vector<16xf32>,
      %swap3A_64 = arith.index_cast %scan3A_43 : i32 to index
      %swap3A_65 = arith.constant 112 : index
      %swap3A_66 = tpu.vector_load %arg10[%swap3A_64, %swap3A_65] {strides = array<i32>} : memref<128x128xf32, #tpu.memory_space<vmem>>, vector<16xf32>,
      tpu.vector_store %arg10[%swap3A_64, %swap3A_65], %broadcast_in_dim3A_0 {strides = array<i32>} : memref<128x128xf32, #tpu.memory_space<vmem>>, vector<16xf32>,
    }
    %scan3A_5 = arith.constant 128 : i32
    %mul3A = arith.constant 640 : i32
    %mul3A_6 = arith.muli %arg1, %mul3A : i32
    %add3A = arith.constant 0 : i32
    %add3A_7 = arith.addi %mul3A_6, %add3A : i32
    "tpu.region"() ({
      %run_scoped3A = tpu.sem_alloc : memref<!tpu.dma_semaphore, #tpu.memory_space<semaphore_mem>>
      %dma_start3A = arith.constant 0 : i32
      %dma_start3A_43 = arith.constant 0 : i32
      %dma_start3A_44 = tpu.memref_slice %arg10[%dma_start3A, %dma_start3A_43] : memref<128x128xf32, #tpu.memory_space<vmem>> -> memref<128x128xf32, #tpu.memory_space<vmem>>
      %dma_start3A_45 = arith.constant 0 : i32
      %dma_start3A_46 = tpu.memref_slice %arg11[%add3A_7, %dma_start3A_45] : memref<10240x128xf32, #tpu.memory_space<vmem_shared>> -> memref<128x128xf32, #tpu.memory_space<vmem_shared>>
      %dma_start3A_47 = arith.constant 0 : i32
      %dma_start3A_48 = tpu.memref_slice %arg11[%add3A_7, %dma_start3A_47] : memref<10240x128xf32, #tpu.memory_space<vmem_shared>> -> memref<128x128xf32, #tpu.memory_space<vmem_shared>>
      %dma_start3A_49 = arith.constant 0 : i32
      %dma_start3A_50 = arith.constant 0 : i32
      %dma_start3A_51 = tpu.memref_slice %arg10[%dma_start3A_49, %dma_start3A_50] : memref<128x128xf32, #tpu.memory_space<vmem>> -> memref<128x128xf32, #tpu.memory_space<vmem>>
      tpu.enqueue_dma source(%dma_start3A_51 : memref<128x128xf32, #tpu.memory_space<vmem>>) target(%dma_start3A_48 : memref<128x128xf32, #tpu.memory_space<vmem_shared>>) target_semaphore(%run_scoped3A : memref<!tpu.dma_semaphore, #tpu.memory_space<semaphore_mem>>)
      %dma_wait3A = arith.constant 0 : i32
      %dma_wait3A_52 = arith.constant 0 : i32
      %dma_wait3A_53 = tpu.memref_slice %arg10[%dma_wait3A, %dma_wait3A_52] : memref<128x128xf32, #tpu.memory_space<vmem>> -> memref<128x128xf32, #tpu.memory_space<vmem>>
      %dma_wait3A_54 = arith.constant 0 : i32
      %dma_wait3A_55 = tpu.memref_slice %arg11[%add3A_7, %dma_wait3A_54] : memref<10240x128xf32, #tpu.memory_space<vmem_shared>> -> memref<128x128xf32, #tpu.memory_space<vmem_shared>>
      %dma_wait3A_56 = arith.constant 0 : i32
      %dma_wait3A_57 = tpu.memref_slice %arg11[%add3A_7, %dma_wait3A_56] : memref<10240x128xf32, #tpu.memory_space<vmem_shared>> -> memref<128x128xf32, #tpu.memory_space<vmem_shared>>
      %dma_wait3A_58 = arith.constant 0 : i32
      %dma_wait3A_59 = arith.constant 0 : i32
      %dma_wait3A_60 = tpu.memref_slice %arg10[%dma_wait3A_58, %dma_wait3A_59] : memref<128x128xf32, #tpu.memory_space<vmem>> -> memref<128x128xf32, #tpu.memory_space<vmem>>
      tpu.wait_dma2 semaphore(%run_scoped3A : memref<!tpu.dma_semaphore, #tpu.memory_space<semaphore_mem>>) src(%dma_wait3A_60 : memref<128x128xf32, #tpu.memory_space<vmem>>) dst(%dma_wait3A_57 : memref<128x128xf32, #tpu.memory_space<vmem_shared>>)
      tpu.yield
    }) : () -> ()
    %add3A_8 = arith.constant 128 : i32
    %add3A_9 = arith.addi %mul3A_6, %add3A_8 : i32
    "tpu.region"() ({
      %run_scoped3A = tpu.sem_alloc : memref<!tpu.dma_semaphore, #tpu.memory_space<semaphore_mem>>
      %dma_start3A = arith.constant 0 : i32
      %dma_start3A_43 = arith.constant 0 : i32
      %dma_start3A_44 = tpu.memref_slice %arg10[%dma_start3A, %dma_start3A_43] : memref<128x128xf32, #tpu.memory_space<vmem>> -> memref<128x128xf32, #tpu.memory_space<vmem>>
      %dma_start3A_45 = arith.constant 0 : i32
      %dma_start3A_46 = tpu.memref_slice %arg11[%add3A_9, %dma_start3A_45] : memref<10240x128xf32, #tpu.memory_space<vmem_shared>> -> memref<128x128xf32, #tpu.memory_space<vmem_shared>>
      %dma_start3A_47 = arith.constant 0 : i32
      %dma_start3A_48 = tpu.memref_slice %arg11[%add3A_9, %dma_start3A_47] : memref<10240x128xf32, #tpu.memory_space<vmem_shared>> -> memref<128x128xf32, #tpu.memory_space<vmem_shared>>
      %dma_start3A_49 = arith.constant 0 : i32
      %dma_start3A_50 = arith.constant 0 : i32
      %dma_start3A_51 = tpu.memref_slice %arg10[%dma_start3A_49, %dma_start3A_50] : memref<128x128xf32, #tpu.memory_space<vmem>> -> memref<128x128xf32, #tpu.memory_space<vmem>>
      tpu.enqueue_dma source(%dma_start3A_51 : memref<128x128xf32, #tpu.memory_space<vmem>>) target(%dma_start3A_48 : memref<128x128xf32, #tpu.memory_space<vmem_shared>>) target_semaphore(%run_scoped3A : memref<!tpu.dma_semaphore, #tpu.memory_space<semaphore_mem>>)
      %dma_wait3A = arith.constant 0 : i32
      %dma_wait3A_52 = arith.constant 0 : i32
      %dma_wait3A_53 = tpu.memref_slice %arg10[%dma_wait3A, %dma_wait3A_52] : memref<128x128xf32, #tpu.memory_space<vmem>> -> memref<128x128xf32, #tpu.memory_space<vmem>>
      %dma_wait3A_54 = arith.constant 0 : i32
      %dma_wait3A_55 = tpu.memref_slice %arg11[%add3A_9, %dma_wait3A_54] : memref<10240x128xf32, #tpu.memory_space<vmem_shared>> -> memref<128x128xf32, #tpu.memory_space<vmem_shared>>
      %dma_wait3A_56 = arith.constant 0 : i32
      %dma_wait3A_57 = tpu.memref_slice %arg11[%add3A_9, %dma_wait3A_56] : memref<10240x128xf32, #tpu.memory_space<vmem_shared>> -> memref<128x128xf32, #tpu.memory_space<vmem_shared>>
      %dma_wait3A_58 = arith.constant 0 : i32
      %dma_wait3A_59 = arith.constant 0 : i32
      %dma_wait3A_60 = tpu.memref_slice %arg10[%dma_wait3A_58, %dma_wait3A_59] : memref<128x128xf32, #tpu.memory_space<vmem>> -> memref<128x128xf32, #tpu.memory_space<vmem>>
      tpu.wait_dma2 semaphore(%run_scoped3A : memref<!tpu.dma_semaphore, #tpu.memory_space<semaphore_mem>>) src(%dma_wait3A_60 : memref<128x128xf32, #tpu.memory_space<vmem>>) dst(%dma_wait3A_57 : memref<128x128xf32, #tpu.memory_space<vmem_shared>>)
      tpu.yield
    }) : () -> ()
    %add3A_10 = arith.constant 256 : i32
    %add3A_11 = arith.addi %mul3A_6, %add3A_10 : i32
    "tpu.region"() ({
      %run_scoped3A = tpu.sem_alloc : memref<!tpu.dma_semaphore, #tpu.memory_space<semaphore_mem>>
      %dma_start3A = arith.constant 0 : i32
      %dma_start3A_43 = arith.constant 0 : i32
      %dma_start3A_44 = tpu.memref_slice %arg10[%dma_start3A, %dma_start3A_43] : memref<128x128xf32, #tpu.memory_space<vmem>> -> memref<128x128xf32, #tpu.memory_space<vmem>>
      %dma_start3A_45 = arith.constant 0 : i32
      %dma_start3A_46 = tpu.memref_slice %arg11[%add3A_11, %dma_start3A_45] : memref<10240x128xf32, #tpu.memory_space<vmem_shared>> -> memref<128x128xf32, #tpu.memory_space<vmem_shared>>
      %dma_start3A_47 = arith.constant 0 : i32
      %dma_start3A_48 = tpu.memref_slice %arg11[%add3A_11, %dma_start3A_47] : memref<10240x128xf32, #tpu.memory_space<vmem_shared>> -> memref<128x128xf32, #tpu.memory_space<vmem_shared>>
      %dma_start3A_49 = arith.constant 0 : i32
      %dma_start3A_50 = arith.constant 0 : i32
      %dma_start3A_51 = tpu.memref_slice %arg10[%dma_start3A_49, %dma_start3A_50] : memref<128x128xf32, #tpu.memory_space<vmem>> -> memref<128x128xf32, #tpu.memory_space<vmem>>
      tpu.enqueue_dma source(%dma_start3A_51 : memref<128x128xf32, #tpu.memory_space<vmem>>) target(%dma_start3A_48 : memref<128x128xf32, #tpu.memory_space<vmem_shared>>) target_semaphore(%run_scoped3A : memref<!tpu.dma_semaphore, #tpu.memory_space<semaphore_mem>>)
      %dma_wait3A = arith.constant 0 : i32
      %dma_wait3A_52 = arith.constant 0 : i32
      %dma_wait3A_53 = tpu.memref_slice %arg10[%dma_wait3A, %dma_wait3A_52] : memref<128x128xf32, #tpu.memory_space<vmem>> -> memref<128x128xf32, #tpu.memory_space<vmem>>
      %dma_wait3A_54 = arith.constant 0 : i32
      %dma_wait3A_55 = tpu.memref_slice %arg11[%add3A_11, %dma_wait3A_54] : memref<10240x128xf32, #tpu.memory_space<vmem_shared>> -> memref<128x128xf32, #tpu.memory_space<vmem_shared>>
      %dma_wait3A_56 = arith.constant 0 : i32
      %dma_wait3A_57 = tpu.memref_slice %arg11[%add3A_11, %dma_wait3A_56] : memref<10240x128xf32, #tpu.memory_space<vmem_shared>> -> memref<128x128xf32, #tpu.memory_space<vmem_shared>>
      %dma_wait3A_58 = arith.constant 0 : i32
      %dma_wait3A_59 = arith.constant 0 : i32
      %dma_wait3A_60 = tpu.memref_slice %arg10[%dma_wait3A_58, %dma_wait3A_59] : memref<128x128xf32, #tpu.memory_space<vmem>> -> memref<128x128xf32, #tpu.memory_space<vmem>>
      tpu.wait_dma2 semaphore(%run_scoped3A : memref<!tpu.dma_semaphore, #tpu.memory_space<semaphore_mem>>) src(%dma_wait3A_60 : memref<128x128xf32, #tpu.memory_space<vmem>>) dst(%dma_wait3A_57 : memref<128x128xf32, #tpu.memory_space<vmem_shared>>)
      tpu.yield
    }) : () -> ()
    %add3A_12 = arith.constant 384 : i32
    %add3A_13 = arith.addi %mul3A_6, %add3A_12 : i32
    "tpu.region"() ({
      %run_scoped3A = tpu.sem_alloc : memref<!tpu.dma_semaphore, #tpu.memory_space<semaphore_mem>>
      %dma_start3A = arith.constant 0 : i32
      %dma_start3A_43 = arith.constant 0 : i32
      %dma_start3A_44 = tpu.memref_slice %arg10[%dma_start3A, %dma_start3A_43] : memref<128x128xf32, #tpu.memory_space<vmem>> -> memref<128x128xf32, #tpu.memory_space<vmem>>
      %dma_start3A_45 = arith.constant 0 : i32
      %dma_start3A_46 = tpu.memref_slice %arg11[%add3A_13, %dma_start3A_45] : memref<10240x128xf32, #tpu.memory_space<vmem_shared>> -> memref<128x128xf32, #tpu.memory_space<vmem_shared>>
      %dma_start3A_47 = arith.constant 0 : i32
      %dma_start3A_48 = tpu.memref_slice %arg11[%add3A_13, %dma_start3A_47] : memref<10240x128xf32, #tpu.memory_space<vmem_shared>> -> memref<128x128xf32, #tpu.memory_space<vmem_shared>>
      %dma_start3A_49 = arith.constant 0 : i32
      %dma_start3A_50 = arith.constant 0 : i32
      %dma_start3A_51 = tpu.memref_slice %arg10[%dma_start3A_49, %dma_start3A_50] : memref<128x128xf32, #tpu.memory_space<vmem>> -> memref<128x128xf32, #tpu.memory_space<vmem>>
      tpu.enqueue_dma source(%dma_start3A_51 : memref<128x128xf32, #tpu.memory_space<vmem>>) target(%dma_start3A_48 : memref<128x128xf32, #tpu.memory_space<vmem_shared>>) target_semaphore(%run_scoped3A : memref<!tpu.dma_semaphore, #tpu.memory_space<semaphore_mem>>)
      %dma_wait3A = arith.constant 0 : i32
      %dma_wait3A_52 = arith.constant 0 : i32
      %dma_wait3A_53 = tpu.memref_slice %arg10[%dma_wait3A, %dma_wait3A_52] : memref<128x128xf32, #tpu.memory_space<vmem>> -> memref<128x128xf32, #tpu.memory_space<vmem>>
      %dma_wait3A_54 = arith.constant 0 : i32
      %dma_wait3A_55 = tpu.memref_slice %arg11[%add3A_13, %dma_wait3A_54] : memref<10240x128xf32, #tpu.memory_space<vmem_shared>> -> memref<128x128xf32, #tpu.memory_space<vmem_shared>>
      %dma_wait3A_56 = arith.constant 0 : i32
      %dma_wait3A_57 = tpu.memref_slice %arg11[%add3A_13, %dma_wait3A_56] : memref<10240x128xf32, #tpu.memory_space<vmem_shared>> -> memref<128x128xf32, #tpu.memory_space<vmem_shared>>
      %dma_wait3A_58 = arith.constant 0 : i32
      %dma_wait3A_59 = arith.constant 0 : i32
      %dma_wait3A_60 = tpu.memref_slice %arg10[%dma_wait3A_58, %dma_wait3A_59] : memref<128x128xf32, #tpu.memory_space<vmem>> -> memref<128x128xf32, #tpu.memory_space<vmem>>
      tpu.wait_dma2 semaphore(%run_scoped3A : memref<!tpu.dma_semaphore, #tpu.memory_space<semaphore_mem>>) src(%dma_wait3A_60 : memref<128x128xf32, #tpu.memory_space<vmem>>) dst(%dma_wait3A_57 : memref<128x128xf32, #tpu.memory_space<vmem_shared>>)
      tpu.yield
    }) : () -> ()
    %add3A_14 = arith.constant 512 : i32
    %add3A_15 = arith.addi %mul3A_6, %add3A_14 : i32
    "tpu.region"() ({
      %run_scoped3A = tpu.sem_alloc : memref<!tpu.dma_semaphore, #tpu.memory_space<semaphore_mem>>
      %dma_start3A = arith.constant 0 : i32
      %dma_start3A_43 = arith.constant 0 : i32
      %dma_start3A_44 = tpu.memref_slice %arg10[%dma_start3A, %dma_start3A_43] : memref<128x128xf32, #tpu.memory_space<vmem>> -> memref<128x128xf32, #tpu.memory_space<vmem>>
      %dma_start3A_45 = arith.constant 0 : i32
      %dma_start3A_46 = tpu.memref_slice %arg11[%add3A_15, %dma_start3A_45] : memref<10240x128xf32, #tpu.memory_space<vmem_shared>> -> memref<128x128xf32, #tpu.memory_space<vmem_shared>>
      %dma_start3A_47 = arith.constant 0 : i32
      %dma_start3A_48 = tpu.memref_slice %arg11[%add3A_15, %dma_start3A_47] : memref<10240x128xf32, #tpu.memory_space<vmem_shared>> -> memref<128x128xf32, #tpu.memory_space<vmem_shared>>
      %dma_start3A_49 = arith.constant 0 : i32
      %dma_start3A_50 = arith.constant 0 : i32
      %dma_start3A_51 = tpu.memref_slice %arg10[%dma_start3A_49, %dma_start3A_50] : memref<128x128xf32, #tpu.memory_space<vmem>> -> memref<128x128xf32, #tpu.memory_space<vmem>>
      tpu.enqueue_dma source(%dma_start3A_51 : memref<128x128xf32, #tpu.memory_space<vmem>>) target(%dma_start3A_48 : memref<128x128xf32, #tpu.memory_space<vmem_shared>>) target_semaphore(%run_scoped3A : memref<!tpu.dma_semaphore, #tpu.memory_space<semaphore_mem>>)
      %dma_wait3A = arith.constant 0 : i32
      %dma_wait3A_52 = arith.constant 0 : i32
      %dma_wait3A_53 = tpu.memref_slice %arg10[%dma_wait3A, %dma_wait3A_52] : memref<128x128xf32, #tpu.memory_space<vmem>> -> memref<128x128xf32, #tpu.memory_space<vmem>>
      %dma_wait3A_54 = arith.constant 0 : i32
      %dma_wait3A_55 = tpu.memref_slice %arg11[%add3A_15, %dma_wait3A_54] : memref<10240x128xf32, #tpu.memory_space<vmem_shared>> -> memref<128x128xf32, #tpu.memory_space<vmem_shared>>
      %dma_wait3A_56 = arith.constant 0 : i32
      %dma_wait3A_57 = tpu.memref_slice %arg11[%add3A_15, %dma_wait3A_56] : memref<10240x128xf32, #tpu.memory_space<vmem_shared>> -> memref<128x128xf32, #tpu.memory_space<vmem_shared>>
      %dma_wait3A_58 = arith.constant 0 : i32
      %dma_wait3A_59 = arith.constant 0 : i32
      %dma_wait3A_60 = tpu.memref_slice %arg10[%dma_wait3A_58, %dma_wait3A_59] : memref<128x128xf32, #tpu.memory_space<vmem>> -> memref<128x128xf32, #tpu.memory_space<vmem>>
      tpu.wait_dma2 semaphore(%run_scoped3A : memref<!tpu.dma_semaphore, #tpu.memory_space<semaphore_mem>>) src(%dma_wait3A_60 : memref<128x128xf32, #tpu.memory_space<vmem>>) dst(%dma_wait3A_57 : memref<128x128xf32, #tpu.memory_space<vmem_shared>>)
      tpu.yield
    }) : () -> ()
    %barrier3A = arith.constant 0 : index
    tpu.barrier barrier_id(%barrier3A)
    %scan3A_16 = arith.constant 0 : i32
    %scan3A_17 = arith.constant 0 : i32
    %scan3A_18 = arith.constant 79 : i32
    %scan3A_19 = arith.addi %scan3A_17, %scan3A_18 : i32
    %scan3A_20 = arith.constant 1 : i32
    scf.for %scan3A_43 = %scan3A_17 to %scan3A_19 step %scan3A_20  : i32 {
      %dma_start3A = arith.constant 0 : i32
      %dma_start3A_44 = tpu.memref_slice %arg7[%scan3A_43, %dma_start3A] : memref<79x128xi32, #tpu.memory_space<vmem>> -> memref<1x128xi32, #tpu.memory_space<vmem>>
      %dma_start3A_45 = tpu.memref_squeeze %dma_start3A_44 : memref<1x128xi32, #tpu.memory_space<vmem>> -> memref<128xi32, #tpu.memory_space<vmem>>
      %dma_start3A_46 = arith.constant 0 : i32
      %dma_start3A_47 = arith.constant 0 : i32
      %dma_start3A_48 = tpu.memref_slice %arg2[%dma_start3A_46, %dma_start3A_47] : memref<10000x128xf32, #tpu.memory_space<hbm>> -> memref<10000x128xf32, #tpu.memory_space<hbm>>
      tpu.enqueue_indirect_dma source(%dma_start3A_48 : memref<10000x128xf32, #tpu.memory_space<hbm>>) target(%arg10 : memref<128x128xf32, #tpu.memory_space<vmem>>) offsets(%dma_start3A_45 : memref<128xi32, #tpu.memory_space<vmem>>) semaphore(%arg12 : memref<!tpu.dma_semaphore, #tpu.memory_space<semaphore_mem>>)
      %dma_wait3A = arith.constant 0 : i32
      %dma_wait3A_49 = tpu.memref_slice %arg7[%scan3A_43, %dma_wait3A] : memref<79x128xi32, #tpu.memory_space<vmem>> -> memref<1x128xi32, #tpu.memory_space<vmem>>
      %dma_wait3A_50 = tpu.memref_squeeze %dma_wait3A_49 : memref<1x128xi32, #tpu.memory_space<vmem>> -> memref<128xi32, #tpu.memory_space<vmem>>
      %dma_wait3A_51 = arith.constant 0 : i32
      %dma_wait3A_52 = arith.constant 0 : i32
      %dma_wait3A_53 = tpu.memref_slice %arg2[%dma_wait3A_51, %dma_wait3A_52] : memref<10000x128xf32, #tpu.memory_space<hbm>> -> memref<10000x128xf32, #tpu.memory_space<hbm>>
      tpu.wait_indirect_dma semaphore(%arg12 : memref<!tpu.dma_semaphore, #tpu.memory_space<semaphore_mem>>) src(%dma_wait3A_53 : memref<10000x128xf32, #tpu.memory_space<hbm>>) dst(%arg10 : memref<128x128xf32, #tpu.memory_space<vmem>>)
      %scan3A_54 = arith.constant 0 : i32
      %scan3A_55 = arith.constant 0 : i32
      %scan3A_56 = arith.constant 128 : i32
      %scan3A_57 = arith.addi %scan3A_55, %scan3A_56 : i32
      %scan3A_58 = arith.constant 1 : i32
      scf.for %scan3A_60 = %scan3A_55 to %scan3A_57 step %scan3A_58  : i32 {
        %broadcast_in_dim3A_61 = vector.broadcast %scan3A_43 : i32 to vector<16xi32>
        %broadcast_in_dim3A_62 = vector.broadcast %scan3A_60 : i32 to vector<16xi32>
        %gather3A = tpu.vector_load_idx %arg9[%broadcast_in_dim3A_61, %broadcast_in_dim3A_62] : memref<79x128xf32, #tpu.memory_space<vmem>>[vector<16xi32>, vector<16xi32>], vector<16xf32>,
        %get3A = arith.index_cast %scan3A_60 : i32 to index
        %get3A_63 = arith.constant 0 : index
        %get3A_64 = tpu.vector_load %arg10[%get3A, %get3A_63] {strides = array<i32>} : memref<128x128xf32, #tpu.memory_space<vmem>>, vector<16xf32>,
        %mul3A_65 = arith.mulf %get3A_64, %gather3A : vector<16xf32>
        %swap3A = arith.index_cast %scan3A_60 : i32 to index
        %swap3A_66 = arith.constant 0 : index
        %swap3A_67 = tpu.vector_load %arg10[%swap3A, %swap3A_66] {strides = array<i32>} : memref<128x128xf32, #tpu.memory_space<vmem>>, vector<16xf32>,
        tpu.vector_store %arg10[%swap3A, %swap3A_66], %mul3A_65 {strides = array<i32>} : memref<128x128xf32, #tpu.memory_space<vmem>>, vector<16xf32>,
        %get3A_68 = arith.index_cast %scan3A_60 : i32 to index
        %get3A_69 = arith.constant 16 : index
        %get3A_70 = tpu.vector_load %arg10[%get3A_68, %get3A_69] {strides = array<i32>} : memref<128x128xf32, #tpu.memory_space<vmem>>, vector<16xf32>,
        %mul3A_71 = arith.mulf %get3A_70, %gather3A : vector<16xf32>
        %swap3A_72 = arith.index_cast %scan3A_60 : i32 to index
        %swap3A_73 = arith.constant 16 : index
        %swap3A_74 = tpu.vector_load %arg10[%swap3A_72, %swap3A_73] {strides = array<i32>} : memref<128x128xf32, #tpu.memory_space<vmem>>, vector<16xf32>,
        tpu.vector_store %arg10[%swap3A_72, %swap3A_73], %mul3A_71 {strides = array<i32>} : memref<128x128xf32, #tpu.memory_space<vmem>>, vector<16xf32>,
        %get3A_75 = arith.index_cast %scan3A_60 : i32 to index
        %get3A_76 = arith.constant 32 : index
        %get3A_77 = tpu.vector_load %arg10[%get3A_75, %get3A_76] {strides = array<i32>} : memref<128x128xf32, #tpu.memory_space<vmem>>, vector<16xf32>,
        %mul3A_78 = arith.mulf %get3A_77, %gather3A : vector<16xf32>
        %swap3A_79 = arith.index_cast %scan3A_60 : i32 to index
        %swap3A_80 = arith.constant 32 : index
        %swap3A_81 = tpu.vector_load %arg10[%swap3A_79, %swap3A_80] {strides = array<i32>} : memref<128x128xf32, #tpu.memory_space<vmem>>, vector<16xf32>,
        tpu.vector_store %arg10[%swap3A_79, %swap3A_80], %mul3A_78 {strides = array<i32>} : memref<128x128xf32, #tpu.memory_space<vmem>>, vector<16xf32>,
        %get3A_82 = arith.index_cast %scan3A_60 : i32 to index
        %get3A_83 = arith.constant 48 : index
        %get3A_84 = tpu.vector_load %arg10[%get3A_82, %get3A_83] {strides = array<i32>} : memref<128x128xf32, #tpu.memory_space<vmem>>, vector<16xf32>,
        %mul3A_85 = arith.mulf %get3A_84, %gather3A : vector<16xf32>
        %swap3A_86 = arith.index_cast %scan3A_60 : i32 to index
        %swap3A_87 = arith.constant 48 : index
        %swap3A_88 = tpu.vector_load %arg10[%swap3A_86, %swap3A_87] {strides = array<i32>} : memref<128x128xf32, #tpu.memory_space<vmem>>, vector<16xf32>,
        tpu.vector_store %arg10[%swap3A_86, %swap3A_87], %mul3A_85 {strides = array<i32>} : memref<128x128xf32, #tpu.memory_space<vmem>>, vector<16xf32>,
        %get3A_89 = arith.index_cast %scan3A_60 : i32 to index
        %get3A_90 = arith.constant 64 : index
        %get3A_91 = tpu.vector_load %arg10[%get3A_89, %get3A_90] {strides = array<i32>} : memref<128x128xf32, #tpu.memory_space<vmem>>, vector<16xf32>,
        %mul3A_92 = arith.mulf %get3A_91, %gather3A : vector<16xf32>
        %swap3A_93 = arith.index_cast %scan3A_60 : i32 to index
        %swap3A_94 = arith.constant 64 : index
        %swap3A_95 = tpu.vector_load %arg10[%swap3A_93, %swap3A_94] {strides = array<i32>} : memref<128x128xf32, #tpu.memory_space<vmem>>, vector<16xf32>,
        tpu.vector_store %arg10[%swap3A_93, %swap3A_94], %mul3A_92 {strides = array<i32>} : memref<128x128xf32, #tpu.memory_space<vmem>>, vector<16xf32>,
        %get3A_96 = arith.index_cast %scan3A_60 : i32 to index
        %get3A_97 = arith.constant 80 : index
        %get3A_98 = tpu.vector_load %arg10[%get3A_96, %get3A_97] {strides = array<i32>} : memref<128x128xf32, #tpu.memory_space<vmem>>, vector<16xf32>,
        %mul3A_99 = arith.mulf %get3A_98, %gather3A : vector<16xf32>
        %swap3A_100 = arith.index_cast %scan3A_60 : i32 to index
        %swap3A_101 = arith.constant 80 : index
        %swap3A_102 = tpu.vector_load %arg10[%swap3A_100, %swap3A_101] {strides = array<i32>} : memref<128x128xf32, #tpu.memory_space<vmem>>, vector<16xf32>,
        tpu.vector_store %arg10[%swap3A_100, %swap3A_101], %mul3A_99 {strides = array<i32>} : memref<128x128xf32, #tpu.memory_space<vmem>>, vector<16xf32>,
        %get3A_103 = arith.index_cast %scan3A_60 : i32 to index
        %get3A_104 = arith.constant 96 : index
        %get3A_105 = tpu.vector_load %arg10[%get3A_103, %get3A_104] {strides = array<i32>} : memref<128x128xf32, #tpu.memory_space<vmem>>, vector<16xf32>,
        %mul3A_106 = arith.mulf %get3A_105, %gather3A : vector<16xf32>
        %swap3A_107 = arith.index_cast %scan3A_60 : i32 to index
        %swap3A_108 = arith.constant 96 : index
        %swap3A_109 = tpu.vector_load %arg10[%swap3A_107, %swap3A_108] {strides = array<i32>} : memref<128x128xf32, #tpu.memory_space<vmem>>, vector<16xf32>,
        tpu.vector_store %arg10[%swap3A_107, %swap3A_108], %mul3A_106 {strides = array<i32>} : memref<128x128xf32, #tpu.memory_space<vmem>>, vector<16xf32>,
        %get3A_110 = arith.index_cast %scan3A_60 : i32 to index
        %get3A_111 = arith.constant 112 : index
        %get3A_112 = tpu.vector_load %arg10[%get3A_110, %get3A_111] {strides = array<i32>} : memref<128x128xf32, #tpu.memory_space<vmem>>, vector<16xf32>,
        %mul3A_113 = arith.mulf %get3A_112, %gather3A : vector<16xf32>
        %swap3A_114 = arith.index_cast %scan3A_60 : i32 to index
        %swap3A_115 = arith.constant 112 : index
        %swap3A_116 = tpu.vector_load %arg10[%swap3A_114, %swap3A_115] {strides = array<i32>} : memref<128x128xf32, #tpu.memory_space<vmem>>, vector<16xf32>,
        tpu.vector_store %arg10[%swap3A_114, %swap3A_115], %mul3A_113 {strides = array<i32>} : memref<128x128xf32, #tpu.memory_space<vmem>>, vector<16xf32>,
      }
      %scan3A_59 = arith.constant 128 : i32
      "tpu.region"() ({
        %run_scoped3A = tpu.sem_alloc : memref<!tpu.dma_semaphore, #tpu.memory_space<semaphore_mem>>
        %dma_start3A_60 = arith.constant 0 : i32
        %dma_start3A_61 = tpu.memref_slice %arg8[%scan3A_43, %dma_start3A_60] : memref<79x128xi32, #tpu.memory_space<vmem>> -> memref<1x128xi32, #tpu.memory_space<vmem>>
        %dma_start3A_62 = tpu.memref_squeeze %dma_start3A_61 : memref<1x128xi32, #tpu.memory_space<vmem>> -> memref<128xi32, #tpu.memory_space<vmem>>
        %dma_start3A_63 = arith.constant 0 : i32
        %dma_start3A_64 = arith.constant 0 : i32
        %dma_start3A_65 = tpu.memref_slice %arg11[%dma_start3A_63, %dma_start3A_64] : memref<10240x128xf32, #tpu.memory_space<vmem_shared>> -> memref<10240x128xf32, #tpu.memory_space<vmem_shared>>
        tpu.enqueue_indirect_dma source(%arg10 : memref<128x128xf32, #tpu.memory_space<vmem>>) target(%dma_start3A_65 : memref<10240x128xf32, #tpu.memory_space<vmem_shared>>) offsets(%dma_start3A_62 : memref<128xi32, #tpu.memory_space<vmem>>) semaphore(%run_scoped3A : memref<!tpu.dma_semaphore, #tpu.memory_space<semaphore_mem>>) {add = true}
        %dma_wait3A_66 = arith.constant 0 : i32
        %dma_wait3A_67 = tpu.memref_slice %arg8[%scan3A_43, %dma_wait3A_66] : memref<79x128xi32, #tpu.memory_space<vmem>> -> memref<1x128xi32, #tpu.memory_space<vmem>>
        %dma_wait3A_68 = tpu.memref_squeeze %dma_wait3A_67 : memref<1x128xi32, #tpu.memory_space<vmem>> -> memref<128xi32, #tpu.memory_space<vmem>>
        %dma_wait3A_69 = arith.constant 0 : i32
        %dma_wait3A_70 = arith.constant 0 : i32
        %dma_wait3A_71 = tpu.memref_slice %arg11[%dma_wait3A_69, %dma_wait3A_70] : memref<10240x128xf32, #tpu.memory_space<vmem_shared>> -> memref<10240x128xf32, #tpu.memory_space<vmem_shared>>
        tpu.wait_indirect_dma semaphore(%run_scoped3A : memref<!tpu.dma_semaphore, #tpu.memory_space<semaphore_mem>>) src(%arg10 : memref<128x128xf32, #tpu.memory_space<vmem>>) dst(%dma_wait3A_71 : memref<10240x128xf32, #tpu.memory_space<vmem_shared>>)
        tpu.yield
      }) : () -> ()
    }
    %scan3A_21 = arith.constant 79 : i32
    %barrier3A_22 = arith.constant 0 : index
    tpu.barrier barrier_id(%barrier3A_22)
    %add3A_23 = arith.constant 0 : i32
    %add3A_24 = arith.addi %mul3A_6, %add3A_23 : i32
    %add3A_25 = arith.constant 0 : i32
    %add3A_26 = arith.addi %mul3A_6, %add3A_25 : i32
    "tpu.region"() ({
      %run_scoped3A = tpu.sem_alloc : memref<!tpu.dma_semaphore, #tpu.memory_space<semaphore_mem>>
      %dma_start3A = arith.constant 0 : i32
      %dma_start3A_43 = tpu.memref_slice %arg6[%arg0, %add3A_26, %dma_start3A] : memref<2x10240x128xf32, #tpu.memory_space<hbm>> -> memref<1x128x128xf32, #tpu.memory_space<hbm>>
      %dma_start3A_44 = tpu.memref_squeeze %dma_start3A_43 : memref<1x128x128xf32, #tpu.memory_space<hbm>> -> memref<128x128xf32, #tpu.memory_space<hbm>>
      %dma_start3A_45 = arith.constant 0 : i32
      %dma_start3A_46 = tpu.memref_slice %arg11[%add3A_24, %dma_start3A_45] : memref<10240x128xf32, #tpu.memory_space<vmem_shared>> -> memref<128x128xf32, #tpu.memory_space<vmem_shared>>
      tpu.enqueue_dma source(%dma_start3A_46 : memref<128x128xf32, #tpu.memory_space<vmem_shared>>) target(%dma_start3A_44 : memref<128x128xf32, #tpu.memory_space<hbm>>) target_semaphore(%run_scoped3A : memref<!tpu.dma_semaphore, #tpu.memory_space<semaphore_mem>>)
      %dma_wait3A = arith.constant 0 : i32
      %dma_wait3A_47 = tpu.memref_slice %arg6[%arg0, %add3A_26, %dma_wait3A] : memref<2x10240x128xf32, #tpu.memory_space<hbm>> -> memref<1x128x128xf32, #tpu.memory_space<hbm>>
      %dma_wait3A_48 = tpu.memref_squeeze %dma_wait3A_47 : memref<1x128x128xf32, #tpu.memory_space<hbm>> -> memref<128x128xf32, #tpu.memory_space<hbm>>
      %dma_wait3A_49 = arith.constant 0 : i32
      %dma_wait3A_50 = tpu.memref_slice %arg11[%add3A_24, %dma_wait3A_49] : memref<10240x128xf32, #tpu.memory_space<vmem_shared>> -> memref<128x128xf32, #tpu.memory_space<vmem_shared>>
      tpu.wait_dma2 semaphore(%run_scoped3A : memref<!tpu.dma_semaphore, #tpu.memory_space<semaphore_mem>>) src(%dma_wait3A_50 : memref<128x128xf32, #tpu.memory_space<vmem_shared>>) dst(%dma_wait3A_48 : memref<128x128xf32, #tpu.memory_space<hbm>>)
      tpu.yield
    }) : () -> ()
    %add3A_27 = arith.constant 128 : i32
    %add3A_28 = arith.addi %mul3A_6, %add3A_27 : i32
    %add3A_29 = arith.constant 128 : i32
    %add3A_30 = arith.addi %mul3A_6, %add3A_29 : i32
    "tpu.region"() ({
      %run_scoped3A = tpu.sem_alloc : memref<!tpu.dma_semaphore, #tpu.memory_space<semaphore_mem>>
      %dma_start3A = arith.constant 0 : i32
      %dma_start3A_43 = tpu.memref_slice %arg6[%arg0, %add3A_30, %dma_start3A] : memref<2x10240x128xf32, #tpu.memory_space<hbm>> -> memref<1x128x128xf32, #tpu.memory_space<hbm>>
      %dma_start3A_44 = tpu.memref_squeeze %dma_start3A_43 : memref<1x128x128xf32, #tpu.memory_space<hbm>> -> memref<128x128xf32, #tpu.memory_space<hbm>>
      %dma_start3A_45 = arith.constant 0 : i32
      %dma_start3A_46 = tpu.memref_slice %arg11[%add3A_28, %dma_start3A_45] : memref<10240x128xf32, #tpu.memory_space<vmem_shared>> -> memref<128x128xf32, #tpu.memory_space<vmem_shared>>
      tpu.enqueue_dma source(%dma_start3A_46 : memref<128x128xf32, #tpu.memory_space<vmem_shared>>) target(%dma_start3A_44 : memref<128x128xf32, #tpu.memory_space<hbm>>) target_semaphore(%run_scoped3A : memref<!tpu.dma_semaphore, #tpu.memory_space<semaphore_mem>>)
      %dma_wait3A = arith.constant 0 : i32
      %dma_wait3A_47 = tpu.memref_slice %arg6[%arg0, %add3A_30, %dma_wait3A] : memref<2x10240x128xf32, #tpu.memory_space<hbm>> -> memref<1x128x128xf32, #tpu.memory_space<hbm>>
      %dma_wait3A_48 = tpu.memref_squeeze %dma_wait3A_47 : memref<1x128x128xf32, #tpu.memory_space<hbm>> -> memref<128x128xf32, #tpu.memory_space<hbm>>
      %dma_wait3A_49 = arith.constant 0 : i32
      %dma_wait3A_50 = tpu.memref_slice %arg11[%add3A_28, %dma_wait3A_49] : memref<10240x128xf32, #tpu.memory_space<vmem_shared>> -> memref<128x128xf32, #tpu.memory_space<vmem_shared>>
      tpu.wait_dma2 semaphore(%run_scoped3A : memref<!tpu.dma_semaphore, #tpu.memory_space<semaphore_mem>>) src(%dma_wait3A_50 : memref<128x128xf32, #tpu.memory_space<vmem_shared>>) dst(%dma_wait3A_48 : memref<128x128xf32, #tpu.memory_space<hbm>>)
      tpu.yield
    }) : () -> ()
    %add3A_31 = arith.constant 256 : i32
    %add3A_32 = arith.addi %mul3A_6, %add3A_31 : i32
    %add3A_33 = arith.constant 256 : i32
    %add3A_34 = arith.addi %mul3A_6, %add3A_33 : i32
    "tpu.region"() ({
      %run_scoped3A = tpu.sem_alloc : memref<!tpu.dma_semaphore, #tpu.memory_space<semaphore_mem>>
      %dma_start3A = arith.constant 0 : i32
      %dma_start3A_43 = tpu.memref_slice %arg6[%arg0, %add3A_34, %dma_start3A] : memref<2x10240x128xf32, #tpu.memory_space<hbm>> -> memref<1x128x128xf32, #tpu.memory_space<hbm>>
      %dma_start3A_44 = tpu.memref_squeeze %dma_start3A_43 : memref<1x128x128xf32, #tpu.memory_space<hbm>> -> memref<128x128xf32, #tpu.memory_space<hbm>>
      %dma_start3A_45 = arith.constant 0 : i32
      %dma_start3A_46 = tpu.memref_slice %arg11[%add3A_32, %dma_start3A_45] : memref<10240x128xf32, #tpu.memory_space<vmem_shared>> -> memref<128x128xf32, #tpu.memory_space<vmem_shared>>
      tpu.enqueue_dma source(%dma_start3A_46 : memref<128x128xf32, #tpu.memory_space<vmem_shared>>) target(%dma_start3A_44 : memref<128x128xf32, #tpu.memory_space<hbm>>) target_semaphore(%run_scoped3A : memref<!tpu.dma_semaphore, #tpu.memory_space<semaphore_mem>>)
      %dma_wait3A = arith.constant 0 : i32
      %dma_wait3A_47 = tpu.memref_slice %arg6[%arg0, %add3A_34, %dma_wait3A] : memref<2x10240x128xf32, #tpu.memory_space<hbm>> -> memref<1x128x128xf32, #tpu.memory_space<hbm>>
      %dma_wait3A_48 = tpu.memref_squeeze %dma_wait3A_47 : memref<1x128x128xf32, #tpu.memory_space<hbm>> -> memref<128x128xf32, #tpu.memory_space<hbm>>
      %dma_wait3A_49 = arith.constant 0 : i32
      %dma_wait3A_50 = tpu.memref_slice %arg11[%add3A_32, %dma_wait3A_49] : memref<10240x128xf32, #tpu.memory_space<vmem_shared>> -> memref<128x128xf32, #tpu.memory_space<vmem_shared>>
      tpu.wait_dma2 semaphore(%run_scoped3A : memref<!tpu.dma_semaphore, #tpu.memory_space<semaphore_mem>>) src(%dma_wait3A_50 : memref<128x128xf32, #tpu.memory_space<vmem_shared>>) dst(%dma_wait3A_48 : memref<128x128xf32, #tpu.memory_space<hbm>>)
      tpu.yield
    }) : () -> ()
    %add3A_35 = arith.constant 384 : i32
    %add3A_36 = arith.addi %mul3A_6, %add3A_35 : i32
    %add3A_37 = arith.constant 384 : i32
    %add3A_38 = arith.addi %mul3A_6, %add3A_37 : i32
    "tpu.region"() ({
      %run_scoped3A = tpu.sem_alloc : memref<!tpu.dma_semaphore, #tpu.memory_space<semaphore_mem>>
      %dma_start3A = arith.constant 0 : i32
      %dma_start3A_43 = tpu.memref_slice %arg6[%arg0, %add3A_38, %dma_start3A] : memref<2x10240x128xf32, #tpu.memory_space<hbm>> -> memref<1x128x128xf32, #tpu.memory_space<hbm>>
      %dma_start3A_44 = tpu.memref_squeeze %dma_start3A_43 : memref<1x128x128xf32, #tpu.memory_space<hbm>> -> memref<128x128xf32, #tpu.memory_space<hbm>>
      %dma_start3A_45 = arith.constant 0 : i32
      %dma_start3A_46 = tpu.memref_slice %arg11[%add3A_36, %dma_start3A_45] : memref<10240x128xf32, #tpu.memory_space<vmem_shared>> -> memref<128x128xf32, #tpu.memory_space<vmem_shared>>
      tpu.enqueue_dma source(%dma_start3A_46 : memref<128x128xf32, #tpu.memory_space<vmem_shared>>) target(%dma_start3A_44 : memref<128x128xf32, #tpu.memory_space<hbm>>) target_semaphore(%run_scoped3A : memref<!tpu.dma_semaphore, #tpu.memory_space<semaphore_mem>>)
      %dma_wait3A = arith.constant 0 : i32
      %dma_wait3A_47 = tpu.memref_slice %arg6[%arg0, %add3A_38, %dma_wait3A] : memref<2x10240x128xf32, #tpu.memory_space<hbm>> -> memref<1x128x128xf32, #tpu.memory_space<hbm>>
      %dma_wait3A_48 = tpu.memref_squeeze %dma_wait3A_47 : memref<1x128x128xf32, #tpu.memory_space<hbm>> -> memref<128x128xf32, #tpu.memory_space<hbm>>
      %dma_wait3A_49 = arith.constant 0 : i32
      %dma_wait3A_50 = tpu.memref_slice %arg11[%add3A_36, %dma_wait3A_49] : memref<10240x128xf32, #tpu.memory_space<vmem_shared>> -> memref<128x128xf32, #tpu.memory_space<vmem_shared>>
      tpu.wait_dma2 semaphore(%run_scoped3A : memref<!tpu.dma_semaphore, #tpu.memory_space<semaphore_mem>>) src(%dma_wait3A_50 : memref<128x128xf32, #tpu.memory_space<vmem_shared>>) dst(%dma_wait3A_48 : memref<128x128xf32, #tpu.memory_space<hbm>>)
      tpu.yield
    }) : () -> ()
    %add3A_39 = arith.constant 512 : i32
    %add3A_40 = arith.addi %mul3A_6, %add3A_39 : i32
    %add3A_41 = arith.constant 512 : i32
    %add3A_42 = arith.addi %mul3A_6, %add3A_41 : i32
    "tpu.region"() ({
      %run_scoped3A = tpu.sem_alloc : memref<!tpu.dma_semaphore, #tpu.memory_space<semaphore_mem>>
      %dma_start3A = arith.constant 0 : i32
      %dma_start3A_43 = tpu.memref_slice %arg6[%arg0, %add3A_42, %dma_start3A] : memref<2x10240x128xf32, #tpu.memory_space<hbm>> -> memref<1x128x128xf32, #tpu.memory_space<hbm>>
      %dma_start3A_44 = tpu.memref_squeeze %dma_start3A_43 : memref<1x128x128xf32, #tpu.memory_space<hbm>> -> memref<128x128xf32, #tpu.memory_space<hbm>>
      %dma_start3A_45 = arith.constant 0 : i32
      %dma_start3A_46 = tpu.memref_slice %arg11[%add3A_40, %dma_start3A_45] : memref<10240x128xf32, #tpu.memory_space<vmem_shared>> -> memref<128x128xf32, #tpu.memory_space<vmem_shared>>
      tpu.enqueue_dma source(%dma_start3A_46 : memref<128x128xf32, #tpu.memory_space<vmem_shared>>) target(%dma_start3A_44 : memref<128x128xf32, #tpu.memory_space<hbm>>) target_semaphore(%run_scoped3A : memref<!tpu.dma_semaphore, #tpu.memory_space<semaphore_mem>>)
      %dma_wait3A = arith.constant 0 : i32
      %dma_wait3A_47 = tpu.memref_slice %arg6[%arg0, %add3A_42, %dma_wait3A] : memref<2x10240x128xf32, #tpu.memory_space<hbm>> -> memref<1x128x128xf32, #tpu.memory_space<hbm>>
      %dma_wait3A_48 = tpu.memref_squeeze %dma_wait3A_47 : memref<1x128x128xf32, #tpu.memory_space<hbm>> -> memref<128x128xf32, #tpu.memory_space<hbm>>
      %dma_wait3A_49 = arith.constant 0 : i32
      %dma_wait3A_50 = tpu.memref_slice %arg11[%add3A_40, %dma_wait3A_49] : memref<10240x128xf32, #tpu.memory_space<vmem_shared>> -> memref<128x128xf32, #tpu.memory_space<vmem_shared>>
      tpu.wait_dma2 semaphore(%run_scoped3A : memref<!tpu.dma_semaphore, #tpu.memory_space<semaphore_mem>>) src(%dma_wait3A_50 : memref<128x128xf32, #tpu.memory_space<vmem_shared>>) dst(%dma_wait3A_48 : memref<128x128xf32, #tpu.memory_space<hbm>>)
      tpu.yield
    }) : () -> ()
    return
  }
}

#map = affine_map<(d0, d1) -> (0, 0)>
#map1 = affine_map<(d0, d1) -> (0, 0, 0, 0)>
#map2 = affine_map<(d0, d1) -> (0, 0, 0)>
module attributes {stable_mosaic.version = 14 : i64} {
  func.func @spmm(%arg0: i32, %arg1: i32, %arg2: memref<10000x128xf32, #tpu.memory_space<hbm>>, %arg3: memref<2x16x79x128xi32, #tpu.memory_space<hbm>>, %arg4: memref<2x16x79x128xi32, #tpu.memory_space<hbm>>, %arg5: memref<2x16x79x128xf32, #tpu.memory_space<hbm>>, %arg6: memref<2x10240x128xf32, #tpu.memory_space<hbm>>, %arg7: memref<79x128xi32, #tpu.memory_space<vmem>>, %arg8: memref<79x128xi32, #tpu.memory_space<vmem>>, %arg9: memref<79x128xf32, #tpu.memory_space<vmem>>, %arg10: memref<128x128xf32, #tpu.memory_space<vmem>>, %arg11: memref<10240x128xf32, #tpu.memory_space<vmem_shared>>, %arg12: memref<!tpu.dma_semaphore, #tpu.memory_space<semaphore_mem>>) attributes {dimension_semantics = [#tpu.dimension_semantics<core_parallel>, #tpu.dimension_semantics<subcore_parallel>], iteration_bounds = array<i64: 2, 16>, scalar_prefetch = 0 : i64, scratch_operands = 6 : i64, tpu.core_type = #tpu.core_type<sc_vector_subcore>, window_params = [{transform_indices = #map}, {transform_indices = #map1}, {transform_indices = #map1}, {transform_indices = #map1}, {transform_indices = #map2}]} {
    "tpu.region"() ({
      %run_scoped3A = tpu.sem_alloc : memref<!tpu.dma_semaphore, #tpu.memory_space<semaphore_mem>>
      %dma_start3A = arith.constant 0 : i32
      %dma_start3A_43 = arith.constant 0 : i32
      %dma_start3A_44 = tpu.memref_slice %arg3[%arg0, %arg1, %dma_start3A, %dma_start3A_43] : memref<2x16x79x128xi32, #tpu.memory_space<hbm>> -> memref<1x1x79x128xi32, #tpu.memory_space<hbm>>
      %dma_start3A_45 = tpu.memref_squeeze %dma_start3A_44 : memref<1x1x79x128xi32, #tpu.memory_space<hbm>> -> memref<79x128xi32, #tpu.memory_space<hbm>>
      %dma_start3A_46 = arith.constant 0 : i32
      %dma_start3A_47 = arith.constant 0 : i32
      %dma_start3A_48 = tpu.memref_slice %arg3[%arg0, %arg1, %dma_start3A_46, %dma_start3A_47] : memref<2x16x79x128xi32, #tpu.memory_space<hbm>> -> memref<1x1x79x128xi32, #tpu.memory_space<hbm>>
      %dma_start3A_49 = tpu.memref_squeeze %dma_start3A_48 : memref<1x1x79x128xi32, #tpu.memory_space<hbm>> -> memref<79x128xi32, #tpu.memory_space<hbm>>
      tpu.enqueue_dma source(%dma_start3A_49 : memref<79x128xi32, #tpu.memory_space<hbm>>) target(%arg7 : memref<79x128xi32, #tpu.memory_space<vmem>>) target_semaphore(%run_scoped3A : memref<!tpu.dma_semaphore, #tpu.memory_space<semaphore_mem>>)
      %dma_wait3A = arith.constant 0 : i32
      %dma_wait3A_50 = arith.constant 0 : i32
      %dma_wait3A_51 = tpu.memref_slice %arg3[%arg0, %arg1, %dma_wait3A, %dma_wait3A_50] : memref<2x16x79x128xi32, #tpu.memory_space<hbm>> -> memref<1x1x79x128xi32, #tpu.memory_space<hbm>>
      %dma_wait3A_52 = tpu.memref_squeeze %dma_wait3A_51 : memref<1x1x79x128xi32, #tpu.memory_space<hbm>> -> memref<79x128xi32, #tpu.memory_space<hbm>>
      %dma_wait3A_53 = arith.constant 0 : i32
      %dma_wait3A_54 = arith.constant 0 : i32
      %dma_wait3A_55 = tpu.memref_slice %arg3[%arg0, %arg1, %dma_wait3A_53, %dma_wait3A_54] : memref<2x16x79x128xi32, #tpu.memory_space<hbm>> -> memref<1x1x79x128xi32, #tpu.memory_space<hbm>>
      %dma_wait3A_56 = tpu.memref_squeeze %dma_wait3A_55 : memref<1x1x79x128xi32, #tpu.memory_space<hbm>> -> memref<79x128xi32, #tpu.memory_space<hbm>>
      tpu.wait_dma2 semaphore(%run_scoped3A : memref<!tpu.dma_semaphore, #tpu.memory_space<semaphore_mem>>) src(%dma_wait3A_56 : memref<79x128xi32, #tpu.memory_space<hbm>>) dst(%arg7 : memref<79x128xi32, #tpu.memory_space<vmem>>)
      tpu.yield
    }) : () -> ()
    "tpu.region"() ({
      %run_scoped3A = tpu.sem_alloc : memref<!tpu.dma_semaphore, #tpu.memory_space<semaphore_mem>>
      %dma_start3A = arith.constant 0 : i32
      %dma_start3A_43 = arith.constant 0 : i32
      %dma_start3A_44 = tpu.memref_slice %arg4[%arg0, %arg1, %dma_start3A, %dma_start3A_43] : memref<2x16x79x128xi32, #tpu.memory_space<hbm>> -> memref<1x1x79x128xi32, #tpu.memory_space<hbm>>
      %dma_start3A_45 = tpu.memref_squeeze %dma_start3A_44 : memref<1x1x79x128xi32, #tpu.memory_space<hbm>> -> memref<79x128xi32, #tpu.memory_space<hbm>>
      %dma_start3A_46 = arith.constant 0 : i32
      %dma_start3A_47 = arith.constant 0 : i32
      %dma_start3A_48 = tpu.memref_slice %arg4[%arg0, %arg1, %dma_start3A_46, %dma_start3A_47] : memref<2x16x79x128xi32, #tpu.memory_space<hbm>> -> memref<1x1x79x128xi32, #tpu.memory_space<hbm>>
      %dma_start3A_49 = tpu.memref_squeeze %dma_start3A_48 : memref<1x1x79x128xi32, #tpu.memory_space<hbm>> -> memref<79x128xi32, #tpu.memory_space<hbm>>
      tpu.enqueue_dma source(%dma_start3A_49 : memref<79x128xi32, #tpu.memory_space<hbm>>) target(%arg8 : memref<79x128xi32, #tpu.memory_space<vmem>>) target_semaphore(%run_scoped3A : memref<!tpu.dma_semaphore, #tpu.memory_space<semaphore_mem>>)
      %dma_wait3A = arith.constant 0 : i32
      %dma_wait3A_50 = arith.constant 0 : i32
      %dma_wait3A_51 = tpu.memref_slice %arg4[%arg0, %arg1, %dma_wait3A, %dma_wait3A_50] : memref<2x16x79x128xi32, #tpu.memory_space<hbm>> -> memref<1x1x79x128xi32, #tpu.memory_space<hbm>>
      %dma_wait3A_52 = tpu.memref_squeeze %dma_wait3A_51 : memref<1x1x79x128xi32, #tpu.memory_space<hbm>> -> memref<79x128xi32, #tpu.memory_space<hbm>>
      %dma_wait3A_53 = arith.constant 0 : i32
      %dma_wait3A_54 = arith.constant 0 : i32
      %dma_wait3A_55 = tpu.memref_slice %arg4[%arg0, %arg1, %dma_wait3A_53, %dma_wait3A_54] : memref<2x16x79x128xi32, #tpu.memory_space<hbm>> -> memref<1x1x79x128xi32, #tpu.memory_space<hbm>>
      %dma_wait3A_56 = tpu.memref_squeeze %dma_wait3A_55 : memref<1x1x79x128xi32, #tpu.memory_space<hbm>> -> memref<79x128xi32, #tpu.memory_space<hbm>>
      tpu.wait_dma2 semaphore(%run_scoped3A : memref<!tpu.dma_semaphore, #tpu.memory_space<semaphore_mem>>) src(%dma_wait3A_56 : memref<79x128xi32, #tpu.memory_space<hbm>>) dst(%arg8 : memref<79x128xi32, #tpu.memory_space<vmem>>)
      tpu.yield
    }) : () -> ()
    "tpu.region"() ({
      %run_scoped3A = tpu.sem_alloc : memref<!tpu.dma_semaphore, #tpu.memory_space<semaphore_mem>>
      %dma_start3A = arith.constant 0 : i32
      %dma_start3A_43 = arith.constant 0 : i32
      %dma_start3A_44 = tpu.memref_slice %arg5[%arg0, %arg1, %dma_start3A, %dma_start3A_43] : memref<2x16x79x128xf32, #tpu.memory_space<hbm>> -> memref<1x1x79x128xf32, #tpu.memory_space<hbm>>
      %dma_start3A_45 = tpu.memref_squeeze %dma_start3A_44 : memref<1x1x79x128xf32, #tpu.memory_space<hbm>> -> memref<79x128xf32, #tpu.memory_space<hbm>>
      %dma_start3A_46 = arith.constant 0 : i32
      %dma_start3A_47 = arith.constant 0 : i32
      %dma_start3A_48 = tpu.memref_slice %arg5[%arg0, %arg1, %dma_start3A_46, %dma_start3A_47] : memref<2x16x79x128xf32, #tpu.memory_space<hbm>> -> memref<1x1x79x128xf32, #tpu.memory_space<hbm>>
      %dma_start3A_49 = tpu.memref_squeeze %dma_start3A_48 : memref<1x1x79x128xf32, #tpu.memory_space<hbm>> -> memref<79x128xf32, #tpu.memory_space<hbm>>
      tpu.enqueue_dma source(%dma_start3A_49 : memref<79x128xf32, #tpu.memory_space<hbm>>) target(%arg9 : memref<79x128xf32, #tpu.memory_space<vmem>>) target_semaphore(%run_scoped3A : memref<!tpu.dma_semaphore, #tpu.memory_space<semaphore_mem>>)
      %dma_wait3A = arith.constant 0 : i32
      %dma_wait3A_50 = arith.constant 0 : i32
      %dma_wait3A_51 = tpu.memref_slice %arg5[%arg0, %arg1, %dma_wait3A, %dma_wait3A_50] : memref<2x16x79x128xf32, #tpu.memory_space<hbm>> -> memref<1x1x79x128xf32, #tpu.memory_space<hbm>>
      %dma_wait3A_52 = tpu.memref_squeeze %dma_wait3A_51 : memref<1x1x79x128xf32, #tpu.memory_space<hbm>> -> memref<79x128xf32, #tpu.memory_space<hbm>>
      %dma_wait3A_53 = arith.constant 0 : i32
      %dma_wait3A_54 = arith.constant 0 : i32
      %dma_wait3A_55 = tpu.memref_slice %arg5[%arg0, %arg1, %dma_wait3A_53, %dma_wait3A_54] : memref<2x16x79x128xf32, #tpu.memory_space<hbm>> -> memref<1x1x79x128xf32, #tpu.memory_space<hbm>>
      %dma_wait3A_56 = tpu.memref_squeeze %dma_wait3A_55 : memref<1x1x79x128xf32, #tpu.memory_space<hbm>> -> memref<79x128xf32, #tpu.memory_space<hbm>>
      tpu.wait_dma2 semaphore(%run_scoped3A : memref<!tpu.dma_semaphore, #tpu.memory_space<semaphore_mem>>) src(%dma_wait3A_56 : memref<79x128xf32, #tpu.memory_space<hbm>>) dst(%arg9 : memref<79x128xf32, #tpu.memory_space<vmem>>)
      tpu.yield
    }) : () -> ()
    %broadcast_in_dim3A = arith.constant 0.000000e+00 : f32
    %broadcast_in_dim3A_0 = vector.broadcast %broadcast_in_dim3A : f32 to vector<16xf32>
    %scan3A = arith.constant 0 : i32
    %scan3A_1 = arith.constant 0 : i32
    %scan3A_2 = arith.constant 128 : i32
    %scan3A_3 = arith.addi %scan3A_1, %scan3A_2 : i32
    %scan3A_4 = arith.constant 1 : i32
    scf.for %scan3A_43 = %scan3A_1 to %scan3A_3 step %scan3A_4  : i32 {
      %swap3A = arith.index_cast %scan3A_43 : i32 to index
      %swap3A_44 = arith.constant 0 : index
      %swap3A_45 = tpu.vector_load %arg10[%swap3A, %swap3A_44] {strides = array<i32>} : memref<128x128xf32, #tpu.memory_space<vmem>>, vector<16xf32>,
      tpu.vector_store %arg10[%swap3A, %swap3A_44], %broadcast_in_dim3A_0 {strides = array<i32>} : memref<128x128xf32, #tpu.memory_space<vmem>>, vector<16xf32>,
      %swap3A_46 = arith.index_cast %scan3A_43 : i32 to index
      %swap3A_47 = arith.constant 16 : index
      %swap3A_48 = tpu.vector_load %arg10[%swap3A_46, %swap3A_47] {strides = array<i32>} : memref<128x128xf32, #tpu.memory_space<vmem>>, vector<16xf32>,
      tpu.vector_store %arg10[%swap3A_46, %swap3A_47], %broadcast_in_dim3A_0 {strides = array<i32>} : memref<128x128xf32, #tpu.memory_space<vmem>>, vector<16xf32>,
      %swap3A_49 = arith.index_cast %scan3A_43 : i32 to index
      %swap3A_50 = arith.constant 32 : index
      %swap3A_51 = tpu.vector_load %arg10[%swap3A_49, %swap3A_50] {strides = array<i32>} : memref<128x128xf32, #tpu.memory_space<vmem>>, vector<16xf32>,
      tpu.vector_store %arg10[%swap3A_49, %swap3A_50], %broadcast_in_dim3A_0 {strides = array<i32>} : memref<128x128xf32, #tpu.memory_space<vmem>>, vector<16xf32>,
      %swap3A_52 = arith.index_cast %scan3A_43 : i32 to index
      %swap3A_53 = arith.constant 48 : index
      %swap3A_54 = tpu.vector_load %arg10[%swap3A_52, %swap3A_53] {strides = array<i32>} : memref<128x128xf32, #tpu.memory_space<vmem>>, vector<16xf32>,
      tpu.vector_store %arg10[%swap3A_52, %swap3A_53], %broadcast_in_dim3A_0 {strides = array<i32>} : memref<128x128xf32, #tpu.memory_space<vmem>>, vector<16xf32>,
      %swap3A_55 = arith.index_cast %scan3A_43 : i32 to index
      %swap3A_56 = arith.constant 64 : index
      %swap3A_57 = tpu.vector_load %arg10[%swap3A_55, %swap3A_56] {strides = array<i32>} : memref<128x128xf32, #tpu.memory_space<vmem>>, vector<16xf32>,
      tpu.vector_store %arg10[%swap3A_55, %swap3A_56], %broadcast_in_dim3A_0 {strides = array<i32>} : memref<128x128xf32, #tpu.memory_space<vmem>>, vector<16xf32>,
      %swap3A_58 = arith.index_cast %scan3A_43 : i32 to index
      %swap3A_59 = arith.constant 80 : index
      %swap3A_60 = tpu.vector_load %arg10[%swap3A_58, %swap3A_59] {strides = array<i32>} : memref<128x128xf32, #tpu.memory_space<vmem>>, vector<16xf32>,
      tpu.vector_store %arg10[%swap3A_58, %swap3A_59], %broadcast_in_dim3A_0 {strides = array<i32>} : memref<128x128xf32, #tpu.memory_space<vmem>>, vector<16xf32>,
      %swap3A_61 = arith.index_cast %scan3A_43 : i32 to index
      %swap3A_62 = arith.constant 96 : index
      %swap3A_63 = tpu.vector_load %arg10[%swap3A_61, %swap3A_62] {strides = array<i32>} : memref<128x128xf32, #tpu.memory_space<vmem>>, vector<16xf32>,
      tpu.vector_store %arg10[%swap3A_61, %swap3A_62], %broadcast_in_dim3A_0 {strides = array<i32>} : memref<128x128xf32, #tpu.memory_space<vmem>>, vector<16xf32>,
      %swap3A_64 = arith.index_cast %scan3A_43 : i32 to index
      %swap3A_65 = arith.constant 112 : index
      %swap3A_66 = tpu.vector_load %arg10[%swap3A_64, %swap3A_65] {strides = array<i32>} : memref<128x128xf32, #tpu.memory_space<vmem>>, vector<16xf32>,
      tpu.vector_store %arg10[%swap3A_64, %swap3A_65], %broadcast_in_dim3A_0 {strides = array<i32>} : memref<128x128xf32, #tpu.memory_space<vmem>>, vector<16xf32>,
    }
    %scan3A_5 = arith.constant 128 : i32
    %mul3A = arith.constant 640 : i32
    %mul3A_6 = arith.muli %arg1, %mul3A : i32
    %add3A = arith.constant 0 : i32
    %add3A_7 = arith.addi %mul3A_6, %add3A : i32
    "tpu.region"() ({
      %run_scoped3A = tpu.sem_alloc : memref<!tpu.dma_semaphore, #tpu.memory_space<semaphore_mem>>
      %dma_start3A = arith.constant 0 : i32
      %dma_start3A_43 = arith.constant 0 : i32
      %dma_start3A_44 = tpu.memref_slice %arg10[%dma_start3A, %dma_start3A_43] : memref<128x128xf32, #tpu.memory_space<vmem>> -> memref<128x128xf32, #tpu.memory_space<vmem>>
      %dma_start3A_45 = arith.constant 0 : i32
      %dma_start3A_46 = tpu.memref_slice %arg11[%add3A_7, %dma_start3A_45] : memref<10240x128xf32, #tpu.memory_space<vmem_shared>> -> memref<128x128xf32, #tpu.memory_space<vmem_shared>>
      %dma_start3A_47 = arith.constant 0 : i32
      %dma_start3A_48 = tpu.memref_slice %arg11[%add3A_7, %dma_start3A_47] : memref<10240x128xf32, #tpu.memory_space<vmem_shared>> -> memref<128x128xf32, #tpu.memory_space<vmem_shared>>
      %dma_start3A_49 = arith.constant 0 : i32
      %dma_start3A_50 = arith.constant 0 : i32
      %dma_start3A_51 = tpu.memref_slice %arg10[%dma_start3A_49, %dma_start3A_50] : memref<128x128xf32, #tpu.memory_space<vmem>> -> memref<128x128xf32, #tpu.memory_space<vmem>>
      tpu.enqueue_dma source(%dma_start3A_51 : memref<128x128xf32, #tpu.memory_space<vmem>>) target(%dma_start3A_48 : memref<128x128xf32, #tpu.memory_space<vmem_shared>>) target_semaphore(%run_scoped3A : memref<!tpu.dma_semaphore, #tpu.memory_space<semaphore_mem>>)
      %dma_wait3A = arith.constant 0 : i32
      %dma_wait3A_52 = arith.constant 0 : i32
      %dma_wait3A_53 = tpu.memref_slice %arg10[%dma_wait3A, %dma_wait3A_52] : memref<128x128xf32, #tpu.memory_space<vmem>> -> memref<128x128xf32, #tpu.memory_space<vmem>>
      %dma_wait3A_54 = arith.constant 0 : i32
      %dma_wait3A_55 = tpu.memref_slice %arg11[%add3A_7, %dma_wait3A_54] : memref<10240x128xf32, #tpu.memory_space<vmem_shared>> -> memref<128x128xf32, #tpu.memory_space<vmem_shared>>
      %dma_wait3A_56 = arith.constant 0 : i32
      %dma_wait3A_57 = tpu.memref_slice %arg11[%add3A_7, %dma_wait3A_56] : memref<10240x128xf32, #tpu.memory_space<vmem_shared>> -> memref<128x128xf32, #tpu.memory_space<vmem_shared>>
      %dma_wait3A_58 = arith.constant 0 : i32
      %dma_wait3A_59 = arith.constant 0 : i32
      %dma_wait3A_60 = tpu.memref_slice %arg10[%dma_wait3A_58, %dma_wait3A_59] : memref<128x128xf32, #tpu.memory_space<vmem>> -> memref<128x128xf32, #tpu.memory_space<vmem>>
      tpu.wait_dma2 semaphore(%run_scoped3A : memref<!tpu.dma_semaphore, #tpu.memory_space<semaphore_mem>>) src(%dma_wait3A_60 : memref<128x128xf32, #tpu.memory_space<vmem>>) dst(%dma_wait3A_57 : memref<128x128xf32, #tpu.memory_space<vmem_shared>>)
      tpu.yield
    }) : () -> ()
    %add3A_8 = arith.constant 128 : i32
    %add3A_9 = arith.addi %mul3A_6, %add3A_8 : i32
    "tpu.region"() ({
      %run_scoped3A = tpu.sem_alloc : memref<!tpu.dma_semaphore, #tpu.memory_space<semaphore_mem>>
      %dma_start3A = arith.constant 0 : i32
      %dma_start3A_43 = arith.constant 0 : i32
      %dma_start3A_44 = tpu.memref_slice %arg10[%dma_start3A, %dma_start3A_43] : memref<128x128xf32, #tpu.memory_space<vmem>> -> memref<128x128xf32, #tpu.memory_space<vmem>>
      %dma_start3A_45 = arith.constant 0 : i32
      %dma_start3A_46 = tpu.memref_slice %arg11[%add3A_9, %dma_start3A_45] : memref<10240x128xf32, #tpu.memory_space<vmem_shared>> -> memref<128x128xf32, #tpu.memory_space<vmem_shared>>
      %dma_start3A_47 = arith.constant 0 : i32
      %dma_start3A_48 = tpu.memref_slice %arg11[%add3A_9, %dma_start3A_47] : memref<10240x128xf32, #tpu.memory_space<vmem_shared>> -> memref<128x128xf32, #tpu.memory_space<vmem_shared>>
      %dma_start3A_49 = arith.constant 0 : i32
      %dma_start3A_50 = arith.constant 0 : i32
      %dma_start3A_51 = tpu.memref_slice %arg10[%dma_start3A_49, %dma_start3A_50] : memref<128x128xf32, #tpu.memory_space<vmem>> -> memref<128x128xf32, #tpu.memory_space<vmem>>
      tpu.enqueue_dma source(%dma_start3A_51 : memref<128x128xf32, #tpu.memory_space<vmem>>) target(%dma_start3A_48 : memref<128x128xf32, #tpu.memory_space<vmem_shared>>) target_semaphore(%run_scoped3A : memref<!tpu.dma_semaphore, #tpu.memory_space<semaphore_mem>>)
      %dma_wait3A = arith.constant 0 : i32
      %dma_wait3A_52 = arith.constant 0 : i32
      %dma_wait3A_53 = tpu.memref_slice %arg10[%dma_wait3A, %dma_wait3A_52] : memref<128x128xf32, #tpu.memory_space<vmem>> -> memref<128x128xf32, #tpu.memory_space<vmem>>
      %dma_wait3A_54 = arith.constant 0 : i32
      %dma_wait3A_55 = tpu.memref_slice %arg11[%add3A_9, %dma_wait3A_54] : memref<10240x128xf32, #tpu.memory_space<vmem_shared>> -> memref<128x128xf32, #tpu.memory_space<vmem_shared>>
      %dma_wait3A_56 = arith.constant 0 : i32
      %dma_wait3A_57 = tpu.memref_slice %arg11[%add3A_9, %dma_wait3A_56] : memref<10240x128xf32, #tpu.memory_space<vmem_shared>> -> memref<128x128xf32, #tpu.memory_space<vmem_shared>>
      %dma_wait3A_58 = arith.constant 0 : i32
      %dma_wait3A_59 = arith.constant 0 : i32
      %dma_wait3A_60 = tpu.memref_slice %arg10[%dma_wait3A_58, %dma_wait3A_59] : memref<128x128xf32, #tpu.memory_space<vmem>> -> memref<128x128xf32, #tpu.memory_space<vmem>>
      tpu.wait_dma2 semaphore(%run_scoped3A : memref<!tpu.dma_semaphore, #tpu.memory_space<semaphore_mem>>) src(%dma_wait3A_60 : memref<128x128xf32, #tpu.memory_space<vmem>>) dst(%dma_wait3A_57 : memref<128x128xf32, #tpu.memory_space<vmem_shared>>)
      tpu.yield
    }) : () -> ()
    %add3A_10 = arith.constant 256 : i32
    %add3A_11 = arith.addi %mul3A_6, %add3A_10 : i32
    "tpu.region"() ({
      %run_scoped3A = tpu.sem_alloc : memref<!tpu.dma_semaphore, #tpu.memory_space<semaphore_mem>>
      %dma_start3A = arith.constant 0 : i32
      %dma_start3A_43 = arith.constant 0 : i32
      %dma_start3A_44 = tpu.memref_slice %arg10[%dma_start3A, %dma_start3A_43] : memref<128x128xf32, #tpu.memory_space<vmem>> -> memref<128x128xf32, #tpu.memory_space<vmem>>
      %dma_start3A_45 = arith.constant 0 : i32
      %dma_start3A_46 = tpu.memref_slice %arg11[%add3A_11, %dma_start3A_45] : memref<10240x128xf32, #tpu.memory_space<vmem_shared>> -> memref<128x128xf32, #tpu.memory_space<vmem_shared>>
      %dma_start3A_47 = arith.constant 0 : i32
      %dma_start3A_48 = tpu.memref_slice %arg11[%add3A_11, %dma_start3A_47] : memref<10240x128xf32, #tpu.memory_space<vmem_shared>> -> memref<128x128xf32, #tpu.memory_space<vmem_shared>>
      %dma_start3A_49 = arith.constant 0 : i32
      %dma_start3A_50 = arith.constant 0 : i32
      %dma_start3A_51 = tpu.memref_slice %arg10[%dma_start3A_49, %dma_start3A_50] : memref<128x128xf32, #tpu.memory_space<vmem>> -> memref<128x128xf32, #tpu.memory_space<vmem>>
      tpu.enqueue_dma source(%dma_start3A_51 : memref<128x128xf32, #tpu.memory_space<vmem>>) target(%dma_start3A_48 : memref<128x128xf32, #tpu.memory_space<vmem_shared>>) target_semaphore(%run_scoped3A : memref<!tpu.dma_semaphore, #tpu.memory_space<semaphore_mem>>)
      %dma_wait3A = arith.constant 0 : i32
      %dma_wait3A_52 = arith.constant 0 : i32
      %dma_wait3A_53 = tpu.memref_slice %arg10[%dma_wait3A, %dma_wait3A_52] : memref<128x128xf32, #tpu.memory_space<vmem>> -> memref<128x128xf32, #tpu.memory_space<vmem>>
      %dma_wait3A_54 = arith.constant 0 : i32
      %dma_wait3A_55 = tpu.memref_slice %arg11[%add3A_11, %dma_wait3A_54] : memref<10240x128xf32, #tpu.memory_space<vmem_shared>> -> memref<128x128xf32, #tpu.memory_space<vmem_shared>>
      %dma_wait3A_56 = arith.constant 0 : i32
      %dma_wait3A_57 = tpu.memref_slice %arg11[%add3A_11, %dma_wait3A_56] : memref<10240x128xf32, #tpu.memory_space<vmem_shared>> -> memref<128x128xf32, #tpu.memory_space<vmem_shared>>
      %dma_wait3A_58 = arith.constant 0 : i32
      %dma_wait3A_59 = arith.constant 0 : i32
      %dma_wait3A_60 = tpu.memref_slice %arg10[%dma_wait3A_58, %dma_wait3A_59] : memref<128x128xf32, #tpu.memory_space<vmem>> -> memref<128x128xf32, #tpu.memory_space<vmem>>
      tpu.wait_dma2 semaphore(%run_scoped3A : memref<!tpu.dma_semaphore, #tpu.memory_space<semaphore_mem>>) src(%dma_wait3A_60 : memref<128x128xf32, #tpu.memory_space<vmem>>) dst(%dma_wait3A_57 : memref<128x128xf32, #tpu.memory_space<vmem_shared>>)
      tpu.yield
    }) : () -> ()
    %add3A_12 = arith.constant 384 : i32
    %add3A_13 = arith.addi %mul3A_6, %add3A_12 : i32
    "tpu.region"() ({
      %run_scoped3A = tpu.sem_alloc : memref<!tpu.dma_semaphore, #tpu.memory_space<semaphore_mem>>
      %dma_start3A = arith.constant 0 : i32
      %dma_start3A_43 = arith.constant 0 : i32
      %dma_start3A_44 = tpu.memref_slice %arg10[%dma_start3A, %dma_start3A_43] : memref<128x128xf32, #tpu.memory_space<vmem>> -> memref<128x128xf32, #tpu.memory_space<vmem>>
      %dma_start3A_45 = arith.constant 0 : i32
      %dma_start3A_46 = tpu.memref_slice %arg11[%add3A_13, %dma_start3A_45] : memref<10240x128xf32, #tpu.memory_space<vmem_shared>> -> memref<128x128xf32, #tpu.memory_space<vmem_shared>>
      %dma_start3A_47 = arith.constant 0 : i32
      %dma_start3A_48 = tpu.memref_slice %arg11[%add3A_13, %dma_start3A_47] : memref<10240x128xf32, #tpu.memory_space<vmem_shared>> -> memref<128x128xf32, #tpu.memory_space<vmem_shared>>
      %dma_start3A_49 = arith.constant 0 : i32
      %dma_start3A_50 = arith.constant 0 : i32
      %dma_start3A_51 = tpu.memref_slice %arg10[%dma_start3A_49, %dma_start3A_50] : memref<128x128xf32, #tpu.memory_space<vmem>> -> memref<128x128xf32, #tpu.memory_space<vmem>>
      tpu.enqueue_dma source(%dma_start3A_51 : memref<128x128xf32, #tpu.memory_space<vmem>>) target(%dma_start3A_48 : memref<128x128xf32, #tpu.memory_space<vmem_shared>>) target_semaphore(%run_scoped3A : memref<!tpu.dma_semaphore, #tpu.memory_space<semaphore_mem>>)
      %dma_wait3A = arith.constant 0 : i32
      %dma_wait3A_52 = arith.constant 0 : i32
      %dma_wait3A_53 = tpu.memref_slice %arg10[%dma_wait3A, %dma_wait3A_52] : memref<128x128xf32, #tpu.memory_space<vmem>> -> memref<128x128xf32, #tpu.memory_space<vmem>>
      %dma_wait3A_54 = arith.constant 0 : i32
      %dma_wait3A_55 = tpu.memref_slice %arg11[%add3A_13, %dma_wait3A_54] : memref<10240x128xf32, #tpu.memory_space<vmem_shared>> -> memref<128x128xf32, #tpu.memory_space<vmem_shared>>
      %dma_wait3A_56 = arith.constant 0 : i32
      %dma_wait3A_57 = tpu.memref_slice %arg11[%add3A_13, %dma_wait3A_56] : memref<10240x128xf32, #tpu.memory_space<vmem_shared>> -> memref<128x128xf32, #tpu.memory_space<vmem_shared>>
      %dma_wait3A_58 = arith.constant 0 : i32
      %dma_wait3A_59 = arith.constant 0 : i32
      %dma_wait3A_60 = tpu.memref_slice %arg10[%dma_wait3A_58, %dma_wait3A_59] : memref<128x128xf32, #tpu.memory_space<vmem>> -> memref<128x128xf32, #tpu.memory_space<vmem>>
      tpu.wait_dma2 semaphore(%run_scoped3A : memref<!tpu.dma_semaphore, #tpu.memory_space<semaphore_mem>>) src(%dma_wait3A_60 : memref<128x128xf32, #tpu.memory_space<vmem>>) dst(%dma_wait3A_57 : memref<128x128xf32, #tpu.memory_space<vmem_shared>>)
      tpu.yield
    }) : () -> ()
    %add3A_14 = arith.constant 512 : i32
    %add3A_15 = arith.addi %mul3A_6, %add3A_14 : i32
    "tpu.region"() ({
      %run_scoped3A = tpu.sem_alloc : memref<!tpu.dma_semaphore, #tpu.memory_space<semaphore_mem>>
      %dma_start3A = arith.constant 0 : i32
      %dma_start3A_43 = arith.constant 0 : i32
      %dma_start3A_44 = tpu.memref_slice %arg10[%dma_start3A, %dma_start3A_43] : memref<128x128xf32, #tpu.memory_space<vmem>> -> memref<128x128xf32, #tpu.memory_space<vmem>>
      %dma_start3A_45 = arith.constant 0 : i32
      %dma_start3A_46 = tpu.memref_slice %arg11[%add3A_15, %dma_start3A_45] : memref<10240x128xf32, #tpu.memory_space<vmem_shared>> -> memref<128x128xf32, #tpu.memory_space<vmem_shared>>
      %dma_start3A_47 = arith.constant 0 : i32
      %dma_start3A_48 = tpu.memref_slice %arg11[%add3A_15, %dma_start3A_47] : memref<10240x128xf32, #tpu.memory_space<vmem_shared>> -> memref<128x128xf32, #tpu.memory_space<vmem_shared>>
      %dma_start3A_49 = arith.constant 0 : i32
      %dma_start3A_50 = arith.constant 0 : i32
      %dma_start3A_51 = tpu.memref_slice %arg10[%dma_start3A_49, %dma_start3A_50] : memref<128x128xf32, #tpu.memory_space<vmem>> -> memref<128x128xf32, #tpu.memory_space<vmem>>
      tpu.enqueue_dma source(%dma_start3A_51 : memref<128x128xf32, #tpu.memory_space<vmem>>) target(%dma_start3A_48 : memref<128x128xf32, #tpu.memory_space<vmem_shared>>) target_semaphore(%run_scoped3A : memref<!tpu.dma_semaphore, #tpu.memory_space<semaphore_mem>>)
      %dma_wait3A = arith.constant 0 : i32
      %dma_wait3A_52 = arith.constant 0 : i32
      %dma_wait3A_53 = tpu.memref_slice %arg10[%dma_wait3A, %dma_wait3A_52] : memref<128x128xf32, #tpu.memory_space<vmem>> -> memref<128x128xf32, #tpu.memory_space<vmem>>
      %dma_wait3A_54 = arith.constant 0 : i32
      %dma_wait3A_55 = tpu.memref_slice %arg11[%add3A_15, %dma_wait3A_54] : memref<10240x128xf32, #tpu.memory_space<vmem_shared>> -> memref<128x128xf32, #tpu.memory_space<vmem_shared>>
      %dma_wait3A_56 = arith.constant 0 : i32
      %dma_wait3A_57 = tpu.memref_slice %arg11[%add3A_15, %dma_wait3A_56] : memref<10240x128xf32, #tpu.memory_space<vmem_shared>> -> memref<128x128xf32, #tpu.memory_space<vmem_shared>>
      %dma_wait3A_58 = arith.constant 0 : i32
      %dma_wait3A_59 = arith.constant 0 : i32
      %dma_wait3A_60 = tpu.memref_slice %arg10[%dma_wait3A_58, %dma_wait3A_59] : memref<128x128xf32, #tpu.memory_space<vmem>> -> memref<128x128xf32, #tpu.memory_space<vmem>>
      tpu.wait_dma2 semaphore(%run_scoped3A : memref<!tpu.dma_semaphore, #tpu.memory_space<semaphore_mem>>) src(%dma_wait3A_60 : memref<128x128xf32, #tpu.memory_space<vmem>>) dst(%dma_wait3A_57 : memref<128x128xf32, #tpu.memory_space<vmem_shared>>)
      tpu.yield
    }) : () -> ()
    %barrier3A = arith.constant 0 : index
    tpu.barrier barrier_id(%barrier3A)
    %scan3A_16 = arith.constant 0 : i32
    %scan3A_17 = arith.constant 0 : i32
    %scan3A_18 = arith.constant 79 : i32
    %scan3A_19 = arith.addi %scan3A_17, %scan3A_18 : i32
    %scan3A_20 = arith.constant 1 : i32
    scf.for %scan3A_43 = %scan3A_17 to %scan3A_19 step %scan3A_20  : i32 {
      %dma_start3A = arith.constant 0 : i32
      %dma_start3A_44 = tpu.memref_slice %arg7[%scan3A_43, %dma_start3A] : memref<79x128xi32, #tpu.memory_space<vmem>> -> memref<1x128xi32, #tpu.memory_space<vmem>>
      %dma_start3A_45 = tpu.memref_squeeze %dma_start3A_44 : memref<1x128xi32, #tpu.memory_space<vmem>> -> memref<128xi32, #tpu.memory_space<vmem>>
      %dma_start3A_46 = arith.constant 0 : i32
      %dma_start3A_47 = arith.constant 0 : i32
      %dma_start3A_48 = tpu.memref_slice %arg2[%dma_start3A_46, %dma_start3A_47] : memref<10000x128xf32, #tpu.memory_space<hbm>> -> memref<10000x128xf32, #tpu.memory_space<hbm>>
      tpu.enqueue_indirect_dma source(%dma_start3A_48 : memref<10000x128xf32, #tpu.memory_space<hbm>>) target(%arg10 : memref<128x128xf32, #tpu.memory_space<vmem>>) offsets(%dma_start3A_45 : memref<128xi32, #tpu.memory_space<vmem>>) semaphore(%arg12 : memref<!tpu.dma_semaphore, #tpu.memory_space<semaphore_mem>>)
      %dma_wait3A = arith.constant 0 : i32
      %dma_wait3A_49 = tpu.memref_slice %arg7[%scan3A_43, %dma_wait3A] : memref<79x128xi32, #tpu.memory_space<vmem>> -> memref<1x128xi32, #tpu.memory_space<vmem>>
      %dma_wait3A_50 = tpu.memref_squeeze %dma_wait3A_49 : memref<1x128xi32, #tpu.memory_space<vmem>> -> memref<128xi32, #tpu.memory_space<vmem>>
      %dma_wait3A_51 = arith.constant 0 : i32
      %dma_wait3A_52 = arith.constant 0 : i32
      %dma_wait3A_53 = tpu.memref_slice %arg2[%dma_wait3A_51, %dma_wait3A_52] : memref<10000x128xf32, #tpu.memory_space<hbm>> -> memref<10000x128xf32, #tpu.memory_space<hbm>>
      tpu.wait_indirect_dma semaphore(%arg12 : memref<!tpu.dma_semaphore, #tpu.memory_space<semaphore_mem>>) src(%dma_wait3A_53 : memref<10000x128xf32, #tpu.memory_space<hbm>>) dst(%arg10 : memref<128x128xf32, #tpu.memory_space<vmem>>)
      %scan3A_54 = arith.constant 0 : i32
      %scan3A_55 = arith.constant 0 : i32
      %scan3A_56 = arith.constant 128 : i32
      %scan3A_57 = arith.addi %scan3A_55, %scan3A_56 : i32
      %scan3A_58 = arith.constant 1 : i32
      scf.for %scan3A_60 = %scan3A_55 to %scan3A_57 step %scan3A_58  : i32 {
        %broadcast_in_dim3A_61 = vector.broadcast %scan3A_43 : i32 to vector<16xi32>
        %broadcast_in_dim3A_62 = vector.broadcast %scan3A_60 : i32 to vector<16xi32>
        %gather3A = tpu.vector_load_idx %arg9[%broadcast_in_dim3A_61, %broadcast_in_dim3A_62] : memref<79x128xf32, #tpu.memory_space<vmem>>[vector<16xi32>, vector<16xi32>], vector<16xf32>,
        %get3A = arith.index_cast %scan3A_60 : i32 to index
        %get3A_63 = arith.constant 0 : index
        %get3A_64 = tpu.vector_load %arg10[%get3A, %get3A_63] {strides = array<i32>} : memref<128x128xf32, #tpu.memory_space<vmem>>, vector<16xf32>,
        %mul3A_65 = arith.mulf %get3A_64, %gather3A : vector<16xf32>
        %swap3A = arith.index_cast %scan3A_60 : i32 to index
        %swap3A_66 = arith.constant 0 : index
        %swap3A_67 = tpu.vector_load %arg10[%swap3A, %swap3A_66] {strides = array<i32>} : memref<128x128xf32, #tpu.memory_space<vmem>>, vector<16xf32>,
        tpu.vector_store %arg10[%swap3A, %swap3A_66], %mul3A_65 {strides = array<i32>} : memref<128x128xf32, #tpu.memory_space<vmem>>, vector<16xf32>,
        %get3A_68 = arith.index_cast %scan3A_60 : i32 to index
        %get3A_69 = arith.constant 16 : index
        %get3A_70 = tpu.vector_load %arg10[%get3A_68, %get3A_69] {strides = array<i32>} : memref<128x128xf32, #tpu.memory_space<vmem>>, vector<16xf32>,
        %mul3A_71 = arith.mulf %get3A_70, %gather3A : vector<16xf32>
        %swap3A_72 = arith.index_cast %scan3A_60 : i32 to index
        %swap3A_73 = arith.constant 16 : index
        %swap3A_74 = tpu.vector_load %arg10[%swap3A_72, %swap3A_73] {strides = array<i32>} : memref<128x128xf32, #tpu.memory_space<vmem>>, vector<16xf32>,
        tpu.vector_store %arg10[%swap3A_72, %swap3A_73], %mul3A_71 {strides = array<i32>} : memref<128x128xf32, #tpu.memory_space<vmem>>, vector<16xf32>,
        %get3A_75 = arith.index_cast %scan3A_60 : i32 to index
        %get3A_76 = arith.constant 32 : index
        %get3A_77 = tpu.vector_load %arg10[%get3A_75, %get3A_76] {strides = array<i32>} : memref<128x128xf32, #tpu.memory_space<vmem>>, vector<16xf32>,
        %mul3A_78 = arith.mulf %get3A_77, %gather3A : vector<16xf32>
        %swap3A_79 = arith.index_cast %scan3A_60 : i32 to index
        %swap3A_80 = arith.constant 32 : index
        %swap3A_81 = tpu.vector_load %arg10[%swap3A_79, %swap3A_80] {strides = array<i32>} : memref<128x128xf32, #tpu.memory_space<vmem>>, vector<16xf32>,
        tpu.vector_store %arg10[%swap3A_79, %swap3A_80], %mul3A_78 {strides = array<i32>} : memref<128x128xf32, #tpu.memory_space<vmem>>, vector<16xf32>,
        %get3A_82 = arith.index_cast %scan3A_60 : i32 to index
        %get3A_83 = arith.constant 48 : index
        %get3A_84 = tpu.vector_load %arg10[%get3A_82, %get3A_83] {strides = array<i32>} : memref<128x128xf32, #tpu.memory_space<vmem>>, vector<16xf32>,
        %mul3A_85 = arith.mulf %get3A_84, %gather3A : vector<16xf32>
        %swap3A_86 = arith.index_cast %scan3A_60 : i32 to index
        %swap3A_87 = arith.constant 48 : index
        %swap3A_88 = tpu.vector_load %arg10[%swap3A_86, %swap3A_87] {strides = array<i32>} : memref<128x128xf32, #tpu.memory_space<vmem>>, vector<16xf32>,
        tpu.vector_store %arg10[%swap3A_86, %swap3A_87], %mul3A_85 {strides = array<i32>} : memref<128x128xf32, #tpu.memory_space<vmem>>, vector<16xf32>,
        %get3A_89 = arith.index_cast %scan3A_60 : i32 to index
        %get3A_90 = arith.constant 64 : index
        %get3A_91 = tpu.vector_load %arg10[%get3A_89, %get3A_90] {strides = array<i32>} : memref<128x128xf32, #tpu.memory_space<vmem>>, vector<16xf32>,
        %mul3A_92 = arith.mulf %get3A_91, %gather3A : vector<16xf32>
        %swap3A_93 = arith.index_cast %scan3A_60 : i32 to index
        %swap3A_94 = arith.constant 64 : index
        %swap3A_95 = tpu.vector_load %arg10[%swap3A_93, %swap3A_94] {strides = array<i32>} : memref<128x128xf32, #tpu.memory_space<vmem>>, vector<16xf32>,
        tpu.vector_store %arg10[%swap3A_93, %swap3A_94], %mul3A_92 {strides = array<i32>} : memref<128x128xf32, #tpu.memory_space<vmem>>, vector<16xf32>,
        %get3A_96 = arith.index_cast %scan3A_60 : i32 to index
        %get3A_97 = arith.constant 80 : index
        %get3A_98 = tpu.vector_load %arg10[%get3A_96, %get3A_97] {strides = array<i32>} : memref<128x128xf32, #tpu.memory_space<vmem>>, vector<16xf32>,
        %mul3A_99 = arith.mulf %get3A_98, %gather3A : vector<16xf32>
        %swap3A_100 = arith.index_cast %scan3A_60 : i32 to index
        %swap3A_101 = arith.constant 80 : index
        %swap3A_102 = tpu.vector_load %arg10[%swap3A_100, %swap3A_101] {strides = array<i32>} : memref<128x128xf32, #tpu.memory_space<vmem>>, vector<16xf32>,
        tpu.vector_store %arg10[%swap3A_100, %swap3A_101], %mul3A_99 {strides = array<i32>} : memref<128x128xf32, #tpu.memory_space<vmem>>, vector<16xf32>,
        %get3A_103 = arith.index_cast %scan3A_60 : i32 to index
        %get3A_104 = arith.constant 96 : index
        %get3A_105 = tpu.vector_load %arg10[%get3A_103, %get3A_104] {strides = array<i32>} : memref<128x128xf32, #tpu.memory_space<vmem>>, vector<16xf32>,
        %mul3A_106 = arith.mulf %get3A_105, %gather3A : vector<16xf32>
        %swap3A_107 = arith.index_cast %scan3A_60 : i32 to index
        %swap3A_108 = arith.constant 96 : index
        %swap3A_109 = tpu.vector_load %arg10[%swap3A_107, %swap3A_108] {strides = array<i32>} : memref<128x128xf32, #tpu.memory_space<vmem>>, vector<16xf32>,
        tpu.vector_store %arg10[%swap3A_107, %swap3A_108], %mul3A_106 {strides = array<i32>} : memref<128x128xf32, #tpu.memory_space<vmem>>, vector<16xf32>,
        %get3A_110 = arith.index_cast %scan3A_60 : i32 to index
        %get3A_111 = arith.constant 112 : index
        %get3A_112 = tpu.vector_load %arg10[%get3A_110, %get3A_111] {strides = array<i32>} : memref<128x128xf32, #tpu.memory_space<vmem>>, vector<16xf32>,
        %mul3A_113 = arith.mulf %get3A_112, %gather3A : vector<16xf32>
        %swap3A_114 = arith.index_cast %scan3A_60 : i32 to index
        %swap3A_115 = arith.constant 112 : index
        %swap3A_116 = tpu.vector_load %arg10[%swap3A_114, %swap3A_115] {strides = array<i32>} : memref<128x128xf32, #tpu.memory_space<vmem>>, vector<16xf32>,
        tpu.vector_store %arg10[%swap3A_114, %swap3A_115], %mul3A_113 {strides = array<i32>} : memref<128x128xf32, #tpu.memory_space<vmem>>, vector<16xf32>,
      }
      %scan3A_59 = arith.constant 128 : i32
      "tpu.region"() ({
        %run_scoped3A = tpu.sem_alloc : memref<!tpu.dma_semaphore, #tpu.memory_space<semaphore_mem>>
        %dma_start3A_60 = arith.constant 0 : i32
        %dma_start3A_61 = tpu.memref_slice %arg8[%scan3A_43, %dma_start3A_60] : memref<79x128xi32, #tpu.memory_space<vmem>> -> memref<1x128xi32, #tpu.memory_space<vmem>>
        %dma_start3A_62 = tpu.memref_squeeze %dma_start3A_61 : memref<1x128xi32, #tpu.memory_space<vmem>> -> memref<128xi32, #tpu.memory_space<vmem>>
        %dma_start3A_63 = arith.constant 0 : i32
        %dma_start3A_64 = arith.constant 0 : i32
        %dma_start3A_65 = tpu.memref_slice %arg11[%dma_start3A_63, %dma_start3A_64] : memref<10240x128xf32, #tpu.memory_space<vmem_shared>> -> memref<10240x128xf32, #tpu.memory_space<vmem_shared>>
        tpu.enqueue_indirect_dma source(%arg10 : memref<128x128xf32, #tpu.memory_space<vmem>>) target(%dma_start3A_65 : memref<10240x128xf32, #tpu.memory_space<vmem_shared>>) offsets(%dma_start3A_62 : memref<128xi32, #tpu.memory_space<vmem>>) semaphore(%run_scoped3A : memref<!tpu.dma_semaphore, #tpu.memory_space<semaphore_mem>>) {add = true}
        %dma_wait3A_66 = arith.constant 0 : i32
        %dma_wait3A_67 = tpu.memref_slice %arg8[%scan3A_43, %dma_wait3A_66] : memref<79x128xi32, #tpu.memory_space<vmem>> -> memref<1x128xi32, #tpu.memory_space<vmem>>
        %dma_wait3A_68 = tpu.memref_squeeze %dma_wait3A_67 : memref<1x128xi32, #tpu.memory_space<vmem>> -> memref<128xi32, #tpu.memory_space<vmem>>
        %dma_wait3A_69 = arith.constant 0 : i32
        %dma_wait3A_70 = arith.constant 0 : i32
        %dma_wait3A_71 = tpu.memref_slice %arg11[%dma_wait3A_69, %dma_wait3A_70] : memref<10240x128xf32, #tpu.memory_space<vmem_shared>> -> memref<10240x128xf32, #tpu.memory_space<vmem_shared>>
        tpu.wait_indirect_dma semaphore(%run_scoped3A : memref<!tpu.dma_semaphore, #tpu.memory_space<semaphore_mem>>) src(%arg10 : memref<128x128xf32, #tpu.memory_space<vmem>>) dst(%dma_wait3A_71 : memref<10240x128xf32, #tpu.memory_space<vmem_shared>>)
        tpu.yield
      }) : () -> ()
    }
    %scan3A_21 = arith.constant 79 : i32
    %barrier3A_22 = arith.constant 0 : index
    tpu.barrier barrier_id(%barrier3A_22)
    %add3A_23 = arith.constant 0 : i32
    %add3A_24 = arith.addi %mul3A_6, %add3A_23 : i32
    %add3A_25 = arith.constant 0 : i32
    %add3A_26 = arith.addi %mul3A_6, %add3A_25 : i32
    "tpu.region"() ({
      %run_scoped3A = tpu.sem_alloc : memref<!tpu.dma_semaphore, #tpu.memory_space<semaphore_mem>>
      %dma_start3A = arith.constant 0 : i32
      %dma_start3A_43 = tpu.memref_slice %arg6[%arg0, %add3A_26, %dma_start3A] : memref<2x10240x128xf32, #tpu.memory_space<hbm>> -> memref<1x128x128xf32, #tpu.memory_space<hbm>>
      %dma_start3A_44 = tpu.memref_squeeze %dma_start3A_43 : memref<1x128x128xf32, #tpu.memory_space<hbm>> -> memref<128x128xf32, #tpu.memory_space<hbm>>
      %dma_start3A_45 = arith.constant 0 : i32
      %dma_start3A_46 = tpu.memref_slice %arg11[%add3A_24, %dma_start3A_45] : memref<10240x128xf32, #tpu.memory_space<vmem_shared>> -> memref<128x128xf32, #tpu.memory_space<vmem_shared>>
      tpu.enqueue_dma source(%dma_start3A_46 : memref<128x128xf32, #tpu.memory_space<vmem_shared>>) target(%dma_start3A_44 : memref<128x128xf32, #tpu.memory_space<hbm>>) target_semaphore(%run_scoped3A : memref<!tpu.dma_semaphore, #tpu.memory_space<semaphore_mem>>)
      %dma_wait3A = arith.constant 0 : i32
      %dma_wait3A_47 = tpu.memref_slice %arg6[%arg0, %add3A_26, %dma_wait3A] : memref<2x10240x128xf32, #tpu.memory_space<hbm>> -> memref<1x128x128xf32, #tpu.memory_space<hbm>>
      %dma_wait3A_48 = tpu.memref_squeeze %dma_wait3A_47 : memref<1x128x128xf32, #tpu.memory_space<hbm>> -> memref<128x128xf32, #tpu.memory_space<hbm>>
      %dma_wait3A_49 = arith.constant 0 : i32
      %dma_wait3A_50 = tpu.memref_slice %arg11[%add3A_24, %dma_wait3A_49] : memref<10240x128xf32, #tpu.memory_space<vmem_shared>> -> memref<128x128xf32, #tpu.memory_space<vmem_shared>>
      tpu.wait_dma2 semaphore(%run_scoped3A : memref<!tpu.dma_semaphore, #tpu.memory_space<semaphore_mem>>) src(%dma_wait3A_50 : memref<128x128xf32, #tpu.memory_space<vmem_shared>>) dst(%dma_wait3A_48 : memref<128x128xf32, #tpu.memory_space<hbm>>)
      tpu.yield
    }) : () -> ()
    %add3A_27 = arith.constant 128 : i32
    %add3A_28 = arith.addi %mul3A_6, %add3A_27 : i32
    %add3A_29 = arith.constant 128 : i32
    %add3A_30 = arith.addi %mul3A_6, %add3A_29 : i32
    "tpu.region"() ({
      %run_scoped3A = tpu.sem_alloc : memref<!tpu.dma_semaphore, #tpu.memory_space<semaphore_mem>>
      %dma_start3A = arith.constant 0 : i32
      %dma_start3A_43 = tpu.memref_slice %arg6[%arg0, %add3A_30, %dma_start3A] : memref<2x10240x128xf32, #tpu.memory_space<hbm>> -> memref<1x128x128xf32, #tpu.memory_space<hbm>>
      %dma_start3A_44 = tpu.memref_squeeze %dma_start3A_43 : memref<1x128x128xf32, #tpu.memory_space<hbm>> -> memref<128x128xf32, #tpu.memory_space<hbm>>
      %dma_start3A_45 = arith.constant 0 : i32
      %dma_start3A_46 = tpu.memref_slice %arg11[%add3A_28, %dma_start3A_45] : memref<10240x128xf32, #tpu.memory_space<vmem_shared>> -> memref<128x128xf32, #tpu.memory_space<vmem_shared>>
      tpu.enqueue_dma source(%dma_start3A_46 : memref<128x128xf32, #tpu.memory_space<vmem_shared>>) target(%dma_start3A_44 : memref<128x128xf32, #tpu.memory_space<hbm>>) target_semaphore(%run_scoped3A : memref<!tpu.dma_semaphore, #tpu.memory_space<semaphore_mem>>)
      %dma_wait3A = arith.constant 0 : i32
      %dma_wait3A_47 = tpu.memref_slice %arg6[%arg0, %add3A_30, %dma_wait3A] : memref<2x10240x128xf32, #tpu.memory_space<hbm>> -> memref<1x128x128xf32, #tpu.memory_space<hbm>>
      %dma_wait3A_48 = tpu.memref_squeeze %dma_wait3A_47 : memref<1x128x128xf32, #tpu.memory_space<hbm>> -> memref<128x128xf32, #tpu.memory_space<hbm>>
      %dma_wait3A_49 = arith.constant 0 : i32
      %dma_wait3A_50 = tpu.memref_slice %arg11[%add3A_28, %dma_wait3A_49] : memref<10240x128xf32, #tpu.memory_space<vmem_shared>> -> memref<128x128xf32, #tpu.memory_space<vmem_shared>>
      tpu.wait_dma2 semaphore(%run_scoped3A : memref<!tpu.dma_semaphore, #tpu.memory_space<semaphore_mem>>) src(%dma_wait3A_50 : memref<128x128xf32, #tpu.memory_space<vmem_shared>>) dst(%dma_wait3A_48 : memref<128x128xf32, #tpu.memory_space<hbm>>)
      tpu.yield
    }) : () -> ()
    %add3A_31 = arith.constant 256 : i32
    %add3A_32 = arith.addi %mul3A_6, %add3A_31 : i32
    %add3A_33 = arith.constant 256 : i32
    %add3A_34 = arith.addi %mul3A_6, %add3A_33 : i32
    "tpu.region"() ({
      %run_scoped3A = tpu.sem_alloc : memref<!tpu.dma_semaphore, #tpu.memory_space<semaphore_mem>>
      %dma_start3A = arith.constant 0 : i32
      %dma_start3A_43 = tpu.memref_slice %arg6[%arg0, %add3A_34, %dma_start3A] : memref<2x10240x128xf32, #tpu.memory_space<hbm>> -> memref<1x128x128xf32, #tpu.memory_space<hbm>>
      %dma_start3A_44 = tpu.memref_squeeze %dma_start3A_43 : memref<1x128x128xf32, #tpu.memory_space<hbm>> -> memref<128x128xf32, #tpu.memory_space<hbm>>
      %dma_start3A_45 = arith.constant 0 : i32
      %dma_start3A_46 = tpu.memref_slice %arg11[%add3A_32, %dma_start3A_45] : memref<10240x128xf32, #tpu.memory_space<vmem_shared>> -> memref<128x128xf32, #tpu.memory_space<vmem_shared>>
      tpu.enqueue_dma source(%dma_start3A_46 : memref<128x128xf32, #tpu.memory_space<vmem_shared>>) target(%dma_start3A_44 : memref<128x128xf32, #tpu.memory_space<hbm>>) target_semaphore(%run_scoped3A : memref<!tpu.dma_semaphore, #tpu.memory_space<semaphore_mem>>)
      %dma_wait3A = arith.constant 0 : i32
      %dma_wait3A_47 = tpu.memref_slice %arg6[%arg0, %add3A_34, %dma_wait3A] : memref<2x10240x128xf32, #tpu.memory_space<hbm>> -> memref<1x128x128xf32, #tpu.memory_space<hbm>>
      %dma_wait3A_48 = tpu.memref_squeeze %dma_wait3A_47 : memref<1x128x128xf32, #tpu.memory_space<hbm>> -> memref<128x128xf32, #tpu.memory_space<hbm>>
      %dma_wait3A_49 = arith.constant 0 : i32
      %dma_wait3A_50 = tpu.memref_slice %arg11[%add3A_32, %dma_wait3A_49] : memref<10240x128xf32, #tpu.memory_space<vmem_shared>> -> memref<128x128xf32, #tpu.memory_space<vmem_shared>>
      tpu.wait_dma2 semaphore(%run_scoped3A : memref<!tpu.dma_semaphore, #tpu.memory_space<semaphore_mem>>) src(%dma_wait3A_50 : memref<128x128xf32, #tpu.memory_space<vmem_shared>>) dst(%dma_wait3A_48 : memref<128x128xf32, #tpu.memory_space<hbm>>)
      tpu.yield
    }) : () -> ()
    %add3A_35 = arith.constant 384 : i32
    %add3A_36 = arith.addi %mul3A_6, %add3A_35 : i32
    %add3A_37 = arith.constant 384 : i32
    %add3A_38 = arith.addi %mul3A_6, %add3A_37 : i32
    "tpu.region"() ({
      %run_scoped3A = tpu.sem_alloc : memref<!tpu.dma_semaphore, #tpu.memory_space<semaphore_mem>>
      %dma_start3A = arith.constant 0 : i32
      %dma_start3A_43 = tpu.memref_slice %arg6[%arg0, %add3A_38, %dma_start3A] : memref<2x10240x128xf32, #tpu.memory_space<hbm>> -> memref<1x128x128xf32, #tpu.memory_space<hbm>>
      %dma_start3A_44 = tpu.memref_squeeze %dma_start3A_43 : memref<1x128x128xf32, #tpu.memory_space<hbm>> -> memref<128x128xf32, #tpu.memory_space<hbm>>
      %dma_start3A_45 = arith.constant 0 : i32
      %dma_start3A_46 = tpu.memref_slice %arg11[%add3A_36, %dma_start3A_45] : memref<10240x128xf32, #tpu.memory_space<vmem_shared>> -> memref<128x128xf32, #tpu.memory_space<vmem_shared>>
      tpu.enqueue_dma source(%dma_start3A_46 : memref<128x128xf32, #tpu.memory_space<vmem_shared>>) target(%dma_start3A_44 : memref<128x128xf32, #tpu.memory_space<hbm>>) target_semaphore(%run_scoped3A : memref<!tpu.dma_semaphore, #tpu.memory_space<semaphore_mem>>)
      %dma_wait3A = arith.constant 0 : i32
      %dma_wait3A_47 = tpu.memref_slice %arg6[%arg0, %add3A_38, %dma_wait3A] : memref<2x10240x128xf32, #tpu.memory_space<hbm>> -> memref<1x128x128xf32, #tpu.memory_space<hbm>>
      %dma_wait3A_48 = tpu.memref_squeeze %dma_wait3A_47 : memref<1x128x128xf32, #tpu.memory_space<hbm>> -> memref<128x128xf32, #tpu.memory_space<hbm>>
      %dma_wait3A_49 = arith.constant 0 : i32
      %dma_wait3A_50 = tpu.memref_slice %arg11[%add3A_36, %dma_wait3A_49] : memref<10240x128xf32, #tpu.memory_space<vmem_shared>> -> memref<128x128xf32, #tpu.memory_space<vmem_shared>>
      tpu.wait_dma2 semaphore(%run_scoped3A : memref<!tpu.dma_semaphore, #tpu.memory_space<semaphore_mem>>) src(%dma_wait3A_50 : memref<128x128xf32, #tpu.memory_space<vmem_shared>>) dst(%dma_wait3A_48 : memref<128x128xf32, #tpu.memory_space<hbm>>)
      tpu.yield
    }) : () -> ()
    %add3A_39 = arith.constant 512 : i32
    %add3A_40 = arith.addi %mul3A_6, %add3A_39 : i32
    %add3A_41 = arith.constant 512 : i32
    %add3A_42 = arith.addi %mul3A_6, %add3A_41 : i32
    "tpu.region"() ({
      %run_scoped3A = tpu.sem_alloc : memref<!tpu.dma_semaphore, #tpu.memory_space<semaphore_mem>>
      %dma_start3A = arith.constant 0 : i32
      %dma_start3A_43 = tpu.memref_slice %arg6[%arg0, %add3A_42, %dma_start3A] : memref<2x10240x128xf32, #tpu.memory_space<hbm>> -> memref<1x128x128xf32, #tpu.memory_space<hbm>>
      %dma_start3A_44 = tpu.memref_squeeze %dma_start3A_43 : memref<1x128x128xf32, #tpu.memory_space<hbm>> -> memref<128x128xf32, #tpu.memory_space<hbm>>
      %dma_start3A_45 = arith.constant 0 : i32
      %dma_start3A_46 = tpu.memref_slice %arg11[%add3A_40, %dma_start3A_45] : memref<10240x128xf32, #tpu.memory_space<vmem_shared>> -> memref<128x128xf32, #tpu.memory_space<vmem_shared>>
      tpu.enqueue_dma source(%dma_start3A_46 : memref<128x128xf32, #tpu.memory_space<vmem_shared>>) target(%dma_start3A_44 : memref<128x128xf32, #tpu.memory_space<hbm>>) target_semaphore(%run_scoped3A : memref<!tpu.dma_semaphore, #tpu.memory_space<semaphore_mem>>)
      %dma_wait3A = arith.constant 0 : i32
      %dma_wait3A_47 = tpu.memref_slice %arg6[%arg0, %add3A_42, %dma_wait3A] : memref<2x10240x128xf32, #tpu.memory_space<hbm>> -> memref<1x128x128xf32, #tpu.memory_space<hbm>>
      %dma_wait3A_48 = tpu.memref_squeeze %dma_wait3A_47 : memref<1x128x128xf32, #tpu.memory_space<hbm>> -> memref<128x128xf32, #tpu.memory_space<hbm>>
      %dma_wait3A_49 = arith.constant 0 : i32
      %dma_wait3A_50 = tpu.memref_slice %arg11[%add3A_40, %dma_wait3A_49] : memref<10240x128xf32, #tpu.memory_space<vmem_shared>> -> memref<128x128xf32, #tpu.memory_space<vmem_shared>>
      tpu.wait_dma2 semaphore(%run_scoped3A : memref<!tpu.dma_semaphore, #tpu.memory_space<semaphore_mem>>) src(%dma_wait3A_50 : memref<128x128xf32, #tpu.memory_space<vmem_shared>>) dst(%dma_wait3A_48 : memref<128x128xf32, #tpu.memory_space<hbm>>)
      tpu.yield
    }) : () -> ()
    return
  }
}

module attributes {stable_mosaic.version = 14 : i64} {
  func.func @body(%arg0: memref<24x295xf32, #tpu.memory_space<vmem>>, %arg1: memref<295x128xf32, #tpu.memory_space<vmem>>, %arg2: memref<1x128xf32, #tpu.memory_space<vmem>>, %arg3: memref<128x128xf32, #tpu.memory_space<vmem>>, %arg4: memref<1x128xf32, #tpu.memory_space<vmem>>, %arg5: memref<1x128xf32, #tpu.memory_space<vmem>>, %arg6: memref<1x128xf32, #tpu.memory_space<vmem>>, %arg7: memref<24x128xf32, #tpu.memory_space<vmem>>) attributes {dimension_semantics = [], scalar_prefetch = 0 : i64, scratch_operands = 0 : i64, tpu.core_type = #tpu.core_type<tc>} {
    %get3A = arith.constant 0 : index
    %get3A_0 = arith.constant 0 : index
    %get3A_1 = vector.load %arg0[%get3A, %get3A_0] : memref<24x295xf32, #tpu.memory_space<vmem>>, vector<24x295xf32>
    %get3A_2 = arith.constant 0 : index
    %get3A_3 = arith.constant 0 : index
    %get3A_4 = vector.load %arg1[%get3A_2, %get3A_3] : memref<295x128xf32, #tpu.memory_space<vmem>>, vector<295x128xf32>
    %dot_general3A = arith.constant dense<0.000000e+00> : vector<24x128xf32>
    %dot_general3A_5 = tpu.matmul %get3A_1, %get3A_4, %dot_general3A {dimension_numbers = #tpu.dot_dimension_numbers<[1], [0], [0], [1], [0, 0, 1, 1], [], []>, transpose_lhs_hint = false} : vector<24x295xf32>, vector<295x128xf32>, vector<24x128xf32> -> vector<24x128xf32>
    %get3A_6 = arith.constant 0 : index
    %get3A_7 = arith.constant 0 : index
    %get3A_8 = vector.load %arg2[%get3A_6, %get3A_7] : memref<1x128xf32, #tpu.memory_space<vmem>>, vector<1x128xf32>
    %add3A = vector.broadcast %get3A_8 : vector<1x128xf32> to vector<24x128xf32>
    %add3A_9 = arith.addf %dot_general3A_5, %add3A : vector<24x128xf32>
    %max3A = arith.constant 0.000000e+00 : f32
    %max3A_10 = vector.broadcast %max3A : f32 to vector<24x128xf32>
    %max3A_11 = arith.maximumf %add3A_9, %max3A_10 : vector<24x128xf32>
    %get3A_12 = arith.constant 0 : index
    %get3A_13 = arith.constant 0 : index
    %get3A_14 = vector.load %arg3[%get3A_12, %get3A_13] : memref<128x128xf32, #tpu.memory_space<vmem>>, vector<128x128xf32>
    %dot_general3A_15 = arith.constant dense<0.000000e+00> : vector<24x128xf32>
    %dot_general3A_16 = tpu.matmul %max3A_11, %get3A_14, %dot_general3A_15 {dimension_numbers = #tpu.dot_dimension_numbers<[1], [0], [0], [1], [0, 0, 1, 1], [], []>, transpose_lhs_hint = false} : vector<24x128xf32>, vector<128x128xf32>, vector<24x128xf32> -> vector<24x128xf32>
    %get3A_17 = arith.constant 0 : index
    %get3A_18 = arith.constant 0 : index
    %get3A_19 = vector.load %arg4[%get3A_17, %get3A_18] : memref<1x128xf32, #tpu.memory_space<vmem>>, vector<1x128xf32>
    %add3A_20 = vector.broadcast %get3A_19 : vector<1x128xf32> to vector<24x128xf32>
    %add3A_21 = arith.addf %dot_general3A_16, %add3A_20 : vector<24x128xf32>
    %get3A_22 = arith.constant 0 : index
    %get3A_23 = arith.constant 0 : index
    %get3A_24 = vector.load %arg5[%get3A_22, %get3A_23] : memref<1x128xf32, #tpu.memory_space<vmem>>, vector<1x128xf32>
    %sub3A = vector.broadcast %get3A_24 : vector<1x128xf32> to vector<24x128xf32>
    %sub3A_25 = arith.subf %add3A_21, %sub3A : vector<24x128xf32>
    %get3A_26 = arith.constant 0 : index
    %get3A_27 = arith.constant 0 : index
    %get3A_28 = vector.load %arg6[%get3A_26, %get3A_27] : memref<1x128xf32, #tpu.memory_space<vmem>>, vector<1x128xf32>
    %sqrt3A = math.sqrt %get3A_28 : vector<1x128xf32>
    %div3A = vector.broadcast %sqrt3A : vector<1x128xf32> to vector<24x128xf32>
    %div3A_29 = arith.divf %sub3A_25, %div3A : vector<24x128xf32>
    %swap3A = arith.constant 0 : index
    %swap3A_30 = arith.constant 0 : index
    %swap3A_31 = vector.load %arg7[%swap3A, %swap3A_30] : memref<24x128xf32, #tpu.memory_space<vmem>>, vector<24x128xf32>
    tpu.vector_store %arg7[%swap3A, %swap3A_30], %div3A_29 {strides = array<i32>} : memref<24x128xf32, #tpu.memory_space<vmem>>, vector<24x128xf32>,
    return
  }
}

module attributes {stable_mosaic.version = 14 : i64} {
  func.func @body(%arg0: i32, %arg1: memref<2000x1xf32, #tpu.memory_space<vmem>>, %arg2: memref<1x128xf32, #tpu.memory_space<vmem>>, %arg3: memref<1x128xf32, #tpu.memory_space<vmem>>, %arg4: memref<128x128xf32, #tpu.memory_space<vmem>>, %arg5: memref<1x128xf32, #tpu.memory_space<vmem>>, %arg6: memref<2000x128xf32, #tpu.memory_space<vmem>>) attributes {dimension_semantics = [#tpu.dimension_semantics<arbitrary>], iteration_bounds = array<i64: 60>, scalar_prefetch = 0 : i64, scratch_operands = 0 : i64, tpu.core_type = #tpu.core_type<tc>, window_params = [{transform_indices = @transform_0, window_bounds = array<i64: 2000, 1>}, {pipeline_mode = #tpu.pipeline_mode<synchronous>, transform_indices = @transform_1, window_bounds = array<i64: 1, 128>}, {pipeline_mode = #tpu.pipeline_mode<synchronous>, transform_indices = @transform_2, window_bounds = array<i64: 1, 128>}, {pipeline_mode = #tpu.pipeline_mode<synchronous>, transform_indices = @transform_3, window_bounds = array<i64: 128, 128>}, {pipeline_mode = #tpu.pipeline_mode<synchronous>, transform_indices = @transform_4, window_bounds = array<i64: 1, 128>}, {transform_indices = @transform_5, window_bounds = array<i64: 2000, 128>}]} {
    %get3A = arith.constant 0 : index
    %get3A_0 = arith.constant 0 : index
    %get3A_1 = vector.load %arg1[%get3A, %get3A_0] : memref<2000x1xf32, #tpu.memory_space<vmem>>, vector<2000x1xf32>
    %broadcast_in_dim3A = vector.shape_cast %get3A_1 : vector<2000x1xf32> to vector<2000x1xf32>
    %broadcast_in_dim3A_2 = vector.broadcast %broadcast_in_dim3A : vector<2000x1xf32> to vector<2000x128xf32>
    %get3A_3 = arith.constant 0 : index
    %get3A_4 = arith.constant 0 : index
    %get3A_5 = vector.load %arg2[%get3A_3, %get3A_4] : memref<1x128xf32, #tpu.memory_space<vmem>>, vector<1x128xf32>
    %broadcast_in_dim3A_6 = vector.shape_cast %get3A_5 : vector<1x128xf32> to vector<1x128xf32>
    %broadcast_in_dim3A_7 = vector.broadcast %broadcast_in_dim3A_6 : vector<1x128xf32> to vector<2000x128xf32>
    %mul3A = arith.mulf %broadcast_in_dim3A_2, %broadcast_in_dim3A_7 : vector<2000x128xf32>
    %get3A_8 = arith.constant 0 : index
    %get3A_9 = arith.constant 0 : index
    %get3A_10 = vector.load %arg3[%get3A_8, %get3A_9] : memref<1x128xf32, #tpu.memory_space<vmem>>, vector<1x128xf32>
    %add3A = vector.broadcast %get3A_10 : vector<1x128xf32> to vector<2000x128xf32>
    %add3A_11 = arith.addf %mul3A, %add3A : vector<2000x128xf32>
    %max3A = arith.constant 0.000000e+00 : f32
    %max3A_12 = vector.broadcast %max3A : f32 to vector<2000x128xf32>
    %max3A_13 = arith.maximumf %add3A_11, %max3A_12 : vector<2000x128xf32>
    %get3A_14 = arith.constant 0 : index
    %get3A_15 = arith.constant 0 : index
    %get3A_16 = vector.load %arg4[%get3A_14, %get3A_15] : memref<128x128xf32, #tpu.memory_space<vmem>>, vector<128x128xf32>
    %dot_general3A = arith.constant dense<0.000000e+00> : vector<2000x128xf32>
    %dot_general3A_17 = tpu.matmul %max3A_13, %get3A_16, %dot_general3A {dimension_numbers = #tpu.dot_dimension_numbers<[1], [0], [0], [1], [0, 0, 1, 1], [], []>, transpose_lhs_hint = false} : vector<2000x128xf32>, vector<128x128xf32>, vector<2000x128xf32> -> vector<2000x128xf32>
    %get3A_18 = arith.constant 0 : index
    %get3A_19 = arith.constant 0 : index
    %get3A_20 = vector.load %arg5[%get3A_18, %get3A_19] : memref<1x128xf32, #tpu.memory_space<vmem>>, vector<1x128xf32>
    %add3A_21 = vector.broadcast %get3A_20 : vector<1x128xf32> to vector<2000x128xf32>
    %add3A_22 = arith.addf %dot_general3A_17, %add3A_21 : vector<2000x128xf32>
    %swap3A = arith.constant 0 : index
    %swap3A_23 = arith.constant 0 : index
    %swap3A_24 = vector.load %arg6[%swap3A, %swap3A_23] : memref<2000x128xf32, #tpu.memory_space<vmem>>, vector<2000x128xf32>
    tpu.vector_store %arg6[%swap3A, %swap3A_23], %add3A_22 {strides = array<i32>} : memref<2000x128xf32, #tpu.memory_space<vmem>>, vector<2000x128xf32>,
    return
  }
  func.func @transform_0(%arg0: i32) -> (i32, i32) {
    %c0_i32 = arith.constant 0 : i32
    %c0_i32_0 = arith.constant 0 : i32
    return %arg0, %c0_i32 : i32, i32
  }
  func.func @transform_1(%arg0: i32) -> (i32, i32) {
    %c0_i32 = arith.constant 0 : i32
    %c0_i32_0 = arith.constant 0 : i32
    %c0_i32_1 = arith.constant 0 : i32
    return %c0_i32, %c0_i32_0 : i32, i32
  }
  func.func @transform_2(%arg0: i32) -> (i32, i32) {
    %c0_i32 = arith.constant 0 : i32
    %c0_i32_0 = arith.constant 0 : i32
    %c0_i32_1 = arith.constant 0 : i32
    return %c0_i32, %c0_i32_0 : i32, i32
  }
  func.func @transform_3(%arg0: i32) -> (i32, i32) {
    %c0_i32 = arith.constant 0 : i32
    %c0_i32_0 = arith.constant 0 : i32
    %c0_i32_1 = arith.constant 0 : i32
    return %c0_i32, %c0_i32_0 : i32, i32
  }
  func.func @transform_4(%arg0: i32) -> (i32, i32) {
    %c0_i32 = arith.constant 0 : i32
    %c0_i32_0 = arith.constant 0 : i32
    %c0_i32_1 = arith.constant 0 : i32
    return %c0_i32, %c0_i32_0 : i32, i32
  }
  func.func @transform_5(%arg0: i32) -> (i32, i32) {
    %c0_i32 = arith.constant 0 : i32
    %c0_i32_0 = arith.constant 0 : i32
    return %arg0, %c0_i32 : i32, i32
  }
}

module attributes {stable_mosaic.version = 14 : i64} {
  func.func @body(%arg0: i32, %arg1: memref<2000x128xf32, #tpu.memory_space<vmem>>, %arg2: memref<2000x128xf32, #tpu.memory_space<vmem>>, %arg3: memref<2000x128xf32, #tpu.memory_space<vmem>>, %arg4: memref<384x384xf32, #tpu.memory_space<vmem>>, %arg5: memref<1x384xf32, #tpu.memory_space<vmem>>, %arg6: memref<2000x384xf32, #tpu.memory_space<vmem>>) attributes {dimension_semantics = [#tpu.dimension_semantics<arbitrary>], iteration_bounds = array<i64: 60>, scalar_prefetch = 0 : i64, scratch_operands = 0 : i64, tpu.core_type = #tpu.core_type<tc>, window_params = [{transform_indices = @transform_0, window_bounds = array<i64: 2000, 128>}, {transform_indices = @transform_1, window_bounds = array<i64: 2000, 128>}, {transform_indices = @transform_2, window_bounds = array<i64: 2000, 128>}, {pipeline_mode = #tpu.pipeline_mode<synchronous>, transform_indices = @transform_3, window_bounds = array<i64: 384, 384>}, {pipeline_mode = #tpu.pipeline_mode<synchronous>, transform_indices = @transform_4, window_bounds = array<i64: 1, 384>}, {transform_indices = @transform_5, window_bounds = array<i64: 2000, 384>}]} {
    %get3A = arith.constant 0 : index
    %get3A_0 = arith.constant 0 : index
    %get3A_1 = vector.load %arg1[%get3A, %get3A_0] : memref<2000x128xf32, #tpu.memory_space<vmem>>, vector<2000x128xf32>
    %get3A_2 = arith.constant 0 : index
    %get3A_3 = arith.constant 0 : index
    %get3A_4 = vector.load %arg2[%get3A_2, %get3A_3] : memref<2000x128xf32, #tpu.memory_space<vmem>>, vector<2000x128xf32>
    %get3A_5 = arith.constant 0 : index
    %get3A_6 = arith.constant 0 : index
    %get3A_7 = vector.load %arg3[%get3A_5, %get3A_6] : memref<2000x128xf32, #tpu.memory_space<vmem>>, vector<2000x128xf32>
    %concatenate3A = tpu.concatenate %get3A_1, %get3A_4, %get3A_7 in 1 : vector<2000x128xf32>, vector<2000x128xf32>, vector<2000x128xf32> -> vector<2000x384xf32>
    %get3A_8 = arith.constant 0 : index
    %get3A_9 = arith.constant 0 : index
    %get3A_10 = vector.load %arg4[%get3A_8, %get3A_9] : memref<384x384xf32, #tpu.memory_space<vmem>>, vector<384x384xf32>
    %dot_general3A = arith.constant dense<0.000000e+00> : vector<2000x384xf32>
    %dot_general3A_11 = tpu.matmul %concatenate3A, %get3A_10, %dot_general3A {dimension_numbers = #tpu.dot_dimension_numbers<[1], [0], [0], [1], [0, 0, 1, 1], [], []>, transpose_lhs_hint = false} : vector<2000x384xf32>, vector<384x384xf32>, vector<2000x384xf32> -> vector<2000x384xf32>
    %get3A_12 = arith.constant 0 : index
    %get3A_13 = arith.constant 0 : index
    %get3A_14 = vector.load %arg5[%get3A_12, %get3A_13] : memref<1x384xf32, #tpu.memory_space<vmem>>, vector<1x384xf32>
    %add3A = vector.broadcast %get3A_14 : vector<1x384xf32> to vector<2000x384xf32>
    %add3A_15 = arith.addf %dot_general3A_11, %add3A : vector<2000x384xf32>
    %swap3A = arith.constant 0 : index
    %swap3A_16 = arith.constant 0 : index
    %swap3A_17 = vector.load %arg6[%swap3A, %swap3A_16] : memref<2000x384xf32, #tpu.memory_space<vmem>>, vector<2000x384xf32>
    tpu.vector_store %arg6[%swap3A, %swap3A_16], %add3A_15 {strides = array<i32>} : memref<2000x384xf32, #tpu.memory_space<vmem>>, vector<2000x384xf32>,
    return
  }
  func.func @transform_0(%arg0: i32) -> (i32, i32) {
    %c0_i32 = arith.constant 0 : i32
    %c0_i32_0 = arith.constant 0 : i32
    return %arg0, %c0_i32 : i32, i32
  }
  func.func @transform_1(%arg0: i32) -> (i32, i32) {
    %c0_i32 = arith.constant 0 : i32
    %c0_i32_0 = arith.constant 0 : i32
    return %arg0, %c0_i32 : i32, i32
  }
  func.func @transform_2(%arg0: i32) -> (i32, i32) {
    %c0_i32 = arith.constant 0 : i32
    %c0_i32_0 = arith.constant 0 : i32
    return %arg0, %c0_i32 : i32, i32
  }
  func.func @transform_3(%arg0: i32) -> (i32, i32) {
    %c0_i32 = arith.constant 0 : i32
    %c0_i32_0 = arith.constant 0 : i32
    %c0_i32_1 = arith.constant 0 : i32
    return %c0_i32, %c0_i32_0 : i32, i32
  }
  func.func @transform_4(%arg0: i32) -> (i32, i32) {
    %c0_i32 = arith.constant 0 : i32
    %c0_i32_0 = arith.constant 0 : i32
    %c0_i32_1 = arith.constant 0 : i32
    return %c0_i32, %c0_i32_0 : i32, i32
  }
  func.func @transform_5(%arg0: i32) -> (i32, i32) {
    %c0_i32 = arith.constant 0 : i32
    %c0_i32_0 = arith.constant 0 : i32
    return %arg0, %c0_i32 : i32, i32
  }
}

module attributes {stable_mosaic.version = 14 : i64} {
  func.func @body(%arg0: i32, %arg1: memref<2000x128xf32, #tpu.memory_space<vmem>>, %arg2: memref<2000x128xf32, #tpu.memory_space<vmem>>, %arg3: memref<2000x128xf32, #tpu.memory_space<vmem>>, %arg4: memref<2000x256xf32, #tpu.memory_space<vmem>>, %arg5: memref<384x256xf32, #tpu.memory_space<vmem>>, %arg6: memref<2000x128xf32, #tpu.memory_space<vmem>>, %arg7: memref<2000x128xf32, #tpu.memory_space<vmem>>) attributes {dimension_semantics = [#tpu.dimension_semantics<arbitrary>], iteration_bounds = array<i64: 5>, scalar_prefetch = 0 : i64, scratch_operands = 0 : i64, tpu.core_type = #tpu.core_type<tc>, window_params = [{transform_indices = @transform_0, window_bounds = array<i64: 2000, 128>}, {transform_indices = @transform_1, window_bounds = array<i64: 2000, 128>}, {transform_indices = @transform_2, window_bounds = array<i64: 2000, 128>}, {transform_indices = @transform_3, window_bounds = array<i64: 2000, 256>}, {pipeline_mode = #tpu.pipeline_mode<synchronous>, transform_indices = @transform_4, window_bounds = array<i64: 384, 256>}, {transform_indices = @transform_5, window_bounds = array<i64: 2000, 128>}, {transform_indices = @transform_6, window_bounds = array<i64: 2000, 128>}]} {
    %get3A = arith.constant 0 : index
    %get3A_0 = arith.constant 0 : index
    %get3A_1 = vector.load %arg1[%get3A, %get3A_0] : memref<2000x128xf32, #tpu.memory_space<vmem>>, vector<2000x128xf32>
    %get3A_2 = arith.constant 0 : index
    %get3A_3 = arith.constant 0 : index
    %get3A_4 = vector.load %arg2[%get3A_2, %get3A_3] : memref<2000x128xf32, #tpu.memory_space<vmem>>, vector<2000x128xf32>
    %get3A_5 = arith.constant 0 : index
    %get3A_6 = arith.constant 0 : index
    %get3A_7 = vector.load %arg3[%get3A_5, %get3A_6] : memref<2000x128xf32, #tpu.memory_space<vmem>>, vector<2000x128xf32>
    %concatenate3A = tpu.concatenate %get3A_1, %get3A_4, %get3A_7 in 1 : vector<2000x128xf32>, vector<2000x128xf32>, vector<2000x128xf32> -> vector<2000x384xf32>
    %get3A_8 = arith.constant 0 : index
    %get3A_9 = arith.constant 0 : index
    %get3A_10 = vector.load %arg4[%get3A_8, %get3A_9] : memref<2000x256xf32, #tpu.memory_space<vmem>>, vector<2000x256xf32>
    %get3A_11 = arith.constant 0 : index
    %get3A_12 = arith.constant 0 : index
    %get3A_13 = vector.load %arg5[%get3A_11, %get3A_12] : memref<384x256xf32, #tpu.memory_space<vmem>>, vector<384x256xf32>
    %dot_general3A = arith.constant dense<0.000000e+00> : vector<2000x256xf32>
    %dot_general3A_14 = tpu.matmul %concatenate3A, %get3A_13, %dot_general3A {dimension_numbers = #tpu.dot_dimension_numbers<[1], [0], [0], [1], [0, 0, 1, 1], [], []>, transpose_lhs_hint = false} : vector<2000x384xf32>, vector<384x256xf32>, vector<2000x256xf32> -> vector<2000x256xf32>
    %add3A = arith.addf %get3A_10, %dot_general3A_14 : vector<2000x256xf32>
    %logistic3A = arith.negf %add3A : vector<2000x256xf32>
    %logistic3A_15 = math.exp %logistic3A : vector<2000x256xf32>
    %logistic3A_16 = arith.constant 1.000000e+00 : f32
    %logistic3A_17 = vector.broadcast %logistic3A_16 : f32 to vector<2000x256xf32>
    %logistic3A_18 = arith.addf %logistic3A_17, %logistic3A_15 : vector<2000x256xf32>
    %logistic3A_19 = arith.divf %logistic3A_17, %logistic3A_18 : vector<2000x256xf32>
    %slice3A = vector.extract_strided_slice %logistic3A_19 {offsets = [0, 0], sizes = [2000, 128], strides = [1, 1]} : vector<2000x256xf32> to vector<2000x128xf32>
    %get3A_20 = arith.constant 0 : index
    %get3A_21 = arith.constant 0 : index
    %get3A_22 = vector.load %arg1[%get3A_20, %get3A_21] : memref<2000x128xf32, #tpu.memory_space<vmem>>, vector<2000x128xf32>
    %mul3A = arith.mulf %slice3A, %get3A_22 : vector<2000x128xf32>
    %swap3A = arith.constant 0 : index
    %swap3A_23 = arith.constant 0 : index
    %swap3A_24 = vector.load %arg6[%swap3A, %swap3A_23] : memref<2000x128xf32, #tpu.memory_space<vmem>>, vector<2000x128xf32>
    tpu.vector_store %arg6[%swap3A, %swap3A_23], %mul3A {strides = array<i32>} : memref<2000x128xf32, #tpu.memory_space<vmem>>, vector<2000x128xf32>,
    %slice3A_25 = vector.extract_strided_slice %logistic3A_19 {offsets = [0, 128], sizes = [2000, 128], strides = [1, 1]} : vector<2000x256xf32> to vector<2000x128xf32>
    %swap3A_26 = arith.constant 0 : index
    %swap3A_27 = arith.constant 0 : index
    %swap3A_28 = vector.load %arg7[%swap3A_26, %swap3A_27] : memref<2000x128xf32, #tpu.memory_space<vmem>>, vector<2000x128xf32>
    tpu.vector_store %arg7[%swap3A_26, %swap3A_27], %slice3A_25 {strides = array<i32>} : memref<2000x128xf32, #tpu.memory_space<vmem>>, vector<2000x128xf32>,
    return
  }
  func.func @transform_0(%arg0: i32) -> (i32, i32) {
    %c0_i32 = arith.constant 0 : i32
    %c0_i32_0 = arith.constant 0 : i32
    return %arg0, %c0_i32 : i32, i32
  }
  func.func @transform_1(%arg0: i32) -> (i32, i32) {
    %c0_i32 = arith.constant 0 : i32
    %c0_i32_0 = arith.constant 0 : i32
    return %arg0, %c0_i32 : i32, i32
  }
  func.func @transform_2(%arg0: i32) -> (i32, i32) {
    %c0_i32 = arith.constant 0 : i32
    %c0_i32_0 = arith.constant 0 : i32
    return %arg0, %c0_i32 : i32, i32
  }
  func.func @transform_3(%arg0: i32) -> (i32, i32) {
    %c0_i32 = arith.constant 0 : i32
    %c0_i32_0 = arith.constant 0 : i32
    return %arg0, %c0_i32 : i32, i32
  }
  func.func @transform_4(%arg0: i32) -> (i32, i32) {
    %c0_i32 = arith.constant 0 : i32
    %c0_i32_0 = arith.constant 0 : i32
    %c0_i32_1 = arith.constant 0 : i32
    return %c0_i32, %c0_i32_0 : i32, i32
  }
  func.func @transform_5(%arg0: i32) -> (i32, i32) {
    %c0_i32 = arith.constant 0 : i32
    %c0_i32_0 = arith.constant 0 : i32
    return %arg0, %c0_i32 : i32, i32
  }
  func.func @transform_6(%arg0: i32) -> (i32, i32) {
    %c0_i32 = arith.constant 0 : i32
    %c0_i32_0 = arith.constant 0 : i32
    return %arg0, %c0_i32 : i32, i32
  }
}

module attributes {stable_mosaic.version = 14 : i64} {
  func.func @body(%arg0: i32, %arg1: memref<2000x128xf32, #tpu.memory_space<vmem>>, %arg2: memref<2000x128xf32, #tpu.memory_space<vmem>>, %arg3: memref<2000x128xf32, #tpu.memory_space<vmem>>, %arg4: memref<2000x128xf32, #tpu.memory_space<vmem>>, %arg5: memref<2000x128xf32, #tpu.memory_space<vmem>>, %arg6: memref<2000x128xf32, #tpu.memory_space<vmem>>, %arg7: memref<384x128xf32, #tpu.memory_space<vmem>>, %arg8: memref<2000x128xf32, #tpu.memory_space<vmem>>) attributes {dimension_semantics = [#tpu.dimension_semantics<arbitrary>], iteration_bounds = array<i64: 5>, scalar_prefetch = 0 : i64, scratch_operands = 0 : i64, tpu.core_type = #tpu.core_type<tc>, window_params = [{transform_indices = @transform_0, window_bounds = array<i64: 2000, 128>}, {transform_indices = @transform_1, window_bounds = array<i64: 2000, 128>}, {transform_indices = @transform_2, window_bounds = array<i64: 2000, 128>}, {transform_indices = @transform_3, window_bounds = array<i64: 2000, 128>}, {transform_indices = @transform_4, window_bounds = array<i64: 2000, 128>}, {transform_indices = @transform_5, window_bounds = array<i64: 2000, 128>}, {pipeline_mode = #tpu.pipeline_mode<synchronous>, transform_indices = @transform_6, window_bounds = array<i64: 384, 128>}, {transform_indices = @transform_7, window_bounds = array<i64: 2000, 128>}]} {
    %get3A = arith.constant 0 : index
    %get3A_0 = arith.constant 0 : index
    %get3A_1 = vector.load %arg1[%get3A, %get3A_0] : memref<2000x128xf32, #tpu.memory_space<vmem>>, vector<2000x128xf32>
    %get3A_2 = arith.constant 0 : index
    %get3A_3 = arith.constant 0 : index
    %get3A_4 = vector.load %arg2[%get3A_2, %get3A_3] : memref<2000x128xf32, #tpu.memory_space<vmem>>, vector<2000x128xf32>
    %get3A_5 = arith.constant 0 : index
    %get3A_6 = arith.constant 0 : index
    %get3A_7 = vector.load %arg3[%get3A_5, %get3A_6] : memref<2000x128xf32, #tpu.memory_space<vmem>>, vector<2000x128xf32>
    %concatenate3A = tpu.concatenate %get3A_1, %get3A_4, %get3A_7 in 1 : vector<2000x128xf32>, vector<2000x128xf32>, vector<2000x128xf32> -> vector<2000x384xf32>
    %get3A_8 = arith.constant 0 : index
    %get3A_9 = arith.constant 0 : index
    %get3A_10 = vector.load %arg4[%get3A_8, %get3A_9] : memref<2000x128xf32, #tpu.memory_space<vmem>>, vector<2000x128xf32>
    %get3A_11 = arith.constant 0 : index
    %get3A_12 = arith.constant 0 : index
    %get3A_13 = vector.load %arg7[%get3A_11, %get3A_12] : memref<384x128xf32, #tpu.memory_space<vmem>>, vector<384x128xf32>
    %dot_general3A = arith.constant dense<0.000000e+00> : vector<2000x128xf32>
    %dot_general3A_14 = tpu.matmul %concatenate3A, %get3A_13, %dot_general3A {dimension_numbers = #tpu.dot_dimension_numbers<[1], [0], [0], [1], [0, 0, 1, 1], [], []>, transpose_lhs_hint = false} : vector<2000x384xf32>, vector<384x128xf32>, vector<2000x128xf32> -> vector<2000x128xf32>
    %add3A = arith.addf %get3A_10, %dot_general3A_14 : vector<2000x128xf32>
    %tanh3A = math.tanh %add3A : vector<2000x128xf32>
    %get3A_15 = arith.constant 0 : index
    %get3A_16 = arith.constant 0 : index
    %get3A_17 = vector.load %arg5[%get3A_15, %get3A_16] : memref<2000x128xf32, #tpu.memory_space<vmem>>, vector<2000x128xf32>
    %get3A_18 = arith.constant 0 : index
    %get3A_19 = arith.constant 0 : index
    %get3A_20 = vector.load %arg6[%get3A_18, %get3A_19] : memref<2000x128xf32, #tpu.memory_space<vmem>>, vector<2000x128xf32>
    %mul3A = arith.mulf %get3A_17, %get3A_20 : vector<2000x128xf32>
    %sub3A = arith.constant 1.000000e+00 : f32
    %sub3A_21 = vector.broadcast %sub3A : f32 to vector<2000x128xf32>
    %sub3A_22 = arith.subf %sub3A_21, %get3A_17 : vector<2000x128xf32>
    %mul3A_23 = arith.mulf %sub3A_22, %tanh3A : vector<2000x128xf32>
    %add3A_24 = arith.addf %mul3A, %mul3A_23 : vector<2000x128xf32>
    %swap3A = arith.constant 0 : index
    %swap3A_25 = arith.constant 0 : index
    %swap3A_26 = vector.load %arg8[%swap3A, %swap3A_25] : memref<2000x128xf32, #tpu.memory_space<vmem>>, vector<2000x128xf32>
    tpu.vector_store %arg8[%swap3A, %swap3A_25], %add3A_24 {strides = array<i32>} : memref<2000x128xf32, #tpu.memory_space<vmem>>, vector<2000x128xf32>,
    return
  }
  func.func @transform_0(%arg0: i32) -> (i32, i32) {
    %c0_i32 = arith.constant 0 : i32
    %c0_i32_0 = arith.constant 0 : i32
    return %arg0, %c0_i32 : i32, i32
  }
  func.func @transform_1(%arg0: i32) -> (i32, i32) {
    %c0_i32 = arith.constant 0 : i32
    %c0_i32_0 = arith.constant 0 : i32
    return %arg0, %c0_i32 : i32, i32
  }
  func.func @transform_2(%arg0: i32) -> (i32, i32) {
    %c0_i32 = arith.constant 0 : i32
    %c0_i32_0 = arith.constant 0 : i32
    return %arg0, %c0_i32 : i32, i32
  }
  func.func @transform_3(%arg0: i32) -> (i32, i32) {
    %c0_i32 = arith.constant 0 : i32
    %c0_i32_0 = arith.constant 0 : i32
    return %arg0, %c0_i32 : i32, i32
  }
  func.func @transform_4(%arg0: i32) -> (i32, i32) {
    %c0_i32 = arith.constant 0 : i32
    %c0_i32_0 = arith.constant 0 : i32
    return %arg0, %c0_i32 : i32, i32
  }
  func.func @transform_5(%arg0: i32) -> (i32, i32) {
    %c0_i32 = arith.constant 0 : i32
    %c0_i32_0 = arith.constant 0 : i32
    return %arg0, %c0_i32 : i32, i32
  }
  func.func @transform_6(%arg0: i32) -> (i32, i32) {
    %c0_i32 = arith.constant 0 : i32
    %c0_i32_0 = arith.constant 0 : i32
    %c0_i32_1 = arith.constant 0 : i32
    return %c0_i32, %c0_i32_0 : i32, i32
  }
  func.func @transform_7(%arg0: i32) -> (i32, i32) {
    %c0_i32 = arith.constant 0 : i32
    %c0_i32_0 = arith.constant 0 : i32
    return %arg0, %c0_i32 : i32, i32
  }
}

module attributes {stable_mosaic.version = 14 : i64} {
  func.func @body(%arg0: i32, %arg1: memref<2000x128xf32, #tpu.memory_space<vmem>>, %arg2: memref<128x128xf32, #tpu.memory_space<vmem>>, %arg3: memref<1x128xf32, #tpu.memory_space<vmem>>, %arg4: memref<1x128xf32, #tpu.memory_space<vmem>>, %arg5: memref<1x1xf32, #tpu.memory_space<vmem>>, %arg6: memref<2000x1xf32, #tpu.memory_space<vmem>>) attributes {dimension_semantics = [#tpu.dimension_semantics<arbitrary>], iteration_bounds = array<i64: 60>, scalar_prefetch = 0 : i64, scratch_operands = 0 : i64, tpu.core_type = #tpu.core_type<tc>, window_params = [{transform_indices = @transform_0, window_bounds = array<i64: 2000, 128>}, {pipeline_mode = #tpu.pipeline_mode<synchronous>, transform_indices = @transform_1, window_bounds = array<i64: 128, 128>}, {pipeline_mode = #tpu.pipeline_mode<synchronous>, transform_indices = @transform_2, window_bounds = array<i64: 1, 128>}, {pipeline_mode = #tpu.pipeline_mode<synchronous>, transform_indices = @transform_3, window_bounds = array<i64: 1, 128>}, {pipeline_mode = #tpu.pipeline_mode<synchronous>, transform_indices = @transform_4, window_bounds = array<i64: 1, 1>}, {transform_indices = @transform_5, window_bounds = array<i64: 2000, 1>}]} {
    %get3A = arith.constant 0 : index
    %get3A_0 = arith.constant 0 : index
    %get3A_1 = vector.load %arg1[%get3A, %get3A_0] : memref<2000x128xf32, #tpu.memory_space<vmem>>, vector<2000x128xf32>
    %get3A_2 = arith.constant 0 : index
    %get3A_3 = arith.constant 0 : index
    %get3A_4 = vector.load %arg2[%get3A_2, %get3A_3] : memref<128x128xf32, #tpu.memory_space<vmem>>, vector<128x128xf32>
    %dot_general3A = arith.constant dense<0.000000e+00> : vector<2000x128xf32>
    %dot_general3A_5 = tpu.matmul %get3A_1, %get3A_4, %dot_general3A {dimension_numbers = #tpu.dot_dimension_numbers<[1], [0], [0], [1], [0, 0, 1, 1], [], []>, transpose_lhs_hint = false} : vector<2000x128xf32>, vector<128x128xf32>, vector<2000x128xf32> -> vector<2000x128xf32>
    %get3A_6 = arith.constant 0 : index
    %get3A_7 = arith.constant 0 : index
    %get3A_8 = vector.load %arg3[%get3A_6, %get3A_7] : memref<1x128xf32, #tpu.memory_space<vmem>>, vector<1x128xf32>
    %add3A = vector.broadcast %get3A_8 : vector<1x128xf32> to vector<2000x128xf32>
    %add3A_9 = arith.addf %dot_general3A_5, %add3A : vector<2000x128xf32>
    %max3A = arith.constant 0.000000e+00 : f32
    %max3A_10 = vector.broadcast %max3A : f32 to vector<2000x128xf32>
    %max3A_11 = arith.maximumf %add3A_9, %max3A_10 : vector<2000x128xf32>
    %get3A_12 = arith.constant 0 : index
    %get3A_13 = arith.constant 0 : index
    %get3A_14 = vector.load %arg4[%get3A_12, %get3A_13] : memref<1x128xf32, #tpu.memory_space<vmem>>, vector<1x128xf32>
    %mul3A = vector.broadcast %get3A_14 : vector<1x128xf32> to vector<2000x128xf32>
    %mul3A_15 = arith.mulf %max3A_11, %mul3A : vector<2000x128xf32>
    %reduce_sum3A = arith.constant dense<0.000000e+00> : vector<2000xf32>
    %reduce_sum3A_16 = vector.multi_reduction <add>, %mul3A_15, %reduce_sum3A [1] : vector<2000x128xf32> to vector<2000xf32>
    %broadcast_in_dim3A = vector.shape_cast %reduce_sum3A_16 : vector<2000xf32> to vector<2000x1xf32>
    %get3A_17 = arith.constant 0 : index
    %get3A_18 = arith.constant 0 : index
    %get3A_19 = vector.load %arg5[%get3A_17, %get3A_18] : memref<1x1xf32, #tpu.memory_space<vmem>>, vector<1x1xf32>
    %add3A_20 = vector.broadcast %get3A_19 : vector<1x1xf32> to vector<2000x1xf32>
    %add3A_21 = arith.addf %broadcast_in_dim3A, %add3A_20 : vector<2000x1xf32>
    %swap3A = arith.constant 0 : index
    %swap3A_22 = arith.constant 0 : index
    %swap3A_23 = vector.load %arg6[%swap3A, %swap3A_22] : memref<2000x1xf32, #tpu.memory_space<vmem>>, vector<2000x1xf32>
    tpu.vector_store %arg6[%swap3A, %swap3A_22], %add3A_21 {strides = array<i32>} : memref<2000x1xf32, #tpu.memory_space<vmem>>, vector<2000x1xf32>,
    return
  }
  func.func @transform_0(%arg0: i32) -> (i32, i32) {
    %c0_i32 = arith.constant 0 : i32
    %c0_i32_0 = arith.constant 0 : i32
    return %arg0, %c0_i32 : i32, i32
  }
  func.func @transform_1(%arg0: i32) -> (i32, i32) {
    %c0_i32 = arith.constant 0 : i32
    %c0_i32_0 = arith.constant 0 : i32
    %c0_i32_1 = arith.constant 0 : i32
    return %c0_i32, %c0_i32_0 : i32, i32
  }
  func.func @transform_2(%arg0: i32) -> (i32, i32) {
    %c0_i32 = arith.constant 0 : i32
    %c0_i32_0 = arith.constant 0 : i32
    %c0_i32_1 = arith.constant 0 : i32
    return %c0_i32, %c0_i32_0 : i32, i32
  }
  func.func @transform_3(%arg0: i32) -> (i32, i32) {
    %c0_i32 = arith.constant 0 : i32
    %c0_i32_0 = arith.constant 0 : i32
    %c0_i32_1 = arith.constant 0 : i32
    return %c0_i32, %c0_i32_0 : i32, i32
  }
  func.func @transform_4(%arg0: i32) -> (i32, i32) {
    %c0_i32 = arith.constant 0 : i32
    %c0_i32_0 = arith.constant 0 : i32
    %c0_i32_1 = arith.constant 0 : i32
    return %c0_i32, %c0_i32_0 : i32, i32
  }
  func.func @transform_5(%arg0: i32) -> (i32, i32) {
    %c0_i32 = arith.constant 0 : i32
    %c0_i32_0 = arith.constant 0 : i32
    return %arg0, %c0_i32 : i32, i32
  }
}

</mosaic_0001>

<sc_bundles>
// kernel: closed_call.36.cloned.1.call-start
scs
__scs_entry_jumppad:
0x0: {  	(pc) =	sbr.rel $0x88, $3  }
0x1: {  	(tag) =	ssettag $0x0;
	lr =	simm.s32 $0x1  }
0x2: {  	[smem:$0x3F86] =	sst lr;
	_ =	strace $0xD0000000  }
0x3: {  	_ = 	snop  }
0x4: {  	_ = 	snop  }
0x5: {  	_ = 	snop  }
0x6: {  	_ = 	snop  }
0x7: {  	_ = 	snop  }
__scs_overlays_trampoline_lowered:
0x8: {  	[smem:$0x3F95] =	sst s0  }
0x9: {  	[smem:$0x3F96] =	sst s1  }
0xa: {  	[smem:$0x3F97] =	sst s2  }
0xb: {  	[smem:$0x3F98] =	sst s3  }
0xc: {  	[smem:$0x3F99] =	sst s4  }
0xd: {  	[smem:$0x3F9A] =	sst s5  }
0xe: {  	[smem:$0x3F9B] =	sst s6  }
0xf: {  	[smem:$0x3F9C] =	sst s7  }
0x10: {  	[smem:$0x3F9D] =	sst s8  }
0x11: {  	[smem:$0x3F9E] =	sst s9;
	s0 =	simm.s32 @!p0 $0x0  }
0x12: {  	s1 =	sld [smem:$0x3F84];
	s0 =	simm.s32 @p0 $0x1  }
0x13: {  	[smem:$0x3F9F] =	sst s0;
	s0 =	simm.s32 @!p1 $0x0  }
0x14: {  	s2 =	sld [smem:$0x3F83];
	s0 =	simm.s32 @p1 $0x1  }
0x15: {  	[smem:$0x3FA0] =	sst s0;
	s0 =	simm.s32 @!p2 $0x0  }
0x16: {  	s3 =	sld [smem:$0x3FDB];
	s0 =	simm.s32 @p2 $0x1  }
0x17: {  	s4 =	simm.s32 $0x1BF5;
	[smem:$0x3FA2] =	sst s0  }
0x18: {  	s0 =	sld [smem:$0x3F85];
	_ =	swait.ge [sflag:s4], $0x0  }
0x19: {  	s7 =	sld [smem:$0x3F86]  }
0x1a: {  	s8 =	sadd.s32 $0xFFFFE003, lr  }
0x1b: {  	s9 =	sadd.s32 $0xFFFFFEF7, lr;
	s5 =	simm.s32 $0xFFFFFFFF;
	p2 =	slt.u32 s8, $0xFFFFF086  }
0x1c: {  	p1 =	slt.u32 s9, $0xF7A;
	s5 =	simm.s32 @!p2 $0x0  }
0x1d: {  	s5 =	simm.s32 @p1 $0x1;
	p0 =	seq.s32 s7, s2  }
0x1e: {  	s7 =	smul.u32 @!p0 $0xF7A, s2;
	p2 =	seq.s32 @!p0 s5, $0x0  }
0x1f: {  	s9 =	smul.u32 $0xF7A, s1;
	s8 =	simm.s32 @!p0 $0x1BF5;
	p2 =	por !p2, p0  }
0x20: {  	[sflag:s8] =	ssyncset.s32 @!p0 $0xFFFFF086;
	s6 =	sadd.s32 @!p0 s3, s7;
	s7 =	simm.s32 @!p0 $0x108  }
0x21: {  	s3 =	sadd.s32 s3, s9;
	s6 =	sadd.s32 @!p0 $0x88, s6;
	s7 =	simm.s32 @p2 $0x1082  }
0x22: {  	[simem:s7], [sflag:s8] =	dma.local @!p0 [hbm:s6], $0xF7A  }
0x23: {  	s9 =	sor.u32 $0xD0000000, s2;
	s6 =	simm.s32 $0x108;
	_ =	swait.ge @!p0 [sflag:s8], $0x0  }
0x24: {  	s3 =	sadd.s32 $0x88, s3;
	s6 =	simm.s32 @!p1 $0x1082;
	[sflag:s4] =	ssyncset.s32 $0xFFFFF086  }
0x25: {  	[simem:s6], [sflag:s4] =	dma.local [hbm:s3], $0xF7A  }
0x26: {  	[smem:$0x3F86] =	sst s1;
	(tag) =	ssettag s2;
	_ =	strace s9  }
0x27: {  	s1 =	sld [smem:$0x3F96]  }
0x28: {  	s2 =	sld [smem:$0x3F97]  }
0x29: {  	s4 =	sld [smem:$0x3F99]  }
0x2a: {  	p0 =	seq.s32 s5, $0x0;
	s5 =	sld [smem:$0x3F9A]  }
0x2b: {  	s6 =	sld [smem:$0x3F9B]  }
0x2c: {  	s7 =	sld [smem:$0x3F9C]  }
0x2d: {  	s3 =	simm.s32 $0x108;
	s8 =	sld [smem:$0x3F9D]  }
0x2e: {  	s3 =	simm.s32 @!p0 $0x1082;
	s9 =	sld [smem:$0x3F9E]  }
0x2f: {  	lr =	sadd.s32 s0, s3;
	s0 =	sld [smem:$0x3F95]  }
0x30: {  	s3 =	sld [smem:$0x3F98]  }
0x31: {  	[smem:$0x3FA1] =	sst s10  }
0x32: {  	s10 =	sld [smem:$0x3F9F];
	_ =	sdelay $0x3  }
0x33: {  	p0 =	seq.s32 s10, $0x1;
	s10 =	sld [smem:$0x3FA1];
	_ =	sdelay $0x3  }
0x34: {  	[smem:$0x3FA1] =	sst s10  }
0x35: {  	s10 =	sld [smem:$0x3FA0];
	_ =	sdelay $0x3  }
0x36: {  	p1 =	seq.s32 s10, $0x1;
	s10 =	sld [smem:$0x3FA1];
	_ =	sdelay $0x3  }
0x37: {  	[smem:$0x3FA1] =	sst s10  }
0x38: {  	s10 =	sld [smem:$0x3FA2]  }
0x39: {  	_ = 	snop;
	(pc) =	sbr.ind lr, $3  }
0x3a: {  	_ = 	snop  }
0x3b: {  	_ = 	snop  }
0x3c: {  	p2 =	seq.s32 s10, $0x1;
	s10 =	sld [smem:$0x3FA1]  }
0x3d: {  	_ =	shalt  }
0x3e: {  	_ =	shalt  }
0x3f: {  	_ =	shalt  }
0x40: {  	_ =	shalt  }
0x41: {  	_ =	shalt  }
0x42: {  	_ =	shalt  }
0x43: {  	_ =	shalt  }
0x44: {  	_ =	shalt  }
0x45: {  	_ =	shalt  }
0x46: {  	_ =	shalt  }
0x47: {  	_ =	shalt  }
0x48: {  	_ =	shalt  }
0x49: {  	_ =	shalt  }
0x4a: {  	_ =	shalt  }
0x4b: {  	_ =	shalt  }
0x4c: {  	_ =	shalt  }
0x4d: {  	_ =	shalt  }
0x4e: {  	_ =	shalt  }
0x4f: {  	_ =	shalt  }
0x50: {  	_ =	shalt  }
0x51: {  	_ =	shalt  }
0x52: {  	_ =	shalt  }
0x53: {  	_ =	shalt  }
0x54: {  	_ =	shalt  }
0x55: {  	_ =	shalt  }
0x56: {  	_ =	shalt  }
0x57: {  	_ =	shalt  }
0x58: {  	_ =	shalt  }
0x59: {  	_ =	shalt  }
0x5a: {  	_ =	shalt  }
0x5b: {  	_ =	shalt  }
0x5c: {  	_ =	shalt  }
0x5d: {  	_ =	shalt  }
0x5e: {  	_ =	shalt  }
0x5f: {  	_ =	shalt  }
0x60: {  	_ =	shalt  }
0x61: {  	_ =	shalt  }
0x62: {  	_ =	shalt  }
0x63: {  	_ =	shalt  }
0x64: {  	_ =	shalt  }
0x65: {  	_ =	shalt  }
0x66: {  	_ =	shalt  }
0x67: {  	_ =	shalt  }
0x68: {  	_ =	shalt  }
0x69: {  	_ =	shalt  }
0x6a: {  	_ =	shalt  }
0x6b: {  	_ =	shalt  }
0x6c: {  	_ =	shalt  }
0x6d: {  	_ =	shalt  }
0x6e: {  	_ =	shalt  }
0x6f: {  	_ =	shalt  }
0x70: {  	_ =	shalt  }
0x71: {  	_ =	shalt  }
0x72: {  	_ =	shalt  }
0x73: {  	_ =	shalt  }
0x74: {  	_ =	shalt  }
0x75: {  	_ =	shalt  }
0x76: {  	_ =	shalt  }
0x77: {  	_ =	shalt  }
0x78: {  	_ =	shalt  }
0x79: {  	_ =	shalt  }
0x7a: {  	_ =	shalt  }
0x7b: {  	_ =	shalt  }
0x7c: {  	_ =	shalt  }
0x7d: {  	_ =	shalt  }
0x7e: {  	_ =	shalt  }
0x7f: {  	_ =	shalt  }
0x80: {  	_ =	shalt  }
0x81: {  	_ =	shalt  }
0x82: {  	_ =	shalt  }
0x83: {  	_ =	shalt  }
0x84: {  	_ =	shalt  }
0x85: {  	_ =	shalt  }
0x86: {  	_ =	shalt  }
0x87: {  	_ =	shalt  }
.Lfunc_end0:
.L_simem_size_0:
called_computation.2_lowered:
.L_overlay_start_0:
0x88: {  	s2 =	sld [smem:$0x3FD9]  }
0x89: {  	s3 =	sld [smem:$0x3FFE];
	_ =	sdelay $0x1  }
0x8a: {  	s1 =	srdreg.scid  }
0x8b: {  	s0 =	sand.u32 $0x1, s1  }
0x8c: {  	s16 =	sshll.u32 s0, $0xA;
	s2 =	sadd.s32 s3, s2  }
0x8d: {  	s2 =	sadd.s32 s2, s16  }
0x8e: {  	[smem:$0x3FAD] =	sst s2  }
0x8f: {  	_ = 	snop  }
0x90: {  	(tm) =	ssettm $0x1  }
0x91: {  	s17 =	sld [smem:$0x3FFB];
	_ =	sdelay $0x3  }
0x92: {  	_ =	strace s17  }
0x93: {  	s2 =	sld [smem:$0x3FFC];
	_ =	sdelay $0x3  }
0x94: {  	_ =	strace s2  }
0x95: {  	s2 =	sld [smem:$0x3FFD];
	_ =	sdelay $0x3  }
0x96: {  	_ =	strace s2  }
0x97: {  	_ =	strace $0x8FFFFFFF  }
0x98: {  	s18 =	sld [smem:$0x3FDB];
	_ =	sdelay $0x1  }
0x99: {  	s19 =	simm.s32 $_scs_section_size  }
0x9a: {  	s4 =	simm.s32 $_size__tile_overlayer_lowered;
	s5 =	simm.s32 $_tile_overlayer_lowered  }
0x9b: {  	s22 =	simm.s32 $0x1BFF;
	s21 =	sshll.u32 s5, $0x1;
	s2 =	sadd.s32 s19, s18  }
0x9c: {  	s6 =	simm.s32 $0x0;
	s20 =	sshll.u32 s4, $0x1;
	s4 =	sadd.s32 s21, s2  }
0x9d: {  	[timem:s6], [sflag:s22] =	dma.local [hbm:s4], s20  }
0x9e: {  	_ =	swait.ge [sflag:s22], s20  }
0x9f: {  	s3 =	ssub.s32 $0x0, s20;
	[sflag:s22] =	ssyncset.done $0x0  }
0xa0: {  	[sflag:s22] =	ssyncadd.s32 s3;
	_ =	sdelay $0x1  }
0xa1: {  	s23 =	simm.s32 $0x1B8B  }
0xa2: {  	_ =	swait.ge [sflag:s23], $0x1  }
0xa3: {  	[sflag:s23] =	ssyncset.done $0x0  }
0xa4: {  	s25 =	simm.s32 $0x1B8E;
	s24 =	sld [smem:$0x3FFE];
	[sflag:s23] =	ssyncadd.s32 $0xFFFFFFFF  }
0xa5: {  	s26 =	simm.s32 $execute0_lowered;
	[smem:$0x3FD2] =	sst s25  }
0xa6: {  	s4 =	sshll.u32 s26, $0x1;
	_ =	strace $0x80000052;
	[dreg:$0x1] =	wrdreg $0xFFFFFFFF  }
0xa7: {  	s28 =	simm.s32 $_size_execute0_lowered;
	s2 =	sadd.s32 s2, s4;
	[dreg:$0x0] =	wrdreg $0x0  }
0xa8: {  	s4 =	sshll.u32 s28, $0x1;
	[dreg:$0x2] =	wrdreg s2  }
0xa9: {  	[dreg:$0x3] =	wrdreg s4  }
0xaa: {  	[dreg:$0x4] =	wrdreg $0xC0  }
0xab: {  	_ =	task [dreg:s6], $0x5FFFF  }
0xac: {  	[dreg:$0x1] =	wrdreg $0xFFFFFFFF  }
0xad: {  	[dreg:$0x0] =	wrdreg $0x60  }
0xae: {  	[dreg:$0x2] =	wrdreg s24  }
0xaf: {  	[dreg:$0x3] =	wrdreg $0xB8000  }
0xb0: {  	[dreg:$0x4] =	wrdreg $0x9  }
0xb1: {  	_ =	task.clear_ibuf [dreg:s6], $0x5FFFF;
	_ =	strace $0x90000052  }
0xb2: {  	s29 =	simm.s32 $0x9;
	_ =	strace $0x80000054  }
0xb3: {  	_ =	swait.ge [sflag:s29], $0x1  }
0xb4: {  	[sflag:s29] =	ssyncadd.s32 $0xFFFFFFFF  }
0xb5: {  	_ =	strace $0x90000054  }
0xb6: {  	_ =	sfence  }
0xb7: {  	s30 =	sld [smem:$0x0];
	_ =	sdelay $0x2  }
0xb8: {  	s31 =	sshll.u32 s1, $0xD;
	s1 =	sshrl.u32 s1, $0x2  }
0xb9: {  	s3 =	sand.u32 $0x4000, s31;
	s1 =	sadd.s32 s1, s30  }
0xba: {  	s0 =	sor.u32 s3, s0;
	s1 =	sshll.u32 s1, $0x11  }
0xbb: {  	s0 =	sor.u32 s1, s0  }
0xbc: {  	s0 =	sadd.s32 $0x8F2B, s0  }
0xbd: {  	[sflag:s0] =	ssyncadd.remote.s32 $0x1  }
0xbe: {  	_ =	sfence.sel $0xFFFF  }
0xbf: {  	[dreg:$0x0] =	wrdreg $0xFFFFFFFF;
	(pc) =	sbr.abs _section_cstart, $3  }
0xc0: {  	[dreg:$0x1] =	wrdreg $0xFFFFFFFF  }
0xc1: {  	_ =	task.clear_ibuf [dreg:s6], $0x2FFFF;
	_ =	strace $0x9FFFFFFF  }
0xc2: {  	(tm) =	ssettm $0x7FFFFFFF  }
0xc3: {  	_ =	shalt  }
tec
execute0_lowered:
.L_overlay_start_1:
0x0: {  	(tag) =	ssettag $0x1  }
0x1: {  	s0 =	srdreg.scid  }
0x2: {  	s1 =	rddreg [dreg:$0x0];
	s28 =	stileid.u32  }
0x3: {  	s2 =	rddreg [dreg:$0x1];
	s3 =	simm.s32 $0x0;
	s21 =	simm.s32 $0x5000  }
0x4: {  	s22 =	simm.s32 $0x7800;
	s23 =	simm.s32 $0x80;
	s5 =	smul.u32 $0x2800, s28  }
0x5: {  	s24 =	simm.s32 $0x1;
	s25 =	simm.s32 $0x0;
	s8 =	smul.u32 $0x50000, s28  }
0x6: {  	s9 =	sand.u32 $0x1, s0;
	[smem:$0x7FF] =	sst s3;
	s12 =	smul.u32 $0x14000, s28  }
0x7: {  	s4 =	smul.u32 $0x28000, s9;
	_ =	strace $0x80000053;
	s29 =	ssub.s32 $0x2, s9  }
0x8: {  	s15 =	smul.u32 $0x140000, s9;
	s6 =	sshrl.u32 s29, $0x1;
	s8 =	sshrl.u32 s8, $0x2  }
0x9: {  	s13 =	sadd.s32 $0x4000, s12;
	s16 =	sadd.s32 $0x8000, s12;
	s17 =	sadd.s32 $0xC000, s12  }
0xa: {  	s19 =	sadd.s32 $0x10000, s12;
	s4 =	sadd.s32 s5, s4;
	s18 =	ssub.s32 s29, s6  }
0xb: {  	s8 =	sadd.s32 s8, s2;
	s9 =	sadd.s32 s13, s2;
	s10 =	sadd.s32 s16, s2  }
0xc: {  	s11 =	sadd.s32 s17, s2;
	s14 =	sadd.s32 s12, s15;
	s20 =	sadd.s32 s15, s13  }
0xd: {  	s12 =	sadd.s32 s19, s2;
	s16 =	sadd.s32 s15, s16;
	s17 =	sadd.s32 s15, s17  }
0xe: {  	s19 =	sadd.s32 s15, s19;
	s5 =	sshrl.u32 s4, $0x3;
	s4 =	sadd.s32 $0x4F600, s1  }
0xf: {  	s14 =	sshrl.u32 s14, $0x3;
	s30 =	sshrl.u32 s20, $0x3;
	s16 =	sshrl.u32 s16, $0x3  }
0x10: {  	s17 =	sshrl.u32 s17, $0x3;
	s31 =	sshrl.u32 s19, $0x3;
	s18 =	smax.u32 s18, $0x1  }
0x11: {  	s19 =	simm.s32 $0x2;
	s20 =	simm.s32 $0x2800;
	s7 =	sadd.s32 s5, s1  }
0x12: {  	s1 =	sadd.s32 $0x76800, s1;
	s5 =	sadd.s32 $0x45600, s7;
	s6 =	sadd.s32 $0x3B600, s7  }
0x13: {  	s7 =	sadd.s32 $0xA200, s7;
	s13 =	sadd.s32 s1, s14;
	s14 =	sadd.s32 s1, s30  }
0x14: {  	v0 =	vimm.f32 $0.0e+00;
	s15 =	sadd.s32 s1, s16;
	s16 =	sadd.s32 s1, s17;
	s17 =	sadd.s32 s1, s31  }
.LBB2_1:
0x15: {  	[tilespmem:s3], [sflag:$0x2] =	stream.linear.gather [hbm4b:s5+s3], $0x2780, $0x38;
	[tilespmem:$0x1F800] =	vst v63  }
0x16: {  	_ =	swait.ge [sflag:s19], $0x2780  }
0x17: {  	[sflag:s19] =	ssyncset.done $0x0  }
0x18: {  	[sflag:s19] =	ssyncadd.s32 $0xFFFFD880  }
0x19: {  	[tilespmem:s20], [sflag:$0x2] =	stream.linear.gather [hbm4b:s6+s3], $0x2780, $0x38;
	[tilespmem:$0x1F800] =	vst v63  }
0x1a: {  	_ =	swait.ge [sflag:s19], $0x2780  }
0x1b: {  	[sflag:s19] =	ssyncset.done $0x0  }
0x1c: {  	[sflag:s19] =	ssyncadd.s32 $0xFFFFD880  }
0x1d: {  	[tilespmem:s21], [sflag:$0x2] =	stream.linear.gather [hbm4b:s7+s3], $0x2780, $0x38;
	[tilespmem:$0x1F800] =	vst v63  }
0x1e: {  	_ =	swait.ge [sflag:s19], $0x2780  }
0x1f: {  	[sflag:s19] =	ssyncset.done $0x0  }
0x20: {  	s1 =	simm.s32 $0x0;
	s26 =	simm.s32 $0x200;
	[sflag:s19] =	ssyncadd.s32 $0xFFFFD880  }
.LBB2_2:
0x21: {  	p0 =	sne.s32 s26, $0xFE00;
	[tilespmem:s1+$0x7870] =	vst v0  }
0x22: {  	[tilespmem:s1+$0x7800] =	vst v0  }
0x23: {  	[tilespmem:s1+$0x7810] =	vst v0  }
.Ltmp0:
0x24: {  	[tilespmem:s1+$0x7820] =	vst v0;
	(pc) =	sbr.rel @p0 .LBB2_2-.Ltmp0, $4  }
0x25: {  	[tilespmem:s1+$0x7830] =	vst v0  }
0x26: {  	[tilespmem:s1+$0x7840] =	vst v0  }
0x27: {  	[tilespmem:s1+$0x7850] =	vst v0  }
0x28: {  	[tilespmem:s1+$0x7860] =	vst v0;
	s1 =	sshra.s32 s26, $0x2;
	s26 =	sadd.s32 $0x200, s26  }
0x29: {  	[tilespmem:s1+$0x7870] =	vst v0  }
0x2a: {  	[tilespmem:s1+$0x7800] =	vst v0  }
0x2b: {  	[tilespmem:s1+$0x7810] =	vst v0  }
0x2c: {  	[tilespmem:s1+$0x7820] =	vst v0  }
0x2d: {  	[tilespmem:s1+$0x7830] =	vst v0  }
0x2e: {  	[tilespmem:s1+$0x7840] =	vst v0  }
0x2f: {  	[tilespmem:s1+$0x7850] =	vst v0  }
0x30: {  	[tilespmem:s1+$0x7860] =	vst v0  }
0x31: {  	[spmem:s8] =	stream.linear.scatter [tilespmem:s22], [sflag:$0x2], $0x4000, $0x38;
	[tilespmem:$0x1F800] =	vst v63  }
0x32: {  	_ =	swait.ge [sflag:s19], $0x4000  }
0x33: {  	[sflag:s19] =	ssyncset.done $0x0  }
0x34: {  	[sflag:s19] =	ssyncadd.s32 $0xFFFFC000  }
0x35: {  	[spmem:s9] =	stream.linear.scatter [tilespmem:s22], [sflag:$0x2], $0x4000, $0x38;
	[tilespmem:$0x1F800] =	vst v63  }
0x36: {  	_ =	swait.ge [sflag:s19], $0x4000  }
0x37: {  	[sflag:s19] =	ssyncset.done $0x0  }
0x38: {  	[sflag:s19] =	ssyncadd.s32 $0xFFFFC000  }
0x39: {  	[spmem:s10] =	stream.linear.scatter [tilespmem:s22], [sflag:$0x2], $0x4000, $0x38;
	[tilespmem:$0x1F800] =	vst v63  }
0x3a: {  	_ =	swait.ge [sflag:s19], $0x4000  }
0x3b: {  	[sflag:s19] =	ssyncset.done $0x0  }
0x3c: {  	[sflag:s19] =	ssyncadd.s32 $0xFFFFC000  }
0x3d: {  	[spmem:s11] =	stream.linear.scatter [tilespmem:s22], [sflag:$0x2], $0x4000, $0x38;
	[tilespmem:$0x1F800] =	vst v63  }
0x3e: {  	_ =	swait.ge [sflag:s19], $0x4000  }
0x3f: {  	[sflag:s19] =	ssyncset.done $0x0  }
0x40: {  	[sflag:s19] =	ssyncadd.s32 $0xFFFFC000  }
0x41: {  	[spmem:s12] =	stream.linear.scatter [tilespmem:s22], [sflag:$0x2], $0x4000, $0x38;
	[tilespmem:$0x1F800] =	vst v63  }
0x42: {  	_ =	swait.ge [sflag:s19], $0x4000  }
0x43: {  	[sflag:s19] =	ssyncset.done $0x0  }
0x44: {  	[sflag:s19] =	ssyncadd.s32 $0xFFFFC000  }
0x45: {  	s26 =	simm.s32 $0x0;
	s28 =	simm.s32 $0x0;
	[bflag:$0x0] =	sbarrier.arrive $0xFFFF  }
.LBB2_4:
0x46: {  	s29 =	sshll.u32 s28, $0x7;
	v2 =	vmov s26  }
0x47: {  	v1 =	vmov s29;
	v2 =	vand.u32 $0x7F, v2  }
0x48: {  	[tilespmem:s22], [sflag:$0x1] =	stream.indirect.gather [hbm4b:s4+s23], $0x80, s29, s23, $0xb8;
	v2 =	vadd.s32 v1, v2;
	[tilespmem:$0x1F800] =	vst v63  }
0x49: {  	_ =	swait.ge [sflag:s24], $0x4000;
	v2 =	vbroadcast v2, $0x0  }
0x4a: {  	[sflag:s24] =	ssyncset.done $0x0  }
0x4b: {  	s30 =	simm.s32 $0x7840;
	[sflag:s24] =	ssyncadd.s32 $0xFFFFC000  }
0x4c: {  	v6 =	vld [tilespmem:s30+$0x30]  }
0x4d: {  	v9 =	vld [tilespmem:s30+$0x10]  }
0x4e: {  	v7 =	vld [tilespmem:s30+$0xFFFFFFC0]  }
0x4f: {  	v3 =	vld.idx.msk [tilespmem:v2+s21+$0x0], $0xffff  }
0x50: {  	v12 =	vld [tilespmem:s30+$0xFFFFFFE0]  }
0x51: {  	v4 =	vld [tilespmem:s30+$0x20]  }
0x52: {  	v5 =	vld [tilespmem:s30+$0xFFFFFFD0]  }
0x53: {  	v2 =	vld [tilespmem:s30+$0xFFFFFFF0]  }
0x54: {  	v10 =	vmul.f32 v6, v3;
	v6 =	vld [tilespmem:s30+$0x0]  }
0x55: {  	s31 =	simm.s32 $0x1;
	v8 =	vmul.f32 v7, v3  }
0x56: {  	s1 =	simm.s32 $0x2;
	v11 =	vmov s31;
	s31 =	simm.s32 $0x7840;
	v7 =	vmul.f32 v12, v3;
	v9 =	vmul.f32 v9, v3  }
.LBB2_5:
0x57: {  	p0 =	sne.s32 s1, $0x7F  }
0x58: {  	v11 =	vand.u32 $0x7F, v11;
	v5 =	vmul.f32 v5, v3;
	v4 =	vmul.f32 v4, v3;
	[tilespmem:s30+$0x30] =	vst v10;
	s31 =	sadd.s32 $0x80, s31;
	s0 =	smov.u32 s1;
	s1 =	sadd.s32 $0x1, s1  }
0x59: {  	v10 =	vadd.s32 v1, v11;
	[tilespmem:s30+$0xFFFFFFC0] =	vst v8;
	v8 =	vmul.f32 v2, v3;
	v3 =	vmul.f32 v6, v3  }
0x5a: {  	v6 =	vbroadcast v10, $0x0;
	[tilespmem:s30+$0x10] =	vst v9  }
0x5b: {  	[tilespmem:s30+$0xFFFFFFE0] =	vst v7  }
0x5c: {  	v2 =	vld [tilespmem:s31+$0xFFFFFFF0];
	[tilespmem:s30+$0xFFFFFFF0] =	vst v8  }
0x5d: {  	v7 =	vld [tilespmem:s31+$0x30];
	[tilespmem:s30+$0x0] =	vst v3  }
0x5e: {  	v9 =	vld [tilespmem:s31+$0x10];
	[tilespmem:s30+$0x20] =	vst v4  }
0x5f: {  	v8 =	vld [tilespmem:s31+$0xFFFFFFC0];
	[tilespmem:s30+$0xFFFFFFD0] =	vst v5;
	s30 =	smov.u32 s31  }
0x60: {  	v3 =	vld.idx.msk [tilespmem:v6+s21+$0x0], $0xffff  }
0x61: {  	v12 =	vld [tilespmem:s31+$0xFFFFFFE0]  }
0x62: {  	v4 =	vld [tilespmem:s31+$0x20]  }
.Ltmp1:
0x63: {  	v5 =	vld [tilespmem:s31+$0xFFFFFFD0];
	(pc) =	sbr.rel @p0 .LBB2_5-.Ltmp1, $3  }
0x64: {  	v6 =	vld [tilespmem:s31+$0x0];
	_ =	sdelay $0x1  }
0x65: {  	v8 =	vmul.f32 v8, v3;
	v10 =	vmul.f32 v7, v3  }
0x66: {  	v11 =	vmov s0;
	v9 =	vmul.f32 v9, v3;
	v7 =	vmul.f32 v12, v3  }
0x67: {  	[tilespmem:s30+$0x30] =	vst v10;
	v58 =	vand.u32 $0x7F, v11  }
0x68: {  	[tilespmem:s30+$0xFFFFFFC0] =	vst v8;
	v1 =	vadd.s32 v1, v58  }
0x69: {  	v2 =	vmul.f32 v2, v3;
	[tilespmem:s30+$0x10] =	vst v9;
	v1 =	vbroadcast v1, $0x0  }
0x6a: {  	s0 =	sadd.s32 $0x80, s31;
	[tilespmem:s30+$0xFFFFFFE0] =	vst v7;
	v6 =	vmul.f32 v6, v3  }
0x6b: {  	v4 =	vmul.f32 v4, v3;
	v3 =	vmul.f32 v5, v3;
	v7 =	vld [tilespmem:s0+$0xFFFFFFF0];
	[tilespmem:s30+$0xFFFFFFF0] =	vst v2  }
0x6c: {  	v2 =	vld [tilespmem:s0+$0x30];
	[tilespmem:s30+$0x0] =	vst v6  }
0x6d: {  	v60 =	vld [tilespmem:s0+$0xFFFFFFC0];
	[tilespmem:s30+$0xFFFFFFD0] =	vst v3  }
0x6e: {  	v59 =	vld [tilespmem:s0+$0x10];
	[tilespmem:s30+$0x20] =	vst v4  }
0x6f: {  	v1 =	vld.idx.msk [tilespmem:v1+s21+$0x0], $0xffff;
	_ =	sdelay $0x2  }
0x70: {  	v6 =	vld [tilespmem:s0+$0x0]  }
0x71: {  	v3 =	vld [tilespmem:s0+$0xFFFFFFE0]  }
0x72: {  	v2 =	vmul.f32 v2, v1  }
0x73: {  	v61 =	vld [tilespmem:s0+$0x20];
	v4 =	vmul.f32 v60, v1  }
0x74: {  	v62 =	vld [tilespmem:s0+$0xFFFFFFD0];
	v5 =	vmul.f32 v59, v1;
	[tilespmem:s0+$0x30] =	vst v2  }
0x75: {  	v63 =	vmul.f32 v6, v1;
	[tilespmem:s0+$0xFFFFFFC0] =	vst v4  }
0x76: {  	v2 =	vmul.f32 v3, v1;
	[tilespmem:s0+$0x10] =	vst v5  }
0x77: {  	v3 =	vmul.f32 v7, v1;
	[tilespmem:s0+$0x0] =	vst v63  }
0x78: {  	[tilespmem:s0+$0xFFFFFFE0] =	vst v2;
	v2 =	vmul.f32 v61, v1  }
0x79: {  	s28 =	sadd.s32 $0x1, s28;
	[tilespmem:s0+$0xFFFFFFF0] =	vst v3;
	v1 =	vmul.f32 v62, v1  }
0x7a: {  	p0 =	sne.s32 s28, $0x4F;
	[tilespmem:s0+$0x20] =	vst v2  }
.Ltmp2:
0x7b: {  	s31 =	sadd.s32 $0x2800, s29;
	[tilespmem:s0+$0xFFFFFFD0] =	vst v1;
	(pc) =	sbr.rel @p0 .LBB2_4-.Ltmp2, $4  }
0x7c: {  	[spmem:s2] =	stream.indirect.scatter.add.f32 [tilespmem:s22], [sflag:$0x2], $0x80, s31, s23, $0xb8;
	[tilespmem:$0x1F800] =	vst v63  }
0x7d: {  	_ =	swait.ge [sflag:s19], $0x4000  }
0x7e: {  	[sflag:s19] =	ssyncset.done $0x0  }
0x7f: {  	[sflag:s19] =	ssyncadd.s32 $0xFFFFC000  }
0x80: {  	s0 =	stileid.u32  }
0x81: {  	s0 =	sshll.u32 s0, $0x6  }
0x82: {  	[bflag:$0x0] =	sbarrier.arrive $0xFFFF;
	s1 =	sshrl.u32 s8, $0x3;
	s0 =	sor.u32 $0x1C02, s0  }
0x83: {  	[hbm:s13], [sflag:s0] =	dma.local [spmem:s1], $0x800  }
0x84: {  	_ =	swait.ge [sflag:s19], $0x800  }
0x85: {  	[sflag:s19] =	ssyncset.done $0x0  }
0x86: {  	s28 =	sshrl.u32 s9, $0x3;
	[sflag:s19] =	ssyncadd.s32 $0xFFFFF800  }
0x87: {  	[hbm:s14], [sflag:s0] =	dma.local [spmem:s28], $0x800  }
0x88: {  	_ =	swait.ge [sflag:s19], $0x800  }
0x89: {  	[sflag:s19] =	ssyncset.done $0x0  }
0x8a: {  	s29 =	sshrl.u32 s10, $0x3;
	[sflag:s19] =	ssyncadd.s32 $0xFFFFF800  }
0x8b: {  	[hbm:s15], [sflag:s0] =	dma.local [spmem:s29], $0x800  }
0x8c: {  	_ =	swait.ge [sflag:s19], $0x800  }
0x8d: {  	[sflag:s19] =	ssyncset.done $0x0  }
0x8e: {  	s30 =	sshrl.u32 s11, $0x3;
	[sflag:s19] =	ssyncadd.s32 $0xFFFFF800  }
0x8f: {  	[hbm:s16], [sflag:s0] =	dma.local [spmem:s30], $0x800  }
0x90: {  	s25 =	sadd.s32 $0x1, s25;
	_ =	swait.ge [sflag:s19], $0x800  }
0x91: {  	p0 =	sne.s32 s25, s18;
	[sflag:s19] =	ssyncset.done $0x0  }
.Ltmp3:
0x92: {  	s31 =	sshrl.u32 s12, $0x3;
	[sflag:s19] =	ssyncadd.s32 $0xFFFFF800;
	(pc) =	sbr.rel @p0 .LBB2_1-.Ltmp3, $4  }
0x93: {  	[hbm:s17], [sflag:s0] =	dma.local [spmem:s31], $0x800  }
0x94: {  	_ =	swait.ge [sflag:s19], $0x800  }
0x95: {  	[sflag:s19] =	ssyncset.done $0x0  }
0x96: {  	[sflag:s19] =	ssyncadd.s32 $0xFFFFF800  }
0x97: {  	_ =	sfence.sel $0x180000  }
0x98: {  	[bflag:$0x0] =	sbarrier.arrive $0xFFFF  }
0x99: {  	_ =	strace $0x90000053  }
0x9a: {  	s0 =	stileid.u32;
	[bflag:$0x2] =	sbarrier.arrive $0xFFFF  }
0x9b: {  	p0 =	sne.s32 s0, $0x0;
	s0 =	rddreg [dreg:$0x2]  }
0x9c: {  	s0 =	sadd.s32 @!p0 $0x100000, s0  }
0x9d: {  	[sflag:s0] =	ssyncadd.tile.s32 @!p0 $0x1;
	_ =	shalt  }
.Lfunc_end2:
_tile_overlayer_lowered:
.L_overlay_start_2:
0x9e: {  	(tag) =	ssettag $0x2  }
0x9f: {  	s0 =	rddreg [dreg:$0x0];
	s2 =	stileid.u32  }
0xa0: {  	s1 =	rddreg [dreg:$0x1];
	p0 =	sne.s32 s2, $0x0  }
0xa1: {  	s3 =	rddreg [dreg:$0x2];
	[bflag:$0x3] =	sbarrier.arrive $0xFFFF;
	s2 =	simm.s32 @!p0 $0x1C02  }
0xa2: {  	[timem:s3], [sflag:s2] =	dma.local @!p0 [hbm:s0], s1  }
0xa3: {  	s0 =	simm.s32 @!p0 $0x2  }
0xa4: {  	_ =	swait.ge @!p0 [sflag:s0], s1  }
0xa5: {  	s1 =	ssub.s32 @!p0 $0x0, s1;
	[sflag:s0] =	ssyncset.done @!p0 $0x0  }
0xa6: {  	[sflag:s0] =	ssyncadd.s32 @!p0 s1  }
0xa7: {  	[bflag:$0x3] =	sbarrier.arrive $0xFFFF  }
0xa8: {  	_ =	shalt  }

// kernel: closed_call.39.cloned.1.call-start
scs
__scs_entry_jumppad:
0x0: {  	(pc) =	sbr.rel $0x88, $3  }
0x1: {  	(tag) =	ssettag $0x0;
	lr =	simm.s32 $0x1  }
0x2: {  	[smem:$0x3F86] =	sst lr;
	_ =	strace $0xD0000000  }
0x3: {  	_ = 	snop  }
0x4: {  	_ = 	snop  }
0x5: {  	_ = 	snop  }
0x6: {  	_ = 	snop  }
0x7: {  	_ = 	snop  }
__scs_overlays_trampoline_lowered:
0x8: {  	[smem:$0x3F95] =	sst s0  }
0x9: {  	[smem:$0x3F96] =	sst s1  }
0xa: {  	[smem:$0x3F97] =	sst s2  }
0xb: {  	[smem:$0x3F98] =	sst s3  }
0xc: {  	[smem:$0x3F99] =	sst s4  }
0xd: {  	[smem:$0x3F9A] =	sst s5  }
0xe: {  	[smem:$0x3F9B] =	sst s6  }
0xf: {  	[smem:$0x3F9C] =	sst s7  }
0x10: {  	[smem:$0x3F9D] =	sst s8  }
0x11: {  	[smem:$0x3F9E] =	sst s9;
	s0 =	simm.s32 @!p0 $0x0  }
0x12: {  	s1 =	sld [smem:$0x3F84];
	s0 =	simm.s32 @p0 $0x1  }
0x13: {  	[smem:$0x3F9F] =	sst s0;
	s0 =	simm.s32 @!p1 $0x0  }
0x14: {  	s2 =	sld [smem:$0x3F83];
	s0 =	simm.s32 @p1 $0x1  }
0x15: {  	[smem:$0x3FA0] =	sst s0;
	s0 =	simm.s32 @!p2 $0x0  }
0x16: {  	s3 =	sld [smem:$0x3FDB];
	s0 =	simm.s32 @p2 $0x1  }
0x17: {  	s4 =	simm.s32 $0x1BF5;
	[smem:$0x3FA2] =	sst s0  }
0x18: {  	s0 =	sld [smem:$0x3F85];
	_ =	swait.ge [sflag:s4], $0x0  }
0x19: {  	s7 =	sld [smem:$0x3F86]  }
0x1a: {  	s8 =	sadd.s32 $0xFFFFE003, lr  }
0x1b: {  	s9 =	sadd.s32 $0xFFFFFEF7, lr;
	s5 =	simm.s32 $0xFFFFFFFF;
	p2 =	slt.u32 s8, $0xFFFFF086  }
0x1c: {  	p1 =	slt.u32 s9, $0xF7A;
	s5 =	simm.s32 @!p2 $0x0  }
0x1d: {  	s5 =	simm.s32 @p1 $0x1;
	p0 =	seq.s32 s7, s2  }
0x1e: {  	s7 =	smul.u32 @!p0 $0xF7A, s2;
	p2 =	seq.s32 @!p0 s5, $0x0  }
0x1f: {  	s9 =	smul.u32 $0xF7A, s1;
	s8 =	simm.s32 @!p0 $0x1BF5;
	p2 =	por !p2, p0  }
0x20: {  	[sflag:s8] =	ssyncset.s32 @!p0 $0xFFFFF086;
	s6 =	sadd.s32 @!p0 s3, s7;
	s7 =	simm.s32 @!p0 $0x108  }
0x21: {  	s3 =	sadd.s32 s3, s9;
	s6 =	sadd.s32 @!p0 $0x88, s6;
	s7 =	simm.s32 @p2 $0x1082  }
0x22: {  	[simem:s7], [sflag:s8] =	dma.local @!p0 [hbm:s6], $0xF7A  }
0x23: {  	s9 =	sor.u32 $0xD0000000, s2;
	s6 =	simm.s32 $0x108;
	_ =	swait.ge @!p0 [sflag:s8], $0x0  }
0x24: {  	s3 =	sadd.s32 $0x88, s3;
	s6 =	simm.s32 @!p1 $0x1082;
	[sflag:s4] =	ssyncset.s32 $0xFFFFF086  }
0x25: {  	[simem:s6], [sflag:s4] =	dma.local [hbm:s3], $0xF7A  }
0x26: {  	[smem:$0x3F86] =	sst s1;
	(tag) =	ssettag s2;
	_ =	strace s9  }
0x27: {  	s1 =	sld [smem:$0x3F96]  }
0x28: {  	s2 =	sld [smem:$0x3F97]  }
0x29: {  	s4 =	sld [smem:$0x3F99]  }
0x2a: {  	p0 =	seq.s32 s5, $0x0;
	s5 =	sld [smem:$0x3F9A]  }
0x2b: {  	s6 =	sld [smem:$0x3F9B]  }
0x2c: {  	s7 =	sld [smem:$0x3F9C]  }
0x2d: {  	s3 =	simm.s32 $0x108;
	s8 =	sld [smem:$0x3F9D]  }
0x2e: {  	s3 =	simm.s32 @!p0 $0x1082;
	s9 =	sld [smem:$0x3F9E]  }
0x2f: {  	lr =	sadd.s32 s0, s3;
	s0 =	sld [smem:$0x3F95]  }
0x30: {  	s3 =	sld [smem:$0x3F98]  }
0x31: {  	[smem:$0x3FA1] =	sst s10  }
0x32: {  	s10 =	sld [smem:$0x3F9F];
	_ =	sdelay $0x3  }
0x33: {  	p0 =	seq.s32 s10, $0x1;
	s10 =	sld [smem:$0x3FA1];
	_ =	sdelay $0x3  }
0x34: {  	[smem:$0x3FA1] =	sst s10  }
0x35: {  	s10 =	sld [smem:$0x3FA0];
	_ =	sdelay $0x3  }
0x36: {  	p1 =	seq.s32 s10, $0x1;
	s10 =	sld [smem:$0x3FA1];
	_ =	sdelay $0x3  }
0x37: {  	[smem:$0x3FA1] =	sst s10  }
0x38: {  	s10 =	sld [smem:$0x3FA2]  }
0x39: {  	_ = 	snop;
	(pc) =	sbr.ind lr, $3  }
0x3a: {  	_ = 	snop  }
0x3b: {  	_ = 	snop  }
0x3c: {  	p2 =	seq.s32 s10, $0x1;
	s10 =	sld [smem:$0x3FA1]  }
0x3d: {  	_ =	shalt  }
0x3e: {  	_ =	shalt  }
0x3f: {  	_ =	shalt  }
0x40: {  	_ =	shalt  }
0x41: {  	_ =	shalt  }
0x42: {  	_ =	shalt  }
0x43: {  	_ =	shalt  }
0x44: {  	_ =	shalt  }
0x45: {  	_ =	shalt  }
0x46: {  	_ =	shalt  }
0x47: {  	_ =	shalt  }
0x48: {  	_ =	shalt  }
0x49: {  	_ =	shalt  }
0x4a: {  	_ =	shalt  }
0x4b: {  	_ =	shalt  }
0x4c: {  	_ =	shalt  }
0x4d: {  	_ =	shalt  }
0x4e: {  	_ =	shalt  }
0x4f: {  	_ =	shalt  }
0x50: {  	_ =	shalt  }
0x51: {  	_ =	shalt  }
0x52: {  	_ =	shalt  }
0x53: {  	_ =	shalt  }
0x54: {  	_ =	shalt  }
0x55: {  	_ =	shalt  }
0x56: {  	_ =	shalt  }
0x57: {  	_ =	shalt  }
0x58: {  	_ =	shalt  }
0x59: {  	_ =	shalt  }
0x5a: {  	_ =	shalt  }
0x5b: {  	_ =	shalt  }
0x5c: {  	_ =	shalt  }
0x5d: {  	_ =	shalt  }
0x5e: {  	_ =	shalt  }
0x5f: {  	_ =	shalt  }
0x60: {  	_ =	shalt  }
0x61: {  	_ =	shalt  }
0x62: {  	_ =	shalt  }
0x63: {  	_ =	shalt  }
0x64: {  	_ =	shalt  }
0x65: {  	_ =	shalt  }
0x66: {  	_ =	shalt  }
0x67: {  	_ =	shalt  }
0x68: {  	_ =	shalt  }
0x69: {  	_ =	shalt  }
0x6a: {  	_ =	shalt  }
0x6b: {  	_ =	shalt  }
0x6c: {  	_ =	shalt  }
0x6d: {  	_ =	shalt  }
0x6e: {  	_ =	shalt  }
0x6f: {  	_ =	shalt  }
0x70: {  	_ =	shalt  }
0x71: {  	_ =	shalt  }
0x72: {  	_ =	shalt  }
0x73: {  	_ =	shalt  }
0x74: {  	_ =	shalt  }
0x75: {  	_ =	shalt  }
0x76: {  	_ =	shalt  }
0x77: {  	_ =	shalt  }
0x78: {  	_ =	shalt  }
0x79: {  	_ =	shalt  }
0x7a: {  	_ =	shalt  }
0x7b: {  	_ =	shalt  }
0x7c: {  	_ =	shalt  }
0x7d: {  	_ =	shalt  }
0x7e: {  	_ =	shalt  }
0x7f: {  	_ =	shalt  }
0x80: {  	_ =	shalt  }
0x81: {  	_ =	shalt  }
0x82: {  	_ =	shalt  }
0x83: {  	_ =	shalt  }
0x84: {  	_ =	shalt  }
0x85: {  	_ =	shalt  }
0x86: {  	_ =	shalt  }
0x87: {  	_ =	shalt  }
.Lfunc_end0:
.L_simem_size_0:
called_computation.3_lowered:
.L_overlay_start_0:
0x88: {  	s2 =	sld [smem:$0x3FD9]  }
0x89: {  	s3 =	sld [smem:$0x3FFE];
	_ =	sdelay $0x1  }
0x8a: {  	s1 =	srdreg.scid  }
0x8b: {  	s0 =	sand.u32 $0x1, s1  }
0x8c: {  	s16 =	sshll.u32 s0, $0xA;
	s2 =	sadd.s32 s3, s2  }
0x8d: {  	s2 =	sadd.s32 s2, s16  }
0x8e: {  	[smem:$0x3FAD] =	sst s2  }
0x8f: {  	_ = 	snop  }
0x90: {  	(tm) =	ssettm $0x1  }
0x91: {  	s17 =	sld [smem:$0x3FFB];
	_ =	sdelay $0x3  }
0x92: {  	_ =	strace s17  }
0x93: {  	s2 =	sld [smem:$0x3FFC];
	_ =	sdelay $0x3  }
0x94: {  	_ =	strace s2  }
0x95: {  	s2 =	sld [smem:$0x3FFD];
	_ =	sdelay $0x3  }
0x96: {  	_ =	strace s2  }
0x97: {  	_ =	strace $0x8FFFFFFF  }
0x98: {  	s18 =	sld [smem:$0x3FDB];
	_ =	sdelay $0x1  }
0x99: {  	s19 =	simm.s32 $_scs_section_size  }
0x9a: {  	s4 =	simm.s32 $_size__tile_overlayer_lowered;
	s5 =	simm.s32 $_tile_overlayer_lowered  }
0x9b: {  	s22 =	simm.s32 $0x1BFF;
	s21 =	sshll.u32 s5, $0x1;
	s2 =	sadd.s32 s19, s18  }
0x9c: {  	s6 =	simm.s32 $0x0;
	s20 =	sshll.u32 s4, $0x1;
	s4 =	sadd.s32 s21, s2  }
0x9d: {  	[timem:s6], [sflag:s22] =	dma.local [hbm:s4], s20  }
0x9e: {  	_ =	swait.ge [sflag:s22], s20  }
0x9f: {  	s3 =	ssub.s32 $0x0, s20;
	[sflag:s22] =	ssyncset.done $0x0  }
0xa0: {  	[sflag:s22] =	ssyncadd.s32 s3;
	_ =	sdelay $0x1  }
0xa1: {  	s23 =	simm.s32 $0x1B8B  }
0xa2: {  	_ =	swait.ge [sflag:s23], $0x1  }
0xa3: {  	[sflag:s23] =	ssyncset.done $0x0  }
0xa4: {  	s25 =	simm.s32 $0x1B8E;
	s24 =	sld [smem:$0x3FFE];
	[sflag:s23] =	ssyncadd.s32 $0xFFFFFFFF  }
0xa5: {  	s26 =	simm.s32 $execute0_lowered;
	[smem:$0x3FD2] =	sst s25  }
0xa6: {  	s4 =	sshll.u32 s26, $0x1;
	_ =	strace $0x80000055;
	[dreg:$0x1] =	wrdreg $0xFFFFFFFF  }
0xa7: {  	s28 =	simm.s32 $_size_execute0_lowered;
	s2 =	sadd.s32 s2, s4;
	[dreg:$0x0] =	wrdreg $0x0  }
0xa8: {  	s4 =	sshll.u32 s28, $0x1;
	[dreg:$0x2] =	wrdreg s2  }
0xa9: {  	[dreg:$0x3] =	wrdreg s4  }
0xaa: {  	[dreg:$0x4] =	wrdreg $0xC0  }
0xab: {  	_ =	task [dreg:s6], $0x5FFFF  }
0xac: {  	[dreg:$0x1] =	wrdreg $0xFFFFFFFF  }
0xad: {  	[dreg:$0x0] =	wrdreg $0x60  }
0xae: {  	[dreg:$0x2] =	wrdreg s24  }
0xaf: {  	[dreg:$0x3] =	wrdreg $0xB8000  }
0xb0: {  	[dreg:$0x4] =	wrdreg $0x9  }
0xb1: {  	_ =	task.clear_ibuf [dreg:s6], $0x5FFFF;
	_ =	strace $0x90000055  }
0xb2: {  	s29 =	simm.s32 $0x9;
	_ =	strace $0x80000057  }
0xb3: {  	_ =	swait.ge [sflag:s29], $0x1  }
0xb4: {  	[sflag:s29] =	ssyncadd.s32 $0xFFFFFFFF  }
0xb5: {  	_ =	strace $0x90000057  }
0xb6: {  	_ =	sfence  }
0xb7: {  	s30 =	sld [smem:$0x0];
	_ =	sdelay $0x2  }
0xb8: {  	s31 =	sshll.u32 s1, $0xD;
	s1 =	sshrl.u32 s1, $0x2  }
0xb9: {  	s3 =	sand.u32 $0x4000, s31;
	s1 =	sadd.s32 s1, s30  }
0xba: {  	s0 =	sor.u32 s3, s0;
	s1 =	sshll.u32 s1, $0x11  }
0xbb: {  	s0 =	sor.u32 s1, s0  }
0xbc: {  	s0 =	sadd.s32 $0x8F2B, s0  }
0xbd: {  	[sflag:s0] =	ssyncadd.remote.s32 $0x1  }
0xbe: {  	_ =	sfence.sel $0xFFFF  }
0xbf: {  	[dreg:$0x0] =	wrdreg $0xFFFFFFFF;
	(pc) =	sbr.abs _section_cstart, $3  }
0xc0: {  	[dreg:$0x1] =	wrdreg $0xFFFFFFFF  }
0xc1: {  	_ =	task.clear_ibuf [dreg:s6], $0x2FFFF;
	_ =	strace $0x9FFFFFFF  }
0xc2: {  	(tm) =	ssettm $0x7FFFFFFF  }
0xc3: {  	_ =	shalt  }
tec
execute0_lowered:
.L_overlay_start_1:
0x0: {  	(tag) =	ssettag $0x1  }
0x1: {  	s0 =	srdreg.scid  }
0x2: {  	s1 =	rddreg [dreg:$0x0];
	s28 =	stileid.u32  }
0x3: {  	s2 =	rddreg [dreg:$0x1];
	s3 =	simm.s32 $0x0;
	s21 =	simm.s32 $0x5000  }
0x4: {  	s22 =	simm.s32 $0x7800;
	s23 =	simm.s32 $0x80;
	s5 =	smul.u32 $0x2800, s28  }
0x5: {  	s24 =	simm.s32 $0x1;
	s25 =	simm.s32 $0x0;
	s8 =	smul.u32 $0x50000, s28  }
0x6: {  	s9 =	sand.u32 $0x1, s0;
	[smem:$0x7FF] =	sst s3;
	s12 =	smul.u32 $0x14000, s28  }
0x7: {  	s4 =	smul.u32 $0x28000, s9;
	_ =	strace $0x80000056;
	s29 =	ssub.s32 $0x2, s9  }
0x8: {  	s15 =	smul.u32 $0x140000, s9;
	s6 =	sshrl.u32 s29, $0x1;
	s8 =	sshrl.u32 s8, $0x2  }
0x9: {  	s13 =	sadd.s32 $0x4000, s12;
	s16 =	sadd.s32 $0x8000, s12;
	s17 =	sadd.s32 $0xC000, s12  }
0xa: {  	s19 =	sadd.s32 $0x10000, s12;
	s4 =	sadd.s32 s5, s4;
	s18 =	ssub.s32 s29, s6  }
0xb: {  	s8 =	sadd.s32 s8, s2;
	s9 =	sadd.s32 s13, s2;
	s10 =	sadd.s32 s16, s2  }
0xc: {  	s11 =	sadd.s32 s17, s2;
	s14 =	sadd.s32 s12, s15;
	s20 =	sadd.s32 s15, s13  }
0xd: {  	s12 =	sadd.s32 s19, s2;
	s16 =	sadd.s32 s15, s16;
	s17 =	sadd.s32 s15, s17  }
0xe: {  	s19 =	sadd.s32 s15, s19;
	s5 =	sshrl.u32 s4, $0x3;
	s4 =	sadd.s32 $0x4F600, s1  }
0xf: {  	s14 =	sshrl.u32 s14, $0x3;
	s30 =	sshrl.u32 s20, $0x3;
	s16 =	sshrl.u32 s16, $0x3  }
0x10: {  	s17 =	sshrl.u32 s17, $0x3;
	s31 =	sshrl.u32 s19, $0x3;
	s18 =	smax.u32 s18, $0x1  }
0x11: {  	s19 =	simm.s32 $0x2;
	s20 =	simm.s32 $0x2800;
	s7 =	sadd.s32 s5, s1  }
0x12: {  	s1 =	sadd.s32 $0x76800, s1;
	s5 =	sadd.s32 $0x45600, s7;
	s6 =	sadd.s32 $0x3B600, s7  }
0x13: {  	s7 =	sadd.s32 $0xA200, s7;
	s13 =	sadd.s32 s1, s14;
	s14 =	sadd.s32 s1, s30  }
0x14: {  	v0 =	vimm.f32 $0.0e+00;
	s15 =	sadd.s32 s1, s16;
	s16 =	sadd.s32 s1, s17;
	s17 =	sadd.s32 s1, s31  }
.LBB2_1:
0x15: {  	[tilespmem:s3], [sflag:$0x2] =	stream.linear.gather [hbm4b:s5+s3], $0x2780, $0x38;
	[tilespmem:$0x1F800] =	vst v63  }
0x16: {  	_ =	swait.ge [sflag:s19], $0x2780  }
0x17: {  	[sflag:s19] =	ssyncset.done $0x0  }
0x18: {  	[sflag:s19] =	ssyncadd.s32 $0xFFFFD880  }
0x19: {  	[tilespmem:s20], [sflag:$0x2] =	stream.linear.gather [hbm4b:s6+s3], $0x2780, $0x38;
	[tilespmem:$0x1F800] =	vst v63  }
0x1a: {  	_ =	swait.ge [sflag:s19], $0x2780  }
0x1b: {  	[sflag:s19] =	ssyncset.done $0x0  }
0x1c: {  	[sflag:s19] =	ssyncadd.s32 $0xFFFFD880  }
0x1d: {  	[tilespmem:s21], [sflag:$0x2] =	stream.linear.gather [hbm4b:s7+s3], $0x2780, $0x38;
	[tilespmem:$0x1F800] =	vst v63  }
0x1e: {  	_ =	swait.ge [sflag:s19], $0x2780  }
0x1f: {  	[sflag:s19] =	ssyncset.done $0x0  }
0x20: {  	s1 =	simm.s32 $0x0;
	s26 =	simm.s32 $0x200;
	[sflag:s19] =	ssyncadd.s32 $0xFFFFD880  }
.LBB2_2:
0x21: {  	p0 =	sne.s32 s26, $0xFE00;
	[tilespmem:s1+$0x7870] =	vst v0  }
0x22: {  	[tilespmem:s1+$0x7800] =	vst v0  }
0x23: {  	[tilespmem:s1+$0x7810] =	vst v0  }
.Ltmp0:
0x24: {  	[tilespmem:s1+$0x7820] =	vst v0;
	(pc) =	sbr.rel @p0 .LBB2_2-.Ltmp0, $4  }
0x25: {  	[tilespmem:s1+$0x7830] =	vst v0  }
0x26: {  	[tilespmem:s1+$0x7840] =	vst v0  }
0x27: {  	[tilespmem:s1+$0x7850] =	vst v0  }
0x28: {  	[tilespmem:s1+$0x7860] =	vst v0;
	s1 =	sshra.s32 s26, $0x2;
	s26 =	sadd.s32 $0x200, s26  }
0x29: {  	[tilespmem:s1+$0x7870] =	vst v0  }
0x2a: {  	[tilespmem:s1+$0x7800] =	vst v0  }
0x2b: {  	[tilespmem:s1+$0x7810] =	vst v0  }
0x2c: {  	[tilespmem:s1+$0x7820] =	vst v0  }
0x2d: {  	[tilespmem:s1+$0x7830] =	vst v0  }
0x2e: {  	[tilespmem:s1+$0x7840] =	vst v0  }
0x2f: {  	[tilespmem:s1+$0x7850] =	vst v0  }
0x30: {  	[tilespmem:s1+$0x7860] =	vst v0  }
0x31: {  	[spmem:s8] =	stream.linear.scatter [tilespmem:s22], [sflag:$0x2], $0x4000, $0x38;
	[tilespmem:$0x1F800] =	vst v63  }
0x32: {  	_ =	swait.ge [sflag:s19], $0x4000  }
0x33: {  	[sflag:s19] =	ssyncset.done $0x0  }
0x34: {  	[sflag:s19] =	ssyncadd.s32 $0xFFFFC000  }
0x35: {  	[spmem:s9] =	stream.linear.scatter [tilespmem:s22], [sflag:$0x2], $0x4000, $0x38;
	[tilespmem:$0x1F800] =	vst v63  }
0x36: {  	_ =	swait.ge [sflag:s19], $0x4000  }
0x37: {  	[sflag:s19] =	ssyncset.done $0x0  }
0x38: {  	[sflag:s19] =	ssyncadd.s32 $0xFFFFC000  }
0x39: {  	[spmem:s10] =	stream.linear.scatter [tilespmem:s22], [sflag:$0x2], $0x4000, $0x38;
	[tilespmem:$0x1F800] =	vst v63  }
0x3a: {  	_ =	swait.ge [sflag:s19], $0x4000  }
0x3b: {  	[sflag:s19] =	ssyncset.done $0x0  }
0x3c: {  	[sflag:s19] =	ssyncadd.s32 $0xFFFFC000  }
0x3d: {  	[spmem:s11] =	stream.linear.scatter [tilespmem:s22], [sflag:$0x2], $0x4000, $0x38;
	[tilespmem:$0x1F800] =	vst v63  }
0x3e: {  	_ =	swait.ge [sflag:s19], $0x4000  }
0x3f: {  	[sflag:s19] =	ssyncset.done $0x0  }
0x40: {  	[sflag:s19] =	ssyncadd.s32 $0xFFFFC000  }
0x41: {  	[spmem:s12] =	stream.linear.scatter [tilespmem:s22], [sflag:$0x2], $0x4000, $0x38;
	[tilespmem:$0x1F800] =	vst v63  }
0x42: {  	_ =	swait.ge [sflag:s19], $0x4000  }
0x43: {  	[sflag:s19] =	ssyncset.done $0x0  }
0x44: {  	[sflag:s19] =	ssyncadd.s32 $0xFFFFC000  }
0x45: {  	s26 =	simm.s32 $0x0;
	s28 =	simm.s32 $0x0;
	[bflag:$0x0] =	sbarrier.arrive $0xFFFF  }
.LBB2_4:
0x46: {  	s29 =	sshll.u32 s28, $0x7;
	v2 =	vmov s26  }
0x47: {  	v1 =	vmov s29;
	v2 =	vand.u32 $0x7F, v2  }
0x48: {  	[tilespmem:s22], [sflag:$0x1] =	stream.indirect.gather [hbm4b:s4+s23], $0x80, s29, s23, $0xb8;
	v2 =	vadd.s32 v1, v2;
	[tilespmem:$0x1F800] =	vst v63  }
0x49: {  	_ =	swait.ge [sflag:s24], $0x4000;
	v2 =	vbroadcast v2, $0x0  }
0x4a: {  	[sflag:s24] =	ssyncset.done $0x0  }
0x4b: {  	s30 =	simm.s32 $0x7840;
	[sflag:s24] =	ssyncadd.s32 $0xFFFFC000  }
0x4c: {  	v6 =	vld [tilespmem:s30+$0x30]  }
0x4d: {  	v9 =	vld [tilespmem:s30+$0x10]  }
0x4e: {  	v7 =	vld [tilespmem:s30+$0xFFFFFFC0]  }
0x4f: {  	v3 =	vld.idx.msk [tilespmem:v2+s21+$0x0], $0xffff  }
0x50: {  	v12 =	vld [tilespmem:s30+$0xFFFFFFE0]  }
0x51: {  	v4 =	vld [tilespmem:s30+$0x20]  }
0x52: {  	v5 =	vld [tilespmem:s30+$0xFFFFFFD0]  }
0x53: {  	v2 =	vld [tilespmem:s30+$0xFFFFFFF0]  }
0x54: {  	v10 =	vmul.f32 v6, v3;
	v6 =	vld [tilespmem:s30+$0x0]  }
0x55: {  	s31 =	simm.s32 $0x1;
	v8 =	vmul.f32 v7, v3  }
0x56: {  	s1 =	simm.s32 $0x2;
	v11 =	vmov s31;
	s31 =	simm.s32 $0x7840;
	v7 =	vmul.f32 v12, v3;
	v9 =	vmul.f32 v9, v3  }
.LBB2_5:
0x57: {  	p0 =	sne.s32 s1, $0x7F  }
0x58: {  	v11 =	vand.u32 $0x7F, v11;
	v5 =	vmul.f32 v5, v3;
	v4 =	vmul.f32 v4, v3;
	[tilespmem:s30+$0x30] =	vst v10;
	s31 =	sadd.s32 $0x80, s31;
	s0 =	smov.u32 s1;
	s1 =	sadd.s32 $0x1, s1  }
0x59: {  	v10 =	vadd.s32 v1, v11;
	[tilespmem:s30+$0xFFFFFFC0] =	vst v8;
	v8 =	vmul.f32 v2, v3;
	v3 =	vmul.f32 v6, v3  }
0x5a: {  	v6 =	vbroadcast v10, $0x0;
	[tilespmem:s30+$0x10] =	vst v9  }
0x5b: {  	[tilespmem:s30+$0xFFFFFFE0] =	vst v7  }
0x5c: {  	v2 =	vld [tilespmem:s31+$0xFFFFFFF0];
	[tilespmem:s30+$0xFFFFFFF0] =	vst v8  }
0x5d: {  	v7 =	vld [tilespmem:s31+$0x30];
	[tilespmem:s30+$0x0] =	vst v3  }
0x5e: {  	v9 =	vld [tilespmem:s31+$0x10];
	[tilespmem:s30+$0x20] =	vst v4  }
0x5f: {  	v8 =	vld [tilespmem:s31+$0xFFFFFFC0];
	[tilespmem:s30+$0xFFFFFFD0] =	vst v5;
	s30 =	smov.u32 s31  }
0x60: {  	v3 =	vld.idx.msk [tilespmem:v6+s21+$0x0], $0xffff  }
0x61: {  	v12 =	vld [tilespmem:s31+$0xFFFFFFE0]  }
0x62: {  	v4 =	vld [tilespmem:s31+$0x20]  }
.Ltmp1:
0x63: {  	v5 =	vld [tilespmem:s31+$0xFFFFFFD0];
	(pc) =	sbr.rel @p0 .LBB2_5-.Ltmp1, $3  }
0x64: {  	v6 =	vld [tilespmem:s31+$0x0];
	_ =	sdelay $0x1  }
0x65: {  	v8 =	vmul.f32 v8, v3;
	v10 =	vmul.f32 v7, v3  }
0x66: {  	v11 =	vmov s0;
	v9 =	vmul.f32 v9, v3;
	v7 =	vmul.f32 v12, v3  }
0x67: {  	[tilespmem:s30+$0x30] =	vst v10;
	v58 =	vand.u32 $0x7F, v11  }
0x68: {  	[tilespmem:s30+$0xFFFFFFC0] =	vst v8;
	v1 =	vadd.s32 v1, v58  }
0x69: {  	v2 =	vmul.f32 v2, v3;
	[tilespmem:s30+$0x10] =	vst v9;
	v1 =	vbroadcast v1, $0x0  }
0x6a: {  	s0 =	sadd.s32 $0x80, s31;
	[tilespmem:s30+$0xFFFFFFE0] =	vst v7;
	v6 =	vmul.f32 v6, v3  }
0x6b: {  	v4 =	vmul.f32 v4, v3;
	v3 =	vmul.f32 v5, v3;
	v7 =	vld [tilespmem:s0+$0xFFFFFFF0];
	[tilespmem:s30+$0xFFFFFFF0] =	vst v2  }
0x6c: {  	v2 =	vld [tilespmem:s0+$0x30];
	[tilespmem:s30+$0x0] =	vst v6  }
0x6d: {  	v60 =	vld [tilespmem:s0+$0xFFFFFFC0];
	[tilespmem:s30+$0xFFFFFFD0] =	vst v3  }
0x6e: {  	v59 =	vld [tilespmem:s0+$0x10];
	[tilespmem:s30+$0x20] =	vst v4  }
0x6f: {  	v1 =	vld.idx.msk [tilespmem:v1+s21+$0x0], $0xffff;
	_ =	sdelay $0x2  }
0x70: {  	v6 =	vld [tilespmem:s0+$0x0]  }
0x71: {  	v3 =	vld [tilespmem:s0+$0xFFFFFFE0]  }
0x72: {  	v2 =	vmul.f32 v2, v1  }
0x73: {  	v61 =	vld [tilespmem:s0+$0x20];
	v4 =	vmul.f32 v60, v1  }
0x74: {  	v62 =	vld [tilespmem:s0+$0xFFFFFFD0];
	v5 =	vmul.f32 v59, v1;
	[tilespmem:s0+$0x30] =	vst v2  }
0x75: {  	v63 =	vmul.f32 v6, v1;
	[tilespmem:s0+$0xFFFFFFC0] =	vst v4  }
0x76: {  	v2 =	vmul.f32 v3, v1;
	[tilespmem:s0+$0x10] =	vst v5  }
0x77: {  	v3 =	vmul.f32 v7, v1;
	[tilespmem:s0+$0x0] =	vst v63  }
0x78: {  	[tilespmem:s0+$0xFFFFFFE0] =	vst v2;
	v2 =	vmul.f32 v61, v1  }
0x79: {  	s28 =	sadd.s32 $0x1, s28;
	[tilespmem:s0+$0xFFFFFFF0] =	vst v3;
	v1 =	vmul.f32 v62, v1  }
0x7a: {  	p0 =	sne.s32 s28, $0x4F;
	[tilespmem:s0+$0x20] =	vst v2  }
.Ltmp2:
0x7b: {  	s31 =	sadd.s32 $0x2800, s29;
	[tilespmem:s0+$0xFFFFFFD0] =	vst v1;
	(pc) =	sbr.rel @p0 .LBB2_4-.Ltmp2, $4  }
0x7c: {  	[spmem:s2] =	stream.indirect.scatter.add.f32 [tilespmem:s22], [sflag:$0x2], $0x80, s31, s23, $0xb8;
	[tilespmem:$0x1F800] =	vst v63  }
0x7d: {  	_ =	swait.ge [sflag:s19], $0x4000  }
0x7e: {  	[sflag:s19] =	ssyncset.done $0x0  }
0x7f: {  	[sflag:s19] =	ssyncadd.s32 $0xFFFFC000  }
0x80: {  	s0 =	stileid.u32  }
0x81: {  	s0 =	sshll.u32 s0, $0x6  }
0x82: {  	[bflag:$0x0] =	sbarrier.arrive $0xFFFF;
	s1 =	sshrl.u32 s8, $0x3;
	s0 =	sor.u32 $0x1C02, s0  }
0x83: {  	[hbm:s13], [sflag:s0] =	dma.local [spmem:s1], $0x800  }
0x84: {  	_ =	swait.ge [sflag:s19], $0x800  }
0x85: {  	[sflag:s19] =	ssyncset.done $0x0  }
0x86: {  	s28 =	sshrl.u32 s9, $0x3;
	[sflag:s19] =	ssyncadd.s32 $0xFFFFF800  }
0x87: {  	[hbm:s14], [sflag:s0] =	dma.local [spmem:s28], $0x800  }
0x88: {  	_ =	swait.ge [sflag:s19], $0x800  }
0x89: {  	[sflag:s19] =	ssyncset.done $0x0  }
0x8a: {  	s29 =	sshrl.u32 s10, $0x3;
	[sflag:s19] =	ssyncadd.s32 $0xFFFFF800  }
0x8b: {  	[hbm:s15], [sflag:s0] =	dma.local [spmem:s29], $0x800  }
0x8c: {  	_ =	swait.ge [sflag:s19], $0x800  }
0x8d: {  	[sflag:s19] =	ssyncset.done $0x0  }
0x8e: {  	s30 =	sshrl.u32 s11, $0x3;
	[sflag:s19] =	ssyncadd.s32 $0xFFFFF800  }
0x8f: {  	[hbm:s16], [sflag:s0] =	dma.local [spmem:s30], $0x800  }
0x90: {  	s25 =	sadd.s32 $0x1, s25;
	_ =	swait.ge [sflag:s19], $0x800  }
0x91: {  	p0 =	sne.s32 s25, s18;
	[sflag:s19] =	ssyncset.done $0x0  }
.Ltmp3:
0x92: {  	s31 =	sshrl.u32 s12, $0x3;
	[sflag:s19] =	ssyncadd.s32 $0xFFFFF800;
	(pc) =	sbr.rel @p0 .LBB2_1-.Ltmp3, $4  }
0x93: {  	[hbm:s17], [sflag:s0] =	dma.local [spmem:s31], $0x800  }
0x94: {  	_ =	swait.ge [sflag:s19], $0x800  }
0x95: {  	[sflag:s19] =	ssyncset.done $0x0  }
0x96: {  	[sflag:s19] =	ssyncadd.s32 $0xFFFFF800  }
0x97: {  	_ =	sfence.sel $0x180000  }
0x98: {  	[bflag:$0x0] =	sbarrier.arrive $0xFFFF  }
0x99: {  	_ =	strace $0x90000056  }
0x9a: {  	s0 =	stileid.u32;
	[bflag:$0x2] =	sbarrier.arrive $0xFFFF  }
0x9b: {  	p0 =	sne.s32 s0, $0x0;
	s0 =	rddreg [dreg:$0x2]  }
0x9c: {  	s0 =	sadd.s32 @!p0 $0x100000, s0  }
0x9d: {  	[sflag:s0] =	ssyncadd.tile.s32 @!p0 $0x1;
	_ =	shalt  }
.Lfunc_end2:
_tile_overlayer_lowered:
.L_overlay_start_2:
0x9e: {  	(tag) =	ssettag $0x2  }
0x9f: {  	s0 =	rddreg [dreg:$0x0];
	s2 =	stileid.u32  }
0xa0: {  	s1 =	rddreg [dreg:$0x1];
	p0 =	sne.s32 s2, $0x0  }
0xa1: {  	s3 =	rddreg [dreg:$0x2];
	[bflag:$0x3] =	sbarrier.arrive $0xFFFF;
	s2 =	simm.s32 @!p0 $0x1C02  }
0xa2: {  	[timem:s3], [sflag:s2] =	dma.local @!p0 [hbm:s0], s1  }
0xa3: {  	s0 =	simm.s32 @!p0 $0x2  }
0xa4: {  	_ =	swait.ge @!p0 [sflag:s0], s1  }
0xa5: {  	s1 =	ssub.s32 @!p0 $0x0, s1;
	[sflag:s0] =	ssyncset.done @!p0 $0x0  }
0xa6: {  	[sflag:s0] =	ssyncadd.s32 @!p0 s1  }
0xa7: {  	[bflag:$0x3] =	sbarrier.arrive $0xFFFF  }
0xa8: {  	_ =	shalt  }

// kernel: closed_call.42.cloned.1.call-start
scs
__scs_entry_jumppad:
0x0: {  	(pc) =	sbr.rel $0x88, $3  }
0x1: {  	(tag) =	ssettag $0x0;
	lr =	simm.s32 $0x1  }
0x2: {  	[smem:$0x3F86] =	sst lr;
	_ =	strace $0xD0000000  }
0x3: {  	_ = 	snop  }
0x4: {  	_ = 	snop  }
0x5: {  	_ = 	snop  }
0x6: {  	_ = 	snop  }
0x7: {  	_ = 	snop  }
__scs_overlays_trampoline_lowered:
0x8: {  	[smem:$0x3F95] =	sst s0  }
0x9: {  	[smem:$0x3F96] =	sst s1  }
0xa: {  	[smem:$0x3F97] =	sst s2  }
0xb: {  	[smem:$0x3F98] =	sst s3  }
0xc: {  	[smem:$0x3F99] =	sst s4  }
0xd: {  	[smem:$0x3F9A] =	sst s5  }
0xe: {  	[smem:$0x3F9B] =	sst s6  }
0xf: {  	[smem:$0x3F9C] =	sst s7  }
0x10: {  	[smem:$0x3F9D] =	sst s8  }
0x11: {  	[smem:$0x3F9E] =	sst s9;
	s0 =	simm.s32 @!p0 $0x0  }
0x12: {  	s1 =	sld [smem:$0x3F84];
	s0 =	simm.s32 @p0 $0x1  }
0x13: {  	[smem:$0x3F9F] =	sst s0;
	s0 =	simm.s32 @!p1 $0x0  }
0x14: {  	s2 =	sld [smem:$0x3F83];
	s0 =	simm.s32 @p1 $0x1  }
0x15: {  	[smem:$0x3FA0] =	sst s0;
	s0 =	simm.s32 @!p2 $0x0  }
0x16: {  	s3 =	sld [smem:$0x3FDB];
	s0 =	simm.s32 @p2 $0x1  }
0x17: {  	s4 =	simm.s32 $0x1BF5;
	[smem:$0x3FA2] =	sst s0  }
0x18: {  	s0 =	sld [smem:$0x3F85];
	_ =	swait.ge [sflag:s4], $0x0  }
0x19: {  	s7 =	sld [smem:$0x3F86]  }
0x1a: {  	s8 =	sadd.s32 $0xFFFFE003, lr  }
0x1b: {  	s9 =	sadd.s32 $0xFFFFFEF7, lr;
	s5 =	simm.s32 $0xFFFFFFFF;
	p2 =	slt.u32 s8, $0xFFFFF086  }
0x1c: {  	p1 =	slt.u32 s9, $0xF7A;
	s5 =	simm.s32 @!p2 $0x0  }
0x1d: {  	s5 =	simm.s32 @p1 $0x1;
	p0 =	seq.s32 s7, s2  }
0x1e: {  	s7 =	smul.u32 @!p0 $0xF7A, s2;
	p2 =	seq.s32 @!p0 s5, $0x0  }
0x1f: {  	s9 =	smul.u32 $0xF7A, s1;
	s8 =	simm.s32 @!p0 $0x1BF5;
	p2 =	por !p2, p0  }
0x20: {  	[sflag:s8] =	ssyncset.s32 @!p0 $0xFFFFF086;
	s6 =	sadd.s32 @!p0 s3, s7;
	s7 =	simm.s32 @!p0 $0x108  }
0x21: {  	s3 =	sadd.s32 s3, s9;
	s6 =	sadd.s32 @!p0 $0x88, s6;
	s7 =	simm.s32 @p2 $0x1082  }
0x22: {  	[simem:s7], [sflag:s8] =	dma.local @!p0 [hbm:s6], $0xF7A  }
0x23: {  	s9 =	sor.u32 $0xD0000000, s2;
	s6 =	simm.s32 $0x108;
	_ =	swait.ge @!p0 [sflag:s8], $0x0  }
0x24: {  	s3 =	sadd.s32 $0x88, s3;
	s6 =	simm.s32 @!p1 $0x1082;
	[sflag:s4] =	ssyncset.s32 $0xFFFFF086  }
0x25: {  	[simem:s6], [sflag:s4] =	dma.local [hbm:s3], $0xF7A  }
0x26: {  	[smem:$0x3F86] =	sst s1;
	(tag) =	ssettag s2;
	_ =	strace s9  }
0x27: {  	s1 =	sld [smem:$0x3F96]  }
0x28: {  	s2 =	sld [smem:$0x3F97]  }
0x29: {  	s4 =	sld [smem:$0x3F99]  }
0x2a: {  	p0 =	seq.s32 s5, $0x0;
	s5 =	sld [smem:$0x3F9A]  }
0x2b: {  	s6 =	sld [smem:$0x3F9B]  }
0x2c: {  	s7 =	sld [smem:$0x3F9C]  }
0x2d: {  	s3 =	simm.s32 $0x108;
	s8 =	sld [smem:$0x3F9D]  }
0x2e: {  	s3 =	simm.s32 @!p0 $0x1082;
	s9 =	sld [smem:$0x3F9E]  }
0x2f: {  	lr =	sadd.s32 s0, s3;
	s0 =	sld [smem:$0x3F95]  }
0x30: {  	s3 =	sld [smem:$0x3F98]  }
0x31: {  	[smem:$0x3FA1] =	sst s10  }
0x32: {  	s10 =	sld [smem:$0x3F9F];
	_ =	sdelay $0x3  }
0x33: {  	p0 =	seq.s32 s10, $0x1;
	s10 =	sld [smem:$0x3FA1];
	_ =	sdelay $0x3  }
0x34: {  	[smem:$0x3FA1] =	sst s10  }
0x35: {  	s10 =	sld [smem:$0x3FA0];
	_ =	sdelay $0x3  }
0x36: {  	p1 =	seq.s32 s10, $0x1;
	s10 =	sld [smem:$0x3FA1];
	_ =	sdelay $0x3  }
0x37: {  	[smem:$0x3FA1] =	sst s10  }
0x38: {  	s10 =	sld [smem:$0x3FA2]  }
0x39: {  	_ = 	snop;
	(pc) =	sbr.ind lr, $3  }
0x3a: {  	_ = 	snop  }
0x3b: {  	_ = 	snop  }
0x3c: {  	p2 =	seq.s32 s10, $0x1;
	s10 =	sld [smem:$0x3FA1]  }
0x3d: {  	_ =	shalt  }
0x3e: {  	_ =	shalt  }
0x3f: {  	_ =	shalt  }
0x40: {  	_ =	shalt  }
0x41: {  	_ =	shalt  }
0x42: {  	_ =	shalt  }
0x43: {  	_ =	shalt  }
0x44: {  	_ =	shalt  }
0x45: {  	_ =	shalt  }
0x46: {  	_ =	shalt  }
0x47: {  	_ =	shalt  }
0x48: {  	_ =	shalt  }
0x49: {  	_ =	shalt  }
0x4a: {  	_ =	shalt  }
0x4b: {  	_ =	shalt  }
0x4c: {  	_ =	shalt  }
0x4d: {  	_ =	shalt  }
0x4e: {  	_ =	shalt  }
0x4f: {  	_ =	shalt  }
0x50: {  	_ =	shalt  }
0x51: {  	_ =	shalt  }
0x52: {  	_ =	shalt  }
0x53: {  	_ =	shalt  }
0x54: {  	_ =	shalt  }
0x55: {  	_ =	shalt  }
0x56: {  	_ =	shalt  }
0x57: {  	_ =	shalt  }
0x58: {  	_ =	shalt  }
0x59: {  	_ =	shalt  }
0x5a: {  	_ =	shalt  }
0x5b: {  	_ =	shalt  }
0x5c: {  	_ =	shalt  }
0x5d: {  	_ =	shalt  }
0x5e: {  	_ =	shalt  }
0x5f: {  	_ =	shalt  }
0x60: {  	_ =	shalt  }
0x61: {  	_ =	shalt  }
0x62: {  	_ =	shalt  }
0x63: {  	_ =	shalt  }
0x64: {  	_ =	shalt  }
0x65: {  	_ =	shalt  }
0x66: {  	_ =	shalt  }
0x67: {  	_ =	shalt  }
0x68: {  	_ =	shalt  }
0x69: {  	_ =	shalt  }
0x6a: {  	_ =	shalt  }
0x6b: {  	_ =	shalt  }
0x6c: {  	_ =	shalt  }
0x6d: {  	_ =	shalt  }
0x6e: {  	_ =	shalt  }
0x6f: {  	_ =	shalt  }
0x70: {  	_ =	shalt  }
0x71: {  	_ =	shalt  }
0x72: {  	_ =	shalt  }
0x73: {  	_ =	shalt  }
0x74: {  	_ =	shalt  }
0x75: {  	_ =	shalt  }
0x76: {  	_ =	shalt  }
0x77: {  	_ =	shalt  }
0x78: {  	_ =	shalt  }
0x79: {  	_ =	shalt  }
0x7a: {  	_ =	shalt  }
0x7b: {  	_ =	shalt  }
0x7c: {  	_ =	shalt  }
0x7d: {  	_ =	shalt  }
0x7e: {  	_ =	shalt  }
0x7f: {  	_ =	shalt  }
0x80: {  	_ =	shalt  }
0x81: {  	_ =	shalt  }
0x82: {  	_ =	shalt  }
0x83: {  	_ =	shalt  }
0x84: {  	_ =	shalt  }
0x85: {  	_ =	shalt  }
0x86: {  	_ =	shalt  }
0x87: {  	_ =	shalt  }
.Lfunc_end0:
.L_simem_size_0:
called_computation.4_lowered:
.L_overlay_start_0:
0x88: {  	s2 =	sld [smem:$0x3FD9]  }
0x89: {  	s3 =	sld [smem:$0x3FFE];
	_ =	sdelay $0x1  }
0x8a: {  	s1 =	srdreg.scid  }
0x8b: {  	s0 =	sand.u32 $0x1, s1  }
0x8c: {  	s16 =	sshll.u32 s0, $0xA;
	s2 =	sadd.s32 s3, s2  }
0x8d: {  	s2 =	sadd.s32 s2, s16  }
0x8e: {  	[smem:$0x3FAD] =	sst s2  }
0x8f: {  	_ = 	snop  }
0x90: {  	(tm) =	ssettm $0x1  }
0x91: {  	s17 =	sld [smem:$0x3FFB];
	_ =	sdelay $0x3  }
0x92: {  	_ =	strace s17  }
0x93: {  	s2 =	sld [smem:$0x3FFC];
	_ =	sdelay $0x3  }
0x94: {  	_ =	strace s2  }
0x95: {  	s2 =	sld [smem:$0x3FFD];
	_ =	sdelay $0x3  }
0x96: {  	_ =	strace s2  }
0x97: {  	_ =	strace $0x8FFFFFFF  }
0x98: {  	s18 =	sld [smem:$0x3FDB];
	_ =	sdelay $0x1  }
0x99: {  	s19 =	simm.s32 $_scs_section_size  }
0x9a: {  	s4 =	simm.s32 $_size__tile_overlayer_lowered;
	s5 =	simm.s32 $_tile_overlayer_lowered  }
0x9b: {  	s22 =	simm.s32 $0x1BFF;
	s21 =	sshll.u32 s5, $0x1;
	s2 =	sadd.s32 s19, s18  }
0x9c: {  	s6 =	simm.s32 $0x0;
	s20 =	sshll.u32 s4, $0x1;
	s4 =	sadd.s32 s21, s2  }
0x9d: {  	[timem:s6], [sflag:s22] =	dma.local [hbm:s4], s20  }
0x9e: {  	_ =	swait.ge [sflag:s22], s20  }
0x9f: {  	s3 =	ssub.s32 $0x0, s20;
	[sflag:s22] =	ssyncset.done $0x0  }
0xa0: {  	[sflag:s22] =	ssyncadd.s32 s3;
	_ =	sdelay $0x1  }
0xa1: {  	s23 =	simm.s32 $0x1B8B  }
0xa2: {  	_ =	swait.ge [sflag:s23], $0x1  }
0xa3: {  	[sflag:s23] =	ssyncset.done $0x0  }
0xa4: {  	s25 =	simm.s32 $0x1B8E;
	s24 =	sld [smem:$0x3FFE];
	[sflag:s23] =	ssyncadd.s32 $0xFFFFFFFF  }
0xa5: {  	s26 =	simm.s32 $execute0_lowered;
	[smem:$0x3FD2] =	sst s25  }
0xa6: {  	s4 =	sshll.u32 s26, $0x1;
	_ =	strace $0x80000058;
	[dreg:$0x1] =	wrdreg $0xFFFFFFFF  }
0xa7: {  	s28 =	simm.s32 $_size_execute0_lowered;
	s2 =	sadd.s32 s2, s4;
	[dreg:$0x0] =	wrdreg $0x0  }
0xa8: {  	s4 =	sshll.u32 s28, $0x1;
	[dreg:$0x2] =	wrdreg s2  }
0xa9: {  	[dreg:$0x3] =	wrdreg s4  }
0xaa: {  	[dreg:$0x4] =	wrdreg $0xC0  }
0xab: {  	_ =	task [dreg:s6], $0x5FFFF  }
0xac: {  	[dreg:$0x1] =	wrdreg $0xFFFFFFFF  }
0xad: {  	[dreg:$0x0] =	wrdreg $0x60  }
0xae: {  	[dreg:$0x2] =	wrdreg s24  }
0xaf: {  	[dreg:$0x3] =	wrdreg $0xB8000  }
0xb0: {  	[dreg:$0x4] =	wrdreg $0x9  }
0xb1: {  	_ =	task.clear_ibuf [dreg:s6], $0x5FFFF;
	_ =	strace $0x90000058  }
0xb2: {  	s29 =	simm.s32 $0x9;
	_ =	strace $0x8000005A  }
0xb3: {  	_ =	swait.ge [sflag:s29], $0x1  }
0xb4: {  	[sflag:s29] =	ssyncadd.s32 $0xFFFFFFFF  }
0xb5: {  	_ =	strace $0x9000005A  }
0xb6: {  	_ =	sfence  }
0xb7: {  	s30 =	sld [smem:$0x0];
	_ =	sdelay $0x2  }
0xb8: {  	s31 =	sshll.u32 s1, $0xD;
	s1 =	sshrl.u32 s1, $0x2  }
0xb9: {  	s3 =	sand.u32 $0x4000, s31;
	s1 =	sadd.s32 s1, s30  }
0xba: {  	s0 =	sor.u32 s3, s0;
	s1 =	sshll.u32 s1, $0x11  }
0xbb: {  	s0 =	sor.u32 s1, s0  }
0xbc: {  	s0 =	sadd.s32 $0x8F2B, s0  }
0xbd: {  	[sflag:s0] =	ssyncadd.remote.s32 $0x1  }
0xbe: {  	_ =	sfence.sel $0xFFFF  }
0xbf: {  	[dreg:$0x0] =	wrdreg $0xFFFFFFFF;
	(pc) =	sbr.abs _section_cstart, $3  }
0xc0: {  	[dreg:$0x1] =	wrdreg $0xFFFFFFFF  }
0xc1: {  	_ =	task.clear_ibuf [dreg:s6], $0x2FFFF;
	_ =	strace $0x9FFFFFFF  }
0xc2: {  	(tm) =	ssettm $0x7FFFFFFF  }
0xc3: {  	_ =	shalt  }
tec
execute0_lowered:
.L_overlay_start_1:
0x0: {  	(tag) =	ssettag $0x1  }
0x1: {  	s0 =	srdreg.scid  }
0x2: {  	s1 =	rddreg [dreg:$0x0];
	s28 =	stileid.u32  }
0x3: {  	s2 =	rddreg [dreg:$0x1];
	s3 =	simm.s32 $0x0;
	s21 =	simm.s32 $0x5000  }
0x4: {  	s22 =	simm.s32 $0x7800;
	s23 =	simm.s32 $0x80;
	s5 =	smul.u32 $0x2800, s28  }
0x5: {  	s24 =	simm.s32 $0x1;
	s25 =	simm.s32 $0x0;
	s8 =	smul.u32 $0x50000, s28  }
0x6: {  	s9 =	sand.u32 $0x1, s0;
	[smem:$0x7FF] =	sst s3;
	s12 =	smul.u32 $0x14000, s28  }
0x7: {  	s4 =	smul.u32 $0x28000, s9;
	_ =	strace $0x80000059;
	s29 =	ssub.s32 $0x2, s9  }
0x8: {  	s15 =	smul.u32 $0x140000, s9;
	s6 =	sshrl.u32 s29, $0x1;
	s8 =	sshrl.u32 s8, $0x2  }
0x9: {  	s13 =	sadd.s32 $0x4000, s12;
	s16 =	sadd.s32 $0x8000, s12;
	s17 =	sadd.s32 $0xC000, s12  }
0xa: {  	s19 =	sadd.s32 $0x10000, s12;
	s4 =	sadd.s32 s5, s4;
	s18 =	ssub.s32 s29, s6  }
0xb: {  	s8 =	sadd.s32 s8, s2;
	s9 =	sadd.s32 s13, s2;
	s10 =	sadd.s32 s16, s2  }
0xc: {  	s11 =	sadd.s32 s17, s2;
	s14 =	sadd.s32 s12, s15;
	s20 =	sadd.s32 s15, s13  }
0xd: {  	s12 =	sadd.s32 s19, s2;
	s16 =	sadd.s32 s15, s16;
	s17 =	sadd.s32 s15, s17  }
0xe: {  	s19 =	sadd.s32 s15, s19;
	s5 =	sshrl.u32 s4, $0x3;
	s4 =	sadd.s32 $0x76800, s1  }
0xf: {  	s14 =	sshrl.u32 s14, $0x3;
	s30 =	sshrl.u32 s20, $0x3;
	s16 =	sshrl.u32 s16, $0x3  }
0x10: {  	s17 =	sshrl.u32 s17, $0x3;
	s31 =	sshrl.u32 s19, $0x3;
	s18 =	smax.u32 s18, $0x1  }
0x11: {  	s19 =	simm.s32 $0x2;
	s20 =	simm.s32 $0x2800;
	s7 =	sadd.s32 s5, s1  }
0x12: {  	s1 =	sadd.s32 $0x13BC00, s1;
	s5 =	sadd.s32 $0x45600, s7;
	s6 =	sadd.s32 $0x3B600, s7  }
0x13: {  	s7 =	sadd.s32 $0xA200, s7;
	s13 =	sadd.s32 s1, s14;
	s14 =	sadd.s32 s1, s30  }
0x14: {  	v0 =	vimm.f32 $0.0e+00;
	s15 =	sadd.s32 s1, s16;
	s16 =	sadd.s32 s1, s17;
	s17 =	sadd.s32 s1, s31  }
.LBB2_1:
0x15: {  	[tilespmem:s3], [sflag:$0x2] =	stream.linear.gather [hbm4b:s5+s3], $0x2780, $0x38;
	[tilespmem:$0x1F800] =	vst v63  }
0x16: {  	_ =	swait.ge [sflag:s19], $0x2780  }
0x17: {  	[sflag:s19] =	ssyncset.done $0x0  }
0x18: {  	[sflag:s19] =	ssyncadd.s32 $0xFFFFD880  }
0x19: {  	[tilespmem:s20], [sflag:$0x2] =	stream.linear.gather [hbm4b:s6+s3], $0x2780, $0x38;
	[tilespmem:$0x1F800] =	vst v63  }
0x1a: {  	_ =	swait.ge [sflag:s19], $0x2780  }
0x1b: {  	[sflag:s19] =	ssyncset.done $0x0  }
0x1c: {  	[sflag:s19] =	ssyncadd.s32 $0xFFFFD880  }
0x1d: {  	[tilespmem:s21], [sflag:$0x2] =	stream.linear.gather [hbm4b:s7+s3], $0x2780, $0x38;
	[tilespmem:$0x1F800] =	vst v63  }
0x1e: {  	_ =	swait.ge [sflag:s19], $0x2780  }
0x1f: {  	[sflag:s19] =	ssyncset.done $0x0  }
0x20: {  	s1 =	simm.s32 $0x0;
	s26 =	simm.s32 $0x200;
	[sflag:s19] =	ssyncadd.s32 $0xFFFFD880  }
.LBB2_2:
0x21: {  	p0 =	sne.s32 s26, $0xFE00;
	[tilespmem:s1+$0x7870] =	vst v0  }
0x22: {  	[tilespmem:s1+$0x7800] =	vst v0  }
0x23: {  	[tilespmem:s1+$0x7810] =	vst v0  }
.Ltmp0:
0x24: {  	[tilespmem:s1+$0x7820] =	vst v0;
	(pc) =	sbr.rel @p0 .LBB2_2-.Ltmp0, $4  }
0x25: {  	[tilespmem:s1+$0x7830] =	vst v0  }
0x26: {  	[tilespmem:s1+$0x7840] =	vst v0  }
0x27: {  	[tilespmem:s1+$0x7850] =	vst v0  }
0x28: {  	[tilespmem:s1+$0x7860] =	vst v0;
	s1 =	sshra.s32 s26, $0x2;
	s26 =	sadd.s32 $0x200, s26  }
0x29: {  	[tilespmem:s1+$0x7870] =	vst v0  }
0x2a: {  	[tilespmem:s1+$0x7800] =	vst v0  }
0x2b: {  	[tilespmem:s1+$0x7810] =	vst v0  }
0x2c: {  	[tilespmem:s1+$0x7820] =	vst v0  }
0x2d: {  	[tilespmem:s1+$0x7830] =	vst v0  }
0x2e: {  	[tilespmem:s1+$0x7840] =	vst v0  }
0x2f: {  	[tilespmem:s1+$0x7850] =	vst v0  }
0x30: {  	[tilespmem:s1+$0x7860] =	vst v0  }
0x31: {  	[spmem:s8] =	stream.linear.scatter [tilespmem:s22], [sflag:$0x2], $0x4000, $0x38;
	[tilespmem:$0x1F800] =	vst v63  }
0x32: {  	_ =	swait.ge [sflag:s19], $0x4000  }
0x33: {  	[sflag:s19] =	ssyncset.done $0x0  }
0x34: {  	[sflag:s19] =	ssyncadd.s32 $0xFFFFC000  }
0x35: {  	[spmem:s9] =	stream.linear.scatter [tilespmem:s22], [sflag:$0x2], $0x4000, $0x38;
	[tilespmem:$0x1F800] =	vst v63  }
0x36: {  	_ =	swait.ge [sflag:s19], $0x4000  }
0x37: {  	[sflag:s19] =	ssyncset.done $0x0  }
0x38: {  	[sflag:s19] =	ssyncadd.s32 $0xFFFFC000  }
0x39: {  	[spmem:s10] =	stream.linear.scatter [tilespmem:s22], [sflag:$0x2], $0x4000, $0x38;
	[tilespmem:$0x1F800] =	vst v63  }
0x3a: {  	_ =	swait.ge [sflag:s19], $0x4000  }
0x3b: {  	[sflag:s19] =	ssyncset.done $0x0  }
0x3c: {  	[sflag:s19] =	ssyncadd.s32 $0xFFFFC000  }
0x3d: {  	[spmem:s11] =	stream.linear.scatter [tilespmem:s22], [sflag:$0x2], $0x4000, $0x38;
	[tilespmem:$0x1F800] =	vst v63  }
0x3e: {  	_ =	swait.ge [sflag:s19], $0x4000  }
0x3f: {  	[sflag:s19] =	ssyncset.done $0x0  }
0x40: {  	[sflag:s19] =	ssyncadd.s32 $0xFFFFC000  }
0x41: {  	[spmem:s12] =	stream.linear.scatter [tilespmem:s22], [sflag:$0x2], $0x4000, $0x38;
	[tilespmem:$0x1F800] =	vst v63  }
0x42: {  	_ =	swait.ge [sflag:s19], $0x4000  }
0x43: {  	[sflag:s19] =	ssyncset.done $0x0  }
0x44: {  	[sflag:s19] =	ssyncadd.s32 $0xFFFFC000  }
0x45: {  	s26 =	simm.s32 $0x0;
	s28 =	simm.s32 $0x0;
	[bflag:$0x0] =	sbarrier.arrive $0xFFFF  }
.LBB2_4:
0x46: {  	s29 =	sshll.u32 s28, $0x7;
	v2 =	vmov s26  }
0x47: {  	v1 =	vmov s29;
	v2 =	vand.u32 $0x7F, v2  }
0x48: {  	[tilespmem:s22], [sflag:$0x1] =	stream.indirect.gather [hbm4b:s4+s23], $0x80, s29, s23, $0xb8;
	v2 =	vadd.s32 v1, v2;
	[tilespmem:$0x1F800] =	vst v63  }
0x49: {  	_ =	swait.ge [sflag:s24], $0x4000;
	v2 =	vbroadcast v2, $0x0  }
0x4a: {  	[sflag:s24] =	ssyncset.done $0x0  }
0x4b: {  	s30 =	simm.s32 $0x7840;
	[sflag:s24] =	ssyncadd.s32 $0xFFFFC000  }
0x4c: {  	v6 =	vld [tilespmem:s30+$0x30]  }
0x4d: {  	v9 =	vld [tilespmem:s30+$0x10]  }
0x4e: {  	v7 =	vld [tilespmem:s30+$0xFFFFFFC0]  }
0x4f: {  	v3 =	vld.idx.msk [tilespmem:v2+s21+$0x0], $0xffff  }
0x50: {  	v12 =	vld [tilespmem:s30+$0xFFFFFFE0]  }
0x51: {  	v4 =	vld [tilespmem:s30+$0x20]  }
0x52: {  	v5 =	vld [tilespmem:s30+$0xFFFFFFD0]  }
0x53: {  	v2 =	vld [tilespmem:s30+$0xFFFFFFF0]  }
0x54: {  	v10 =	vmul.f32 v6, v3;
	v6 =	vld [tilespmem:s30+$0x0]  }
0x55: {  	s31 =	simm.s32 $0x1;
	v8 =	vmul.f32 v7, v3  }
0x56: {  	s1 =	simm.s32 $0x2;
	v11 =	vmov s31;
	s31 =	simm.s32 $0x7840;
	v7 =	vmul.f32 v12, v3;
	v9 =	vmul.f32 v9, v3  }
.LBB2_5:
0x57: {  	p0 =	sne.s32 s1, $0x7F  }
0x58: {  	v11 =	vand.u32 $0x7F, v11;
	v5 =	vmul.f32 v5, v3;
	v4 =	vmul.f32 v4, v3;
	[tilespmem:s30+$0x30] =	vst v10;
	s31 =	sadd.s32 $0x80, s31;
	s0 =	smov.u32 s1;
	s1 =	sadd.s32 $0x1, s1  }
0x59: {  	v10 =	vadd.s32 v1, v11;
	[tilespmem:s30+$0xFFFFFFC0] =	vst v8;
	v8 =	vmul.f32 v2, v3;
	v3 =	vmul.f32 v6, v3  }
0x5a: {  	v6 =	vbroadcast v10, $0x0;
	[tilespmem:s30+$0x10] =	vst v9  }
0x5b: {  	[tilespmem:s30+$0xFFFFFFE0] =	vst v7  }
0x5c: {  	v2 =	vld [tilespmem:s31+$0xFFFFFFF0];
	[tilespmem:s30+$0xFFFFFFF0] =	vst v8  }
0x5d: {  	v7 =	vld [tilespmem:s31+$0x30];
	[tilespmem:s30+$0x0] =	vst v3  }
0x5e: {  	v9 =	vld [tilespmem:s31+$0x10];
	[tilespmem:s30+$0x20] =	vst v4  }
0x5f: {  	v8 =	vld [tilespmem:s31+$0xFFFFFFC0];
	[tilespmem:s30+$0xFFFFFFD0] =	vst v5;
	s30 =	smov.u32 s31  }
0x60: {  	v3 =	vld.idx.msk [tilespmem:v6+s21+$0x0], $0xffff  }
0x61: {  	v12 =	vld [tilespmem:s31+$0xFFFFFFE0]  }
0x62: {  	v4 =	vld [tilespmem:s31+$0x20]  }
.Ltmp1:
0x63: {  	v5 =	vld [tilespmem:s31+$0xFFFFFFD0];
	(pc) =	sbr.rel @p0 .LBB2_5-.Ltmp1, $3  }
0x64: {  	v6 =	vld [tilespmem:s31+$0x0];
	_ =	sdelay $0x1  }
0x65: {  	v8 =	vmul.f32 v8, v3;
	v10 =	vmul.f32 v7, v3  }
0x66: {  	v11 =	vmov s0;
	v9 =	vmul.f32 v9, v3;
	v7 =	vmul.f32 v12, v3  }
0x67: {  	[tilespmem:s30+$0x30] =	vst v10;
	v58 =	vand.u32 $0x7F, v11  }
0x68: {  	[tilespmem:s30+$0xFFFFFFC0] =	vst v8;
	v1 =	vadd.s32 v1, v58  }
0x69: {  	v2 =	vmul.f32 v2, v3;
	[tilespmem:s30+$0x10] =	vst v9;
	v1 =	vbroadcast v1, $0x0  }
0x6a: {  	s0 =	sadd.s32 $0x80, s31;
	[tilespmem:s30+$0xFFFFFFE0] =	vst v7;
	v6 =	vmul.f32 v6, v3  }
0x6b: {  	v4 =	vmul.f32 v4, v3;
	v3 =	vmul.f32 v5, v3;
	v7 =	vld [tilespmem:s0+$0xFFFFFFF0];
	[tilespmem:s30+$0xFFFFFFF0] =	vst v2  }
0x6c: {  	v2 =	vld [tilespmem:s0+$0x30];
	[tilespmem:s30+$0x0] =	vst v6  }
0x6d: {  	v60 =	vld [tilespmem:s0+$0xFFFFFFC0];
	[tilespmem:s30+$0xFFFFFFD0] =	vst v3  }
0x6e: {  	v59 =	vld [tilespmem:s0+$0x10];
	[tilespmem:s30+$0x20] =	vst v4  }
0x6f: {  	v1 =	vld.idx.msk [tilespmem:v1+s21+$0x0], $0xffff;
	_ =	sdelay $0x2  }
0x70: {  	v6 =	vld [tilespmem:s0+$0x0]  }
0x71: {  	v3 =	vld [tilespmem:s0+$0xFFFFFFE0]  }
0x72: {  	v2 =	vmul.f32 v2, v1  }
0x73: {  	v61 =	vld [tilespmem:s0+$0x20];
	v4 =	vmul.f32 v60, v1  }
0x74: {  	v62 =	vld [tilespmem:s0+$0xFFFFFFD0];
	v5 =	vmul.f32 v59, v1;
	[tilespmem:s0+$0x30] =	vst v2  }
0x75: {  	v63 =	vmul.f32 v6, v1;
	[tilespmem:s0+$0xFFFFFFC0] =	vst v4  }
0x76: {  	v2 =	vmul.f32 v3, v1;
	[tilespmem:s0+$0x10] =	vst v5  }
0x77: {  	v3 =	vmul.f32 v7, v1;
	[tilespmem:s0+$0x0] =	vst v63  }
0x78: {  	[tilespmem:s0+$0xFFFFFFE0] =	vst v2;
	v2 =	vmul.f32 v61, v1  }
0x79: {  	s28 =	sadd.s32 $0x1, s28;
	[tilespmem:s0+$0xFFFFFFF0] =	vst v3;
	v1 =	vmul.f32 v62, v1  }
0x7a: {  	p0 =	sne.s32 s28, $0x4F;
	[tilespmem:s0+$0x20] =	vst v2  }
.Ltmp2:
0x7b: {  	s31 =	sadd.s32 $0x2800, s29;
	[tilespmem:s0+$0xFFFFFFD0] =	vst v1;
	(pc) =	sbr.rel @p0 .LBB2_4-.Ltmp2, $4  }
0x7c: {  	[spmem:s2] =	stream.indirect.scatter.add.f32 [tilespmem:s22], [sflag:$0x2], $0x80, s31, s23, $0xb8;
	[tilespmem:$0x1F800] =	vst v63  }
0x7d: {  	_ =	swait.ge [sflag:s19], $0x4000  }
0x7e: {  	[sflag:s19] =	ssyncset.done $0x0  }
0x7f: {  	[sflag:s19] =	ssyncadd.s32 $0xFFFFC000  }
0x80: {  	s0 =	stileid.u32  }
0x81: {  	s0 =	sshll.u32 s0, $0x6  }
0x82: {  	[bflag:$0x0] =	sbarrier.arrive $0xFFFF;
	s1 =	sshrl.u32 s8, $0x3;
	s0 =	sor.u32 $0x1C02, s0  }
0x83: {  	[hbm:s13], [sflag:s0] =	dma.local [spmem:s1], $0x800  }
0x84: {  	_ =	swait.ge [sflag:s19], $0x800  }
0x85: {  	[sflag:s19] =	ssyncset.done $0x0  }
0x86: {  	s28 =	sshrl.u32 s9, $0x3;
	[sflag:s19] =	ssyncadd.s32 $0xFFFFF800  }
0x87: {  	[hbm:s14], [sflag:s0] =	dma.local [spmem:s28], $0x800  }
0x88: {  	_ =	swait.ge [sflag:s19], $0x800  }
0x89: {  	[sflag:s19] =	ssyncset.done $0x0  }
0x8a: {  	s29 =	sshrl.u32 s10, $0x3;
	[sflag:s19] =	ssyncadd.s32 $0xFFFFF800  }
0x8b: {  	[hbm:s15], [sflag:s0] =	dma.local [spmem:s29], $0x800  }
0x8c: {  	_ =	swait.ge [sflag:s19], $0x800  }
0x8d: {  	[sflag:s19] =	ssyncset.done $0x0  }
0x8e: {  	s30 =	sshrl.u32 s11, $0x3;
	[sflag:s19] =	ssyncadd.s32 $0xFFFFF800  }
0x8f: {  	[hbm:s16], [sflag:s0] =	dma.local [spmem:s30], $0x800  }
0x90: {  	s25 =	sadd.s32 $0x1, s25;
	_ =	swait.ge [sflag:s19], $0x800  }
0x91: {  	p0 =	sne.s32 s25, s18;
	[sflag:s19] =	ssyncset.done $0x0  }
.Ltmp3:
0x92: {  	s31 =	sshrl.u32 s12, $0x3;
	[sflag:s19] =	ssyncadd.s32 $0xFFFFF800;
	(pc) =	sbr.rel @p0 .LBB2_1-.Ltmp3, $4  }
0x93: {  	[hbm:s17], [sflag:s0] =	dma.local [spmem:s31], $0x800  }
0x94: {  	_ =	swait.ge [sflag:s19], $0x800  }
0x95: {  	[sflag:s19] =	ssyncset.done $0x0  }
0x96: {  	[sflag:s19] =	ssyncadd.s32 $0xFFFFF800  }
0x97: {  	_ =	sfence.sel $0x180000  }
0x98: {  	[bflag:$0x0] =	sbarrier.arrive $0xFFFF  }
0x99: {  	_ =	strace $0x90000059  }
0x9a: {  	s0 =	stileid.u32;
	[bflag:$0x2] =	sbarrier.arrive $0xFFFF  }
0x9b: {  	p0 =	sne.s32 s0, $0x0;
	s0 =	rddreg [dreg:$0x2]  }
0x9c: {  	s0 =	sadd.s32 @!p0 $0x100000, s0  }
0x9d: {  	[sflag:s0] =	ssyncadd.tile.s32 @!p0 $0x1;
	_ =	shalt  }
.Lfunc_end2:
_tile_overlayer_lowered:
.L_overlay_start_2:
0x9e: {  	(tag) =	ssettag $0x2  }
0x9f: {  	s0 =	rddreg [dreg:$0x0];
	s2 =	stileid.u32  }
0xa0: {  	s1 =	rddreg [dreg:$0x1];
	p0 =	sne.s32 s2, $0x0  }
0xa1: {  	s3 =	rddreg [dreg:$0x2];
	[bflag:$0x3] =	sbarrier.arrive $0xFFFF;
	s2 =	simm.s32 @!p0 $0x1C02  }
0xa2: {  	[timem:s3], [sflag:s2] =	dma.local @!p0 [hbm:s0], s1  }
0xa3: {  	s0 =	simm.s32 @!p0 $0x2  }
0xa4: {  	_ =	swait.ge @!p0 [sflag:s0], s1  }
0xa5: {  	s1 =	ssub.s32 @!p0 $0x0, s1;
	[sflag:s0] =	ssyncset.done @!p0 $0x0  }
0xa6: {  	[sflag:s0] =	ssyncadd.s32 @!p0 s1  }
0xa7: {  	[bflag:$0x3] =	sbarrier.arrive $0xFFFF  }
0xa8: {  	_ =	shalt  }

// kernel: closed_call.45.cloned.1.call-start
scs
__scs_entry_jumppad:
0x0: {  	(pc) =	sbr.rel $0x88, $3  }
0x1: {  	(tag) =	ssettag $0x0;
	lr =	simm.s32 $0x1  }
0x2: {  	[smem:$0x3F86] =	sst lr;
	_ =	strace $0xD0000000  }
0x3: {  	_ = 	snop  }
0x4: {  	_ = 	snop  }
0x5: {  	_ = 	snop  }
0x6: {  	_ = 	snop  }
0x7: {  	_ = 	snop  }
__scs_overlays_trampoline_lowered:
0x8: {  	[smem:$0x3F95] =	sst s0  }
0x9: {  	[smem:$0x3F96] =	sst s1  }
0xa: {  	[smem:$0x3F97] =	sst s2  }
0xb: {  	[smem:$0x3F98] =	sst s3  }
0xc: {  	[smem:$0x3F99] =	sst s4  }
0xd: {  	[smem:$0x3F9A] =	sst s5  }
0xe: {  	[smem:$0x3F9B] =	sst s6  }
0xf: {  	[smem:$0x3F9C] =	sst s7  }
0x10: {  	[smem:$0x3F9D] =	sst s8  }
0x11: {  	[smem:$0x3F9E] =	sst s9;
	s0 =	simm.s32 @!p0 $0x0  }
0x12: {  	s1 =	sld [smem:$0x3F84];
	s0 =	simm.s32 @p0 $0x1  }
0x13: {  	[smem:$0x3F9F] =	sst s0;
	s0 =	simm.s32 @!p1 $0x0  }
0x14: {  	s2 =	sld [smem:$0x3F83];
	s0 =	simm.s32 @p1 $0x1  }
0x15: {  	[smem:$0x3FA0] =	sst s0;
	s0 =	simm.s32 @!p2 $0x0  }
0x16: {  	s3 =	sld [smem:$0x3FDB];
	s0 =	simm.s32 @p2 $0x1  }
0x17: {  	s4 =	simm.s32 $0x1BF5;
	[smem:$0x3FA2] =	sst s0  }
0x18: {  	s0 =	sld [smem:$0x3F85];
	_ =	swait.ge [sflag:s4], $0x0  }
0x19: {  	s7 =	sld [smem:$0x3F86]  }
0x1a: {  	s8 =	sadd.s32 $0xFFFFE003, lr  }
0x1b: {  	s9 =	sadd.s32 $0xFFFFFEF7, lr;
	s5 =	simm.s32 $0xFFFFFFFF;
	p2 =	slt.u32 s8, $0xFFFFF086  }
0x1c: {  	p1 =	slt.u32 s9, $0xF7A;
	s5 =	simm.s32 @!p2 $0x0  }
0x1d: {  	s5 =	simm.s32 @p1 $0x1;
	p0 =	seq.s32 s7, s2  }
0x1e: {  	s7 =	smul.u32 @!p0 $0xF7A, s2;
	p2 =	seq.s32 @!p0 s5, $0x0  }
0x1f: {  	s9 =	smul.u32 $0xF7A, s1;
	s8 =	simm.s32 @!p0 $0x1BF5;
	p2 =	por !p2, p0  }
0x20: {  	[sflag:s8] =	ssyncset.s32 @!p0 $0xFFFFF086;
	s6 =	sadd.s32 @!p0 s3, s7;
	s7 =	simm.s32 @!p0 $0x108  }
0x21: {  	s3 =	sadd.s32 s3, s9;
	s6 =	sadd.s32 @!p0 $0x88, s6;
	s7 =	simm.s32 @p2 $0x1082  }
0x22: {  	[simem:s7], [sflag:s8] =	dma.local @!p0 [hbm:s6], $0xF7A  }
0x23: {  	s9 =	sor.u32 $0xD0000000, s2;
	s6 =	simm.s32 $0x108;
	_ =	swait.ge @!p0 [sflag:s8], $0x0  }
0x24: {  	s3 =	sadd.s32 $0x88, s3;
	s6 =	simm.s32 @!p1 $0x1082;
	[sflag:s4] =	ssyncset.s32 $0xFFFFF086  }
0x25: {  	[simem:s6], [sflag:s4] =	dma.local [hbm:s3], $0xF7A  }
0x26: {  	[smem:$0x3F86] =	sst s1;
	(tag) =	ssettag s2;
	_ =	strace s9  }
0x27: {  	s1 =	sld [smem:$0x3F96]  }
0x28: {  	s2 =	sld [smem:$0x3F97]  }
0x29: {  	s4 =	sld [smem:$0x3F99]  }
0x2a: {  	p0 =	seq.s32 s5, $0x0;
	s5 =	sld [smem:$0x3F9A]  }
0x2b: {  	s6 =	sld [smem:$0x3F9B]  }
0x2c: {  	s7 =	sld [smem:$0x3F9C]  }
0x2d: {  	s3 =	simm.s32 $0x108;
	s8 =	sld [smem:$0x3F9D]  }
0x2e: {  	s3 =	simm.s32 @!p0 $0x1082;
	s9 =	sld [smem:$0x3F9E]  }
0x2f: {  	lr =	sadd.s32 s0, s3;
	s0 =	sld [smem:$0x3F95]  }
0x30: {  	s3 =	sld [smem:$0x3F98]  }
0x31: {  	[smem:$0x3FA1] =	sst s10  }
0x32: {  	s10 =	sld [smem:$0x3F9F];
	_ =	sdelay $0x3  }
0x33: {  	p0 =	seq.s32 s10, $0x1;
	s10 =	sld [smem:$0x3FA1];
	_ =	sdelay $0x3  }
0x34: {  	[smem:$0x3FA1] =	sst s10  }
0x35: {  	s10 =	sld [smem:$0x3FA0];
	_ =	sdelay $0x3  }
0x36: {  	p1 =	seq.s32 s10, $0x1;
	s10 =	sld [smem:$0x3FA1];
	_ =	sdelay $0x3  }
0x37: {  	[smem:$0x3FA1] =	sst s10  }
0x38: {  	s10 =	sld [smem:$0x3FA2]  }
0x39: {  	_ = 	snop;
	(pc) =	sbr.ind lr, $3  }
0x3a: {  	_ = 	snop  }
0x3b: {  	_ = 	snop  }
0x3c: {  	p2 =	seq.s32 s10, $0x1;
	s10 =	sld [smem:$0x3FA1]  }
0x3d: {  	_ =	shalt  }
0x3e: {  	_ =	shalt  }
0x3f: {  	_ =	shalt  }
0x40: {  	_ =	shalt  }
0x41: {  	_ =	shalt  }
0x42: {  	_ =	shalt  }
0x43: {  	_ =	shalt  }
0x44: {  	_ =	shalt  }
0x45: {  	_ =	shalt  }
0x46: {  	_ =	shalt  }
0x47: {  	_ =	shalt  }
0x48: {  	_ =	shalt  }
0x49: {  	_ =	shalt  }
0x4a: {  	_ =	shalt  }
0x4b: {  	_ =	shalt  }
0x4c: {  	_ =	shalt  }
0x4d: {  	_ =	shalt  }
0x4e: {  	_ =	shalt  }
0x4f: {  	_ =	shalt  }
0x50: {  	_ =	shalt  }
0x51: {  	_ =	shalt  }
0x52: {  	_ =	shalt  }
0x53: {  	_ =	shalt  }
0x54: {  	_ =	shalt  }
0x55: {  	_ =	shalt  }
0x56: {  	_ =	shalt  }
0x57: {  	_ =	shalt  }
0x58: {  	_ =	shalt  }
0x59: {  	_ =	shalt  }
0x5a: {  	_ =	shalt  }
0x5b: {  	_ =	shalt  }
0x5c: {  	_ =	shalt  }
0x5d: {  	_ =	shalt  }
0x5e: {  	_ =	shalt  }
0x5f: {  	_ =	shalt  }
0x60: {  	_ =	shalt  }
0x61: {  	_ =	shalt  }
0x62: {  	_ =	shalt  }
0x63: {  	_ =	shalt  }
0x64: {  	_ =	shalt  }
0x65: {  	_ =	shalt  }
0x66: {  	_ =	shalt  }
0x67: {  	_ =	shalt  }
0x68: {  	_ =	shalt  }
0x69: {  	_ =	shalt  }
0x6a: {  	_ =	shalt  }
0x6b: {  	_ =	shalt  }
0x6c: {  	_ =	shalt  }
0x6d: {  	_ =	shalt  }
0x6e: {  	_ =	shalt  }
0x6f: {  	_ =	shalt  }
0x70: {  	_ =	shalt  }
0x71: {  	_ =	shalt  }
0x72: {  	_ =	shalt  }
0x73: {  	_ =	shalt  }
0x74: {  	_ =	shalt  }
0x75: {  	_ =	shalt  }
0x76: {  	_ =	shalt  }
0x77: {  	_ =	shalt  }
0x78: {  	_ =	shalt  }
0x79: {  	_ =	shalt  }
0x7a: {  	_ =	shalt  }
0x7b: {  	_ =	shalt  }
0x7c: {  	_ =	shalt  }
0x7d: {  	_ =	shalt  }
0x7e: {  	_ =	shalt  }
0x7f: {  	_ =	shalt  }
0x80: {  	_ =	shalt  }
0x81: {  	_ =	shalt  }
0x82: {  	_ =	shalt  }
0x83: {  	_ =	shalt  }
0x84: {  	_ =	shalt  }
0x85: {  	_ =	shalt  }
0x86: {  	_ =	shalt  }
0x87: {  	_ =	shalt  }
.Lfunc_end0:
.L_simem_size_0:
called_computation.5_lowered:
.L_overlay_start_0:
0x88: {  	s2 =	sld [smem:$0x3FD9]  }
0x89: {  	s3 =	sld [smem:$0x3FFE];
	_ =	sdelay $0x1  }
0x8a: {  	s1 =	srdreg.scid  }
0x8b: {  	s0 =	sand.u32 $0x1, s1  }
0x8c: {  	s16 =	sshll.u32 s0, $0xA;
	s2 =	sadd.s32 s3, s2  }
0x8d: {  	s2 =	sadd.s32 s2, s16  }
0x8e: {  	[smem:$0x3FAD] =	sst s2  }
0x8f: {  	_ = 	snop  }
0x90: {  	(tm) =	ssettm $0x1  }
0x91: {  	s17 =	sld [smem:$0x3FFB];
	_ =	sdelay $0x3  }
0x92: {  	_ =	strace s17  }
0x93: {  	s2 =	sld [smem:$0x3FFC];
	_ =	sdelay $0x3  }
0x94: {  	_ =	strace s2  }
0x95: {  	s2 =	sld [smem:$0x3FFD];
	_ =	sdelay $0x3  }
0x96: {  	_ =	strace s2  }
0x97: {  	_ =	strace $0x8FFFFFFF  }
0x98: {  	s18 =	sld [smem:$0x3FDB];
	_ =	sdelay $0x1  }
0x99: {  	s19 =	simm.s32 $_scs_section_size  }
0x9a: {  	s4 =	simm.s32 $_size__tile_overlayer_lowered;
	s5 =	simm.s32 $_tile_overlayer_lowered  }
0x9b: {  	s22 =	simm.s32 $0x1BFF;
	s21 =	sshll.u32 s5, $0x1;
	s2 =	sadd.s32 s19, s18  }
0x9c: {  	s6 =	simm.s32 $0x0;
	s20 =	sshll.u32 s4, $0x1;
	s4 =	sadd.s32 s21, s2  }
0x9d: {  	[timem:s6], [sflag:s22] =	dma.local [hbm:s4], s20  }
0x9e: {  	_ =	swait.ge [sflag:s22], s20  }
0x9f: {  	s3 =	ssub.s32 $0x0, s20;
	[sflag:s22] =	ssyncset.done $0x0  }
0xa0: {  	[sflag:s22] =	ssyncadd.s32 s3;
	_ =	sdelay $0x1  }
0xa1: {  	s23 =	simm.s32 $0x1B8B  }
0xa2: {  	_ =	swait.ge [sflag:s23], $0x1  }
0xa3: {  	[sflag:s23] =	ssyncset.done $0x0  }
0xa4: {  	s25 =	simm.s32 $0x1B8E;
	s24 =	sld [smem:$0x3FFE];
	[sflag:s23] =	ssyncadd.s32 $0xFFFFFFFF  }
0xa5: {  	s26 =	simm.s32 $execute0_lowered;
	[smem:$0x3FD2] =	sst s25  }
0xa6: {  	s4 =	sshll.u32 s26, $0x1;
	_ =	strace $0x8000005B;
	[dreg:$0x1] =	wrdreg $0xFFFFFFFF  }
0xa7: {  	s28 =	simm.s32 $_size_execute0_lowered;
	s2 =	sadd.s32 s2, s4;
	[dreg:$0x0] =	wrdreg $0x0  }
0xa8: {  	s4 =	sshll.u32 s28, $0x1;
	[dreg:$0x2] =	wrdreg s2  }
0xa9: {  	[dreg:$0x3] =	wrdreg s4  }
0xaa: {  	[dreg:$0x4] =	wrdreg $0xC0  }
0xab: {  	_ =	task [dreg:s6], $0x5FFFF  }
0xac: {  	[dreg:$0x1] =	wrdreg $0xFFFFFFFF  }
0xad: {  	[dreg:$0x0] =	wrdreg $0x60  }
0xae: {  	[dreg:$0x2] =	wrdreg s24  }
0xaf: {  	[dreg:$0x3] =	wrdreg $0xB8000  }
0xb0: {  	[dreg:$0x4] =	wrdreg $0x9  }
0xb1: {  	_ =	task.clear_ibuf [dreg:s6], $0x5FFFF;
	_ =	strace $0x9000005B  }
0xb2: {  	s29 =	simm.s32 $0x9;
	_ =	strace $0x8000005D  }
0xb3: {  	_ =	swait.ge [sflag:s29], $0x1  }
0xb4: {  	[sflag:s29] =	ssyncadd.s32 $0xFFFFFFFF  }
0xb5: {  	_ =	strace $0x9000005D  }
0xb6: {  	_ =	sfence  }
0xb7: {  	s30 =	sld [smem:$0x0];
	_ =	sdelay $0x2  }
0xb8: {  	s31 =	sshll.u32 s1, $0xD;
	s1 =	sshrl.u32 s1, $0x2  }
0xb9: {  	s3 =	sand.u32 $0x4000, s31;
	s1 =	sadd.s32 s1, s30  }
0xba: {  	s0 =	sor.u32 s3, s0;
	s1 =	sshll.u32 s1, $0x11  }
0xbb: {  	s0 =	sor.u32 s1, s0  }
0xbc: {  	s0 =	sadd.s32 $0x8F2B, s0  }
0xbd: {  	[sflag:s0] =	ssyncadd.remote.s32 $0x1  }
0xbe: {  	_ =	sfence.sel $0xFFFF  }
0xbf: {  	[dreg:$0x0] =	wrdreg $0xFFFFFFFF;
	(pc) =	sbr.abs _section_cstart, $3  }
0xc0: {  	[dreg:$0x1] =	wrdreg $0xFFFFFFFF  }
0xc1: {  	_ =	task.clear_ibuf [dreg:s6], $0x2FFFF;
	_ =	strace $0x9FFFFFFF  }
0xc2: {  	(tm) =	ssettm $0x7FFFFFFF  }
0xc3: {  	_ =	shalt  }
tec
execute0_lowered:
.L_overlay_start_1:
0x0: {  	(tag) =	ssettag $0x1  }
0x1: {  	s0 =	srdreg.scid  }
0x2: {  	s1 =	rddreg [dreg:$0x0];
	s28 =	stileid.u32  }
0x3: {  	s2 =	rddreg [dreg:$0x1];
	s3 =	simm.s32 $0x0;
	s21 =	simm.s32 $0x5000  }
0x4: {  	s22 =	simm.s32 $0x7800;
	s23 =	simm.s32 $0x80;
	s5 =	smul.u32 $0x2800, s28  }
0x5: {  	s24 =	simm.s32 $0x1;
	s25 =	simm.s32 $0x0;
	s8 =	smul.u32 $0x50000, s28  }
0x6: {  	s9 =	sand.u32 $0x1, s0;
	[smem:$0x7FF] =	sst s3;
	s12 =	smul.u32 $0x14000, s28  }
0x7: {  	s4 =	smul.u32 $0x28000, s9;
	_ =	strace $0x8000005C;
	s29 =	ssub.s32 $0x2, s9  }
0x8: {  	s15 =	smul.u32 $0x140000, s9;
	s6 =	sshrl.u32 s29, $0x1;
	s8 =	sshrl.u32 s8, $0x2  }
0x9: {  	s13 =	sadd.s32 $0x4000, s12;
	s16 =	sadd.s32 $0x8000, s12;
	s17 =	sadd.s32 $0xC000, s12  }
0xa: {  	s19 =	sadd.s32 $0x10000, s12;
	s4 =	sadd.s32 s5, s4;
	s18 =	ssub.s32 s29, s6  }
0xb: {  	s8 =	sadd.s32 s8, s2;
	s9 =	sadd.s32 s13, s2;
	s10 =	sadd.s32 s16, s2  }
0xc: {  	s11 =	sadd.s32 s17, s2;
	s14 =	sadd.s32 s12, s15;
	s20 =	sadd.s32 s15, s13  }
0xd: {  	s12 =	sadd.s32 s19, s2;
	s16 =	sadd.s32 s15, s16;
	s17 =	sadd.s32 s15, s17  }
0xe: {  	s19 =	sadd.s32 s15, s19;
	s5 =	sshrl.u32 s4, $0x3;
	s4 =	sadd.s32 $0x4F600, s1  }
0xf: {  	s14 =	sshrl.u32 s14, $0x3;
	s30 =	sshrl.u32 s20, $0x3;
	s16 =	sshrl.u32 s16, $0x3  }
0x10: {  	s17 =	sshrl.u32 s17, $0x3;
	s31 =	sshrl.u32 s19, $0x3;
	s18 =	smax.u32 s18, $0x1  }
0x11: {  	s19 =	simm.s32 $0x2;
	s20 =	simm.s32 $0x2800;
	s7 =	sadd.s32 s5, s1  }
0x12: {  	s1 =	sadd.s32 $0x76800, s1;
	s5 =	sadd.s32 $0x45600, s7;
	s6 =	sadd.s32 $0x3B600, s7  }
0x13: {  	s7 =	sadd.s32 $0xA200, s7;
	s13 =	sadd.s32 s1, s14;
	s14 =	sadd.s32 s1, s30  }
0x14: {  	v0 =	vimm.f32 $0.0e+00;
	s15 =	sadd.s32 s1, s16;
	s16 =	sadd.s32 s1, s17;
	s17 =	sadd.s32 s1, s31  }
.LBB2_1:
0x15: {  	[tilespmem:s3], [sflag:$0x2] =	stream.linear.gather [hbm4b:s5+s3], $0x2780, $0x38;
	[tilespmem:$0x1F800] =	vst v63  }
0x16: {  	_ =	swait.ge [sflag:s19], $0x2780  }
0x17: {  	[sflag:s19] =	ssyncset.done $0x0  }
0x18: {  	[sflag:s19] =	ssyncadd.s32 $0xFFFFD880  }
0x19: {  	[tilespmem:s20], [sflag:$0x2] =	stream.linear.gather [hbm4b:s6+s3], $0x2780, $0x38;
	[tilespmem:$0x1F800] =	vst v63  }
0x1a: {  	_ =	swait.ge [sflag:s19], $0x2780  }
0x1b: {  	[sflag:s19] =	ssyncset.done $0x0  }
0x1c: {  	[sflag:s19] =	ssyncadd.s32 $0xFFFFD880  }
0x1d: {  	[tilespmem:s21], [sflag:$0x2] =	stream.linear.gather [hbm4b:s7+s3], $0x2780, $0x38;
	[tilespmem:$0x1F800] =	vst v63  }
0x1e: {  	_ =	swait.ge [sflag:s19], $0x2780  }
0x1f: {  	[sflag:s19] =	ssyncset.done $0x0  }
0x20: {  	s1 =	simm.s32 $0x0;
	s26 =	simm.s32 $0x200;
	[sflag:s19] =	ssyncadd.s32 $0xFFFFD880  }
.LBB2_2:
0x21: {  	p0 =	sne.s32 s26, $0xFE00;
	[tilespmem:s1+$0x7870] =	vst v0  }
0x22: {  	[tilespmem:s1+$0x7800] =	vst v0  }
0x23: {  	[tilespmem:s1+$0x7810] =	vst v0  }
.Ltmp0:
0x24: {  	[tilespmem:s1+$0x7820] =	vst v0;
	(pc) =	sbr.rel @p0 .LBB2_2-.Ltmp0, $4  }
0x25: {  	[tilespmem:s1+$0x7830] =	vst v0  }
0x26: {  	[tilespmem:s1+$0x7840] =	vst v0  }
0x27: {  	[tilespmem:s1+$0x7850] =	vst v0  }
0x28: {  	[tilespmem:s1+$0x7860] =	vst v0;
	s1 =	sshra.s32 s26, $0x2;
	s26 =	sadd.s32 $0x200, s26  }
0x29: {  	[tilespmem:s1+$0x7870] =	vst v0  }
0x2a: {  	[tilespmem:s1+$0x7800] =	vst v0  }
0x2b: {  	[tilespmem:s1+$0x7810] =	vst v0  }
0x2c: {  	[tilespmem:s1+$0x7820] =	vst v0  }
0x2d: {  	[tilespmem:s1+$0x7830] =	vst v0  }
0x2e: {  	[tilespmem:s1+$0x7840] =	vst v0  }
0x2f: {  	[tilespmem:s1+$0x7850] =	vst v0  }
0x30: {  	[tilespmem:s1+$0x7860] =	vst v0  }
0x31: {  	[spmem:s8] =	stream.linear.scatter [tilespmem:s22], [sflag:$0x2], $0x4000, $0x38;
	[tilespmem:$0x1F800] =	vst v63  }
0x32: {  	_ =	swait.ge [sflag:s19], $0x4000  }
0x33: {  	[sflag:s19] =	ssyncset.done $0x0  }
0x34: {  	[sflag:s19] =	ssyncadd.s32 $0xFFFFC000  }
0x35: {  	[spmem:s9] =	stream.linear.scatter [tilespmem:s22], [sflag:$0x2], $0x4000, $0x38;
	[tilespmem:$0x1F800] =	vst v63  }
0x36: {  	_ =	swait.ge [sflag:s19], $0x4000  }
0x37: {  	[sflag:s19] =	ssyncset.done $0x0  }
0x38: {  	[sflag:s19] =	ssyncadd.s32 $0xFFFFC000  }
0x39: {  	[spmem:s10] =	stream.linear.scatter [tilespmem:s22], [sflag:$0x2], $0x4000, $0x38;
	[tilespmem:$0x1F800] =	vst v63  }
0x3a: {  	_ =	swait.ge [sflag:s19], $0x4000  }
0x3b: {  	[sflag:s19] =	ssyncset.done $0x0  }
0x3c: {  	[sflag:s19] =	ssyncadd.s32 $0xFFFFC000  }
0x3d: {  	[spmem:s11] =	stream.linear.scatter [tilespmem:s22], [sflag:$0x2], $0x4000, $0x38;
	[tilespmem:$0x1F800] =	vst v63  }
0x3e: {  	_ =	swait.ge [sflag:s19], $0x4000  }
0x3f: {  	[sflag:s19] =	ssyncset.done $0x0  }
0x40: {  	[sflag:s19] =	ssyncadd.s32 $0xFFFFC000  }
0x41: {  	[spmem:s12] =	stream.linear.scatter [tilespmem:s22], [sflag:$0x2], $0x4000, $0x38;
	[tilespmem:$0x1F800] =	vst v63  }
0x42: {  	_ =	swait.ge [sflag:s19], $0x4000  }
0x43: {  	[sflag:s19] =	ssyncset.done $0x0  }
0x44: {  	[sflag:s19] =	ssyncadd.s32 $0xFFFFC000  }
0x45: {  	s26 =	simm.s32 $0x0;
	s28 =	simm.s32 $0x0;
	[bflag:$0x0] =	sbarrier.arrive $0xFFFF  }
.LBB2_4:
0x46: {  	s29 =	sshll.u32 s28, $0x7;
	v2 =	vmov s26  }
0x47: {  	v1 =	vmov s29;
	v2 =	vand.u32 $0x7F, v2  }
0x48: {  	[tilespmem:s22], [sflag:$0x1] =	stream.indirect.gather [hbm4b:s4+s23], $0x80, s29, s23, $0xb8;
	v2 =	vadd.s32 v1, v2;
	[tilespmem:$0x1F800] =	vst v63  }
0x49: {  	_ =	swait.ge [sflag:s24], $0x4000;
	v2 =	vbroadcast v2, $0x0  }
0x4a: {  	[sflag:s24] =	ssyncset.done $0x0  }
0x4b: {  	s30 =	simm.s32 $0x7840;
	[sflag:s24] =	ssyncadd.s32 $0xFFFFC000  }
0x4c: {  	v6 =	vld [tilespmem:s30+$0x30]  }
0x4d: {  	v9 =	vld [tilespmem:s30+$0x10]  }
0x4e: {  	v7 =	vld [tilespmem:s30+$0xFFFFFFC0]  }
0x4f: {  	v3 =	vld.idx.msk [tilespmem:v2+s21+$0x0], $0xffff  }
0x50: {  	v12 =	vld [tilespmem:s30+$0xFFFFFFE0]  }
0x51: {  	v4 =	vld [tilespmem:s30+$0x20]  }
0x52: {  	v5 =	vld [tilespmem:s30+$0xFFFFFFD0]  }
0x53: {  	v2 =	vld [tilespmem:s30+$0xFFFFFFF0]  }
0x54: {  	v10 =	vmul.f32 v6, v3;
	v6 =	vld [tilespmem:s30+$0x0]  }
0x55: {  	s31 =	simm.s32 $0x1;
	v8 =	vmul.f32 v7, v3  }
0x56: {  	s1 =	simm.s32 $0x2;
	v11 =	vmov s31;
	s31 =	simm.s32 $0x7840;
	v7 =	vmul.f32 v12, v3;
	v9 =	vmul.f32 v9, v3  }
.LBB2_5:
0x57: {  	p0 =	sne.s32 s1, $0x7F  }
0x58: {  	v11 =	vand.u32 $0x7F, v11;
	v5 =	vmul.f32 v5, v3;
	v4 =	vmul.f32 v4, v3;
	[tilespmem:s30+$0x30] =	vst v10;
	s31 =	sadd.s32 $0x80, s31;
	s0 =	smov.u32 s1;
	s1 =	sadd.s32 $0x1, s1  }
0x59: {  	v10 =	vadd.s32 v1, v11;
	[tilespmem:s30+$0xFFFFFFC0] =	vst v8;
	v8 =	vmul.f32 v2, v3;
	v3 =	vmul.f32 v6, v3  }
0x5a: {  	v6 =	vbroadcast v10, $0x0;
	[tilespmem:s30+$0x10] =	vst v9  }
0x5b: {  	[tilespmem:s30+$0xFFFFFFE0] =	vst v7  }
0x5c: {  	v2 =	vld [tilespmem:s31+$0xFFFFFFF0];
	[tilespmem:s30+$0xFFFFFFF0] =	vst v8  }
0x5d: {  	v7 =	vld [tilespmem:s31+$0x30];
	[tilespmem:s30+$0x0] =	vst v3  }
0x5e: {  	v9 =	vld [tilespmem:s31+$0x10];
	[tilespmem:s30+$0x20] =	vst v4  }
0x5f: {  	v8 =	vld [tilespmem:s31+$0xFFFFFFC0];
	[tilespmem:s30+$0xFFFFFFD0] =	vst v5;
	s30 =	smov.u32 s31  }
0x60: {  	v3 =	vld.idx.msk [tilespmem:v6+s21+$0x0], $0xffff  }
0x61: {  	v12 =	vld [tilespmem:s31+$0xFFFFFFE0]  }
0x62: {  	v4 =	vld [tilespmem:s31+$0x20]  }
.Ltmp1:
0x63: {  	v5 =	vld [tilespmem:s31+$0xFFFFFFD0];
	(pc) =	sbr.rel @p0 .LBB2_5-.Ltmp1, $3  }
0x64: {  	v6 =	vld [tilespmem:s31+$0x0];
	_ =	sdelay $0x1  }
0x65: {  	v8 =	vmul.f32 v8, v3;
	v10 =	vmul.f32 v7, v3  }
0x66: {  	v11 =	vmov s0;
	v9 =	vmul.f32 v9, v3;
	v7 =	vmul.f32 v12, v3  }
0x67: {  	[tilespmem:s30+$0x30] =	vst v10;
	v58 =	vand.u32 $0x7F, v11  }
0x68: {  	[tilespmem:s30+$0xFFFFFFC0] =	vst v8;
	v1 =	vadd.s32 v1, v58  }
0x69: {  	v2 =	vmul.f32 v2, v3;
	[tilespmem:s30+$0x10] =	vst v9;
	v1 =	vbroadcast v1, $0x0  }
0x6a: {  	s0 =	sadd.s32 $0x80, s31;
	[tilespmem:s30+$0xFFFFFFE0] =	vst v7;
	v6 =	vmul.f32 v6, v3  }
0x6b: {  	v4 =	vmul.f32 v4, v3;
	v3 =	vmul.f32 v5, v3;
	v7 =	vld [tilespmem:s0+$0xFFFFFFF0];
	[tilespmem:s30+$0xFFFFFFF0] =	vst v2  }
0x6c: {  	v2 =	vld [tilespmem:s0+$0x30];
	[tilespmem:s30+$0x0] =	vst v6  }
0x6d: {  	v60 =	vld [tilespmem:s0+$0xFFFFFFC0];
	[tilespmem:s30+$0xFFFFFFD0] =	vst v3  }
0x6e: {  	v59 =	vld [tilespmem:s0+$0x10];
	[tilespmem:s30+$0x20] =	vst v4  }
0x6f: {  	v1 =	vld.idx.msk [tilespmem:v1+s21+$0x0], $0xffff;
	_ =	sdelay $0x2  }
0x70: {  	v6 =	vld [tilespmem:s0+$0x0]  }
0x71: {  	v3 =	vld [tilespmem:s0+$0xFFFFFFE0]  }
0x72: {  	v2 =	vmul.f32 v2, v1  }
0x73: {  	v61 =	vld [tilespmem:s0+$0x20];
	v4 =	vmul.f32 v60, v1  }
0x74: {  	v62 =	vld [tilespmem:s0+$0xFFFFFFD0];
	v5 =	vmul.f32 v59, v1;
	[tilespmem:s0+$0x30] =	vst v2  }
0x75: {  	v63 =	vmul.f32 v6, v1;
	[tilespmem:s0+$0xFFFFFFC0] =	vst v4  }
0x76: {  	v2 =	vmul.f32 v3, v1;
	[tilespmem:s0+$0x10] =	vst v5  }
0x77: {  	v3 =	vmul.f32 v7, v1;
	[tilespmem:s0+$0x0] =	vst v63  }
0x78: {  	[tilespmem:s0+$0xFFFFFFE0] =	vst v2;
	v2 =	vmul.f32 v61, v1  }
0x79: {  	s28 =	sadd.s32 $0x1, s28;
	[tilespmem:s0+$0xFFFFFFF0] =	vst v3;
	v1 =	vmul.f32 v62, v1  }
0x7a: {  	p0 =	sne.s32 s28, $0x4F;
	[tilespmem:s0+$0x20] =	vst v2  }
.Ltmp2:
0x7b: {  	s31 =	sadd.s32 $0x2800, s29;
	[tilespmem:s0+$0xFFFFFFD0] =	vst v1;
	(pc) =	sbr.rel @p0 .LBB2_4-.Ltmp2, $4  }
0x7c: {  	[spmem:s2] =	stream.indirect.scatter.add.f32 [tilespmem:s22], [sflag:$0x2], $0x80, s31, s23, $0xb8;
	[tilespmem:$0x1F800] =	vst v63  }
0x7d: {  	_ =	swait.ge [sflag:s19], $0x4000  }
0x7e: {  	[sflag:s19] =	ssyncset.done $0x0  }
0x7f: {  	[sflag:s19] =	ssyncadd.s32 $0xFFFFC000  }
0x80: {  	s0 =	stileid.u32  }
0x81: {  	s0 =	sshll.u32 s0, $0x6  }
0x82: {  	[bflag:$0x0] =	sbarrier.arrive $0xFFFF;
	s1 =	sshrl.u32 s8, $0x3;
	s0 =	sor.u32 $0x1C02, s0  }
0x83: {  	[hbm:s13], [sflag:s0] =	dma.local [spmem:s1], $0x800  }
0x84: {  	_ =	swait.ge [sflag:s19], $0x800  }
0x85: {  	[sflag:s19] =	ssyncset.done $0x0  }
0x86: {  	s28 =	sshrl.u32 s9, $0x3;
	[sflag:s19] =	ssyncadd.s32 $0xFFFFF800  }
0x87: {  	[hbm:s14], [sflag:s0] =	dma.local [spmem:s28], $0x800  }
0x88: {  	_ =	swait.ge [sflag:s19], $0x800  }
0x89: {  	[sflag:s19] =	ssyncset.done $0x0  }
0x8a: {  	s29 =	sshrl.u32 s10, $0x3;
	[sflag:s19] =	ssyncadd.s32 $0xFFFFF800  }
0x8b: {  	[hbm:s15], [sflag:s0] =	dma.local [spmem:s29], $0x800  }
0x8c: {  	_ =	swait.ge [sflag:s19], $0x800  }
0x8d: {  	[sflag:s19] =	ssyncset.done $0x0  }
0x8e: {  	s30 =	sshrl.u32 s11, $0x3;
	[sflag:s19] =	ssyncadd.s32 $0xFFFFF800  }
0x8f: {  	[hbm:s16], [sflag:s0] =	dma.local [spmem:s30], $0x800  }
0x90: {  	s25 =	sadd.s32 $0x1, s25;
	_ =	swait.ge [sflag:s19], $0x800  }
0x91: {  	p0 =	sne.s32 s25, s18;
	[sflag:s19] =	ssyncset.done $0x0  }
.Ltmp3:
0x92: {  	s31 =	sshrl.u32 s12, $0x3;
	[sflag:s19] =	ssyncadd.s32 $0xFFFFF800;
	(pc) =	sbr.rel @p0 .LBB2_1-.Ltmp3, $4  }
0x93: {  	[hbm:s17], [sflag:s0] =	dma.local [spmem:s31], $0x800  }
0x94: {  	_ =	swait.ge [sflag:s19], $0x800  }
0x95: {  	[sflag:s19] =	ssyncset.done $0x0  }
0x96: {  	[sflag:s19] =	ssyncadd.s32 $0xFFFFF800  }
0x97: {  	_ =	sfence.sel $0x180000  }
0x98: {  	[bflag:$0x0] =	sbarrier.arrive $0xFFFF  }
0x99: {  	_ =	strace $0x9000005C  }
0x9a: {  	s0 =	stileid.u32;
	[bflag:$0x2] =	sbarrier.arrive $0xFFFF  }
0x9b: {  	p0 =	sne.s32 s0, $0x0;
	s0 =	rddreg [dreg:$0x2]  }
0x9c: {  	s0 =	sadd.s32 @!p0 $0x100000, s0  }
0x9d: {  	[sflag:s0] =	ssyncadd.tile.s32 @!p0 $0x1;
	_ =	shalt  }
.Lfunc_end2:
_tile_overlayer_lowered:
.L_overlay_start_2:
0x9e: {  	(tag) =	ssettag $0x2  }
0x9f: {  	s0 =	rddreg [dreg:$0x0];
	s2 =	stileid.u32  }
0xa0: {  	s1 =	rddreg [dreg:$0x1];
	p0 =	sne.s32 s2, $0x0  }
0xa1: {  	s3 =	rddreg [dreg:$0x2];
	[bflag:$0x3] =	sbarrier.arrive $0xFFFF;
	s2 =	simm.s32 @!p0 $0x1C02  }
0xa2: {  	[timem:s3], [sflag:s2] =	dma.local @!p0 [hbm:s0], s1  }
0xa3: {  	s0 =	simm.s32 @!p0 $0x2  }
0xa4: {  	_ =	swait.ge @!p0 [sflag:s0], s1  }
0xa5: {  	s1 =	ssub.s32 @!p0 $0x0, s1;
	[sflag:s0] =	ssyncset.done @!p0 $0x0  }
0xa6: {  	[sflag:s0] =	ssyncadd.s32 @!p0 s1  }
0xa7: {  	[bflag:$0x3] =	sbarrier.arrive $0xFFFF  }
0xa8: {  	_ =	shalt  }

// kernel: closed_call.48.cloned.1.call-start
scs
__scs_entry_jumppad:
0x0: {  	(pc) =	sbr.rel $0x88, $3  }
0x1: {  	(tag) =	ssettag $0x0;
	lr =	simm.s32 $0x1  }
0x2: {  	[smem:$0x3F86] =	sst lr;
	_ =	strace $0xD0000000  }
0x3: {  	_ = 	snop  }
0x4: {  	_ = 	snop  }
0x5: {  	_ = 	snop  }
0x6: {  	_ = 	snop  }
0x7: {  	_ = 	snop  }
__scs_overlays_trampoline_lowered:
0x8: {  	[smem:$0x3F95] =	sst s0  }
0x9: {  	[smem:$0x3F96] =	sst s1  }
0xa: {  	[smem:$0x3F97] =	sst s2  }
0xb: {  	[smem:$0x3F98] =	sst s3  }
0xc: {  	[smem:$0x3F99] =	sst s4  }
0xd: {  	[smem:$0x3F9A] =	sst s5  }
0xe: {  	[smem:$0x3F9B] =	sst s6  }
0xf: {  	[smem:$0x3F9C] =	sst s7  }
0x10: {  	[smem:$0x3F9D] =	sst s8  }
0x11: {  	[smem:$0x3F9E] =	sst s9;
	s0 =	simm.s32 @!p0 $0x0  }
0x12: {  	s1 =	sld [smem:$0x3F84];
	s0 =	simm.s32 @p0 $0x1  }
0x13: {  	[smem:$0x3F9F] =	sst s0;
	s0 =	simm.s32 @!p1 $0x0  }
0x14: {  	s2 =	sld [smem:$0x3F83];
	s0 =	simm.s32 @p1 $0x1  }
0x15: {  	[smem:$0x3FA0] =	sst s0;
	s0 =	simm.s32 @!p2 $0x0  }
0x16: {  	s3 =	sld [smem:$0x3FDB];
	s0 =	simm.s32 @p2 $0x1  }
0x17: {  	s4 =	simm.s32 $0x1BF5;
	[smem:$0x3FA2] =	sst s0  }
0x18: {  	s0 =	sld [smem:$0x3F85];
	_ =	swait.ge [sflag:s4], $0x0  }
0x19: {  	s7 =	sld [smem:$0x3F86]  }
0x1a: {  	s8 =	sadd.s32 $0xFFFFE003, lr  }
0x1b: {  	s9 =	sadd.s32 $0xFFFFFEF7, lr;
	s5 =	simm.s32 $0xFFFFFFFF;
	p2 =	slt.u32 s8, $0xFFFFF086  }
0x1c: {  	p1 =	slt.u32 s9, $0xF7A;
	s5 =	simm.s32 @!p2 $0x0  }
0x1d: {  	s5 =	simm.s32 @p1 $0x1;
	p0 =	seq.s32 s7, s2  }
0x1e: {  	s7 =	smul.u32 @!p0 $0xF7A, s2;
	p2 =	seq.s32 @!p0 s5, $0x0  }
0x1f: {  	s9 =	smul.u32 $0xF7A, s1;
	s8 =	simm.s32 @!p0 $0x1BF5;
	p2 =	por !p2, p0  }
0x20: {  	[sflag:s8] =	ssyncset.s32 @!p0 $0xFFFFF086;
	s6 =	sadd.s32 @!p0 s3, s7;
	s7 =	simm.s32 @!p0 $0x108  }
0x21: {  	s3 =	sadd.s32 s3, s9;
	s6 =	sadd.s32 @!p0 $0x88, s6;
	s7 =	simm.s32 @p2 $0x1082  }
0x22: {  	[simem:s7], [sflag:s8] =	dma.local @!p0 [hbm:s6], $0xF7A  }
0x23: {  	s9 =	sor.u32 $0xD0000000, s2;
	s6 =	simm.s32 $0x108;
	_ =	swait.ge @!p0 [sflag:s8], $0x0  }
0x24: {  	s3 =	sadd.s32 $0x88, s3;
	s6 =	simm.s32 @!p1 $0x1082;
	[sflag:s4] =	ssyncset.s32 $0xFFFFF086  }
0x25: {  	[simem:s6], [sflag:s4] =	dma.local [hbm:s3], $0xF7A  }
0x26: {  	[smem:$0x3F86] =	sst s1;
	(tag) =	ssettag s2;
	_ =	strace s9  }
0x27: {  	s1 =	sld [smem:$0x3F96]  }
0x28: {  	s2 =	sld [smem:$0x3F97]  }
0x29: {  	s4 =	sld [smem:$0x3F99]  }
0x2a: {  	p0 =	seq.s32 s5, $0x0;
	s5 =	sld [smem:$0x3F9A]  }
0x2b: {  	s6 =	sld [smem:$0x3F9B]  }
0x2c: {  	s7 =	sld [smem:$0x3F9C]  }
0x2d: {  	s3 =	simm.s32 $0x108;
	s8 =	sld [smem:$0x3F9D]  }
0x2e: {  	s3 =	simm.s32 @!p0 $0x1082;
	s9 =	sld [smem:$0x3F9E]  }
0x2f: {  	lr =	sadd.s32 s0, s3;
	s0 =	sld [smem:$0x3F95]  }
0x30: {  	s3 =	sld [smem:$0x3F98]  }
0x31: {  	[smem:$0x3FA1] =	sst s10  }
0x32: {  	s10 =	sld [smem:$0x3F9F];
	_ =	sdelay $0x3  }
0x33: {  	p0 =	seq.s32 s10, $0x1;
	s10 =	sld [smem:$0x3FA1];
	_ =	sdelay $0x3  }
0x34: {  	[smem:$0x3FA1] =	sst s10  }
0x35: {  	s10 =	sld [smem:$0x3FA0];
	_ =	sdelay $0x3  }
0x36: {  	p1 =	seq.s32 s10, $0x1;
	s10 =	sld [smem:$0x3FA1];
	_ =	sdelay $0x3  }
0x37: {  	[smem:$0x3FA1] =	sst s10  }
0x38: {  	s10 =	sld [smem:$0x3FA2]  }
0x39: {  	_ = 	snop;
	(pc) =	sbr.ind lr, $3  }
0x3a: {  	_ = 	snop  }
0x3b: {  	_ = 	snop  }
0x3c: {  	p2 =	seq.s32 s10, $0x1;
	s10 =	sld [smem:$0x3FA1]  }
0x3d: {  	_ =	shalt  }
0x3e: {  	_ =	shalt  }
0x3f: {  	_ =	shalt  }
0x40: {  	_ =	shalt  }
0x41: {  	_ =	shalt  }
0x42: {  	_ =	shalt  }
0x43: {  	_ =	shalt  }
0x44: {  	_ =	shalt  }
0x45: {  	_ =	shalt  }
0x46: {  	_ =	shalt  }
0x47: {  	_ =	shalt  }
0x48: {  	_ =	shalt  }
0x49: {  	_ =	shalt  }
0x4a: {  	_ =	shalt  }
0x4b: {  	_ =	shalt  }
0x4c: {  	_ =	shalt  }
0x4d: {  	_ =	shalt  }
0x4e: {  	_ =	shalt  }
0x4f: {  	_ =	shalt  }
0x50: {  	_ =	shalt  }
0x51: {  	_ =	shalt  }
0x52: {  	_ =	shalt  }
0x53: {  	_ =	shalt  }
0x54: {  	_ =	shalt  }
0x55: {  	_ =	shalt  }
0x56: {  	_ =	shalt  }
0x57: {  	_ =	shalt  }
0x58: {  	_ =	shalt  }
0x59: {  	_ =	shalt  }
0x5a: {  	_ =	shalt  }
0x5b: {  	_ =	shalt  }
0x5c: {  	_ =	shalt  }
0x5d: {  	_ =	shalt  }
0x5e: {  	_ =	shalt  }
0x5f: {  	_ =	shalt  }
0x60: {  	_ =	shalt  }
0x61: {  	_ =	shalt  }
0x62: {  	_ =	shalt  }
0x63: {  	_ =	shalt  }
0x64: {  	_ =	shalt  }
0x65: {  	_ =	shalt  }
0x66: {  	_ =	shalt  }
0x67: {  	_ =	shalt  }
0x68: {  	_ =	shalt  }
0x69: {  	_ =	shalt  }
0x6a: {  	_ =	shalt  }
0x6b: {  	_ =	shalt  }
0x6c: {  	_ =	shalt  }
0x6d: {  	_ =	shalt  }
0x6e: {  	_ =	shalt  }
0x6f: {  	_ =	shalt  }
0x70: {  	_ =	shalt  }
0x71: {  	_ =	shalt  }
0x72: {  	_ =	shalt  }
0x73: {  	_ =	shalt  }
0x74: {  	_ =	shalt  }
0x75: {  	_ =	shalt  }
0x76: {  	_ =	shalt  }
0x77: {  	_ =	shalt  }
0x78: {  	_ =	shalt  }
0x79: {  	_ =	shalt  }
0x7a: {  	_ =	shalt  }
0x7b: {  	_ =	shalt  }
0x7c: {  	_ =	shalt  }
0x7d: {  	_ =	shalt  }
0x7e: {  	_ =	shalt  }
0x7f: {  	_ =	shalt  }
0x80: {  	_ =	shalt  }
0x81: {  	_ =	shalt  }
0x82: {  	_ =	shalt  }
0x83: {  	_ =	shalt  }
0x84: {  	_ =	shalt  }
0x85: {  	_ =	shalt  }
0x86: {  	_ =	shalt  }
0x87: {  	_ =	shalt  }
.Lfunc_end0:
.L_simem_size_0:
called_computation.6_lowered:
.L_overlay_start_0:
0x88: {  	s2 =	sld [smem:$0x3FD9]  }
0x89: {  	s3 =	sld [smem:$0x3FFE];
	_ =	sdelay $0x1  }
0x8a: {  	s1 =	srdreg.scid  }
0x8b: {  	s0 =	sand.u32 $0x1, s1  }
0x8c: {  	s16 =	sshll.u32 s0, $0xA;
	s2 =	sadd.s32 s3, s2  }
0x8d: {  	s2 =	sadd.s32 s2, s16  }
0x8e: {  	[smem:$0x3FAD] =	sst s2  }
0x8f: {  	_ = 	snop  }
0x90: {  	(tm) =	ssettm $0x1  }
0x91: {  	s17 =	sld [smem:$0x3FFB];
	_ =	sdelay $0x3  }
0x92: {  	_ =	strace s17  }
0x93: {  	s2 =	sld [smem:$0x3FFC];
	_ =	sdelay $0x3  }
0x94: {  	_ =	strace s2  }
0x95: {  	s2 =	sld [smem:$0x3FFD];
	_ =	sdelay $0x3  }
0x96: {  	_ =	strace s2  }
0x97: {  	_ =	strace $0x8FFFFFFF  }
0x98: {  	s18 =	sld [smem:$0x3FDB];
	_ =	sdelay $0x1  }
0x99: {  	s19 =	simm.s32 $_scs_section_size  }
0x9a: {  	s4 =	simm.s32 $_size__tile_overlayer_lowered;
	s5 =	simm.s32 $_tile_overlayer_lowered  }
0x9b: {  	s22 =	simm.s32 $0x1BFF;
	s21 =	sshll.u32 s5, $0x1;
	s2 =	sadd.s32 s19, s18  }
0x9c: {  	s6 =	simm.s32 $0x0;
	s20 =	sshll.u32 s4, $0x1;
	s4 =	sadd.s32 s21, s2  }
0x9d: {  	[timem:s6], [sflag:s22] =	dma.local [hbm:s4], s20  }
0x9e: {  	_ =	swait.ge [sflag:s22], s20  }
0x9f: {  	s3 =	ssub.s32 $0x0, s20;
	[sflag:s22] =	ssyncset.done $0x0  }
0xa0: {  	[sflag:s22] =	ssyncadd.s32 s3;
	_ =	sdelay $0x1  }
0xa1: {  	s23 =	simm.s32 $0x1B8B  }
0xa2: {  	_ =	swait.ge [sflag:s23], $0x1  }
0xa3: {  	[sflag:s23] =	ssyncset.done $0x0  }
0xa4: {  	s25 =	simm.s32 $0x1B8E;
	s24 =	sld [smem:$0x3FFE];
	[sflag:s23] =	ssyncadd.s32 $0xFFFFFFFF  }
0xa5: {  	s26 =	simm.s32 $execute0_lowered;
	[smem:$0x3FD2] =	sst s25  }
0xa6: {  	s4 =	sshll.u32 s26, $0x1;
	_ =	strace $0x8000005E;
	[dreg:$0x1] =	wrdreg $0xFFFFFFFF  }
0xa7: {  	s28 =	simm.s32 $_size_execute0_lowered;
	s2 =	sadd.s32 s2, s4;
	[dreg:$0x0] =	wrdreg $0x0  }
0xa8: {  	s4 =	sshll.u32 s28, $0x1;
	[dreg:$0x2] =	wrdreg s2  }
0xa9: {  	[dreg:$0x3] =	wrdreg s4  }
0xaa: {  	[dreg:$0x4] =	wrdreg $0xC0  }
0xab: {  	_ =	task [dreg:s6], $0x5FFFF  }
0xac: {  	[dreg:$0x1] =	wrdreg $0xFFFFFFFF  }
0xad: {  	[dreg:$0x0] =	wrdreg $0x60  }
0xae: {  	[dreg:$0x2] =	wrdreg s24  }
0xaf: {  	[dreg:$0x3] =	wrdreg $0xB8000  }
0xb0: {  	[dreg:$0x4] =	wrdreg $0x9  }
0xb1: {  	_ =	task.clear_ibuf [dreg:s6], $0x5FFFF;
	_ =	strace $0x9000005E  }
0xb2: {  	s29 =	simm.s32 $0x9;
	_ =	strace $0x80000060  }
0xb3: {  	_ =	swait.ge [sflag:s29], $0x1  }
0xb4: {  	[sflag:s29] =	ssyncadd.s32 $0xFFFFFFFF  }
0xb5: {  	_ =	strace $0x90000060  }
0xb6: {  	_ =	sfence  }
0xb7: {  	s30 =	sld [smem:$0x0];
	_ =	sdelay $0x2  }
0xb8: {  	s31 =	sshll.u32 s1, $0xD;
	s1 =	sshrl.u32 s1, $0x2  }
0xb9: {  	s3 =	sand.u32 $0x4000, s31;
	s1 =	sadd.s32 s1, s30  }
0xba: {  	s0 =	sor.u32 s3, s0;
	s1 =	sshll.u32 s1, $0x11  }
0xbb: {  	s0 =	sor.u32 s1, s0  }
0xbc: {  	s0 =	sadd.s32 $0x8F2B, s0  }
0xbd: {  	[sflag:s0] =	ssyncadd.remote.s32 $0x1  }
0xbe: {  	_ =	sfence.sel $0xFFFF  }
0xbf: {  	[dreg:$0x0] =	wrdreg $0xFFFFFFFF;
	(pc) =	sbr.abs _section_cstart, $3  }
0xc0: {  	[dreg:$0x1] =	wrdreg $0xFFFFFFFF  }
0xc1: {  	_ =	task.clear_ibuf [dreg:s6], $0x2FFFF;
	_ =	strace $0x9FFFFFFF  }
0xc2: {  	(tm) =	ssettm $0x7FFFFFFF  }
0xc3: {  	_ =	shalt  }
tec
execute0_lowered:
.L_overlay_start_1:
0x0: {  	(tag) =	ssettag $0x1  }
0x1: {  	s0 =	srdreg.scid  }
0x2: {  	s1 =	rddreg [dreg:$0x0];
	s28 =	stileid.u32  }
0x3: {  	s2 =	rddreg [dreg:$0x1];
	s3 =	simm.s32 $0x0;
	s21 =	simm.s32 $0x5000  }
0x4: {  	s22 =	simm.s32 $0x7800;
	s23 =	simm.s32 $0x80;
	s5 =	smul.u32 $0x2800, s28  }
0x5: {  	s24 =	simm.s32 $0x1;
	s25 =	simm.s32 $0x0;
	s8 =	smul.u32 $0x50000, s28  }
0x6: {  	s9 =	sand.u32 $0x1, s0;
	[smem:$0x7FF] =	sst s3;
	s12 =	smul.u32 $0x14000, s28  }
0x7: {  	s4 =	smul.u32 $0x28000, s9;
	_ =	strace $0x8000005F;
	s29 =	ssub.s32 $0x2, s9  }
0x8: {  	s15 =	smul.u32 $0x140000, s9;
	s6 =	sshrl.u32 s29, $0x1;
	s8 =	sshrl.u32 s8, $0x2  }
0x9: {  	s13 =	sadd.s32 $0x4000, s12;
	s16 =	sadd.s32 $0x8000, s12;
	s17 =	sadd.s32 $0xC000, s12  }
0xa: {  	s19 =	sadd.s32 $0x10000, s12;
	s4 =	sadd.s32 s5, s4;
	s18 =	ssub.s32 s29, s6  }
0xb: {  	s8 =	sadd.s32 s8, s2;
	s9 =	sadd.s32 s13, s2;
	s10 =	sadd.s32 s16, s2  }
0xc: {  	s11 =	sadd.s32 s17, s2;
	s14 =	sadd.s32 s12, s15;
	s20 =	sadd.s32 s15, s13  }
0xd: {  	s12 =	sadd.s32 s19, s2;
	s16 =	sadd.s32 s15, s16;
	s17 =	sadd.s32 s15, s17  }
0xe: {  	s19 =	sadd.s32 s15, s19;
	s5 =	sshrl.u32 s4, $0x3;
	s4 =	sadd.s32 $0x76800, s1  }
0xf: {  	s14 =	sshrl.u32 s14, $0x3;
	s30 =	sshrl.u32 s20, $0x3;
	s16 =	sshrl.u32 s16, $0x3  }
0x10: {  	s17 =	sshrl.u32 s17, $0x3;
	s31 =	sshrl.u32 s19, $0x3;
	s18 =	smax.u32 s18, $0x1  }
0x11: {  	s19 =	simm.s32 $0x2;
	s20 =	simm.s32 $0x2800;
	s7 =	sadd.s32 s5, s1  }
0x12: {  	s1 =	sadd.s32 $0x13BC00, s1;
	s5 =	sadd.s32 $0x45600, s7;
	s6 =	sadd.s32 $0x3B600, s7  }
0x13: {  	s7 =	sadd.s32 $0xA200, s7;
	s13 =	sadd.s32 s1, s14;
	s14 =	sadd.s32 s1, s30  }
0x14: {  	v0 =	vimm.f32 $0.0e+00;
	s15 =	sadd.s32 s1, s16;
	s16 =	sadd.s32 s1, s17;
	s17 =	sadd.s32 s1, s31  }
.LBB2_1:
0x15: {  	[tilespmem:s3], [sflag:$0x2] =	stream.linear.gather [hbm4b:s5+s3], $0x2780, $0x38;
	[tilespmem:$0x1F800] =	vst v63  }
0x16: {  	_ =	swait.ge [sflag:s19], $0x2780  }
0x17: {  	[sflag:s19] =	ssyncset.done $0x0  }
0x18: {  	[sflag:s19] =	ssyncadd.s32 $0xFFFFD880  }
0x19: {  	[tilespmem:s20], [sflag:$0x2] =	stream.linear.gather [hbm4b:s6+s3], $0x2780, $0x38;
	[tilespmem:$0x1F800] =	vst v63  }
0x1a: {  	_ =	swait.ge [sflag:s19], $0x2780  }
0x1b: {  	[sflag:s19] =	ssyncset.done $0x0  }
0x1c: {  	[sflag:s19] =	ssyncadd.s32 $0xFFFFD880  }
0x1d: {  	[tilespmem:s21], [sflag:$0x2] =	stream.linear.gather [hbm4b:s7+s3], $0x2780, $0x38;
	[tilespmem:$0x1F800] =	vst v63  }
0x1e: {  	_ =	swait.ge [sflag:s19], $0x2780  }
0x1f: {  	[sflag:s19] =	ssyncset.done $0x0  }
0x20: {  	s1 =	simm.s32 $0x0;
	s26 =	simm.s32 $0x200;
	[sflag:s19] =	ssyncadd.s32 $0xFFFFD880  }
.LBB2_2:
0x21: {  	p0 =	sne.s32 s26, $0xFE00;
	[tilespmem:s1+$0x7870] =	vst v0  }
0x22: {  	[tilespmem:s1+$0x7800] =	vst v0  }
0x23: {  	[tilespmem:s1+$0x7810] =	vst v0  }
.Ltmp0:
0x24: {  	[tilespmem:s1+$0x7820] =	vst v0;
	(pc) =	sbr.rel @p0 .LBB2_2-.Ltmp0, $4  }
0x25: {  	[tilespmem:s1+$0x7830] =	vst v0  }
0x26: {  	[tilespmem:s1+$0x7840] =	vst v0  }
0x27: {  	[tilespmem:s1+$0x7850] =	vst v0  }
0x28: {  	[tilespmem:s1+$0x7860] =	vst v0;
	s1 =	sshra.s32 s26, $0x2;
	s26 =	sadd.s32 $0x200, s26  }
0x29: {  	[tilespmem:s1+$0x7870] =	vst v0  }
0x2a: {  	[tilespmem:s1+$0x7800] =	vst v0  }
0x2b: {  	[tilespmem:s1+$0x7810] =	vst v0  }
0x2c: {  	[tilespmem:s1+$0x7820] =	vst v0  }
0x2d: {  	[tilespmem:s1+$0x7830] =	vst v0  }
0x2e: {  	[tilespmem:s1+$0x7840] =	vst v0  }
0x2f: {  	[tilespmem:s1+$0x7850] =	vst v0  }
0x30: {  	[tilespmem:s1+$0x7860] =	vst v0  }
0x31: {  	[spmem:s8] =	stream.linear.scatter [tilespmem:s22], [sflag:$0x2], $0x4000, $0x38;
	[tilespmem:$0x1F800] =	vst v63  }
0x32: {  	_ =	swait.ge [sflag:s19], $0x4000  }
0x33: {  	[sflag:s19] =	ssyncset.done $0x0  }
0x34: {  	[sflag:s19] =	ssyncadd.s32 $0xFFFFC000  }
0x35: {  	[spmem:s9] =	stream.linear.scatter [tilespmem:s22], [sflag:$0x2], $0x4000, $0x38;
	[tilespmem:$0x1F800] =	vst v63  }
0x36: {  	_ =	swait.ge [sflag:s19], $0x4000  }
0x37: {  	[sflag:s19] =	ssyncset.done $0x0  }
0x38: {  	[sflag:s19] =	ssyncadd.s32 $0xFFFFC000  }
0x39: {  	[spmem:s10] =	stream.linear.scatter [tilespmem:s22], [sflag:$0x2], $0x4000, $0x38;
	[tilespmem:$0x1F800] =	vst v63  }
0x3a: {  	_ =	swait.ge [sflag:s19], $0x4000  }
0x3b: {  	[sflag:s19] =	ssyncset.done $0x0  }
0x3c: {  	[sflag:s19] =	ssyncadd.s32 $0xFFFFC000  }
0x3d: {  	[spmem:s11] =	stream.linear.scatter [tilespmem:s22], [sflag:$0x2], $0x4000, $0x38;
	[tilespmem:$0x1F800] =	vst v63  }
0x3e: {  	_ =	swait.ge [sflag:s19], $0x4000  }
0x3f: {  	[sflag:s19] =	ssyncset.done $0x0  }
0x40: {  	[sflag:s19] =	ssyncadd.s32 $0xFFFFC000  }
0x41: {  	[spmem:s12] =	stream.linear.scatter [tilespmem:s22], [sflag:$0x2], $0x4000, $0x38;
	[tilespmem:$0x1F800] =	vst v63  }
0x42: {  	_ =	swait.ge [sflag:s19], $0x4000  }
0x43: {  	[sflag:s19] =	ssyncset.done $0x0  }
0x44: {  	[sflag:s19] =	ssyncadd.s32 $0xFFFFC000  }
0x45: {  	s26 =	simm.s32 $0x0;
	s28 =	simm.s32 $0x0;
	[bflag:$0x0] =	sbarrier.arrive $0xFFFF  }
.LBB2_4:
0x46: {  	s29 =	sshll.u32 s28, $0x7;
	v2 =	vmov s26  }
0x47: {  	v1 =	vmov s29;
	v2 =	vand.u32 $0x7F, v2  }
0x48: {  	[tilespmem:s22], [sflag:$0x1] =	stream.indirect.gather [hbm4b:s4+s23], $0x80, s29, s23, $0xb8;
	v2 =	vadd.s32 v1, v2;
	[tilespmem:$0x1F800] =	vst v63  }
0x49: {  	_ =	swait.ge [sflag:s24], $0x4000;
	v2 =	vbroadcast v2, $0x0  }
0x4a: {  	[sflag:s24] =	ssyncset.done $0x0  }
0x4b: {  	s30 =	simm.s32 $0x7840;
	[sflag:s24] =	ssyncadd.s32 $0xFFFFC000  }
0x4c: {  	v6 =	vld [tilespmem:s30+$0x30]  }
0x4d: {  	v9 =	vld [tilespmem:s30+$0x10]  }
0x4e: {  	v7 =	vld [tilespmem:s30+$0xFFFFFFC0]  }
0x4f: {  	v3 =	vld.idx.msk [tilespmem:v2+s21+$0x0], $0xffff  }
0x50: {  	v12 =	vld [tilespmem:s30+$0xFFFFFFE0]  }
0x51: {  	v4 =	vld [tilespmem:s30+$0x20]  }
0x52: {  	v5 =	vld [tilespmem:s30+$0xFFFFFFD0]  }
0x53: {  	v2 =	vld [tilespmem:s30+$0xFFFFFFF0]  }
0x54: {  	v10 =	vmul.f32 v6, v3;
	v6 =	vld [tilespmem:s30+$0x0]  }
0x55: {  	s31 =	simm.s32 $0x1;
	v8 =	vmul.f32 v7, v3  }
0x56: {  	s1 =	simm.s32 $0x2;
	v11 =	vmov s31;
	s31 =	simm.s32 $0x7840;
	v7 =	vmul.f32 v12, v3;
	v9 =	vmul.f32 v9, v3  }
.LBB2_5:
0x57: {  	p0 =	sne.s32 s1, $0x7F  }
0x58: {  	v11 =	vand.u32 $0x7F, v11;
	v5 =	vmul.f32 v5, v3;
	v4 =	vmul.f32 v4, v3;
	[tilespmem:s30+$0x30] =	vst v10;
	s31 =	sadd.s32 $0x80, s31;
	s0 =	smov.u32 s1;
	s1 =	sadd.s32 $0x1, s1  }
0x59: {  	v10 =	vadd.s32 v1, v11;
	[tilespmem:s30+$0xFFFFFFC0] =	vst v8;
	v8 =	vmul.f32 v2, v3;
	v3 =	vmul.f32 v6, v3  }
0x5a: {  	v6 =	vbroadcast v10, $0x0;
	[tilespmem:s30+$0x10] =	vst v9  }
0x5b: {  	[tilespmem:s30+$0xFFFFFFE0] =	vst v7  }
0x5c: {  	v2 =	vld [tilespmem:s31+$0xFFFFFFF0];
	[tilespmem:s30+$0xFFFFFFF0] =	vst v8  }
0x5d: {  	v7 =	vld [tilespmem:s31+$0x30];
	[tilespmem:s30+$0x0] =	vst v3  }
0x5e: {  	v9 =	vld [tilespmem:s31+$0x10];
	[tilespmem:s30+$0x20] =	vst v4  }
0x5f: {  	v8 =	vld [tilespmem:s31+$0xFFFFFFC0];
	[tilespmem:s30+$0xFFFFFFD0] =	vst v5;
	s30 =	smov.u32 s31  }
0x60: {  	v3 =	vld.idx.msk [tilespmem:v6+s21+$0x0], $0xffff  }
0x61: {  	v12 =	vld [tilespmem:s31+$0xFFFFFFE0]  }
0x62: {  	v4 =	vld [tilespmem:s31+$0x20]  }
.Ltmp1:
0x63: {  	v5 =	vld [tilespmem:s31+$0xFFFFFFD0];
	(pc) =	sbr.rel @p0 .LBB2_5-.Ltmp1, $3  }
0x64: {  	v6 =	vld [tilespmem:s31+$0x0];
	_ =	sdelay $0x1  }
0x65: {  	v8 =	vmul.f32 v8, v3;
	v10 =	vmul.f32 v7, v3  }
0x66: {  	v11 =	vmov s0;
	v9 =	vmul.f32 v9, v3;
	v7 =	vmul.f32 v12, v3  }
0x67: {  	[tilespmem:s30+$0x30] =	vst v10;
	v58 =	vand.u32 $0x7F, v11  }
0x68: {  	[tilespmem:s30+$0xFFFFFFC0] =	vst v8;
	v1 =	vadd.s32 v1, v58  }
0x69: {  	v2 =	vmul.f32 v2, v3;
	[tilespmem:s30+$0x10] =	vst v9;
	v1 =	vbroadcast v1, $0x0  }
0x6a: {  	s0 =	sadd.s32 $0x80, s31;
	[tilespmem:s30+$0xFFFFFFE0] =	vst v7;
	v6 =	vmul.f32 v6, v3  }
0x6b: {  	v4 =	vmul.f32 v4, v3;
	v3 =	vmul.f32 v5, v3;
	v7 =	vld [tilespmem:s0+$0xFFFFFFF0];
	[tilespmem:s30+$0xFFFFFFF0] =	vst v2  }
0x6c: {  	v2 =	vld [tilespmem:s0+$0x30];
	[tilespmem:s30+$0x0] =	vst v6  }
0x6d: {  	v60 =	vld [tilespmem:s0+$0xFFFFFFC0];
	[tilespmem:s30+$0xFFFFFFD0] =	vst v3  }
0x6e: {  	v59 =	vld [tilespmem:s0+$0x10];
	[tilespmem:s30+$0x20] =	vst v4  }
0x6f: {  	v1 =	vld.idx.msk [tilespmem:v1+s21+$0x0], $0xffff;
	_ =	sdelay $0x2  }
0x70: {  	v6 =	vld [tilespmem:s0+$0x0]  }
0x71: {  	v3 =	vld [tilespmem:s0+$0xFFFFFFE0]  }
0x72: {  	v2 =	vmul.f32 v2, v1  }
0x73: {  	v61 =	vld [tilespmem:s0+$0x20];
	v4 =	vmul.f32 v60, v1  }
0x74: {  	v62 =	vld [tilespmem:s0+$0xFFFFFFD0];
	v5 =	vmul.f32 v59, v1;
	[tilespmem:s0+$0x30] =	vst v2  }
0x75: {  	v63 =	vmul.f32 v6, v1;
	[tilespmem:s0+$0xFFFFFFC0] =	vst v4  }
0x76: {  	v2 =	vmul.f32 v3, v1;
	[tilespmem:s0+$0x10] =	vst v5  }
0x77: {  	v3 =	vmul.f32 v7, v1;
	[tilespmem:s0+$0x0] =	vst v63  }
0x78: {  	[tilespmem:s0+$0xFFFFFFE0] =	vst v2;
	v2 =	vmul.f32 v61, v1  }
0x79: {  	s28 =	sadd.s32 $0x1, s28;
	[tilespmem:s0+$0xFFFFFFF0] =	vst v3;
	v1 =	vmul.f32 v62, v1  }
0x7a: {  	p0 =	sne.s32 s28, $0x4F;
	[tilespmem:s0+$0x20] =	vst v2  }
.Ltmp2:
0x7b: {  	s31 =	sadd.s32 $0x2800, s29;
	[tilespmem:s0+$0xFFFFFFD0] =	vst v1;
	(pc) =	sbr.rel @p0 .LBB2_4-.Ltmp2, $4  }
0x7c: {  	[spmem:s2] =	stream.indirect.scatter.add.f32 [tilespmem:s22], [sflag:$0x2], $0x80, s31, s23, $0xb8;
	[tilespmem:$0x1F800] =	vst v63  }
0x7d: {  	_ =	swait.ge [sflag:s19], $0x4000  }
0x7e: {  	[sflag:s19] =	ssyncset.done $0x0  }
0x7f: {  	[sflag:s19] =	ssyncadd.s32 $0xFFFFC000  }
0x80: {  	s0 =	stileid.u32  }
0x81: {  	s0 =	sshll.u32 s0, $0x6  }
0x82: {  	[bflag:$0x0] =	sbarrier.arrive $0xFFFF;
	s1 =	sshrl.u32 s8, $0x3;
	s0 =	sor.u32 $0x1C02, s0  }
0x83: {  	[hbm:s13], [sflag:s0] =	dma.local [spmem:s1], $0x800  }
0x84: {  	_ =	swait.ge [sflag:s19], $0x800  }
0x85: {  	[sflag:s19] =	ssyncset.done $0x0  }
0x86: {  	s28 =	sshrl.u32 s9, $0x3;
	[sflag:s19] =	ssyncadd.s32 $0xFFFFF800  }
0x87: {  	[hbm:s14], [sflag:s0] =	dma.local [spmem:s28], $0x800  }
0x88: {  	_ =	swait.ge [sflag:s19], $0x800  }
0x89: {  	[sflag:s19] =	ssyncset.done $0x0  }
0x8a: {  	s29 =	sshrl.u32 s10, $0x3;
	[sflag:s19] =	ssyncadd.s32 $0xFFFFF800  }
0x8b: {  	[hbm:s15], [sflag:s0] =	dma.local [spmem:s29], $0x800  }
0x8c: {  	_ =	swait.ge [sflag:s19], $0x800  }
0x8d: {  	[sflag:s19] =	ssyncset.done $0x0  }
0x8e: {  	s30 =	sshrl.u32 s11, $0x3;
	[sflag:s19] =	ssyncadd.s32 $0xFFFFF800  }
0x8f: {  	[hbm:s16], [sflag:s0] =	dma.local [spmem:s30], $0x800  }
0x90: {  	s25 =	sadd.s32 $0x1, s25;
	_ =	swait.ge [sflag:s19], $0x800  }
0x91: {  	p0 =	sne.s32 s25, s18;
	[sflag:s19] =	ssyncset.done $0x0  }
.Ltmp3:
0x92: {  	s31 =	sshrl.u32 s12, $0x3;
	[sflag:s19] =	ssyncadd.s32 $0xFFFFF800;
	(pc) =	sbr.rel @p0 .LBB2_1-.Ltmp3, $4  }
0x93: {  	[hbm:s17], [sflag:s0] =	dma.local [spmem:s31], $0x800  }
0x94: {  	_ =	swait.ge [sflag:s19], $0x800  }
0x95: {  	[sflag:s19] =	ssyncset.done $0x0  }
0x96: {  	[sflag:s19] =	ssyncadd.s32 $0xFFFFF800  }
0x97: {  	_ =	sfence.sel $0x180000  }
0x98: {  	[bflag:$0x0] =	sbarrier.arrive $0xFFFF  }
0x99: {  	_ =	strace $0x9000005F  }
0x9a: {  	s0 =	stileid.u32;
	[bflag:$0x2] =	sbarrier.arrive $0xFFFF  }
0x9b: {  	p0 =	sne.s32 s0, $0x0;
	s0 =	rddreg [dreg:$0x2]  }
0x9c: {  	s0 =	sadd.s32 @!p0 $0x100000, s0  }
0x9d: {  	[sflag:s0] =	ssyncadd.tile.s32 @!p0 $0x1;
	_ =	shalt  }
.Lfunc_end2:
_tile_overlayer_lowered:
.L_overlay_start_2:
0x9e: {  	(tag) =	ssettag $0x2  }
0x9f: {  	s0 =	rddreg [dreg:$0x0];
	s2 =	stileid.u32  }
0xa0: {  	s1 =	rddreg [dreg:$0x1];
	p0 =	sne.s32 s2, $0x0  }
0xa1: {  	s3 =	rddreg [dreg:$0x2];
	[bflag:$0x3] =	sbarrier.arrive $0xFFFF;
	s2 =	simm.s32 @!p0 $0x1C02  }
0xa2: {  	[timem:s3], [sflag:s2] =	dma.local @!p0 [hbm:s0], s1  }
0xa3: {  	s0 =	simm.s32 @!p0 $0x2  }
0xa4: {  	_ =	swait.ge @!p0 [sflag:s0], s1  }
0xa5: {  	s1 =	ssub.s32 @!p0 $0x0, s1;
	[sflag:s0] =	ssyncset.done @!p0 $0x0  }
0xa6: {  	[sflag:s0] =	ssyncadd.s32 @!p0 s1  }
0xa7: {  	[bflag:$0x3] =	sbarrier.arrive $0xFFFF  }
0xa8: {  	_ =	shalt  }

// kernel: scatter_offload_async_start.1
scs
__scs_entry_jumppad:
0x0: {  	(pc) =	sbr.rel $0x88, $3  }
0x1: {  	(tag) =	ssettag $0x0;
	lr =	simm.s32 $0x1  }
0x2: {  	[smem:$0x3F86] =	sst lr;
	_ =	strace $0xD0000000  }
0x3: {  	_ = 	snop  }
0x4: {  	_ = 	snop  }
0x5: {  	_ = 	snop  }
0x6: {  	_ = 	snop  }
0x7: {  	_ = 	snop  }
__scs_overlays_trampoline_lowered:
0x8: {  	[smem:$0x3F95] =	sst s0  }
0x9: {  	[smem:$0x3F96] =	sst s1  }
0xa: {  	[smem:$0x3F97] =	sst s2  }
0xb: {  	[smem:$0x3F98] =	sst s3  }
0xc: {  	[smem:$0x3F99] =	sst s4  }
0xd: {  	[smem:$0x3F9A] =	sst s5  }
0xe: {  	[smem:$0x3F9B] =	sst s6  }
0xf: {  	[smem:$0x3F9C] =	sst s7  }
0x10: {  	[smem:$0x3F9D] =	sst s8  }
0x11: {  	[smem:$0x3F9E] =	sst s9;
	s0 =	simm.s32 @!p0 $0x0  }
0x12: {  	s1 =	sld [smem:$0x3F84];
	s0 =	simm.s32 @p0 $0x1  }
0x13: {  	[smem:$0x3F9F] =	sst s0;
	s0 =	simm.s32 @!p1 $0x0  }
0x14: {  	s2 =	sld [smem:$0x3F83];
	s0 =	simm.s32 @p1 $0x1  }
0x15: {  	[smem:$0x3FA0] =	sst s0;
	s0 =	simm.s32 @!p2 $0x0  }
0x16: {  	s3 =	sld [smem:$0x3FDB];
	s0 =	simm.s32 @p2 $0x1  }
0x17: {  	s4 =	simm.s32 $0x1BF5;
	[smem:$0x3FA2] =	sst s0  }
0x18: {  	s0 =	sld [smem:$0x3F85];
	_ =	swait.ge [sflag:s4], $0x0  }
0x19: {  	s7 =	sld [smem:$0x3F86]  }
0x1a: {  	s8 =	sadd.s32 $0xFFFFE003, lr  }
0x1b: {  	s9 =	sadd.s32 $0xFFFFFEF7, lr;
	s5 =	simm.s32 $0xFFFFFFFF;
	p2 =	slt.u32 s8, $0xFFFFF086  }
0x1c: {  	p1 =	slt.u32 s9, $0xF7A;
	s5 =	simm.s32 @!p2 $0x0  }
0x1d: {  	s5 =	simm.s32 @p1 $0x1;
	p0 =	seq.s32 s7, s2  }
0x1e: {  	s7 =	smul.u32 @!p0 $0xF7A, s2;
	p2 =	seq.s32 @!p0 s5, $0x0  }
0x1f: {  	s9 =	smul.u32 $0xF7A, s1;
	s8 =	simm.s32 @!p0 $0x1BF5;
	p2 =	por !p2, p0  }
0x20: {  	[sflag:s8] =	ssyncset.s32 @!p0 $0xFFFFF086;
	s6 =	sadd.s32 @!p0 s3, s7;
	s7 =	simm.s32 @!p0 $0x108  }
0x21: {  	s3 =	sadd.s32 s3, s9;
	s6 =	sadd.s32 @!p0 $0x88, s6;
	s7 =	simm.s32 @p2 $0x1082  }
0x22: {  	[simem:s7], [sflag:s8] =	dma.local @!p0 [hbm:s6], $0xF7A  }
0x23: {  	s9 =	sor.u32 $0xD0000000, s2;
	s6 =	simm.s32 $0x108;
	_ =	swait.ge @!p0 [sflag:s8], $0x0  }
0x24: {  	s3 =	sadd.s32 $0x88, s3;
	s6 =	simm.s32 @!p1 $0x1082;
	[sflag:s4] =	ssyncset.s32 $0xFFFFF086  }
0x25: {  	[simem:s6], [sflag:s4] =	dma.local [hbm:s3], $0xF7A  }
0x26: {  	[smem:$0x3F86] =	sst s1;
	(tag) =	ssettag s2;
	_ =	strace s9  }
0x27: {  	s1 =	sld [smem:$0x3F96]  }
0x28: {  	s2 =	sld [smem:$0x3F97]  }
0x29: {  	s4 =	sld [smem:$0x3F99]  }
0x2a: {  	p0 =	seq.s32 s5, $0x0;
	s5 =	sld [smem:$0x3F9A]  }
0x2b: {  	s6 =	sld [smem:$0x3F9B]  }
0x2c: {  	s7 =	sld [smem:$0x3F9C]  }
0x2d: {  	s3 =	simm.s32 $0x108;
	s8 =	sld [smem:$0x3F9D]  }
0x2e: {  	s3 =	simm.s32 @!p0 $0x1082;
	s9 =	sld [smem:$0x3F9E]  }
0x2f: {  	lr =	sadd.s32 s0, s3;
	s0 =	sld [smem:$0x3F95]  }
0x30: {  	s3 =	sld [smem:$0x3F98]  }
0x31: {  	[smem:$0x3FA1] =	sst s10  }
0x32: {  	s10 =	sld [smem:$0x3F9F];
	_ =	sdelay $0x3  }
0x33: {  	p0 =	seq.s32 s10, $0x1;
	s10 =	sld [smem:$0x3FA1];
	_ =	sdelay $0x3  }
0x34: {  	[smem:$0x3FA1] =	sst s10  }
0x35: {  	s10 =	sld [smem:$0x3FA0];
	_ =	sdelay $0x3  }
0x36: {  	p1 =	seq.s32 s10, $0x1;
	s10 =	sld [smem:$0x3FA1];
	_ =	sdelay $0x3  }
0x37: {  	[smem:$0x3FA1] =	sst s10  }
0x38: {  	s10 =	sld [smem:$0x3FA2]  }
0x39: {  	_ = 	snop;
	(pc) =	sbr.ind lr, $3  }
0x3a: {  	_ = 	snop  }
0x3b: {  	_ = 	snop  }
0x3c: {  	p2 =	seq.s32 s10, $0x1;
	s10 =	sld [smem:$0x3FA1]  }
0x3d: {  	_ =	shalt  }
0x3e: {  	_ =	shalt  }
0x3f: {  	_ =	shalt  }
0x40: {  	_ =	shalt  }
0x41: {  	_ =	shalt  }
0x42: {  	_ =	shalt  }
0x43: {  	_ =	shalt  }
0x44: {  	_ =	shalt  }
0x45: {  	_ =	shalt  }
0x46: {  	_ =	shalt  }
0x47: {  	_ =	shalt  }
0x48: {  	_ =	shalt  }
0x49: {  	_ =	shalt  }
0x4a: {  	_ =	shalt  }
0x4b: {  	_ =	shalt  }
0x4c: {  	_ =	shalt  }
0x4d: {  	_ =	shalt  }
0x4e: {  	_ =	shalt  }
0x4f: {  	_ =	shalt  }
0x50: {  	_ =	shalt  }
0x51: {  	_ =	shalt  }
0x52: {  	_ =	shalt  }
0x53: {  	_ =	shalt  }
0x54: {  	_ =	shalt  }
0x55: {  	_ =	shalt  }
0x56: {  	_ =	shalt  }
0x57: {  	_ =	shalt  }
0x58: {  	_ =	shalt  }
0x59: {  	_ =	shalt  }
0x5a: {  	_ =	shalt  }
0x5b: {  	_ =	shalt  }
0x5c: {  	_ =	shalt  }
0x5d: {  	_ =	shalt  }
0x5e: {  	_ =	shalt  }
0x5f: {  	_ =	shalt  }
0x60: {  	_ =	shalt  }
0x61: {  	_ =	shalt  }
0x62: {  	_ =	shalt  }
0x63: {  	_ =	shalt  }
0x64: {  	_ =	shalt  }
0x65: {  	_ =	shalt  }
0x66: {  	_ =	shalt  }
0x67: {  	_ =	shalt  }
0x68: {  	_ =	shalt  }
0x69: {  	_ =	shalt  }
0x6a: {  	_ =	shalt  }
0x6b: {  	_ =	shalt  }
0x6c: {  	_ =	shalt  }
0x6d: {  	_ =	shalt  }
0x6e: {  	_ =	shalt  }
0x6f: {  	_ =	shalt  }
0x70: {  	_ =	shalt  }
0x71: {  	_ =	shalt  }
0x72: {  	_ =	shalt  }
0x73: {  	_ =	shalt  }
0x74: {  	_ =	shalt  }
0x75: {  	_ =	shalt  }
0x76: {  	_ =	shalt  }
0x77: {  	_ =	shalt  }
0x78: {  	_ =	shalt  }
0x79: {  	_ =	shalt  }
0x7a: {  	_ =	shalt  }
0x7b: {  	_ =	shalt  }
0x7c: {  	_ =	shalt  }
0x7d: {  	_ =	shalt  }
0x7e: {  	_ =	shalt  }
0x7f: {  	_ =	shalt  }
0x80: {  	_ =	shalt  }
0x81: {  	_ =	shalt  }
0x82: {  	_ =	shalt  }
0x83: {  	_ =	shalt  }
0x84: {  	_ =	shalt  }
0x85: {  	_ =	shalt  }
0x86: {  	_ =	shalt  }
0x87: {  	_ =	shalt  }
.Lfunc_end0:
.L_simem_size_0:
called_computation.1_lowered:
.L_overlay_start_0:
0x88: {  	s0 =	sld [smem:$0x3FD9]  }
0x89: {  	s1 =	sld [smem:$0x3FFE];
	_ =	sdelay $0x3  }
0x8a: {  	s0 =	sadd.s32 s1, s0  }
0x8b: {  	[smem:$0x3FAD] =	sst s0  }
0x8c: {  	_ = 	snop  }
0x8d: {  	s14 =	sld [smem:$0x3FD0];
	(tm) =	ssettm $0x1  }
0x8e: {  	s15 =	sld [smem:$0x3FFB];
	_ =	sdelay $0x3  }
0x8f: {  	_ =	strace s15  }
0x90: {  	s0 =	sld [smem:$0x3FFC];
	_ =	sdelay $0x3  }
0x91: {  	_ =	strace s0  }
0x92: {  	s0 =	sld [smem:$0x3FFD];
	_ =	sdelay $0x3  }
0x93: {  	_ =	strace s0  }
0x94: {  	_ =	strace $0x8FFFFFFF  }
0x95: {  	s16 =	sld [smem:$0x3FDB];
	_ =	sdelay $0x1  }
0x96: {  	s2 =	simm.s32 $_scs_section_size  }
0x97: {  	s3 =	simm.s32 $_size__tile_overlayer_lowered;
	s4 =	simm.s32 $_tile_overlayer_lowered  }
0x98: {  	s5 =	simm.s32 $0x1BFF;
	s17 =	sshll.u32 s4, $0x1;
	s2 =	sadd.s32 s2, s16  }
0x99: {  	s18 =	simm.s32 $0x0;
	s3 =	sshll.u32 s3, $0x1;
	s4 =	sadd.s32 s17, s2  }
0x9a: {  	[timem:s18], [sflag:s5] =	dma.local [hbm:s4], s3  }
0x9b: {  	_ =	swait.ge [sflag:s5], s3  }
0x9c: {  	s3 =	ssub.s32 $0x0, s3;
	[sflag:s5] =	ssyncset.done $0x0  }
0x9d: {  	[sflag:s5] =	ssyncadd.s32 s3;
	_ =	sdelay $0x1  }
0x9e: {  	s19 =	simm.s32 $0x1B8B  }
0x9f: {  	_ =	swait.ge [sflag:s19], $0x1  }
0xa0: {  	[sflag:s19] =	ssyncset.done $0x0  }
0xa1: {  	s21 =	simm.s32 $0x1B8E;
	s20 =	sld [smem:$0x3FFE];
	[sflag:s19] =	ssyncadd.s32 $0xFFFFFFFF  }
0xa2: {  	s22 =	simm.s32 $execute0_lowered;
	[smem:$0x3FD2] =	sst s21  }
0xa3: {  	s4 =	sshll.u32 s22, $0x1;
	_ =	strace $0x8000004C;
	[dreg:$0x1] =	wrdreg $0xFFFFFFFF  }
0xa4: {  	s23 =	simm.s32 $_size_execute0_lowered;
	s4 =	sadd.s32 s2, s4;
	[dreg:$0x0] =	wrdreg $0x0  }
0xa5: {  	s5 =	sshll.u32 s23, $0x1;
	[dreg:$0x2] =	wrdreg s4  }
0xa6: {  	[dreg:$0x3] =	wrdreg s5  }
0xa7: {  	[dreg:$0x4] =	wrdreg $0xC0  }
0xa8: {  	s24 =	simm.s32 $execute1_lowered;
	_ =	task [dreg:s18], $0x5FFFF  }
0xa9: {  	s4 =	sshll.u32 s24, $0x1;
	[dreg:$0x1] =	wrdreg $0xFFFFFFFF  }
0xaa: {  	s2 =	sadd.s32 s2, s4;
	[dreg:$0x0] =	wrdreg $0x60  }
0xab: {  	[dreg:$0x2] =	wrdreg s2  }
0xac: {  	[dreg:$0x3] =	wrdreg s14  }
0xad: {  	[dreg:$0x4] =	wrdreg s20  }
0xae: {  	[dreg:$0x5] =	wrdreg $0xB  }
0xaf: {  	_ =	task.clear_ibuf [dreg:s18], $0x6FFFF;
	_ =	strace $0x9000004C  }
0xb0: {  	s25 =	simm.s32 $0xB;
	_ =	strace $0x8000004E  }
0xb1: {  	_ =	swait.ge [sflag:s25], $0x1  }
0xb2: {  	[sflag:s25] =	ssyncadd.s32 $0xFFFFFFFF  }
0xb3: {  	_ =	strace $0x9000004E  }
0xb4: {  	_ =	strace $0x8000004F;
	[dreg:$0x1] =	wrdreg $0xFFFFFFFF  }
0xb5: {  	[dreg:$0x0] =	wrdreg $0x2030  }
0xb6: {  	[dreg:$0x2] =	wrdreg s20  }
0xb7: {  	[dreg:$0x3] =	wrdreg $0xC  }
0xb8: {  	_ =	task.clear_ibuf [dreg:s18], $0x4FFFF;
	_ =	strace $0x9000004F  }
0xb9: {  	s26 =	simm.s32 $0xC;
	_ =	strace $0x80000051  }
0xba: {  	_ =	swait.ge [sflag:s26], $0x1  }
0xbb: {  	[sflag:s26] =	ssyncadd.s32 $0xFFFFFFFF  }
0xbc: {  	_ =	strace $0x90000051  }
0xbd: {  	_ =	sfence  }
0xbe: {  	s28 =	sld [smem:$0x0];
	_ =	sdelay $0x1  }
0xbf: {  	s29 =	srdreg.scid  }
0xc0: {  	s30 =	sshll.u32 s29, $0xD;
	s31 =	sshrl.u32 s29, $0x2  }
0xc1: {  	s3 =	sand.u32 $0x4000, s30;
	s2 =	sand.u32 $0x1, s29;
	s1 =	sadd.s32 s31, s28  }
0xc2: {  	s2 =	sor.u32 s3, s2;
	s1 =	sshll.u32 s1, $0x11  }
0xc3: {  	s1 =	sor.u32 s1, s2  }
0xc4: {  	s1 =	sadd.s32 $0x8F2B, s1  }
0xc5: {  	[sflag:s1] =	ssyncadd.remote.s32 $0x1  }
0xc6: {  	_ =	sfence.sel $0xFFFF  }
0xc7: {  	[dreg:$0x0] =	wrdreg $0xFFFFFFFF;
	(pc) =	sbr.abs _section_cstart, $3  }
0xc8: {  	[dreg:$0x1] =	wrdreg $0xFFFFFFFF  }
0xc9: {  	_ =	task.clear_ibuf [dreg:s18], $0x2FFFF;
	_ =	strace $0x9FFFFFFF  }
0xca: {  	(tm) =	ssettm $0x7FFFFFFF  }
0xcb: {  	_ =	shalt  }
tec
execute0_lowered:
.L_overlay_start_1:
0x0: {  	(tag) =	ssettag $0x1  }
0x1: {  	s2 =	rddreg [dreg:$0x0]  }
0x2: {  	s5 =	rddreg [dreg:$0x1]  }
0x3: {  	s4 =	rddreg [dreg:$0x2]  }
0x4: {  	s0 =	rddreg [dreg:$0x3];
	s3 =	stileid.u32  }
0x5: {  	[bflag:$0x3] =	sbarrier.arrive $0xFFFF;
	s1 =	simm.s32 $_size_execute1_lowered;
	p0 =	sne.s32 s3, $0x0  }
0x6: {  	s1 =	sshll.u32 s1, $0x1;
	s6 =	simm.s32 @!p0 $0x1C3F;
	s7 =	simm.s32 @!p0 $0x4060  }
0x7: {  	[timem:s7], [sflag:s6] =	dma.local @!p0 [hbm:s2], s1  }
.Ltmp0:
0x8: {  	s30 =	simm.s32 $0x2;
	s8 =	simm.s32 $0x780;
	(pc) =	sbr.rel .LBB2_1-.Ltmp0, $4  }
0x9: {  	s10 =	simm.s32 $0x0;
	s9 =	simm.s32 $0x0;
	s2 =	smul.u32 $0x280, s3  }
0xa: {  	s4 =	sadd.s32 $0x3AA00, s4;
	s3 =	simm.s32 $0x1;
	_ =	strace $0x8000004D  }
0xb: {  	s6 =	simm.s32 $0x0;
	[sflag:s3] =	ssyncpa.u1 $0x0;
	s31 =	sshrl.u32 s2, $0x3  }
0xc: {  	s7 =	simm.s32 $0x280;
	[sflag:s30] =	ssyncpa.u1 $0x0;
	s5 =	sadd.s32 s31, s5  }
.LBB2_8:
0xd: {  	p1 =	seq.s32 s9, $0x2  }
.Ltmp1:
0xe: {  	_ = 	snop;
	(pc) =	sbr.rel @p1 .LBB2_10-.Ltmp1, $1  }
0xf: {  	_ =	sdelay $0x3  }
.LBB2_9:
0x10: {  	s9 =	sadd.s32 $0x1, s9;
	s10 =	smov.u32 s2  }
.LBB2_1:
0x11: {  	p1 =	sne.s32 s9, $0x0  }
.Ltmp2:
0x12: {  	_ = 	snop;
	(pc) =	sbr.rel @!p1 .LBB2_2-.Ltmp2, $1  }
0x13: {  	_ =	sdelay $0x3  }
0x14: {  	s11 =	sand.u32 $0x1, s9  }
0x15: {  	p1 =	seq.s32 s11, $0x0  }
.Ltmp3:
0x16: {  	_ = 	snop;
	(pc) =	sbr.rel @p1 .LBB2_8-.Ltmp3, $1  }
0x17: {  	_ =	sdelay $0x3  }
0x18: {  	_ =	swait.ge [sflag:s3], $0x280  }
0x19: {  	[sflag:s3] =	ssyncset.done $0x0  }
0x1a: {  	s11 =	simm.s32 $0x0;
	p1 =	por $0x1, $0x1;
	[sflag:s3] =	ssyncadd.s32 $0xFFFFFD80  }
.LBB2_5:
0x1b: {  	v0 =	vld [tilespmem:s11+$0x280]  }
0x1c: {  	v1 =	vld [tilespmem:s11+$0x290]  }
0x1d: {  	v2 =	vld [tilespmem:s11+$0x2A0]  }
0x1e: {  	v3 =	vld [tilespmem:s11+$0x2B0]  }
0x1f: {  	v4 =	vld [tilespmem:s11+$0x2C0]  }
0x20: {  	v53 =	vld [tilespmem:s11+$0x2D0];
	[tilespmem:s11+$0x780] =	vst v0  }
0x21: {  	v54 =	vld [tilespmem:s11+$0x2E0];
	[tilespmem:s11+$0x790] =	vst v1  }
0x22: {  	v55 =	vld [tilespmem:s11+$0x2F0];
	[tilespmem:s11+$0x7A0] =	vst v2  }
0x23: {  	v56 =	vld [tilespmem:s11+$0x300];
	[tilespmem:s11+$0x7B0] =	vst v3  }
0x24: {  	v57 =	vld [tilespmem:s11+$0x310];
	[tilespmem:s11+$0x7C0] =	vst v4  }
0x25: {  	v58 =	vld [tilespmem:s11+$0x320];
	[tilespmem:s11+$0x7D0] =	vst v53  }
0x26: {  	v59 =	vld [tilespmem:s11+$0x330];
	[tilespmem:s11+$0x7E0] =	vst v54  }
0x27: {  	v60 =	vld [tilespmem:s11+$0x340];
	[tilespmem:s11+$0x7F0] =	vst v55  }
0x28: {  	v61 =	vld [tilespmem:s11+$0x350];
	[tilespmem:s11+$0x800] =	vst v56  }
0x29: {  	v62 =	vld [tilespmem:s11+$0x360];
	[tilespmem:s11+$0x810] =	vst v57  }
0x2a: {  	v63 =	vld [tilespmem:s11+$0x370];
	p2 =	por p1, p1;
	[tilespmem:s11+$0x820] =	vst v58  }
.Ltmp4:
0x2b: {  	[tilespmem:s11+$0x830] =	vst v59;
	(pc) =	sbr.rel @p2 .LBB2_5-.Ltmp4, $4  }
0x2c: {  	[tilespmem:s11+$0x840] =	vst v60  }
0x2d: {  	[tilespmem:s11+$0x850] =	vst v61  }
0x2e: {  	s12 =	simm.s32 $0x1F0;
	s13 =	simm.s32 $0x980;
	[tilespmem:s11+$0x860] =	vst v62  }
0x2f: {  	s14 =	simm.s32 $0x480;
	p1 =	por $0x0, $0x0;
	[tilespmem:s11+$0x870] =	vst v63;
	s11 =	simm.s32 $0x100  }
.LBB2_6:
0x30: {  	s12 =	sadd.s32 $0x10, s12  }
0x31: {  	v0 =	vld [tilespmem:s14+$0x0];
	p1 =	slt.u32 s12, $0x270  }
.Ltmp5:
0x32: {  	_ = 	snop;
	(pc) =	sbr.rel @p1 .LBB2_6-.Ltmp5, $2  }
0x33: {  	_ =	sdelay $0x2  }
0x34: {  	s14 =	sadd.s32 $0x10, s14;
	[tilespmem:s13+$0x0] =	vst v0;
	s13 =	sadd.s32 $0x10, s13  }
.Ltmp6:
0x35: {  	(pc) =	sbr.rel .LBB2_8-.Ltmp6, $4  }
0x36: {  	_ = 	snop  }
0x37: {  	s10 =	sshrl.u32 s10, $0x3  }
0x38: {  	s10 =	sadd.s32 s4, s10  }
0x39: {  	[hbm4b:s10+s6] =	stream.linear.scatter [tilespmem:s8], [sflag:$0x2], $0x280, $0x38;
	[tilespmem:$0xA00] =	vst v63  }
.LBB2_2:
.Ltmp7:
0x3a: {  	(pc) =	sbr.rel .LBB2_9-.Ltmp7, $2  }
0x3b: {  	_ =	sdelay $0x2  }
0x3c: {  	[tilespmem:s7], [sflag:$0x1] =	stream.linear.gather [hbm4b:s5+s6], $0x280, $0x38;
	[tilespmem:$0xA00] =	vst v63  }
.LBB2_10:
0x3d: {  	s2 =	simm.s32 $0x2  }
0x3e: {  	_ =	swait.ge [sflag:s2], $0x280  }
0x3f: {  	[sflag:s2] =	ssyncset.done $0x0  }
0x40: {  	[sflag:s2] =	ssyncadd.s32 $0xFFFFFD80  }
0x41: {  	_ =	sfence.sel $0x180000  }
0x42: {  	s3 =	simm.s32 $0x1;
	[bflag:$0x0] =	sbarrier.arrive $0xFFFF  }
0x43: {  	[sflag:s3] =	ssyncpa.u1 $0x1  }
0x44: {  	[sflag:s2] =	ssyncpa.u1 $0x1  }
0x45: {  	_ =	strace $0x9000004D  }
0x46: {  	s0 =	sadd.s32 @!p0 $0x100000, s0;
	[bflag:$0x2] =	sbarrier.arrive $0xFFFF  }
0x47: {  	[sflag:s0] =	ssyncadd.tile.s32 @!p0 $0x1;
	s0 =	simm.s32 @!p0 $0x3F  }
0x48: {  	_ =	swait.ge @!p0 [sflag:s0], s1  }
0x49: {  	s1 =	ssub.s32 @!p0 $0x0, s1;
	[sflag:s0] =	ssyncset.done @!p0 $0x0  }
0x4a: {  	[sflag:s0] =	ssyncadd.s32 @!p0 s1  }
0x4b: {  	[bflag:$0x3] =	sbarrier.arrive $0xFFFF  }
0x4c: {  	_ =	shalt  }
.Lfunc_end2:
execute1_lowered:
.L_overlay_start_2:
0x4d: {  	(tag) =	ssettag $0x2  }
0x4e: {  	s0 =	rddreg [dreg:$0x0]  }
0x4f: {  	s14 =	stileid.u32;
	_ =	strace $0x80000050;
	s2 =	simm.s32 $0x1  }
0x50: {  	v1 =	vimm.s32 $0xFFFFFFFF;
	s1 =	smin.u32 s14, $0x4;
	[sflag:s2] =	ssyncpa.u1 $0x0  }
0x51: {  	s1 =	sadd.s32 s14, s1;
	[tilespmem:$0x10] =	vst v1  }
0x52: {  	v0 =	vimm.f32 $0.0e+00;
	p0 =	slt.u32 s14, $0x4;
	[tilespmem:$0x20] =	vst v1;
	s3 =	smul.u32 $0x1F40, s1;
	s1 =	simm.s32 $0x3E80  }
0x53: {  	[tilespmem:$0x30] =	vst v0;
	s1 =	simm.s32 @!p0 $0x1F40  }
0x54: {  	[tilespmem:$0x40] =	vst v0;
	s1 =	sadd.s32 s1, s3  }
0x55: {  	[tilespmem:$0x50] =	vst v0;
	s4 =	smin.u32 s1, $0x27100  }
0x56: {  	[tilespmem:$0x60] =	vst v1;
	s9 =	ssub.s32 s4, s3  }
0x57: {  	s7 =	simm.s32 $0x2;
	s8 =	simm.s32 $0x8;
	[tilespmem:$0x70] =	vst v1;
	p0 =	sgt.s32 s9, $0x0  }
0x58: {  	s31 =	simm.s32 $0x9;
	s16 =	simm.s32 $0x0;
	[tilespmem:$0x80] =	vst v1;
	s9 =	simm.s32 @!p0 $0x0  }
0x59: {  	s17 =	simm.s32 $0xF0;
	s18 =	simm.s32 $0xFFFFFFFF;
	v1 =	vimm.s32 $0x0;
	[tilespmem:$0xB0] =	vst v0;
	s5 =	smulhi.u32 $0x10624DD3, s9  }
0x5a: {  	s19 =	simm.s32 $0xFFFFC280;
	s20 =	simm.s32 $0xFFFFFFFE;
	s21 =	simm.s32 $0xF;
	[tilespmem:$0x90] =	vst v1  }
0x5b: {  	[tilespmem:$0xA0] =	vst v1;
	[sflag:s7] =	ssyncpa.u1 $0x0;
	s7 =	simm.s32 $0x7;
	s10 =	sshrl.u32 s5, $0x9  }
0x5c: {  	s25 =	simm.s32 $0x0;
	[sflag:s7] =	ssyncpa.u1 $0x0;
	s11 =	smul.u32 $0x1F40, s10  }
0x5d: {  	s24 =	simm.s32 $0x0;
	s6 =	sadd.s32 $0x35A00, s0;
	[sflag:s8] =	ssyncpa.u1 $0x0  }
.Ltmp8:
0x5e: {  	s23 =	smov.u32 s3;
	p0 =	sne.s32 s9, s11;
	(pc) =	sbr.rel .LBB3_1-.Ltmp8, $4  }
0x5f: {  	s1 =	sadd.s32 $0x3AA00, s0;
	[sflag:s31] =	ssyncpa.u1 $0x0;
	s2 =	simm.s32 @!p0 $0x0  }
0x60: {  	s5 =	sadd.s32 $0xA200, s0;
	p0 =	por $0x0, $0x0;
	s9 =	sadd.s32 s2, s10  }
0x61: {  	vm0 =	vmmov $0xffff;
	v2 =	vlaneseq.u32;
	s10 =	sshll.u32 s14, $0x1;
	s14 =	sshllo.u32 s14, $0x1;
	s11 =	sadd.s32 $0x1, s9  }
0x62: {  	vm1 =	vmxor vm1, vm1;
	vm2 =	vmmov $0x1;
	vm3 =	vcmask $0x3F3C;
	s12 =	sadd.s32 $0x2, s9;
	s13 =	sor.u32 $0x81, s10;
	s15 =	sor.u32 $0x80, s10  }
.LBB3_9:
0x63: {  	p1 =	slt.u32 s24, $0x3  }
0x64: {  	s0 =	simm.s32 @!p1 $0x2  }
0x65: {  	_ =	swait.ge @!p1 [sflag:s0], $0x1F40  }
0x66: {  	[sflag:s0] =	ssyncset.done @!p1 $0x0  }
0x67: {  	[sflag:s0] =	ssyncadd.s32 @!p1 $0xFFFFE0C0;
	s0 =	simm.s32 @!p1 $0x9  }
0x68: {  	_ =	swait.ge @!p1 [sflag:s0], $0x10  }
0x69: {  	[sflag:s0] =	ssyncset.done @!p1 $0x0  }
0x6a: {  	[sflag:s0] =	ssyncadd.s32 @!p1 $0xFFFFFFF0;
	p1 =	sne.s32 s24, s12  }
.Ltmp9:
0x6b: {  	s2 =	sadd.s32 $0x1F40, s23;
	(pc) =	sbr.rel @!p1 .LBB3_10-.Ltmp9, $4  }
0x6c: {  	s22 =	smov.u32 s3;
	s31 =	sadd.s32 $0x1, s24;
	s17 =	sadd.s32 $0x1F40, s17  }
0x6d: {  	s18 =	sadd.s32 $0x1, s18;
	s25 =	smov.u32 s23;
	p2 =	slt.s32 s2, s4  }
0x6e: {  	p0 =	por !p0, !p0;
	s19 =	sadd.s32 $0x1F40, s19;
	s22 =	smov.u32 @p2 s2  }
0x6f: {  	s20 =	sadd.s32 $0x1, s20;
	s23 =	smov.u32 s22;
	s24 =	smov.u32 s31  }
.LBB3_1:
0x70: {  	p1 =	sge.u32 s24, s9  }
0x71: {  	s0 =	smulhi.u32 @!p1 $0xAAAAAAAB, s24;
	_ =	sdelay $0x1  }
0x72: {  	s0 =	sshrl.u32 @!p1 s0, $0x1  }
0x73: {  	s0 =	smul.u32 @!p1 $0x3, s0;
	_ =	sdelay $0x1  }
0x74: {  	s0 =	ssub.s32 @!p1 s24, s0  }
0x75: {  	s0 =	smul.u32 @!p1 $0x7D00, s0;
	_ =	sdelay $0x1  }
0x76: {  	s2 =	sshrl.u32 @!p1 s23, $0x3;
	s0 =	sshrl.u32 @!p1 s0, $0x2  }
0x77: {  	s22 =	sand.u32 @!p1 $0x7, s23;
	s2 =	sadd.s32 @!p1 s5, s2;
	s0 =	sadd.s32 @!p1 $0x100, s0  }
0x78: {  	[tilespmem:s0], [sflag:$0x7] =	stream.linear.gather @!p1 [hbm4b:s2+s22], $0x1F40, $0x38;
	[tilespmem:$0x11A60] =	vst v63  }
0x79: {  	s0 =	sadd.s32 $0xFFFFFFFF, s24  }
0x7a: {  	p1 =	sge.u32 s0, s9  }
.Ltmp10:
0x7b: {  	_ = 	snop;
	(pc) =	sbr.rel @p1 .LBB3_5-.Ltmp10, $1  }
0x7c: {  	_ =	sdelay $0x3  }
0x7d: {  	s2 =	smulhi.u32 $0xAAAAAAAB, s0;
	_ =	sdelay $0x1  }
0x7e: {  	s2 =	sshrl.u32 s2, $0x1  }
0x7f: {  	s2 =	smul.u32 $0x3, s2;
	_ =	sdelay $0x1  }
0x80: {  	s2 =	ssub.s32 s0, s2  }
0x81: {  	s2 =	smul.u32 $0x7D00, s2  }
0x82: {  	_ =	swait.ge [sflag:s7], $0x1F40  }
0x83: {  	[sflag:s7] =	ssyncset.done $0x0;
	s2 =	sshrl.u32 s2, $0x2  }
0x84: {  	[sflag:s7] =	ssyncadd.s32 $0xFFFFE0C0;
	(ifvalue) =	ssetifvalue $0xFFFFFFFF;
	v3 =	vld.msk [tilespmem:s2+$0x100 ss:$0x1], $0xffff;
	_ =	sdelay $0x2  }
0x85: {  	s30 =	smulhi.u32 $0xAAAAAAAB, s18;
	p1 =	sne.s32 s24, $0x1  }
0x86: {  	v4 =	vimm.s32 @!p1 $0x0  }
0x87: {  	s2 =	sshrl.u32 s30, $0x1;
	v4 =	vperm.xlane @!p1 v3, v4  }
0x88: {  	s22 =	sshll.u32 s24, $0x4;
	s2 =	smul.u32 $0xFFFE8900, s2;
	vm4 =	vlt.u32 v3, $0x2800  }
0x89: {  	s22 =	sand.u32 $0x10, s22;
	v3 =	vnsel vm4, $0xFFFFFFFE, v3;
	vm4 =	vlt.u32 @!p1 v4, $0x2800  }
0x8a: {  	s2 =	sshra.s32 s2, $0x2;
	[tilespmem:s22+$0x60] =	vst v3;
	v3 =	vnsel @!p1 vm4, $0xFFFFFFFE, v4  }
0x8b: {  	s28 =	sadd.s32 s2, s17;
	[tilespmem:$0x80] =	vst @!p1 v3  }
0x8c: {  	v3 =	vld.msk [tilespmem:s28+$0x0 ss:$0x1], $0xffff;
	_ =	sdelay $0x4  }
0x8d: {  	(xrf1) =	vunique.msk.u32 $0xffff, v3;
	_ =	sdelay $0xd  }
0x8e: {  	v4 =	vimm.s32 $0xFFFFFFFF;
	v5, _, _ =	vpop (xrf1)  }
0x8f: {  	vm5 =	vne.s32 v3, v4;
	vm4 =	veq.s32 v5, v2  }
0x90: {  	vm6 =	vlt.u32 v3, $0x2800;
	vm4 =	vmand vm5, vm4  }
0x91: {  	vm4 =	vmand vm6, vm4  }
0x92: {  	v4 =	vnsel vm4, $0xFFFFFFFF, v3  }
0x93: {  	s31 =	sand.u32 $0x1, s0  }
0x94: {  	s0 =	simm.s32 $0x1F40;
	p1 =	seq.s32 s31, $0x1  }
0x95: {  	s0 =	simm.s32 @!p1 $0x0  }
0x96: {  	s26 =	sadd.s32 $0x7DF0, s0;
	(ifvalue) =	ssetifvalue $0xFFFFFFFF  }
0x97: {  	v3 =	vperm.xlane v3, v1;
	[tilespmem:s26], [sflag:$0x8] =	stream.indirect_vreg.gather [hbm4b:s1+s16], $0x1, v4, vm0, $0x4038;
	v4 =	vnsel vm6, $0xFFFFFFFE, v4;
	[tilespmem:$0x11A60] =	vst v63  }
0x98: {  	s2 =	simm.s32 $0x0;
	s22 =	sadd.s32 $0xFFFFFFF0, s28;
	[tilespmem:s28+$0x0] =	vst v4  }
.LBB3_3:
0x99: {  	v4 =	vld.msk [tilespmem:s22+$0x0 ss:$0x1], $0xffff;
	s2 =	sadd.s32 $0x10, s2;
	v5 =	vmov v3;
	s28 =	smov.u32 s22  }
0x9a: {  	p1 =	slt.u32 s2, $0x1F30;
	_ =	sdelay $0x4  }
0x9b: {  	v3 =	vperm.xlane v4, v1;
	(xrf1) =	vunique.msk.u32 $0xffff, v4;
	_ =	sdelay $0xd  }
0x9c: {  	v6, _, _ =	vpop (xrf1)  }
0x9d: {  	vm5 =	vne.s32 v4, v5;
	vm4 =	veq.s32 v6, v2  }
0x9e: {  	vm6 =	vlt.u32 v4, $0x2800;
	vm4 =	vmand vm5, vm4  }
0x9f: {  	vm4 =	vmand vm6, vm4  }
0xa0: {  	v4 =	vnsel vm4, $0xFFFFFFFF, v4  }
.Ltmp11:
0xa1: {  	v5 =	vnsel vm6, $0xFFFFFFFE, v4;
	(pc) =	sbr.rel @p1 .LBB3_3-.Ltmp11, $3  }
0xa2: {  	_ =	sdelay $0x1  }
0xa3: {  	s22 =	sadd.s32 $0xFFFFFFF0, s22;
	s26 =	sadd.s32 $0xFFFFFFF0, s26;
	(ifvalue) =	ssetifvalue $0xFFFFFFFF  }
0xa4: {  	[tilespmem:s26], [sflag:$0x8] =	stream.indirect_vreg.gather [hbm4b:s1+s16], $0x1, v4, vm0, $0x4038;
	[tilespmem:s28+$0x0] =	vst v5  }
0xa5: {  	s2 =	sshrl.u32 s25, $0x3  }
0xa6: {  	s0 =	sadd.s32 $0x9D40, s0;
	s2 =	sadd.s32 s6, s2  }
0xa7: {  	[tilespmem:s0], [sflag:$0x8] =	stream.linear.gather [hbm:s2], $0x1F40, $0x38;
	[tilespmem:$0x11A60] =	vst v63  }
.LBB3_5:
0xa8: {  	p1 =	slt.u32 s24, $0x2  }
0xa9: {  	p2 =	sge.u32 @!p1 s24, s12  }
0xaa: {  	p1 =	por p1, p2  }
.Ltmp12:
0xab: {  	_ = 	snop;
	(pc) =	sbr.rel @p1 .LBB3_9-.Ltmp12, $1  }
0xac: {  	_ =	sdelay $0x3  }
0xad: {  	s0 =	sadd.s32 $0xFFFFFFFE, s24  }
0xae: {  	s2 =	smulhi.u32 $0xAAAAAAAB, s0;
	_ =	sdelay $0x1  }
0xaf: {  	s2 =	sshrl.u32 s2, $0x1  }
0xb0: {  	s2 =	smul.u32 $0x3, s2;
	_ =	sdelay $0x1  }
0xb1: {  	s0 =	ssub.s32 s0, s2  }
0xb2: {  	_ =	swait.ge [sflag:s8], $0x3E80;
	s0 =	smul.u32 $0x1F40, s0  }
0xb3: {  	p1 =	sne.s32 s24, s11;
	[sflag:s8] =	ssyncset.done $0x0  }
0xb4: {  	[sflag:s8] =	ssyncadd.s32 $0xFFFFC180;
	s2 =	sadd.s32 @!p1 $0x203F, s0  }
0xb5: {  	[spmem:s13] =	stream.linear.scatter @!p1 [tilespmem:s2], [sflag:$0x1], $0x1, $0x38;
	[tilespmem:$0x11A60] =	vst v63  }
0xb6: {  	s2 =	simm.s32 @!p1 $0x1  }
0xb7: {  	_ =	swait.ge @!p1 [sflag:s2], $0x1  }
0xb8: {  	s22 =	sshll.u32 s24, $0x4;
	[sflag:s2] =	ssyncset.done @!p1 $0x0  }
0xb9: {  	s25 =	sand.u32 $0x10, s22;
	[sflag:s2] =	ssyncadd.s32 @!p1 $0xFFFFFFFF  }
0xba: {  	s2 =	sxor.u32 $0x10, s25;
	v4 =	vld [tilespmem:s25+$0x10]  }
0xbb: {  	v5 =	vld [tilespmem:s2+$0x60]  }
0xbc: {  	v3 =	vld [tilespmem:$0x80];
	_ =	sdelay $0x2  }
0xbd: {  	(v2sf) =	vpush v4, $0x0  }
0xbe: {  	(v2sf) =	vpush v5, $0x0  }
0xbf: {  	(v2sf) =	vpush v3, $0x0;
	_ =	sdelay $0xc  }
0xc0: {  	s22 =	spop (v2sf)  }
0xc1: {  	s26 =	spop (v2sf)  }
0xc2: {  	s28 =	spop (v2sf)  }
0xc3: {  	p2 =	seq.s32 s22, s26;
	p3 =	seq.s32 s28, s22  }
0xc4: {  	p3 =	por p2, p3  }
0xc5: {  	s26 =	sand.u32 $0x1, s24;
	v4 =	vpsel p3, $0xFFFFFFFF, v4  }
0xc6: {  	s29 =	smul.u32 $0x1F40, s26;
	[tilespmem:s25+$0x10] =	vst.msk $0x1, v4  }
0xc7: {  	v4 =	vld [tilespmem:$0x30]  }
0xc8: {  	v5 =	vld [tilespmem:s29+$0x9D40]  }
0xc9: {  	v6 =	vld [tilespmem:s25+$0x40];
	_ =	sdelay $0x3  }
0xca: {  	vm4 =	vmmov vm1;
	v5 =	vadd.f32 v5, v4  }
0xcb: {  	vm5 =	vmmov vm2;
	vm4 =	vmmov @p2 vm2;
	s22 =	sshll.u32 s26, $0x4;
	v4 =	vadd.f32 v6, v4  }
0xcc: {  	s26 =	sor.u32 $0x11A40, s22;
	vm5 =	vmmov @p3 vm1;
	[tilespmem:s29+$0x9D40] =	vst.msk vm4, v5  }
0xcd: {  	[tilespmem:s26+$0x0] =	vst.msk vm5, v4  }
0xce: {  	v4 =	vld [tilespmem:s29+$0x7DF0];
	_ =	sdelay $0x3  }
0xcf: {  	v5 =	vimm.f32 $0.0e+00  }
0xd0: {  	v4 =	vshift.insert v4, v5, s21  }
0xd1: {  	s22 =	sor.u32 $0x40, s2  }
0xd2: {  	[tilespmem:s22+$0x0] =	vst.msk $0x1, v4  }
0xd3: {  	[tilespmem:s29+$0x7DFF] =	vst.msk $0x1, v5  }
0xd4: {  	v4 =	vld [tilespmem:s0+$0x2030];
	_ =	sdelay $0x1  }
0xd5: {  	s22 =	smulhi.u32 $0xAAAAAAAB, s20;
	s0 =	simm.s32 $0x1  }
0xd6: {  	s0 =	simm.s32 @!p0 $0x0  }
0xd7: {  	s22 =	sshrl.u32 s22, $0x1;
	s0 =	smul.u32 $0x7D00, s0  }
0xd8: {  	s22 =	smul.u32 $0xFFFE8900, s22;
	v4 =	vshift.insert v4, v1, s21  }
0xd9: {  	s0 =	sshrl.u32 s0, $0x2  }
0xda: {  	s22 =	sshra.s32 s22, $0x2;
	s30 =	sadd.s32 $0x9D40, s0;
	[tilespmem:s2+$0x10] =	vst.msk $0x1, v4  }
0xdb: {  	s22 =	sadd.s32 s22, s19;
	v6 =	vld [tilespmem:s30+$0x0]  }
0xdc: {  	v7 =	vld [tilespmem:s22+$0x0];
	_ =	sdelay $0x3  }
0xdd: {  	v5 =	vadd.f32 v6, v5  }
0xde: {  	vm4 =	vne.s32 v7, $0xFFFFFFFF  }
0xdf: {  	(xrf2) =	vadd.seg.scan.f32 vm4, v5;
	_ =	sdelay $0x3  }
0xe0: {  	s31 =	sadd.s32 $0x5EC0, s0;
	v5 =	vperm.xlane v4, v1  }
0xe1: {  	v6 =	vld [tilespmem:s31+$0x0]  }
0xe2: {  	vm5 =	veq.s32 v7, v3;
	vm6 =	veq.s32 v7, v5  }
0xe3: {  	vm7 =	vgt.u32 v7, $0xFFFFFFFD;
	vm6 =	vmor vm6, vm5  }
0xe4: {  	vm6 =	vmor vm6, vm7  }
0xe5: {  	v9 =	vld [tilespmem:$0xA0];
	v7 =	vsel vm6, $0xFFFFFFFF, v7  }
0xe6: {  	v10 =	vld [tilespmem:$0x90];
	v6 =	vsel vm5, $0x0, v6;
	v8, _, _ =	vpop (xrf2)  }
0xe7: {  	v6 =	vadd.f32 v8, v6  }
0xe8: {  	s0 =	sadd.s32 $0xDBC0, s0  }
0xe9: {  	vm4 =	vmand vm4, vm3;
	[tilespmem:s0+$0x0] =	vst v6;
	(ifvalue) =	ssetifvalue $0xFFFFFFFF  }
0xea: {  	vm6 =	veq.s32 v9, $0x1;
	[hbm4b:s1+s16] =	stream.indirect_vreg.scatter [tilespmem:s0], [sflag:$0x2], $0x1, v7, vm0, $0x4038;
	v7 =	vsel vm4, $0x0, v8;
	[tilespmem:$0x11A60] =	vst v63  }
0xeb: {  	s2 =	simm.s32 $0x0;
	s22 =	sadd.s32 $0x10, s22;
	vm4 =	vmor vm6, vm5;
	v6 =	vsel vm5, v8, v10;
	v7 =	vshift.insert v7, v0, s21  }
.LBB3_7:
0xec: {  	v8 =	vld [tilespmem:s22+$0x0];
	s30 =	sadd.s32 $0x10, s30  }
0xed: {  	s31 =	sadd.s32 $0x10, s31;
	v9 =	vld [tilespmem:s30+$0x0]  }
0xee: {  	s2 =	sadd.s32 $0x10, s2;
	v10 =	vld [tilespmem:s31+$0x0]  }
0xef: {  	p2 =	slt.u32 s2, $0x1F30;
	_ =	sdelay $0x2  }
0xf0: {  	v7 =	vadd.f32 v9, v7  }
0xf1: {  	vm5 =	vne.s32 v8, $0xFFFFFFFF  }
0xf2: {  	vm6 =	vmand vm5, vm3;
	(xrf2) =	vadd.seg.scan.f32 vm5, v7;
	_ =	sdelay $0x5  }
0xf3: {  	vm7 =	veq.s32 v8, v5;
	vm5 =	veq.s32 v8, v3  }
0xf4: {  	vm8 =	vgt.u32 v8, $0xFFFFFFFD;
	vm4 =	vmor vm4, vm5;
	vm7 =	vmor vm7, vm5  }
0xf5: {  	vm7 =	vmor vm7, vm8  }
0xf6: {  	v8 =	vsel vm7, $0xFFFFFFFF, v8  }
.Ltmp13:
0xf7: {  	v7 =	vsel vm5, $0x0, v10;
	v9, _, _ =	vpop (xrf2);
	(pc) =	sbr.rel @p2 .LBB3_7-.Ltmp13, $4  }
0xf8: {  	v6 =	vsel vm5, v9, v6;
	v10 =	vadd.f32 v9, v7;
	v7 =	vsel vm6, $0x0, v9  }
0xf9: {  	s0 =	sadd.s32 $0x10, s0;
	v7 =	vshift.insert v7, v0, s21  }
0xfa: {  	s22 =	sadd.s32 $0x10, s22;
	[tilespmem:s0+$0x0] =	vst v10;
	(ifvalue) =	ssetifvalue $0xFFFFFFFF  }
0xfb: {  	[hbm4b:s1+s16] =	stream.indirect_vreg.scatter [tilespmem:s0], [sflag:$0x2], $0x1, v8, vm0, $0x4038;
	[tilespmem:$0x11A60] =	vst v63  }
0xfc: {  	v3 =	vld [tilespmem:s29+$0xFAF0];
	_ =	sdelay $0x4  }
0xfd: {  	v3 =	vshift.insert v3, v0, s21  }
0xfe: {  	s0 =	simm.s32 $0x30  }
0xff: {  	[tilespmem:s0+$0x0] =	vst.msk $0x1, v3  }
0x100: {  	v3 =	vsel vm4, $0x1, v1;
	[tilespmem:$0x90] =	vst v6  }
0x101: {  	s0 =	sadd.s32 @!p1 $0xFAFF, s29;
	[tilespmem:$0xA0] =	vst v3  }
0x102: {  	[spmem:s14] =	stream.linear.scatter @!p1 [tilespmem:s0], [sflag:$0x1], $0x1, $0x38;
	[tilespmem:$0x11A60] =	vst v63  }
0x103: {  	s0 =	simm.s32 @!p1 $0x1  }
0x104: {  	v3 =	vmctz.xlane @!p1 vm4;
	_ =	swait.ge @!p1 [sflag:s0], $0x1  }
0x105: {  	(v2sf) =	vpush @!p1 v4, $0x0  }
0x106: {  	(v2sf) =	vpush @!p1 v3, $0x0;
	_ =	sdelay $0xd  }
0x107: {  	s2 =	spop @!p1 (v2sf)  }
0x108: {  	s22 =	spop @!p1 (v2sf)  }
0x109: {  	p2 =	sne.s32 @!p1 s28, s2;
	p3 =	slt.s32 @!p1 s22, $0xF  }
0x10a: {  	[sflag:s0] =	ssyncset.done @!p1 $0x0;
	p2 =	por p2, p1;
	p3 =	por !p3, p1  }
0x10b: {  	[sflag:s0] =	ssyncadd.s32 @!p1 $0xFFFFFFFF;
	v3 =	vimm.s32 @!p2 $0xFFFFFFFF;
	s22 =	simm.s32 @p3 $0xF  }
0x10c: {  	[tilespmem:$0x80] =	vst @!p2 v3;
	s2 =	sadd.s32 @!p1 $0x90, s22  }
0x10d: {  	[spmem:s10] =	stream.linear.scatter @!p1 [tilespmem:s2], [sflag:$0x1], $0x1, $0x38;
	[tilespmem:$0x11A60] =	vst v63  }
0x10e: {  	_ =	swait.ge @!p1 [sflag:s0], $0x1  }
0x10f: {  	[sflag:s0] =	ssyncset.done @!p1 $0x0  }
0x110: {  	s2 =	simm.s32 @!p1 $0x80;
	[sflag:s0] =	ssyncadd.s32 @!p1 $0xFFFFFFFF  }
0x111: {  	[spmem:s15] =	stream.linear.scatter @!p1 [tilespmem:s2], [sflag:$0x1], $0x1, $0x38;
	[tilespmem:$0x11A60] =	vst v63  }
0x112: {  	_ =	swait.ge @!p1 [sflag:s0], $0x1  }
0x113: {  	[sflag:s0] =	ssyncset.done @!p1 $0x0  }
0x114: {  	[sflag:s0] =	ssyncadd.s32 @!p1 $0xFFFFFFFF;
	(ifvalue) =	ssetifvalue $0xFFFFFFFF;
	v3 =	vld [tilespmem:s25+$0x10];
	_ =	sdelay $0x3  }
.Ltmp14:
0x115: {  	_ = 	snop;
	(pc) =	sbr.rel .LBB3_9-.Ltmp14, $3  }
0x116: {  	_ =	sdelay $0x1  }
0x117: {  	(ifvalue) =	ssetifvalue $0xFFFFFFFF  }
0x118: {  	[hbm4b:s1+s16] =	stream.indirect_vreg.scatter [tilespmem:s26], [sflag:$0x9], $0x1, v3, vm0, $0x4038;
	[tilespmem:$0x11A60] =	vst v63  }
.LBB3_10:
0x119: {  	_ =	sfence.sel $0x180000  }
0x11a: {  	s0 =	simm.s32 $0x7;
	[bflag:$0x0] =	sbarrier.arrive $0xFFFF  }
0x11b: {  	s26 =	simm.s32 $0x8;
	[sflag:s0] =	ssyncpa.u1 $0x1  }
0x11c: {  	s28 =	simm.s32 $0x9;
	[sflag:s26] =	ssyncpa.u1 $0x1  }
0x11d: {  	[sflag:s28] =	ssyncpa.u1 $0x1  }
0x11e: {  	_ =	sfence.stream.spmem  }
0x11f: {  	s29 =	simm.s32 $0x3;
	[bflag:$0x0] =	sbarrier.arrive $0xFFFF  }
0x120: {  	s30 =	simm.s32 $0x4;
	[sflag:s29] =	ssyncpa.u1 $0x1  }
0x121: {  	s31 =	simm.s32 $0x3C;
	s2 =	stileid.u32;
	[sflag:s30] =	ssyncpa.u1 $0x1  }
0x122: {  	p0 =	sne.s32 s2, $0x0;
	[sflag:s31] =	ssyncpa.u1 $0x1  }
0x123: {  	s0 =	simm.s32 @p0 $0x1;
	_ =	sfence @p0  }
0x124: {  	[sflag:s0] =	ssyncpa.u1 @p0 $0x1;
	s0 =	simm.s32 @p0 $0x2  }
0x125: {  	[sflag:s0] =	ssyncpa.u1 @p0 $0x1  }
0x126: {  	_ =	strace @p0 $0x90000050  }
0x127: {  	[bflag:$0x2] =	sbarrier.arrive @p0 $0xFFFF  }
0x128: {  	_ =	shalt @p0  }
.LBB3_11:
0x129: {  	_ =	sfence.stream.spmem;
	s0 =	simm.s32 $0x5  }
0x12a: {  	s2 =	simm.s32 $0x80;
	s3 =	simm.s32 $0xC0;
	[sflag:s0] =	ssyncpa.u1 $0x0  }
0x12b: {  	[tilespmem:s3], [sflag:$0x5] =	stream.linear.gather [spmem:s2], $0x20, $0x38;
	[tilespmem:$0x11A60] =	vst v63  }
0x12c: {  	s2 =	simm.s32 $0x0;
	s3 =	simm.s32 $0xE0  }
0x12d: {  	[tilespmem:s3], [sflag:$0x5] =	stream.linear.gather [spmem:s2], $0x20, $0x38;
	[tilespmem:$0x11A60] =	vst v63  }
.Ltmp15:
0x12e: {  	_ = 	snop;
	(pc) =	sbr.rel .LBB3_12-.Ltmp15, $4  }
0x12f: {  	_ =	swait.ge [sflag:s0], $0x40  }
0x130: {  	[sflag:s0] =	ssyncset.done $0x0  }
0x131: {  	s31 =	simm.s32 $0x6;
	[sflag:s0] =	ssyncadd.s32 $0xFFFFFFC0  }
0x132: {  	s4 =	simm.s32 $0x0;
	[sflag:s31] =	ssyncpa.u1 $0x0  }
.LBB3_17:
0x133: {  	p0 =	sgt.u32 s5, $0x27FF  }
0x134: {  	s0 =	sshrl.u32 @!p0 s5, $0x3  }
0x135: {  	s5 =	sand.u32 @!p0 $0x7, s5;
	s6 =	simm.s32 @!p0 $0xB0;
	s0 =	sadd.s32 @!p0 s1, s0  }
0x136: {  	[tilespmem:s6], [sflag:$0x6] =	stream.linear.gather @!p0 [hbm4b:s0+s5], $0x1, $0x38;
	[tilespmem:$0x11A60] =	vst v63  }
0x137: {  	s0 =	simm.s32 @!p0 $0x6  }
0x138: {  	_ =	swait.ge @!p0 [sflag:s0], $0x1  }
0x139: {  	[sflag:s0] =	ssyncset.done @!p0 $0x0  }
0x13a: {  	[sflag:s0] =	ssyncadd.s32 @!p0 $0xFFFFFFFF  }
0x13b: {  	v2 =	vmov @!p0 s4;
	v1 =	vld.msk @!p0 [tilespmem:$0xB0], $0x1;
	_ =	sdelay $0x3  }
0x13c: {  	s0 =	simm.s32 @!p0 $0xE0  }
0x13d: {  	[tilespmem:v2+s0+$0x0], v1 =	vst.idx.ret.add.f32.msk @!p0 $0x1, v1  }
0x13e: {  	[tilespmem:s2+$0xC0] =	vst.msk $0x1, v0  }
0x13f: {  	v0 =	vld.msk [tilespmem:s4+$0xE0], $0x1;
	_ =	sdelay $0x4  }
0x140: {  	[tilespmem:s2+$0xE0] =	vst.msk $0x1, v0;
	s2 =	sadd.s32 $0x1, s2  }
.LBB3_19:
0x141: {  	s4 =	sadd.s32 $0x1, s4  }
0x142: {  	p0 =	sne.s32 s4, $0x20  }
.Ltmp16:
0x143: {  	_ = 	snop;
	(pc) =	sbr.rel @!p0 .LBB3_20-.Ltmp16, $1  }
0x144: {  	_ =	sdelay $0x3  }
.LBB3_12:
0x145: {  	v0 =	vld.msk [tilespmem:s4+$0xC0], $0x1;
	_ =	sdelay $0x4  }
0x146: {  	(v2sf) =	vpush v0, $0x0;
	_ =	sdelay $0xe  }
0x147: {  	s5 =	spop (v2sf)  }
0x148: {  	p0 =	seq.s32 s5, $0xFFFFFFFF  }
.Ltmp17:
0x149: {  	_ = 	snop;
	(pc) =	sbr.rel @p0 .LBB3_19-.Ltmp17, $1  }
0x14a: {  	_ =	sdelay $0x3  }
0x14b: {  	p0 =	slt.s32 s2, $0x1  }
.Ltmp18:
0x14c: {  	_ = 	snop;
	(pc) =	sbr.rel @p0 .LBB3_17-.Ltmp18, $1  }
0x14d: {  	_ =	sdelay $0x3  }
0x14e: {  	s0 =	simm.s32 $0xC0;
	p0 =	por $0x0, $0x0  }
0x14f: {  	v1 =	vld.msk @!p0 [tilespmem:s0+$0x0], $0x1;
	_ =	sdelay $0x4  }
0x150: {  	(v2sf) =	vpush @!p0 v1, $0x0;
	_ =	sdelay $0xd  }
0x151: {  	p2 =	sne.s32 s2, $0x1  }
.Ltmp19:
0x152: {  	s6 =	spop @!p0 (v2sf);
	(pc) =	sbr.rel @!p2 .LBB3_16-.Ltmp19, $4  }
0x153: {  	p1 =	seq.s32 @!p0 s5, s6  }
0x154: {  	s6 =	simm.s32 $0x0;
	p1 =	por !p1, p0  }
0x155: {  	s8 =	simm.s32 $0xFFFFFFFF;
	s6 =	simm.s32 @p1 $0xFFFFFFFF  }
0x156: {  	s7 =	simm.s32 $0x1;
	s6 =	smov.u32 @p0 s8  }
.LBB3_15:
0x157: {  	s8 =	smov.u32 s6;
	p0 =	sne.s32 s6, $0xFFFFFFFF  }
0x158: {  	s0 =	sadd.s32 $0x1, s0;
	s6 =	smov.u32 s7;
	s7 =	sadd.s32 $0x1, s7  }
0x159: {  	p1 =	sne.s32 s2, s7;
	v1 =	vld.msk @!p0 [tilespmem:s0+$0x0], $0x1;
	_ =	sdelay $0x4  }
0x15a: {  	(v2sf) =	vpush @!p0 v1, $0x0;
	_ =	sdelay $0xe  }
.Ltmp20:
0x15b: {  	s9 =	spop @!p0 (v2sf);
	(pc) =	sbr.rel @p1 .LBB3_15-.Ltmp20, $4  }
0x15c: {  	p2 =	seq.s32 @!p0 s5, s9  }
0x15d: {  	p2 =	por !p2, p0  }
0x15e: {  	s6 =	simm.s32 @p2 $0xFFFFFFFF  }
0x15f: {  	s6 =	smov.u32 @p0 s8  }
.LBB3_16:
0x160: {  	p0 =	sne.s32 s6, $0xFFFFFFFF  }
.Ltmp21:
0x161: {  	_ = 	snop;
	(pc) =	sbr.rel @!p0 .LBB3_17-.Ltmp21, $1  }
0x162: {  	_ =	sdelay $0x3  }
0x163: {  	v0 =	vld.msk [tilespmem:s4+$0xE0], $0x1;
	v1 =	vmov s6  }
.Ltmp22:
0x164: {  	_ = 	snop;
	(pc) =	sbr.rel .LBB3_19-.Ltmp22, $2  }
0x165: {  	_ =	sdelay $0x2  }
0x166: {  	[tilespmem:v1+s3+$0x0], v0 =	vst.idx.ret.add.f32.msk $0x1, v0  }
.LBB3_20:
0x167: {  	p0 =	slt.s32 s2, $0x1  }
.Ltmp23:
0x168: {  	_ = 	snop;
	(pc) =	sbr.rel @p0 .LBB3_24-.Ltmp23, $3  }
0x169: {  	_ =	sdelay $0x1  }
0x16a: {  	s0 =	simm.s32 $0x6  }
0x16b: {  	s3 =	simm.s32 $0x0;
	[sflag:s0] =	ssyncpa.u1 $0x1  }
0x16c: {  	s0 =	simm.s32 $0xC0  }
0x16d: {  	v0 =	vld.msk [tilespmem:s0+$0x0], $0x1;
	_ =	sdelay $0x4  }
0x16e: {  	(v2sf) =	vpush v0, $0x0;
	_ =	sdelay $0xe  }
0x16f: {  	s2 =	sadd.s32 $0xFFFFFFFF, s2;
	s4 =	spop (v2sf)  }
0x170: {  	p1 =	sne.s32 s2, $0x0;
	p0 =	sgt.u32 s4, $0x27FF  }
.Ltmp24:
0x171: {  	s5 =	sshrl.u32 @!p0 s4, $0x3;
	(pc) =	sbr.rel @!p1 .LBB3_23-.Ltmp24, $4  }
0x172: {  	s0 =	simm.s32 $0xE0;
	s4 =	sand.u32 @!p0 $0x7, s4;
	s5 =	sadd.s32 @!p0 s1, s5  }
0x173: {  	[hbm4b:s5+s4] =	stream.linear.scatter @!p0 [tilespmem:s0], [sflag:$0x5], $0x1, $0x38;
	[tilespmem:$0x11A60] =	vst v63  }
0x174: {  	s5 =	simm.s32 $0x0  }
0x175: {  	s4 =	simm.s32 $0xC1;
	s5 =	simm.s32 @!p0 $0x4  }
.LBB3_22:
0x176: {  	v0 =	vld.msk [tilespmem:s4+$0x0], $0x1;
	s2 =	sadd.s32 $0xFFFFFFFF, s2;
	s3 =	sadd.s32 s3, s5  }
0x177: {  	p0 =	sne.s32 s2, $0x0;
	_ =	sdelay $0x3  }
0x178: {  	(v2sf) =	vpush v0, $0x0;
	_ =	sdelay $0xe  }
.Ltmp25:
0x179: {  	s6 =	spop (v2sf);
	(pc) =	sbr.rel @p0 .LBB3_22-.Ltmp25, $4  }
0x17a: {  	s5 =	simm.s32 $0x0;
	p1 =	sgt.u32 s6, $0x27FF  }
0x17b: {  	s0 =	sadd.s32 $0x1, s0;
	s5 =	simm.s32 @!p1 $0x4;
	s7 =	sshrl.u32 @!p1 s6, $0x3  }
0x17c: {  	s4 =	sadd.s32 $0x1, s4;
	s6 =	sand.u32 @!p1 $0x7, s6;
	s7 =	sadd.s32 @!p1 s1, s7  }
0x17d: {  	[hbm4b:s7+s6] =	stream.linear.scatter @!p1 [tilespmem:s0], [sflag:$0x5], $0x1, $0x38;
	[tilespmem:$0x11A60] =	vst v63  }
.LBB3_23:
0x17e: {  	s0 =	sadd.s32 s3, s5  }
0x17f: {  	s3 =	sshrl.u32 s0, $0x2  }
.LBB3_24:
0x180: {  	s0 =	simm.s32 $0x5  }
0x181: {  	_ =	swait.ge [sflag:s0], s3  }
0x182: {  	s1 =	ssub.s32 $0x0, s3;
	[sflag:s0] =	ssyncset.done $0x0  }
0x183: {  	[sflag:s0] =	ssyncadd.s32 s1  }
0x184: {  	[sflag:s0] =	ssyncpa.u1 $0x1  }
0x185: {  	s29 =	simm.s32 $0x1;
	_ =	sfence  }
0x186: {  	s30 =	simm.s32 $0x2;
	[sflag:s29] =	ssyncpa.u1 $0x1  }
0x187: {  	[sflag:s30] =	ssyncpa.u1 $0x1  }
0x188: {  	_ =	strace $0x90000050  }
0x189: {  	[bflag:$0x2] =	sbarrier.arrive $0xFFFF  }
0x18a: {  	s31 =	rddreg [dreg:$0x1]  }
0x18b: {  	s0 =	sadd.s32 $0x100000, s31  }
0x18c: {  	[sflag:s0] =	ssyncadd.tile.s32 $0x1;
	_ =	shalt  }
.Lfunc_end3:
_tile_overlayer_lowered:
.L_overlay_start_3:
0x18d: {  	(tag) =	ssettag $0x3  }
0x18e: {  	s0 =	rddreg [dreg:$0x0];
	s2 =	stileid.u32  }
0x18f: {  	s1 =	rddreg [dreg:$0x1];
	p0 =	sne.s32 s2, $0x0  }
0x190: {  	s3 =	rddreg [dreg:$0x2];
	[bflag:$0x3] =	sbarrier.arrive $0xFFFF;
	s2 =	simm.s32 @!p0 $0x1C01  }
0x191: {  	[timem:s3], [sflag:s2] =	dma.local @!p0 [hbm:s0], s1  }
0x192: {  	s0 =	simm.s32 @!p0 $0x1  }
0x193: {  	_ =	swait.ge @!p0 [sflag:s0], s1  }
0x194: {  	s1 =	ssub.s32 @!p0 $0x0, s1;
	[sflag:s0] =	ssyncset.done @!p0 $0x0  }
0x195: {  	[sflag:s0] =	ssyncadd.s32 @!p0 s1  }
0x196: {  	[bflag:$0x3] =	sbarrier.arrive $0xFFFF  }
0x197: {  	_ =	shalt  }

// kernel: scatter_offload_async_start
scs
__scs_entry_jumppad:
0x0: {  	(pc) =	sbr.rel $0x88, $3  }
0x1: {  	(tag) =	ssettag $0x0;
	lr =	simm.s32 $0x1  }
0x2: {  	[smem:$0x3F86] =	sst lr;
	_ =	strace $0xD0000000  }
0x3: {  	_ = 	snop  }
0x4: {  	_ = 	snop  }
0x5: {  	_ = 	snop  }
0x6: {  	_ = 	snop  }
0x7: {  	_ = 	snop  }
__scs_overlays_trampoline_lowered:
0x8: {  	[smem:$0x3F95] =	sst s0  }
0x9: {  	[smem:$0x3F96] =	sst s1  }
0xa: {  	[smem:$0x3F97] =	sst s2  }
0xb: {  	[smem:$0x3F98] =	sst s3  }
0xc: {  	[smem:$0x3F99] =	sst s4  }
0xd: {  	[smem:$0x3F9A] =	sst s5  }
0xe: {  	[smem:$0x3F9B] =	sst s6  }
0xf: {  	[smem:$0x3F9C] =	sst s7  }
0x10: {  	[smem:$0x3F9D] =	sst s8  }
0x11: {  	[smem:$0x3F9E] =	sst s9;
	s0 =	simm.s32 @!p0 $0x0  }
0x12: {  	s1 =	sld [smem:$0x3F84];
	s0 =	simm.s32 @p0 $0x1  }
0x13: {  	[smem:$0x3F9F] =	sst s0;
	s0 =	simm.s32 @!p1 $0x0  }
0x14: {  	s2 =	sld [smem:$0x3F83];
	s0 =	simm.s32 @p1 $0x1  }
0x15: {  	[smem:$0x3FA0] =	sst s0;
	s0 =	simm.s32 @!p2 $0x0  }
0x16: {  	s3 =	sld [smem:$0x3FDB];
	s0 =	simm.s32 @p2 $0x1  }
0x17: {  	s4 =	simm.s32 $0x1BF5;
	[smem:$0x3FA2] =	sst s0  }
0x18: {  	s0 =	sld [smem:$0x3F85];
	_ =	swait.ge [sflag:s4], $0x0  }
0x19: {  	s7 =	sld [smem:$0x3F86]  }
0x1a: {  	s8 =	sadd.s32 $0xFFFFE003, lr  }
0x1b: {  	s9 =	sadd.s32 $0xFFFFFEF7, lr;
	s5 =	simm.s32 $0xFFFFFFFF;
	p2 =	slt.u32 s8, $0xFFFFF086  }
0x1c: {  	p1 =	slt.u32 s9, $0xF7A;
	s5 =	simm.s32 @!p2 $0x0  }
0x1d: {  	s5 =	simm.s32 @p1 $0x1;
	p0 =	seq.s32 s7, s2  }
0x1e: {  	s7 =	smul.u32 @!p0 $0xF7A, s2;
	p2 =	seq.s32 @!p0 s5, $0x0  }
0x1f: {  	s9 =	smul.u32 $0xF7A, s1;
	s8 =	simm.s32 @!p0 $0x1BF5;
	p2 =	por !p2, p0  }
0x20: {  	[sflag:s8] =	ssyncset.s32 @!p0 $0xFFFFF086;
	s6 =	sadd.s32 @!p0 s3, s7;
	s7 =	simm.s32 @!p0 $0x108  }
0x21: {  	s3 =	sadd.s32 s3, s9;
	s6 =	sadd.s32 @!p0 $0x88, s6;
	s7 =	simm.s32 @p2 $0x1082  }
0x22: {  	[simem:s7], [sflag:s8] =	dma.local @!p0 [hbm:s6], $0xF7A  }
0x23: {  	s9 =	sor.u32 $0xD0000000, s2;
	s6 =	simm.s32 $0x108;
	_ =	swait.ge @!p0 [sflag:s8], $0x0  }
0x24: {  	s3 =	sadd.s32 $0x88, s3;
	s6 =	simm.s32 @!p1 $0x1082;
	[sflag:s4] =	ssyncset.s32 $0xFFFFF086  }
0x25: {  	[simem:s6], [sflag:s4] =	dma.local [hbm:s3], $0xF7A  }
0x26: {  	[smem:$0x3F86] =	sst s1;
	(tag) =	ssettag s2;
	_ =	strace s9  }
0x27: {  	s1 =	sld [smem:$0x3F96]  }
0x28: {  	s2 =	sld [smem:$0x3F97]  }
0x29: {  	s4 =	sld [smem:$0x3F99]  }
0x2a: {  	p0 =	seq.s32 s5, $0x0;
	s5 =	sld [smem:$0x3F9A]  }
0x2b: {  	s6 =	sld [smem:$0x3F9B]  }
0x2c: {  	s7 =	sld [smem:$0x3F9C]  }
0x2d: {  	s3 =	simm.s32 $0x108;
	s8 =	sld [smem:$0x3F9D]  }
0x2e: {  	s3 =	simm.s32 @!p0 $0x1082;
	s9 =	sld [smem:$0x3F9E]  }
0x2f: {  	lr =	sadd.s32 s0, s3;
	s0 =	sld [smem:$0x3F95]  }
0x30: {  	s3 =	sld [smem:$0x3F98]  }
0x31: {  	[smem:$0x3FA1] =	sst s10  }
0x32: {  	s10 =	sld [smem:$0x3F9F];
	_ =	sdelay $0x3  }
0x33: {  	p0 =	seq.s32 s10, $0x1;
	s10 =	sld [smem:$0x3FA1];
	_ =	sdelay $0x3  }
0x34: {  	[smem:$0x3FA1] =	sst s10  }
0x35: {  	s10 =	sld [smem:$0x3FA0];
	_ =	sdelay $0x3  }
0x36: {  	p1 =	seq.s32 s10, $0x1;
	s10 =	sld [smem:$0x3FA1];
	_ =	sdelay $0x3  }
0x37: {  	[smem:$0x3FA1] =	sst s10  }
0x38: {  	s10 =	sld [smem:$0x3FA2]  }
0x39: {  	_ = 	snop;
	(pc) =	sbr.ind lr, $3  }
0x3a: {  	_ = 	snop  }
0x3b: {  	_ = 	snop  }
0x3c: {  	p2 =	seq.s32 s10, $0x1;
	s10 =	sld [smem:$0x3FA1]  }
0x3d: {  	_ =	shalt  }
0x3e: {  	_ =	shalt  }
0x3f: {  	_ =	shalt  }
0x40: {  	_ =	shalt  }
0x41: {  	_ =	shalt  }
0x42: {  	_ =	shalt  }
0x43: {  	_ =	shalt  }
0x44: {  	_ =	shalt  }
0x45: {  	_ =	shalt  }
0x46: {  	_ =	shalt  }
0x47: {  	_ =	shalt  }
0x48: {  	_ =	shalt  }
0x49: {  	_ =	shalt  }
0x4a: {  	_ =	shalt  }
0x4b: {  	_ =	shalt  }
0x4c: {  	_ =	shalt  }
0x4d: {  	_ =	shalt  }
0x4e: {  	_ =	shalt  }
0x4f: {  	_ =	shalt  }
0x50: {  	_ =	shalt  }
0x51: {  	_ =	shalt  }
0x52: {  	_ =	shalt  }
0x53: {  	_ =	shalt  }
0x54: {  	_ =	shalt  }
0x55: {  	_ =	shalt  }
0x56: {  	_ =	shalt  }
0x57: {  	_ =	shalt  }
0x58: {  	_ =	shalt  }
0x59: {  	_ =	shalt  }
0x5a: {  	_ =	shalt  }
0x5b: {  	_ =	shalt  }
0x5c: {  	_ =	shalt  }
0x5d: {  	_ =	shalt  }
0x5e: {  	_ =	shalt  }
0x5f: {  	_ =	shalt  }
0x60: {  	_ =	shalt  }
0x61: {  	_ =	shalt  }
0x62: {  	_ =	shalt  }
0x63: {  	_ =	shalt  }
0x64: {  	_ =	shalt  }
0x65: {  	_ =	shalt  }
0x66: {  	_ =	shalt  }
0x67: {  	_ =	shalt  }
0x68: {  	_ =	shalt  }
0x69: {  	_ =	shalt  }
0x6a: {  	_ =	shalt  }
0x6b: {  	_ =	shalt  }
0x6c: {  	_ =	shalt  }
0x6d: {  	_ =	shalt  }
0x6e: {  	_ =	shalt  }
0x6f: {  	_ =	shalt  }
0x70: {  	_ =	shalt  }
0x71: {  	_ =	shalt  }
0x72: {  	_ =	shalt  }
0x73: {  	_ =	shalt  }
0x74: {  	_ =	shalt  }
0x75: {  	_ =	shalt  }
0x76: {  	_ =	shalt  }
0x77: {  	_ =	shalt  }
0x78: {  	_ =	shalt  }
0x79: {  	_ =	shalt  }
0x7a: {  	_ =	shalt  }
0x7b: {  	_ =	shalt  }
0x7c: {  	_ =	shalt  }
0x7d: {  	_ =	shalt  }
0x7e: {  	_ =	shalt  }
0x7f: {  	_ =	shalt  }
0x80: {  	_ =	shalt  }
0x81: {  	_ =	shalt  }
0x82: {  	_ =	shalt  }
0x83: {  	_ =	shalt  }
0x84: {  	_ =	shalt  }
0x85: {  	_ =	shalt  }
0x86: {  	_ =	shalt  }
0x87: {  	_ =	shalt  }
.Lfunc_end0:
.L_simem_size_0:
called_computation_lowered:
.L_overlay_start_0:
0x88: {  	s0 =	sld [smem:$0x3FD9]  }
0x89: {  	s1 =	sld [smem:$0x3FFE];
	_ =	sdelay $0x3  }
0x8a: {  	s0 =	sadd.s32 s1, s0  }
0x8b: {  	[smem:$0x3FAD] =	sst s0  }
0x8c: {  	_ = 	snop  }
0x8d: {  	s14 =	sld [smem:$0x3FD0];
	(tm) =	ssettm $0x1  }
0x8e: {  	s15 =	sld [smem:$0x3FFB];
	_ =	sdelay $0x3  }
0x8f: {  	_ =	strace s15  }
0x90: {  	s0 =	sld [smem:$0x3FFC];
	_ =	sdelay $0x3  }
0x91: {  	_ =	strace s0  }
0x92: {  	s0 =	sld [smem:$0x3FFD];
	_ =	sdelay $0x3  }
0x93: {  	_ =	strace s0  }
0x94: {  	_ =	strace $0x8FFFFFFF  }
0x95: {  	s16 =	sld [smem:$0x3FDB];
	_ =	sdelay $0x1  }
0x96: {  	s2 =	simm.s32 $_scs_section_size  }
0x97: {  	s3 =	simm.s32 $_size__tile_overlayer_lowered;
	s4 =	simm.s32 $_tile_overlayer_lowered  }
0x98: {  	s5 =	simm.s32 $0x1BFF;
	s17 =	sshll.u32 s4, $0x1;
	s2 =	sadd.s32 s2, s16  }
0x99: {  	s18 =	simm.s32 $0x0;
	s3 =	sshll.u32 s3, $0x1;
	s4 =	sadd.s32 s17, s2  }
0x9a: {  	[timem:s18], [sflag:s5] =	dma.local [hbm:s4], s3  }
0x9b: {  	_ =	swait.ge [sflag:s5], s3  }
0x9c: {  	s3 =	ssub.s32 $0x0, s3;
	[sflag:s5] =	ssyncset.done $0x0  }
0x9d: {  	[sflag:s5] =	ssyncadd.s32 s3;
	_ =	sdelay $0x1  }
0x9e: {  	s19 =	simm.s32 $0x1B8B  }
0x9f: {  	_ =	swait.ge [sflag:s19], $0x1  }
0xa0: {  	[sflag:s19] =	ssyncset.done $0x0  }
0xa1: {  	s21 =	simm.s32 $0x1B8E;
	s20 =	sld [smem:$0x3FFE];
	[sflag:s19] =	ssyncadd.s32 $0xFFFFFFFF  }
0xa2: {  	s22 =	simm.s32 $execute0_lowered;
	[smem:$0x3FD2] =	sst s21  }
0xa3: {  	s4 =	sshll.u32 s22, $0x1;
	_ =	strace $0x80000046;
	[dreg:$0x1] =	wrdreg $0xFFFFFFFF  }
0xa4: {  	s23 =	simm.s32 $_size_execute0_lowered;
	s4 =	sadd.s32 s2, s4;
	[dreg:$0x0] =	wrdreg $0x0  }
0xa5: {  	s5 =	sshll.u32 s23, $0x1;
	[dreg:$0x2] =	wrdreg s4  }
0xa6: {  	[dreg:$0x3] =	wrdreg s5  }
0xa7: {  	[dreg:$0x4] =	wrdreg $0xC0  }
0xa8: {  	s24 =	simm.s32 $execute1_lowered;
	_ =	task [dreg:s18], $0x5FFFF  }
0xa9: {  	s4 =	sshll.u32 s24, $0x1;
	[dreg:$0x1] =	wrdreg $0xFFFFFFFF  }
0xaa: {  	s2 =	sadd.s32 s2, s4;
	[dreg:$0x0] =	wrdreg $0x60  }
0xab: {  	[dreg:$0x2] =	wrdreg s2  }
0xac: {  	[dreg:$0x3] =	wrdreg s14  }
0xad: {  	[dreg:$0x4] =	wrdreg s20  }
0xae: {  	[dreg:$0x5] =	wrdreg $0x9  }
0xaf: {  	_ =	task.clear_ibuf [dreg:s18], $0x6FFFF;
	_ =	strace $0x90000046  }
0xb0: {  	s25 =	simm.s32 $0x9;
	_ =	strace $0x80000048  }
0xb1: {  	_ =	swait.ge [sflag:s25], $0x1  }
0xb2: {  	[sflag:s25] =	ssyncadd.s32 $0xFFFFFFFF  }
0xb3: {  	_ =	strace $0x90000048  }
0xb4: {  	_ =	strace $0x80000049;
	[dreg:$0x1] =	wrdreg $0xFFFFFFFF  }
0xb5: {  	[dreg:$0x0] =	wrdreg $0x2030  }
0xb6: {  	[dreg:$0x2] =	wrdreg s20  }
0xb7: {  	[dreg:$0x3] =	wrdreg $0xA  }
0xb8: {  	_ =	task.clear_ibuf [dreg:s18], $0x4FFFF;
	_ =	strace $0x90000049  }
0xb9: {  	s26 =	simm.s32 $0xA;
	_ =	strace $0x8000004B  }
0xba: {  	_ =	swait.ge [sflag:s26], $0x1  }
0xbb: {  	[sflag:s26] =	ssyncadd.s32 $0xFFFFFFFF  }
0xbc: {  	_ =	strace $0x9000004B  }
0xbd: {  	_ =	sfence  }
0xbe: {  	s28 =	sld [smem:$0x0];
	_ =	sdelay $0x1  }
0xbf: {  	s29 =	srdreg.scid  }
0xc0: {  	s30 =	sshll.u32 s29, $0xD;
	s31 =	sshrl.u32 s29, $0x2  }
0xc1: {  	s3 =	sand.u32 $0x4000, s30;
	s2 =	sand.u32 $0x1, s29;
	s1 =	sadd.s32 s31, s28  }
0xc2: {  	s2 =	sor.u32 s3, s2;
	s1 =	sshll.u32 s1, $0x11  }
0xc3: {  	s1 =	sor.u32 s1, s2  }
0xc4: {  	s1 =	sadd.s32 $0x8F2B, s1  }
0xc5: {  	[sflag:s1] =	ssyncadd.remote.s32 $0x1  }
0xc6: {  	_ =	sfence.sel $0xFFFF  }
0xc7: {  	[dreg:$0x0] =	wrdreg $0xFFFFFFFF;
	(pc) =	sbr.abs _section_cstart, $3  }
0xc8: {  	[dreg:$0x1] =	wrdreg $0xFFFFFFFF  }
0xc9: {  	_ =	task.clear_ibuf [dreg:s18], $0x2FFFF;
	_ =	strace $0x9FFFFFFF  }
0xca: {  	(tm) =	ssettm $0x7FFFFFFF  }
0xcb: {  	_ =	shalt  }
tec
execute0_lowered:
.L_overlay_start_1:
0x0: {  	(tag) =	ssettag $0x1  }
0x1: {  	s2 =	rddreg [dreg:$0x0]  }
0x2: {  	s5 =	rddreg [dreg:$0x1]  }
0x3: {  	s4 =	rddreg [dreg:$0x2]  }
0x4: {  	s0 =	rddreg [dreg:$0x3];
	s3 =	stileid.u32  }
0x5: {  	[bflag:$0x3] =	sbarrier.arrive $0xFFFF;
	s1 =	simm.s32 $_size_execute1_lowered;
	p0 =	sne.s32 s3, $0x0  }
0x6: {  	s1 =	sshll.u32 s1, $0x1;
	s6 =	simm.s32 @!p0 $0x1C3F;
	s7 =	simm.s32 @!p0 $0x4060  }
0x7: {  	[timem:s7], [sflag:s6] =	dma.local @!p0 [hbm:s2], s1  }
.Ltmp0:
0x8: {  	s30 =	simm.s32 $0x2;
	s8 =	simm.s32 $0x780;
	(pc) =	sbr.rel .LBB2_1-.Ltmp0, $4  }
0x9: {  	s10 =	simm.s32 $0x0;
	s9 =	simm.s32 $0x0;
	s2 =	smul.u32 $0x280, s3  }
0xa: {  	s4 =	sadd.s32 $0x35200, s4;
	s3 =	simm.s32 $0x1;
	_ =	strace $0x80000047  }
0xb: {  	s6 =	simm.s32 $0x0;
	[sflag:s3] =	ssyncpa.u1 $0x0;
	s31 =	sshrl.u32 s2, $0x3  }
0xc: {  	s7 =	simm.s32 $0x280;
	[sflag:s30] =	ssyncpa.u1 $0x0;
	s5 =	sadd.s32 s31, s5  }
.LBB2_8:
0xd: {  	p1 =	seq.s32 s9, $0x2  }
.Ltmp1:
0xe: {  	_ = 	snop;
	(pc) =	sbr.rel @p1 .LBB2_10-.Ltmp1, $1  }
0xf: {  	_ =	sdelay $0x3  }
.LBB2_9:
0x10: {  	s9 =	sadd.s32 $0x1, s9;
	s10 =	smov.u32 s2  }
.LBB2_1:
0x11: {  	p1 =	sne.s32 s9, $0x0  }
.Ltmp2:
0x12: {  	_ = 	snop;
	(pc) =	sbr.rel @!p1 .LBB2_2-.Ltmp2, $1  }
0x13: {  	_ =	sdelay $0x3  }
0x14: {  	s11 =	sand.u32 $0x1, s9  }
0x15: {  	p1 =	seq.s32 s11, $0x0  }
.Ltmp3:
0x16: {  	_ = 	snop;
	(pc) =	sbr.rel @p1 .LBB2_8-.Ltmp3, $1  }
0x17: {  	_ =	sdelay $0x3  }
0x18: {  	_ =	swait.ge [sflag:s3], $0x280  }
0x19: {  	[sflag:s3] =	ssyncset.done $0x0  }
0x1a: {  	s11 =	simm.s32 $0x0;
	p1 =	por $0x1, $0x1;
	[sflag:s3] =	ssyncadd.s32 $0xFFFFFD80  }
.LBB2_5:
0x1b: {  	v0 =	vld [tilespmem:s11+$0x280]  }
0x1c: {  	v1 =	vld [tilespmem:s11+$0x290]  }
0x1d: {  	v2 =	vld [tilespmem:s11+$0x2A0]  }
0x1e: {  	v3 =	vld [tilespmem:s11+$0x2B0]  }
0x1f: {  	v4 =	vld [tilespmem:s11+$0x2C0]  }
0x20: {  	v53 =	vld [tilespmem:s11+$0x2D0];
	[tilespmem:s11+$0x780] =	vst v0  }
0x21: {  	v54 =	vld [tilespmem:s11+$0x2E0];
	[tilespmem:s11+$0x790] =	vst v1  }
0x22: {  	v55 =	vld [tilespmem:s11+$0x2F0];
	[tilespmem:s11+$0x7A0] =	vst v2  }
0x23: {  	v56 =	vld [tilespmem:s11+$0x300];
	[tilespmem:s11+$0x7B0] =	vst v3  }
0x24: {  	v57 =	vld [tilespmem:s11+$0x310];
	[tilespmem:s11+$0x7C0] =	vst v4  }
0x25: {  	v58 =	vld [tilespmem:s11+$0x320];
	[tilespmem:s11+$0x7D0] =	vst v53  }
0x26: {  	v59 =	vld [tilespmem:s11+$0x330];
	[tilespmem:s11+$0x7E0] =	vst v54  }
0x27: {  	v60 =	vld [tilespmem:s11+$0x340];
	[tilespmem:s11+$0x7F0] =	vst v55  }
0x28: {  	v61 =	vld [tilespmem:s11+$0x350];
	[tilespmem:s11+$0x800] =	vst v56  }
0x29: {  	v62 =	vld [tilespmem:s11+$0x360];
	[tilespmem:s11+$0x810] =	vst v57  }
0x2a: {  	v63 =	vld [tilespmem:s11+$0x370];
	p2 =	por p1, p1;
	[tilespmem:s11+$0x820] =	vst v58  }
.Ltmp4:
0x2b: {  	[tilespmem:s11+$0x830] =	vst v59;
	(pc) =	sbr.rel @p2 .LBB2_5-.Ltmp4, $4  }
0x2c: {  	[tilespmem:s11+$0x840] =	vst v60  }
0x2d: {  	[tilespmem:s11+$0x850] =	vst v61  }
0x2e: {  	s12 =	simm.s32 $0x1F0;
	s13 =	simm.s32 $0x980;
	[tilespmem:s11+$0x860] =	vst v62  }
0x2f: {  	s14 =	simm.s32 $0x480;
	p1 =	por $0x0, $0x0;
	[tilespmem:s11+$0x870] =	vst v63;
	s11 =	simm.s32 $0x100  }
.LBB2_6:
0x30: {  	s12 =	sadd.s32 $0x10, s12  }
0x31: {  	v0 =	vld [tilespmem:s14+$0x0];
	p1 =	slt.u32 s12, $0x270  }
.Ltmp5:
0x32: {  	_ = 	snop;
	(pc) =	sbr.rel @p1 .LBB2_6-.Ltmp5, $2  }
0x33: {  	_ =	sdelay $0x2  }
0x34: {  	s14 =	sadd.s32 $0x10, s14;
	[tilespmem:s13+$0x0] =	vst v0;
	s13 =	sadd.s32 $0x10, s13  }
.Ltmp6:
0x35: {  	(pc) =	sbr.rel .LBB2_8-.Ltmp6, $4  }
0x36: {  	_ = 	snop  }
0x37: {  	s10 =	sshrl.u32 s10, $0x3  }
0x38: {  	s10 =	sadd.s32 s4, s10  }
0x39: {  	[hbm4b:s10+s6] =	stream.linear.scatter [tilespmem:s8], [sflag:$0x2], $0x280, $0x38;
	[tilespmem:$0xA00] =	vst v63  }
.LBB2_2:
.Ltmp7:
0x3a: {  	(pc) =	sbr.rel .LBB2_9-.Ltmp7, $2  }
0x3b: {  	_ =	sdelay $0x2  }
0x3c: {  	[tilespmem:s7], [sflag:$0x1] =	stream.linear.gather [hbm4b:s5+s6], $0x280, $0x38;
	[tilespmem:$0xA00] =	vst v63  }
.LBB2_10:
0x3d: {  	s2 =	simm.s32 $0x2  }
0x3e: {  	_ =	swait.ge [sflag:s2], $0x280  }
0x3f: {  	[sflag:s2] =	ssyncset.done $0x0  }
0x40: {  	[sflag:s2] =	ssyncadd.s32 $0xFFFFFD80  }
0x41: {  	_ =	sfence.sel $0x180000  }
0x42: {  	s3 =	simm.s32 $0x1;
	[bflag:$0x0] =	sbarrier.arrive $0xFFFF  }
0x43: {  	[sflag:s3] =	ssyncpa.u1 $0x1  }
0x44: {  	[sflag:s2] =	ssyncpa.u1 $0x1  }
0x45: {  	_ =	strace $0x90000047  }
0x46: {  	s0 =	sadd.s32 @!p0 $0x100000, s0;
	[bflag:$0x2] =	sbarrier.arrive $0xFFFF  }
0x47: {  	[sflag:s0] =	ssyncadd.tile.s32 @!p0 $0x1;
	s0 =	simm.s32 @!p0 $0x3F  }
0x48: {  	_ =	swait.ge @!p0 [sflag:s0], s1  }
0x49: {  	s1 =	ssub.s32 @!p0 $0x0, s1;
	[sflag:s0] =	ssyncset.done @!p0 $0x0  }
0x4a: {  	[sflag:s0] =	ssyncadd.s32 @!p0 s1  }
0x4b: {  	[bflag:$0x3] =	sbarrier.arrive $0xFFFF  }
0x4c: {  	_ =	shalt  }
.Lfunc_end2:
execute1_lowered:
.L_overlay_start_2:
0x4d: {  	(tag) =	ssettag $0x2  }
0x4e: {  	s0 =	rddreg [dreg:$0x0]  }
0x4f: {  	s14 =	stileid.u32;
	_ =	strace $0x8000004A;
	s2 =	simm.s32 $0x1  }
0x50: {  	v1 =	vimm.s32 $0xFFFFFFFF;
	s1 =	smin.u32 s14, $0x4;
	[sflag:s2] =	ssyncpa.u1 $0x0  }
0x51: {  	s1 =	sadd.s32 s14, s1;
	[tilespmem:$0x10] =	vst v1  }
0x52: {  	v0 =	vimm.f32 $0.0e+00;
	p0 =	slt.u32 s14, $0x4;
	[tilespmem:$0x20] =	vst v1;
	s3 =	smul.u32 $0x1F40, s1;
	s1 =	simm.s32 $0x3E80  }
0x53: {  	[tilespmem:$0x30] =	vst v0;
	s1 =	simm.s32 @!p0 $0x1F40  }
0x54: {  	[tilespmem:$0x40] =	vst v0;
	s1 =	sadd.s32 s1, s3  }
0x55: {  	[tilespmem:$0x50] =	vst v0;
	s4 =	smin.u32 s1, $0x27100  }
0x56: {  	[tilespmem:$0x60] =	vst v1;
	s9 =	ssub.s32 s4, s3  }
0x57: {  	s7 =	simm.s32 $0x2;
	s8 =	simm.s32 $0x8;
	[tilespmem:$0x70] =	vst v1;
	p0 =	sgt.s32 s9, $0x0  }
0x58: {  	s31 =	simm.s32 $0x9;
	s16 =	simm.s32 $0x0;
	[tilespmem:$0x80] =	vst v1;
	s9 =	simm.s32 @!p0 $0x0  }
0x59: {  	s17 =	simm.s32 $0xF0;
	s18 =	simm.s32 $0xFFFFFFFF;
	v1 =	vimm.s32 $0x0;
	[tilespmem:$0xB0] =	vst v0;
	s5 =	smulhi.u32 $0x10624DD3, s9  }
0x5a: {  	s19 =	simm.s32 $0xFFFFC280;
	s20 =	simm.s32 $0xFFFFFFFE;
	s21 =	simm.s32 $0xF;
	[tilespmem:$0x90] =	vst v1  }
0x5b: {  	[tilespmem:$0xA0] =	vst v1;
	[sflag:s7] =	ssyncpa.u1 $0x0;
	s7 =	simm.s32 $0x7;
	s10 =	sshrl.u32 s5, $0x9  }
0x5c: {  	s25 =	simm.s32 $0x0;
	[sflag:s7] =	ssyncpa.u1 $0x0;
	s11 =	smul.u32 $0x1F40, s10  }
0x5d: {  	s24 =	simm.s32 $0x0;
	s6 =	sadd.s32 $0x14200, s0;
	[sflag:s8] =	ssyncpa.u1 $0x0  }
.Ltmp8:
0x5e: {  	s23 =	smov.u32 s3;
	p0 =	sne.s32 s9, s11;
	(pc) =	sbr.rel .LBB3_1-.Ltmp8, $4  }
0x5f: {  	s1 =	sadd.s32 $0x35200, s0;
	[sflag:s31] =	ssyncpa.u1 $0x0;
	s2 =	simm.s32 @!p0 $0x0  }
0x60: {  	s5 =	sadd.s32 $0xF200, s0;
	p0 =	por $0x0, $0x0;
	s9 =	sadd.s32 s2, s10  }
0x61: {  	vm0 =	vmmov $0xffff;
	v2 =	vlaneseq.u32;
	s10 =	sshll.u32 s14, $0x1;
	s14 =	sshllo.u32 s14, $0x1;
	s11 =	sadd.s32 $0x1, s9  }
0x62: {  	vm1 =	vmxor vm1, vm1;
	vm2 =	vmmov $0x1;
	vm3 =	vcmask $0x3F3C;
	s12 =	sadd.s32 $0x2, s9;
	s13 =	sor.u32 $0x81, s10;
	s15 =	sor.u32 $0x80, s10  }
.LBB3_9:
0x63: {  	p1 =	slt.u32 s24, $0x3  }
0x64: {  	s0 =	simm.s32 @!p1 $0x2  }
0x65: {  	_ =	swait.ge @!p1 [sflag:s0], $0x1F40  }
0x66: {  	[sflag:s0] =	ssyncset.done @!p1 $0x0  }
0x67: {  	[sflag:s0] =	ssyncadd.s32 @!p1 $0xFFFFE0C0;
	s0 =	simm.s32 @!p1 $0x9  }
0x68: {  	_ =	swait.ge @!p1 [sflag:s0], $0x10  }
0x69: {  	[sflag:s0] =	ssyncset.done @!p1 $0x0  }
0x6a: {  	[sflag:s0] =	ssyncadd.s32 @!p1 $0xFFFFFFF0;
	p1 =	sne.s32 s24, s12  }
.Ltmp9:
0x6b: {  	s2 =	sadd.s32 $0x1F40, s23;
	(pc) =	sbr.rel @!p1 .LBB3_10-.Ltmp9, $4  }
0x6c: {  	s22 =	smov.u32 s3;
	s31 =	sadd.s32 $0x1, s24;
	s17 =	sadd.s32 $0x1F40, s17  }
0x6d: {  	s18 =	sadd.s32 $0x1, s18;
	s25 =	smov.u32 s23;
	p2 =	slt.s32 s2, s4  }
0x6e: {  	p0 =	por !p0, !p0;
	s19 =	sadd.s32 $0x1F40, s19;
	s22 =	smov.u32 @p2 s2  }
0x6f: {  	s20 =	sadd.s32 $0x1, s20;
	s23 =	smov.u32 s22;
	s24 =	smov.u32 s31  }
.LBB3_1:
0x70: {  	p1 =	sge.u32 s24, s9  }
0x71: {  	s0 =	smulhi.u32 @!p1 $0xAAAAAAAB, s24;
	_ =	sdelay $0x1  }
0x72: {  	s0 =	sshrl.u32 @!p1 s0, $0x1  }
0x73: {  	s0 =	smul.u32 @!p1 $0x3, s0;
	_ =	sdelay $0x1  }
0x74: {  	s0 =	ssub.s32 @!p1 s24, s0  }
0x75: {  	s0 =	smul.u32 @!p1 $0x7D00, s0;
	_ =	sdelay $0x1  }
0x76: {  	s2 =	sshrl.u32 @!p1 s23, $0x3;
	s0 =	sshrl.u32 @!p1 s0, $0x2  }
0x77: {  	s22 =	sand.u32 @!p1 $0x7, s23;
	s2 =	sadd.s32 @!p1 s5, s2;
	s0 =	sadd.s32 @!p1 $0x100, s0  }
0x78: {  	[tilespmem:s0], [sflag:$0x7] =	stream.linear.gather @!p1 [hbm4b:s2+s22], $0x1F40, $0x38;
	[tilespmem:$0x11A60] =	vst v63  }
0x79: {  	s0 =	sadd.s32 $0xFFFFFFFF, s24  }
0x7a: {  	p1 =	sge.u32 s0, s9  }
.Ltmp10:
0x7b: {  	_ = 	snop;
	(pc) =	sbr.rel @p1 .LBB3_5-.Ltmp10, $1  }
0x7c: {  	_ =	sdelay $0x3  }
0x7d: {  	s2 =	smulhi.u32 $0xAAAAAAAB, s0;
	_ =	sdelay $0x1  }
0x7e: {  	s2 =	sshrl.u32 s2, $0x1  }
0x7f: {  	s2 =	smul.u32 $0x3, s2;
	_ =	sdelay $0x1  }
0x80: {  	s2 =	ssub.s32 s0, s2  }
0x81: {  	s2 =	smul.u32 $0x7D00, s2  }
0x82: {  	_ =	swait.ge [sflag:s7], $0x1F40  }
0x83: {  	[sflag:s7] =	ssyncset.done $0x0;
	s2 =	sshrl.u32 s2, $0x2  }
0x84: {  	[sflag:s7] =	ssyncadd.s32 $0xFFFFE0C0;
	(ifvalue) =	ssetifvalue $0xFFFFFFFF;
	v3 =	vld.msk [tilespmem:s2+$0x100 ss:$0x1], $0xffff;
	_ =	sdelay $0x2  }
0x85: {  	s30 =	smulhi.u32 $0xAAAAAAAB, s18;
	p1 =	sne.s32 s24, $0x1  }
0x86: {  	v4 =	vimm.s32 @!p1 $0x0  }
0x87: {  	s2 =	sshrl.u32 s30, $0x1;
	v4 =	vperm.xlane @!p1 v3, v4  }
0x88: {  	s22 =	sshll.u32 s24, $0x4;
	s2 =	smul.u32 $0xFFFE8900, s2;
	vm4 =	vlt.u32 v3, $0x2800  }
0x89: {  	s22 =	sand.u32 $0x10, s22;
	v3 =	vnsel vm4, $0xFFFFFFFE, v3;
	vm4 =	vlt.u32 @!p1 v4, $0x2800  }
0x8a: {  	s2 =	sshra.s32 s2, $0x2;
	[tilespmem:s22+$0x60] =	vst v3;
	v3 =	vnsel @!p1 vm4, $0xFFFFFFFE, v4  }
0x8b: {  	s28 =	sadd.s32 s2, s17;
	[tilespmem:$0x80] =	vst @!p1 v3  }
0x8c: {  	v3 =	vld.msk [tilespmem:s28+$0x0 ss:$0x1], $0xffff;
	_ =	sdelay $0x4  }
0x8d: {  	(xrf1) =	vunique.msk.u32 $0xffff, v3;
	_ =	sdelay $0xd  }
0x8e: {  	v4 =	vimm.s32 $0xFFFFFFFF;
	v5, _, _ =	vpop (xrf1)  }
0x8f: {  	vm5 =	vne.s32 v3, v4;
	vm4 =	veq.s32 v5, v2  }
0x90: {  	vm6 =	vlt.u32 v3, $0x2800;
	vm4 =	vmand vm5, vm4  }
0x91: {  	vm4 =	vmand vm6, vm4  }
0x92: {  	v4 =	vnsel vm4, $0xFFFFFFFF, v3  }
0x93: {  	s31 =	sand.u32 $0x1, s0  }
0x94: {  	s0 =	simm.s32 $0x1F40;
	p1 =	seq.s32 s31, $0x1  }
0x95: {  	s0 =	simm.s32 @!p1 $0x0  }
0x96: {  	s26 =	sadd.s32 $0x7DF0, s0;
	(ifvalue) =	ssetifvalue $0xFFFFFFFF  }
0x97: {  	v3 =	vperm.xlane v3, v1;
	[tilespmem:s26], [sflag:$0x8] =	stream.indirect_vreg.gather [hbm4b:s1+s16], $0x1, v4, vm0, $0x4038;
	v4 =	vnsel vm6, $0xFFFFFFFE, v4;
	[tilespmem:$0x11A60] =	vst v63  }
0x98: {  	s2 =	simm.s32 $0x0;
	s22 =	sadd.s32 $0xFFFFFFF0, s28;
	[tilespmem:s28+$0x0] =	vst v4  }
.LBB3_3:
0x99: {  	v4 =	vld.msk [tilespmem:s22+$0x0 ss:$0x1], $0xffff;
	s2 =	sadd.s32 $0x10, s2;
	v5 =	vmov v3;
	s28 =	smov.u32 s22  }
0x9a: {  	p1 =	slt.u32 s2, $0x1F30;
	_ =	sdelay $0x4  }
0x9b: {  	v3 =	vperm.xlane v4, v1;
	(xrf1) =	vunique.msk.u32 $0xffff, v4;
	_ =	sdelay $0xd  }
0x9c: {  	v6, _, _ =	vpop (xrf1)  }
0x9d: {  	vm5 =	vne.s32 v4, v5;
	vm4 =	veq.s32 v6, v2  }
0x9e: {  	vm6 =	vlt.u32 v4, $0x2800;
	vm4 =	vmand vm5, vm4  }
0x9f: {  	vm4 =	vmand vm6, vm4  }
0xa0: {  	v4 =	vnsel vm4, $0xFFFFFFFF, v4  }
.Ltmp11:
0xa1: {  	v5 =	vnsel vm6, $0xFFFFFFFE, v4;
	(pc) =	sbr.rel @p1 .LBB3_3-.Ltmp11, $3  }
0xa2: {  	_ =	sdelay $0x1  }
0xa3: {  	s22 =	sadd.s32 $0xFFFFFFF0, s22;
	s26 =	sadd.s32 $0xFFFFFFF0, s26;
	(ifvalue) =	ssetifvalue $0xFFFFFFFF  }
0xa4: {  	[tilespmem:s26], [sflag:$0x8] =	stream.indirect_vreg.gather [hbm4b:s1+s16], $0x1, v4, vm0, $0x4038;
	[tilespmem:s28+$0x0] =	vst v5  }
0xa5: {  	s2 =	sshrl.u32 s25, $0x3  }
0xa6: {  	s0 =	sadd.s32 $0x9D40, s0;
	s2 =	sadd.s32 s6, s2  }
0xa7: {  	[tilespmem:s0], [sflag:$0x8] =	stream.linear.gather [hbm:s2], $0x1F40, $0x38;
	[tilespmem:$0x11A60] =	vst v63  }
.LBB3_5:
0xa8: {  	p1 =	slt.u32 s24, $0x2  }
0xa9: {  	p2 =	sge.u32 @!p1 s24, s12  }
0xaa: {  	p1 =	por p1, p2  }
.Ltmp12:
0xab: {  	_ = 	snop;
	(pc) =	sbr.rel @p1 .LBB3_9-.Ltmp12, $1  }
0xac: {  	_ =	sdelay $0x3  }
0xad: {  	s0 =	sadd.s32 $0xFFFFFFFE, s24  }
0xae: {  	s2 =	smulhi.u32 $0xAAAAAAAB, s0;
	_ =	sdelay $0x1  }
0xaf: {  	s2 =	sshrl.u32 s2, $0x1  }
0xb0: {  	s2 =	smul.u32 $0x3, s2;
	_ =	sdelay $0x1  }
0xb1: {  	s0 =	ssub.s32 s0, s2  }
0xb2: {  	_ =	swait.ge [sflag:s8], $0x3E80;
	s0 =	smul.u32 $0x1F40, s0  }
0xb3: {  	p1 =	sne.s32 s24, s11;
	[sflag:s8] =	ssyncset.done $0x0  }
0xb4: {  	[sflag:s8] =	ssyncadd.s32 $0xFFFFC180;
	s2 =	sadd.s32 @!p1 $0x203F, s0  }
0xb5: {  	[spmem:s13] =	stream.linear.scatter @!p1 [tilespmem:s2], [sflag:$0x1], $0x1, $0x38;
	[tilespmem:$0x11A60] =	vst v63  }
0xb6: {  	s2 =	simm.s32 @!p1 $0x1  }
0xb7: {  	_ =	swait.ge @!p1 [sflag:s2], $0x1  }
0xb8: {  	s22 =	sshll.u32 s24, $0x4;
	[sflag:s2] =	ssyncset.done @!p1 $0x0  }
0xb9: {  	s25 =	sand.u32 $0x10, s22;
	[sflag:s2] =	ssyncadd.s32 @!p1 $0xFFFFFFFF  }
0xba: {  	s2 =	sxor.u32 $0x10, s25;
	v4 =	vld [tilespmem:s25+$0x10]  }
0xbb: {  	v5 =	vld [tilespmem:s2+$0x60]  }
0xbc: {  	v3 =	vld [tilespmem:$0x80];
	_ =	sdelay $0x2  }
0xbd: {  	(v2sf) =	vpush v4, $0x0  }
0xbe: {  	(v2sf) =	vpush v5, $0x0  }
0xbf: {  	(v2sf) =	vpush v3, $0x0;
	_ =	sdelay $0xc  }
0xc0: {  	s22 =	spop (v2sf)  }
0xc1: {  	s26 =	spop (v2sf)  }
0xc2: {  	s28 =	spop (v2sf)  }
0xc3: {  	p2 =	seq.s32 s22, s26;
	p3 =	seq.s32 s28, s22  }
0xc4: {  	p3 =	por p2, p3  }
0xc5: {  	s26 =	sand.u32 $0x1, s24;
	v4 =	vpsel p3, $0xFFFFFFFF, v4  }
0xc6: {  	s29 =	smul.u32 $0x1F40, s26;
	[tilespmem:s25+$0x10] =	vst.msk $0x1, v4  }
0xc7: {  	v4 =	vld [tilespmem:$0x30]  }
0xc8: {  	v5 =	vld [tilespmem:s29+$0x9D40]  }
0xc9: {  	v6 =	vld [tilespmem:s25+$0x40];
	_ =	sdelay $0x3  }
0xca: {  	vm4 =	vmmov vm1;
	v5 =	vadd.f32 v5, v4  }
0xcb: {  	vm5 =	vmmov vm2;
	vm4 =	vmmov @p2 vm2;
	s22 =	sshll.u32 s26, $0x4;
	v4 =	vadd.f32 v6, v4  }
0xcc: {  	s26 =	sor.u32 $0x11A40, s22;
	vm5 =	vmmov @p3 vm1;
	[tilespmem:s29+$0x9D40] =	vst.msk vm4, v5  }
0xcd: {  	[tilespmem:s26+$0x0] =	vst.msk vm5, v4  }
0xce: {  	v4 =	vld [tilespmem:s29+$0x7DF0];
	_ =	sdelay $0x3  }
0xcf: {  	v5 =	vimm.f32 $0.0e+00  }
0xd0: {  	v4 =	vshift.insert v4, v5, s21  }
0xd1: {  	s22 =	sor.u32 $0x40, s2  }
0xd2: {  	[tilespmem:s22+$0x0] =	vst.msk $0x1, v4  }
0xd3: {  	[tilespmem:s29+$0x7DFF] =	vst.msk $0x1, v5  }
0xd4: {  	v4 =	vld [tilespmem:s0+$0x2030];
	_ =	sdelay $0x1  }
0xd5: {  	s22 =	smulhi.u32 $0xAAAAAAAB, s20;
	s0 =	simm.s32 $0x1  }
0xd6: {  	s0 =	simm.s32 @!p0 $0x0  }
0xd7: {  	s22 =	sshrl.u32 s22, $0x1;
	s0 =	smul.u32 $0x7D00, s0  }
0xd8: {  	s22 =	smul.u32 $0xFFFE8900, s22;
	v4 =	vshift.insert v4, v1, s21  }
0xd9: {  	s0 =	sshrl.u32 s0, $0x2  }
0xda: {  	s22 =	sshra.s32 s22, $0x2;
	s30 =	sadd.s32 $0x9D40, s0;
	[tilespmem:s2+$0x10] =	vst.msk $0x1, v4  }
0xdb: {  	s22 =	sadd.s32 s22, s19;
	v6 =	vld [tilespmem:s30+$0x0]  }
0xdc: {  	v7 =	vld [tilespmem:s22+$0x0];
	_ =	sdelay $0x3  }
0xdd: {  	v5 =	vadd.f32 v6, v5  }
0xde: {  	vm4 =	vne.s32 v7, $0xFFFFFFFF  }
0xdf: {  	(xrf2) =	vadd.seg.scan.f32 vm4, v5;
	_ =	sdelay $0x3  }
0xe0: {  	s31 =	sadd.s32 $0x5EC0, s0;
	v5 =	vperm.xlane v4, v1  }
0xe1: {  	v6 =	vld [tilespmem:s31+$0x0]  }
0xe2: {  	vm5 =	veq.s32 v7, v3;
	vm6 =	veq.s32 v7, v5  }
0xe3: {  	vm7 =	vgt.u32 v7, $0xFFFFFFFD;
	vm6 =	vmor vm6, vm5  }
0xe4: {  	vm6 =	vmor vm6, vm7  }
0xe5: {  	v9 =	vld [tilespmem:$0xA0];
	v7 =	vsel vm6, $0xFFFFFFFF, v7  }
0xe6: {  	v10 =	vld [tilespmem:$0x90];
	v6 =	vsel vm5, $0x0, v6;
	v8, _, _ =	vpop (xrf2)  }
0xe7: {  	v6 =	vadd.f32 v8, v6  }
0xe8: {  	s0 =	sadd.s32 $0xDBC0, s0  }
0xe9: {  	vm4 =	vmand vm4, vm3;
	[tilespmem:s0+$0x0] =	vst v6;
	(ifvalue) =	ssetifvalue $0xFFFFFFFF  }
0xea: {  	vm6 =	veq.s32 v9, $0x1;
	[hbm4b:s1+s16] =	stream.indirect_vreg.scatter [tilespmem:s0], [sflag:$0x2], $0x1, v7, vm0, $0x4038;
	v7 =	vsel vm4, $0x0, v8;
	[tilespmem:$0x11A60] =	vst v63  }
0xeb: {  	s2 =	simm.s32 $0x0;
	s22 =	sadd.s32 $0x10, s22;
	vm4 =	vmor vm6, vm5;
	v6 =	vsel vm5, v8, v10;
	v7 =	vshift.insert v7, v0, s21  }
.LBB3_7:
0xec: {  	v8 =	vld [tilespmem:s22+$0x0];
	s30 =	sadd.s32 $0x10, s30  }
0xed: {  	s31 =	sadd.s32 $0x10, s31;
	v9 =	vld [tilespmem:s30+$0x0]  }
0xee: {  	s2 =	sadd.s32 $0x10, s2;
	v10 =	vld [tilespmem:s31+$0x0]  }
0xef: {  	p2 =	slt.u32 s2, $0x1F30;
	_ =	sdelay $0x2  }
0xf0: {  	v7 =	vadd.f32 v9, v7  }
0xf1: {  	vm5 =	vne.s32 v8, $0xFFFFFFFF  }
0xf2: {  	vm6 =	vmand vm5, vm3;
	(xrf2) =	vadd.seg.scan.f32 vm5, v7;
	_ =	sdelay $0x5  }
0xf3: {  	vm7 =	veq.s32 v8, v5;
	vm5 =	veq.s32 v8, v3  }
0xf4: {  	vm8 =	vgt.u32 v8, $0xFFFFFFFD;
	vm4 =	vmor vm4, vm5;
	vm7 =	vmor vm7, vm5  }
0xf5: {  	vm7 =	vmor vm7, vm8  }
0xf6: {  	v8 =	vsel vm7, $0xFFFFFFFF, v8  }
.Ltmp13:
0xf7: {  	v7 =	vsel vm5, $0x0, v10;
	v9, _, _ =	vpop (xrf2);
	(pc) =	sbr.rel @p2 .LBB3_7-.Ltmp13, $4  }
0xf8: {  	v6 =	vsel vm5, v9, v6;
	v10 =	vadd.f32 v9, v7;
	v7 =	vsel vm6, $0x0, v9  }
0xf9: {  	s0 =	sadd.s32 $0x10, s0;
	v7 =	vshift.insert v7, v0, s21  }
0xfa: {  	s22 =	sadd.s32 $0x10, s22;
	[tilespmem:s0+$0x0] =	vst v10;
	(ifvalue) =	ssetifvalue $0xFFFFFFFF  }
0xfb: {  	[hbm4b:s1+s16] =	stream.indirect_vreg.scatter [tilespmem:s0], [sflag:$0x2], $0x1, v8, vm0, $0x4038;
	[tilespmem:$0x11A60] =	vst v63  }
0xfc: {  	v3 =	vld [tilespmem:s29+$0xFAF0];
	_ =	sdelay $0x4  }
0xfd: {  	v3 =	vshift.insert v3, v0, s21  }
0xfe: {  	s0 =	simm.s32 $0x30  }
0xff: {  	[tilespmem:s0+$0x0] =	vst.msk $0x1, v3  }
0x100: {  	v3 =	vsel vm4, $0x1, v1;
	[tilespmem:$0x90] =	vst v6  }
0x101: {  	s0 =	sadd.s32 @!p1 $0xFAFF, s29;
	[tilespmem:$0xA0] =	vst v3  }
0x102: {  	[spmem:s14] =	stream.linear.scatter @!p1 [tilespmem:s0], [sflag:$0x1], $0x1, $0x38;
	[tilespmem:$0x11A60] =	vst v63  }
0x103: {  	s0 =	simm.s32 @!p1 $0x1  }
0x104: {  	v3 =	vmctz.xlane @!p1 vm4;
	_ =	swait.ge @!p1 [sflag:s0], $0x1  }
0x105: {  	(v2sf) =	vpush @!p1 v4, $0x0  }
0x106: {  	(v2sf) =	vpush @!p1 v3, $0x0;
	_ =	sdelay $0xd  }
0x107: {  	s2 =	spop @!p1 (v2sf)  }
0x108: {  	s22 =	spop @!p1 (v2sf)  }
0x109: {  	p2 =	sne.s32 @!p1 s28, s2;
	p3 =	slt.s32 @!p1 s22, $0xF  }
0x10a: {  	[sflag:s0] =	ssyncset.done @!p1 $0x0;
	p2 =	por p2, p1;
	p3 =	por !p3, p1  }
0x10b: {  	[sflag:s0] =	ssyncadd.s32 @!p1 $0xFFFFFFFF;
	v3 =	vimm.s32 @!p2 $0xFFFFFFFF;
	s22 =	simm.s32 @p3 $0xF  }
0x10c: {  	[tilespmem:$0x80] =	vst @!p2 v3;
	s2 =	sadd.s32 @!p1 $0x90, s22  }
0x10d: {  	[spmem:s10] =	stream.linear.scatter @!p1 [tilespmem:s2], [sflag:$0x1], $0x1, $0x38;
	[tilespmem:$0x11A60] =	vst v63  }
0x10e: {  	_ =	swait.ge @!p1 [sflag:s0], $0x1  }
0x10f: {  	[sflag:s0] =	ssyncset.done @!p1 $0x0  }
0x110: {  	s2 =	simm.s32 @!p1 $0x80;
	[sflag:s0] =	ssyncadd.s32 @!p1 $0xFFFFFFFF  }
0x111: {  	[spmem:s15] =	stream.linear.scatter @!p1 [tilespmem:s2], [sflag:$0x1], $0x1, $0x38;
	[tilespmem:$0x11A60] =	vst v63  }
0x112: {  	_ =	swait.ge @!p1 [sflag:s0], $0x1  }
0x113: {  	[sflag:s0] =	ssyncset.done @!p1 $0x0  }
0x114: {  	[sflag:s0] =	ssyncadd.s32 @!p1 $0xFFFFFFFF;
	(ifvalue) =	ssetifvalue $0xFFFFFFFF;
	v3 =	vld [tilespmem:s25+$0x10];
	_ =	sdelay $0x3  }
.Ltmp14:
0x115: {  	_ = 	snop;
	(pc) =	sbr.rel .LBB3_9-.Ltmp14, $3  }
0x116: {  	_ =	sdelay $0x1  }
0x117: {  	(ifvalue) =	ssetifvalue $0xFFFFFFFF  }
0x118: {  	[hbm4b:s1+s16] =	stream.indirect_vreg.scatter [tilespmem:s26], [sflag:$0x9], $0x1, v3, vm0, $0x4038;
	[tilespmem:$0x11A60] =	vst v63  }
.LBB3_10:
0x119: {  	_ =	sfence.sel $0x180000  }
0x11a: {  	s0 =	simm.s32 $0x7;
	[bflag:$0x0] =	sbarrier.arrive $0xFFFF  }
0x11b: {  	s26 =	simm.s32 $0x8;
	[sflag:s0] =	ssyncpa.u1 $0x1  }
0x11c: {  	s28 =	simm.s32 $0x9;
	[sflag:s26] =	ssyncpa.u1 $0x1  }
0x11d: {  	[sflag:s28] =	ssyncpa.u1 $0x1  }
0x11e: {  	_ =	sfence.stream.spmem  }
0x11f: {  	s29 =	simm.s32 $0x3;
	[bflag:$0x0] =	sbarrier.arrive $0xFFFF  }
0x120: {  	s30 =	simm.s32 $0x4;
	[sflag:s29] =	ssyncpa.u1 $0x1  }
0x121: {  	s31 =	simm.s32 $0x3C;
	s2 =	stileid.u32;
	[sflag:s30] =	ssyncpa.u1 $0x1  }
0x122: {  	p0 =	sne.s32 s2, $0x0;
	[sflag:s31] =	ssyncpa.u1 $0x1  }
0x123: {  	s0 =	simm.s32 @p0 $0x1;
	_ =	sfence @p0  }
0x124: {  	[sflag:s0] =	ssyncpa.u1 @p0 $0x1;
	s0 =	simm.s32 @p0 $0x2  }
0x125: {  	[sflag:s0] =	ssyncpa.u1 @p0 $0x1  }
0x126: {  	_ =	strace @p0 $0x9000004A  }
0x127: {  	[bflag:$0x2] =	sbarrier.arrive @p0 $0xFFFF  }
0x128: {  	_ =	shalt @p0  }
.LBB3_11:
0x129: {  	_ =	sfence.stream.spmem;
	s0 =	simm.s32 $0x5  }
0x12a: {  	s2 =	simm.s32 $0x80;
	s3 =	simm.s32 $0xC0;
	[sflag:s0] =	ssyncpa.u1 $0x0  }
0x12b: {  	[tilespmem:s3], [sflag:$0x5] =	stream.linear.gather [spmem:s2], $0x20, $0x38;
	[tilespmem:$0x11A60] =	vst v63  }
0x12c: {  	s2 =	simm.s32 $0x0;
	s3 =	simm.s32 $0xE0  }
0x12d: {  	[tilespmem:s3], [sflag:$0x5] =	stream.linear.gather [spmem:s2], $0x20, $0x38;
	[tilespmem:$0x11A60] =	vst v63  }
.Ltmp15:
0x12e: {  	_ = 	snop;
	(pc) =	sbr.rel .LBB3_12-.Ltmp15, $4  }
0x12f: {  	_ =	swait.ge [sflag:s0], $0x40  }
0x130: {  	[sflag:s0] =	ssyncset.done $0x0  }
0x131: {  	s31 =	simm.s32 $0x6;
	[sflag:s0] =	ssyncadd.s32 $0xFFFFFFC0  }
0x132: {  	s4 =	simm.s32 $0x0;
	[sflag:s31] =	ssyncpa.u1 $0x0  }
.LBB3_17:
0x133: {  	p0 =	sgt.u32 s5, $0x27FF  }
0x134: {  	s0 =	sshrl.u32 @!p0 s5, $0x3  }
0x135: {  	s5 =	sand.u32 @!p0 $0x7, s5;
	s6 =	simm.s32 @!p0 $0xB0;
	s0 =	sadd.s32 @!p0 s1, s0  }
0x136: {  	[tilespmem:s6], [sflag:$0x6] =	stream.linear.gather @!p0 [hbm4b:s0+s5], $0x1, $0x38;
	[tilespmem:$0x11A60] =	vst v63  }
0x137: {  	s0 =	simm.s32 @!p0 $0x6  }
0x138: {  	_ =	swait.ge @!p0 [sflag:s0], $0x1  }
0x139: {  	[sflag:s0] =	ssyncset.done @!p0 $0x0  }
0x13a: {  	[sflag:s0] =	ssyncadd.s32 @!p0 $0xFFFFFFFF  }
0x13b: {  	v2 =	vmov @!p0 s4;
	v1 =	vld.msk @!p0 [tilespmem:$0xB0], $0x1;
	_ =	sdelay $0x3  }
0x13c: {  	s0 =	simm.s32 @!p0 $0xE0  }
0x13d: {  	[tilespmem:v2+s0+$0x0], v1 =	vst.idx.ret.add.f32.msk @!p0 $0x1, v1  }
0x13e: {  	[tilespmem:s2+$0xC0] =	vst.msk $0x1, v0  }
0x13f: {  	v0 =	vld.msk [tilespmem:s4+$0xE0], $0x1;
	_ =	sdelay $0x4  }
0x140: {  	[tilespmem:s2+$0xE0] =	vst.msk $0x1, v0;
	s2 =	sadd.s32 $0x1, s2  }
.LBB3_19:
0x141: {  	s4 =	sadd.s32 $0x1, s4  }
0x142: {  	p0 =	sne.s32 s4, $0x20  }
.Ltmp16:
0x143: {  	_ = 	snop;
	(pc) =	sbr.rel @!p0 .LBB3_20-.Ltmp16, $1  }
0x144: {  	_ =	sdelay $0x3  }
.LBB3_12:
0x145: {  	v0 =	vld.msk [tilespmem:s4+$0xC0], $0x1;
	_ =	sdelay $0x4  }
0x146: {  	(v2sf) =	vpush v0, $0x0;
	_ =	sdelay $0xe  }
0x147: {  	s5 =	spop (v2sf)  }
0x148: {  	p0 =	seq.s32 s5, $0xFFFFFFFF  }
.Ltmp17:
0x149: {  	_ = 	snop;
	(pc) =	sbr.rel @p0 .LBB3_19-.Ltmp17, $1  }
0x14a: {  	_ =	sdelay $0x3  }
0x14b: {  	p0 =	slt.s32 s2, $0x1  }
.Ltmp18:
0x14c: {  	_ = 	snop;
	(pc) =	sbr.rel @p0 .LBB3_17-.Ltmp18, $1  }
0x14d: {  	_ =	sdelay $0x3  }
0x14e: {  	s0 =	simm.s32 $0xC0;
	p0 =	por $0x0, $0x0  }
0x14f: {  	v1 =	vld.msk @!p0 [tilespmem:s0+$0x0], $0x1;
	_ =	sdelay $0x4  }
0x150: {  	(v2sf) =	vpush @!p0 v1, $0x0;
	_ =	sdelay $0xd  }
0x151: {  	p2 =	sne.s32 s2, $0x1  }
.Ltmp19:
0x152: {  	s6 =	spop @!p0 (v2sf);
	(pc) =	sbr.rel @!p2 .LBB3_16-.Ltmp19, $4  }
0x153: {  	p1 =	seq.s32 @!p0 s5, s6  }
0x154: {  	s6 =	simm.s32 $0x0;
	p1 =	por !p1, p0  }
0x155: {  	s8 =	simm.s32 $0xFFFFFFFF;
	s6 =	simm.s32 @p1 $0xFFFFFFFF  }
0x156: {  	s7 =	simm.s32 $0x1;
	s6 =	smov.u32 @p0 s8  }
.LBB3_15:
0x157: {  	s8 =	smov.u32 s6;
	p0 =	sne.s32 s6, $0xFFFFFFFF  }
0x158: {  	s0 =	sadd.s32 $0x1, s0;
	s6 =	smov.u32 s7;
	s7 =	sadd.s32 $0x1, s7  }
0x159: {  	p1 =	sne.s32 s2, s7;
	v1 =	vld.msk @!p0 [tilespmem:s0+$0x0], $0x1;
	_ =	sdelay $0x4  }
0x15a: {  	(v2sf) =	vpush @!p0 v1, $0x0;
	_ =	sdelay $0xe  }
.Ltmp20:
0x15b: {  	s9 =	spop @!p0 (v2sf);
	(pc) =	sbr.rel @p1 .LBB3_15-.Ltmp20, $4  }
0x15c: {  	p2 =	seq.s32 @!p0 s5, s9  }
0x15d: {  	p2 =	por !p2, p0  }
0x15e: {  	s6 =	simm.s32 @p2 $0xFFFFFFFF  }
0x15f: {  	s6 =	smov.u32 @p0 s8  }
.LBB3_16:
0x160: {  	p0 =	sne.s32 s6, $0xFFFFFFFF  }
.Ltmp21:
0x161: {  	_ = 	snop;
	(pc) =	sbr.rel @!p0 .LBB3_17-.Ltmp21, $1  }
0x162: {  	_ =	sdelay $0x3  }
0x163: {  	v0 =	vld.msk [tilespmem:s4+$0xE0], $0x1;
	v1 =	vmov s6  }
.Ltmp22:
0x164: {  	_ = 	snop;
	(pc) =	sbr.rel .LBB3_19-.Ltmp22, $2  }
0x165: {  	_ =	sdelay $0x2  }
0x166: {  	[tilespmem:v1+s3+$0x0], v0 =	vst.idx.ret.add.f32.msk $0x1, v0  }
.LBB3_20:
0x167: {  	p0 =	slt.s32 s2, $0x1  }
.Ltmp23:
0x168: {  	_ = 	snop;
	(pc) =	sbr.rel @p0 .LBB3_24-.Ltmp23, $3  }
0x169: {  	_ =	sdelay $0x1  }
0x16a: {  	s0 =	simm.s32 $0x6  }
0x16b: {  	s3 =	simm.s32 $0x0;
	[sflag:s0] =	ssyncpa.u1 $0x1  }
0x16c: {  	s0 =	simm.s32 $0xC0  }
0x16d: {  	v0 =	vld.msk [tilespmem:s0+$0x0], $0x1;
	_ =	sdelay $0x4  }
0x16e: {  	(v2sf) =	vpush v0, $0x0;
	_ =	sdelay $0xe  }
0x16f: {  	s2 =	sadd.s32 $0xFFFFFFFF, s2;
	s4 =	spop (v2sf)  }
0x170: {  	p1 =	sne.s32 s2, $0x0;
	p0 =	sgt.u32 s4, $0x27FF  }
.Ltmp24:
0x171: {  	s5 =	sshrl.u32 @!p0 s4, $0x3;
	(pc) =	sbr.rel @!p1 .LBB3_23-.Ltmp24, $4  }
0x172: {  	s0 =	simm.s32 $0xE0;
	s4 =	sand.u32 @!p0 $0x7, s4;
	s5 =	sadd.s32 @!p0 s1, s5  }
0x173: {  	[hbm4b:s5+s4] =	stream.linear.scatter @!p0 [tilespmem:s0], [sflag:$0x5], $0x1, $0x38;
	[tilespmem:$0x11A60] =	vst v63  }
0x174: {  	s5 =	simm.s32 $0x0  }
0x175: {  	s4 =	simm.s32 $0xC1;
	s5 =	simm.s32 @!p0 $0x4  }
.LBB3_22:
0x176: {  	v0 =	vld.msk [tilespmem:s4+$0x0], $0x1;
	s2 =	sadd.s32 $0xFFFFFFFF, s2;
	s3 =	sadd.s32 s3, s5  }
0x177: {  	p0 =	sne.s32 s2, $0x0;
	_ =	sdelay $0x3  }
0x178: {  	(v2sf) =	vpush v0, $0x0;
	_ =	sdelay $0xe  }
.Ltmp25:
0x179: {  	s6 =	spop (v2sf);
	(pc) =	sbr.rel @p0 .LBB3_22-.Ltmp25, $4  }
0x17a: {  	s5 =	simm.s32 $0x0;
	p1 =	sgt.u32 s6, $0x27FF  }
0x17b: {  	s0 =	sadd.s32 $0x1, s0;
	s5 =	simm.s32 @!p1 $0x4;
	s7 =	sshrl.u32 @!p1 s6, $0x3  }
0x17c: {  	s4 =	sadd.s32 $0x1, s4;
	s6 =	sand.u32 @!p1 $0x7, s6;
	s7 =	sadd.s32 @!p1 s1, s7  }
0x17d: {  	[hbm4b:s7+s6] =	stream.linear.scatter @!p1 [tilespmem:s0], [sflag:$0x5], $0x1, $0x38;
	[tilespmem:$0x11A60] =	vst v63  }
.LBB3_23:
0x17e: {  	s0 =	sadd.s32 s3, s5  }
0x17f: {  	s3 =	sshrl.u32 s0, $0x2  }
.LBB3_24:
0x180: {  	s0 =	simm.s32 $0x5  }
0x181: {  	_ =	swait.ge [sflag:s0], s3  }
0x182: {  	s1 =	ssub.s32 $0x0, s3;
	[sflag:s0] =	ssyncset.done $0x0  }
0x183: {  	[sflag:s0] =	ssyncadd.s32 s1  }
0x184: {  	[sflag:s0] =	ssyncpa.u1 $0x1  }
0x185: {  	s29 =	simm.s32 $0x1;
	_ =	sfence  }
0x186: {  	s30 =	simm.s32 $0x2;
	[sflag:s29] =	ssyncpa.u1 $0x1  }
0x187: {  	[sflag:s30] =	ssyncpa.u1 $0x1  }
0x188: {  	_ =	strace $0x9000004A  }
0x189: {  	[bflag:$0x2] =	sbarrier.arrive $0xFFFF  }
0x18a: {  	s31 =	rddreg [dreg:$0x1]  }
0x18b: {  	s0 =	sadd.s32 $0x100000, s31  }
0x18c: {  	[sflag:s0] =	ssyncadd.tile.s32 $0x1;
	_ =	shalt  }
.Lfunc_end3:
_tile_overlayer_lowered:
.L_overlay_start_3:
0x18d: {  	(tag) =	ssettag $0x3  }
0x18e: {  	s0 =	rddreg [dreg:$0x0];
	s2 =	stileid.u32  }
0x18f: {  	s1 =	rddreg [dreg:$0x1];
	p0 =	sne.s32 s2, $0x0  }
0x190: {  	s3 =	rddreg [dreg:$0x2];
	[bflag:$0x3] =	sbarrier.arrive $0xFFFF;
	s2 =	simm.s32 @!p0 $0x1C01  }
0x191: {  	[timem:s3], [sflag:s2] =	dma.local @!p0 [hbm:s0], s1  }
0x192: {  	s0 =	simm.s32 @!p0 $0x1  }
0x193: {  	_ =	swait.ge @!p0 [sflag:s0], s1  }
0x194: {  	s1 =	ssub.s32 @!p0 $0x0, s1;
	[sflag:s0] =	ssyncset.done @!p0 $0x0  }
0x195: {  	[sflag:s0] =	ssyncadd.s32 @!p0 s1  }
0x196: {  	[bflag:$0x3] =	sbarrier.arrive $0xFFFF  }
0x197: {  	_ =	shalt  }

</sc_bundles>
